<compile_context>
chip_gen: v7x
topology: tpu7x:2x2x1
jax: 0.10.2.dev20260603
libtpu: 0.0.44.dev20260713+nightly
codegen_flags: <defaults>
</compile_context>

<pallas_src>
import functools

import jax
import jax.numpy as jnp
from jax import lax
from jax.experimental import pallas as pl
from jax.experimental.pallas import tpu as pltpu
from jax.experimental.pallas import tpu_sc as plsc

VOCAB = 1000000
HIDDEN = 128
BATCH = 16384
HIST = 50

NC = 2
NS = 16
NW = NC * NS
LANES = 16
NCOL = HIDDEN // LANES

BAGS_PER_W = BATCH // NW
CHUNK = 2
ROWS = CHUNK * HIST
NCHUNK = BAGS_PER_W // CHUNK
RUNROLL = 2


def _ds(c):
    return pl.ds(c * LANES, LANES)


NBUF = 4
NSLAB = 2
HALF = NCHUNK // NSLAB
HALF_BAGS = HALF * CHUNK


def _bag_body(x_hbm, table_hbm, out_hbm, idx_v, rows_v, out_v,
              gs0, gs1, gs2, gs3):
    wid = lax.axis_index("s") * NC + lax.axis_index("c")
    bag_base = wid * BAGS_PER_W
    gsems = (gs0, gs1, gs2, gs3)

    pltpu.sync_copy(x_hbm.at[wid], idx_v)

    def issue(g, b):
        pltpu.async_copy(table_hbm.at[idx_v.at[g]], rows_v.at[b], gsems[b])

    def wait(g, b):
        pltpu.make_async_copy(
            table_hbm.at[idx_v.at[g]], rows_v.at[b], gsems[b]).wait()

    for g in range(NBUF):
        issue(g, g)

    for h in range(NSLAB):
        def outer(j, carry):
            for b in range(NBUF):
                g = h * HALF + j * NBUF + b
                wait(g, b)

                buf = rows_v.at[b]
                orow = (j * NBUF + b) * CHUNK
                for bag in range(CHUNK):
                    base = bag * HIST

                    def rbody(i, accs):
                        r = i * RUNROLL
                        accs = list(accs)
                        for rr in range(RUNROLL):
                            for c in range(NCOL):
                                accs[c] = accs[c] + buf[base + r + rr, _ds(c)]
                        return tuple(accs)

                    init = tuple(
                        jnp.zeros((LANES,), jnp.float32) for _ in range(NCOL))
                    accs = lax.fori_loop(0, HIST // RUNROLL, rbody, init)
                    for c in range(NCOL):
                        out_v[orow + bag, _ds(c)] = accs[c]

                @pl.when(g + NBUF < NCHUNK)
                def _():
                    issue(g + NBUF, b)
            return carry

        lax.fori_loop(0, HALF // NBUF, outer, 0)
        pltpu.sync_copy(
            out_v, out_hbm.at[pl.ds(bag_base + h * HALF_BAGS, HALF_BAGS)])


_bag = functools.partial(
    pl.kernel,
    mesh=plsc.VectorSubcoreMesh(core_axis_name="c", subcore_axis_name="s"),
    out_type=jax.ShapeDtypeStruct((BATCH, HIDDEN), jnp.float32),
    scratch_types=[
        pltpu.VMEM((NCHUNK, ROWS), jnp.int32),
        pltpu.VMEM((NBUF, ROWS, HIDDEN), jnp.float32),
        pltpu.VMEM((HALF_BAGS, HIDDEN), jnp.float32),
        pltpu.SemaphoreType.DMA,
        pltpu.SemaphoreType.DMA,
        pltpu.SemaphoreType.DMA,
        pltpu.SemaphoreType.DMA,
    ],
)(_bag_body)


MLP_BLK = 2048


def _mlp_body(x_ref, w1_ref, b1_ref, w2_ref, b2_ref, o_ref):
    x = x_ref[...]
    dn = (((1,), (1,)), ((), ()))
    h = lax.dot_general(x, w1_ref[...], dn, preferred_element_type=jnp.float32)
    h = jnp.maximum(h + b1_ref[...], 0.0)
    o = lax.dot_general(h, w2_ref[...], dn, preferred_element_type=jnp.float32)
    o_ref[...] = o + b2_ref[...]


def _mlp(postemb, W1, b1, W2, b2):
    w_spec = pl.BlockSpec((HIDDEN, HIDDEN), lambda i: (0, 0))
    b_spec = pl.BlockSpec((1, HIDDEN), lambda i: (0, 0))
    return pl.pallas_call(
        _mlp_body,
        grid=(BATCH // MLP_BLK,),
        in_specs=[
            pl.BlockSpec((MLP_BLK, HIDDEN), lambda i: (i, 0)),
            w_spec, b_spec, w_spec, b_spec,
        ],
        out_specs=pl.BlockSpec((MLP_BLK, HIDDEN), lambda i: (i, 0)),
        out_shape=jax.ShapeDtypeStruct((BATCH, HIDDEN), jnp.float32),
    )(postemb, W1, b1.reshape(1, HIDDEN), W2, b2.reshape(1, HIDDEN))


def kernel(x, table, W1, b1, W2, b2):
    xr = x.astype(jnp.int32).reshape(NW, NCHUNK, ROWS)
    postemb = _bag(xr, table)
    return _mlp(postemb, W1, b1, W2, b2)

# --- scband reference (transcript-rebuilt; emitter-appended) ---
"""Pipeline reference for scband-bag-of-words-52415780880420 (READ-ONLY COPY).

The authoritative reference and input builder live on the scoring server;
editing this copy changes nothing except your own understanding.
"""

import jax, jax.numpy as jnp
import numpy as np

VOCAB = 1000000
HIDDEN = 128
BATCH = 16384
HIST = 50

def setup_inputs(seed: int = 0) -> dict:
    key = jax.random.key(seed)
    k1, k2, k3, k4, k5, k6 = jax.random.split(key, 6)
    x = jax.random.randint(k1, (BATCH, HIST), 0, VOCAB)
    table = jax.random.normal(k2, (VOCAB, HIDDEN), dtype=jnp.float32) * 0.02
    # xavier_uniform-style init for linear layers (PyTorch Linear weight shape [out, in])
    limit = float(np.sqrt(6.0 / (HIDDEN + HIDDEN)))
    W1 = jax.random.uniform(k3, (HIDDEN, HIDDEN), dtype=jnp.float32, minval=-limit, maxval=limit)
    b1 = jnp.zeros((HIDDEN,), dtype=jnp.float32)
    W2 = jax.random.uniform(k4, (HIDDEN, HIDDEN), dtype=jnp.float32, minval=-limit, maxval=limit)
    b2 = jnp.zeros((HIDDEN,), dtype=jnp.float32)
    return {"x": x, "table": table, "W1": W1, "b1": b1, "W2": W2, "b2": b2}

def reference(x, table, W1, b1, W2, b2):
    # nn.EmbeddingBag(mode='sum') on 2D input: gather then sum over the bag dim
    emb = jnp.take(table, x, axis=0)            # [B, L, D]
    postemb = jnp.sum(emb, axis=1)              # [B, D]
    # layers: Linear -> ReLU -> Dropout(p=0.0, identity) -> Linear
    h = postemb @ W1.T + b1
    h = jnp.maximum(h, 0.0)
    out = h @ W2.T + b2
    # original forward returns (x, None); None omitted as it carries no data
    return out

if __name__ == "__main__":
    import jax
    _d = setup_inputs()
    print(jax.jit(kernel)(*tuple(_d.values())))

</pallas_src>

<mosaic_0001>
#map = affine_map<(d0, d1) -> (0, 0, 0)>
#map1 = affine_map<(d0, d1) -> (0, 0)>
module attributes {stable_mosaic.version = 14 : i64} {
  func.func @_bag_body(%arg0: i32, %arg1: i32, %arg2: memref<32x256x100xi32, #tpu.memory_space<hbm>>, %arg3: memref<1000000x128xf32, #tpu.memory_space<hbm>>, %arg4: memref<16384x128xf32, #tpu.memory_space<hbm>>, %arg5: memref<256x100xi32, #tpu.memory_space<vmem>>, %arg6: memref<4x100x128xf32, #tpu.memory_space<vmem>>, %arg7: memref<256x128xf32, #tpu.memory_space<vmem>>, %arg8: memref<!tpu.dma_semaphore, #tpu.memory_space<semaphore_mem>>, %arg9: memref<!tpu.dma_semaphore, #tpu.memory_space<semaphore_mem>>, %arg10: memref<!tpu.dma_semaphore, #tpu.memory_space<semaphore_mem>>, %arg11: memref<!tpu.dma_semaphore, #tpu.memory_space<semaphore_mem>>) attributes {dimension_semantics = [#tpu.dimension_semantics<core_parallel>, #tpu.dimension_semantics<subcore_parallel>], iteration_bounds = array<i64: 2, 16>, scalar_prefetch = 0 : i64, scratch_operands = 7 : i64, tpu.core_type = #tpu.core_type<sc_vector_subcore>, window_params = [{transform_indices = #map}, {transform_indices = #map1}, {transform_indices = #map1}]} {
    %mul3A = arith.constant 2 : i32
    %mul3A_0 = arith.muli %arg1, %mul3A : i32
    %add3A = arith.addi %mul3A_0, %arg0 : i32
    %mul3A_1 = arith.constant 512 : i32
    %mul3A_2 = arith.muli %add3A, %mul3A_1 : i32
    "tpu.region"() ({
      %run_scoped3A = tpu.sem_alloc : memref<!tpu.dma_semaphore, #tpu.memory_space<semaphore_mem>>
      %dma_start3A_65 = arith.constant 0 : i32
      %dma_start3A_66 = arith.constant 0 : i32
      %dma_start3A_67 = tpu.memref_slice %arg2[%add3A, %dma_start3A_65, %dma_start3A_66] : memref<32x256x100xi32, #tpu.memory_space<hbm>> -> memref<1x256x100xi32, #tpu.memory_space<hbm>>
      %dma_start3A_68 = tpu.memref_squeeze %dma_start3A_67 : memref<1x256x100xi32, #tpu.memory_space<hbm>> -> memref<256x100xi32, #tpu.memory_space<hbm>>
      %dma_start3A_69 = arith.constant 0 : i32
      %dma_start3A_70 = arith.constant 0 : i32
      %dma_start3A_71 = tpu.memref_slice %arg2[%add3A, %dma_start3A_69, %dma_start3A_70] : memref<32x256x100xi32, #tpu.memory_space<hbm>> -> memref<1x256x100xi32, #tpu.memory_space<hbm>>
      %dma_start3A_72 = tpu.memref_squeeze %dma_start3A_71 : memref<1x256x100xi32, #tpu.memory_space<hbm>> -> memref<256x100xi32, #tpu.memory_space<hbm>>
      tpu.enqueue_dma source(%dma_start3A_72 : memref<256x100xi32, #tpu.memory_space<hbm>>) target(%arg5 : memref<256x100xi32, #tpu.memory_space<vmem>>) target_semaphore(%run_scoped3A : memref<!tpu.dma_semaphore, #tpu.memory_space<semaphore_mem>>)
      %dma_wait3A = arith.constant 0 : i32
      %dma_wait3A_73 = arith.constant 0 : i32
      %dma_wait3A_74 = tpu.memref_slice %arg2[%add3A, %dma_wait3A, %dma_wait3A_73] : memref<32x256x100xi32, #tpu.memory_space<hbm>> -> memref<1x256x100xi32, #tpu.memory_space<hbm>>
      %dma_wait3A_75 = tpu.memref_squeeze %dma_wait3A_74 : memref<1x256x100xi32, #tpu.memory_space<hbm>> -> memref<256x100xi32, #tpu.memory_space<hbm>>
      %dma_wait3A_76 = arith.constant 0 : i32
      %dma_wait3A_77 = arith.constant 0 : i32
      %dma_wait3A_78 = tpu.memref_slice %arg2[%add3A, %dma_wait3A_76, %dma_wait3A_77] : memref<32x256x100xi32, #tpu.memory_space<hbm>> -> memref<1x256x100xi32, #tpu.memory_space<hbm>>
      %dma_wait3A_79 = tpu.memref_squeeze %dma_wait3A_78 : memref<1x256x100xi32, #tpu.memory_space<hbm>> -> memref<256x100xi32, #tpu.memory_space<hbm>>
      tpu.wait_dma2 semaphore(%run_scoped3A : memref<!tpu.dma_semaphore, #tpu.memory_space<semaphore_mem>>) src(%dma_wait3A_79 : memref<256x100xi32, #tpu.memory_space<hbm>>) dst(%arg5 : memref<256x100xi32, #tpu.memory_space<vmem>>)
      tpu.yield
    }) : () -> ()
    %dma_start3A = arith.constant 0 : i32
    %dma_start3A_3 = arith.constant 0 : i32
    %dma_start3A_4 = arith.constant 0 : i32
    %dma_start3A_5 = arith.constant 0 : i32
    %dma_start3A_6 = tpu.memref_slice %arg6[%dma_start3A_3, %dma_start3A_4, %dma_start3A_5] : memref<4x100x128xf32, #tpu.memory_space<vmem>> -> memref<1x100x128xf32, #tpu.memory_space<vmem>>
    %dma_start3A_7 = tpu.memref_squeeze %dma_start3A_6 : memref<1x100x128xf32, #tpu.memory_space<vmem>> -> memref<100x128xf32, #tpu.memory_space<vmem>>
    %dma_start3A_8 = arith.constant 0 : i32
    %dma_start3A_9 = tpu.memref_slice %arg5[%dma_start3A, %dma_start3A_8] : memref<256x100xi32, #tpu.memory_space<vmem>> -> memref<1x100xi32, #tpu.memory_space<vmem>>
    %dma_start3A_10 = tpu.memref_squeeze %dma_start3A_9 : memref<1x100xi32, #tpu.memory_space<vmem>> -> memref<100xi32, #tpu.memory_space<vmem>>
    %dma_start3A_11 = arith.constant 0 : i32
    %dma_start3A_12 = arith.constant 0 : i32
    %dma_start3A_13 = tpu.memref_slice %arg3[%dma_start3A_11, %dma_start3A_12] : memref<1000000x128xf32, #tpu.memory_space<hbm>> -> memref<1000000x128xf32, #tpu.memory_space<hbm>>
    tpu.enqueue_indirect_dma source(%dma_start3A_13 : memref<1000000x128xf32, #tpu.memory_space<hbm>>) target(%dma_start3A_7 : memref<100x128xf32, #tpu.memory_space<vmem>>) offsets(%dma_start3A_10 : memref<100xi32, #tpu.memory_space<vmem>>) semaphore(%arg8 : memref<!tpu.dma_semaphore, #tpu.memory_space<semaphore_mem>>)
    %dma_start3A_14 = arith.constant 1 : i32
    %dma_start3A_15 = arith.constant 1 : i32
    %dma_start3A_16 = arith.constant 0 : i32
    %dma_start3A_17 = arith.constant 0 : i32
    %dma_start3A_18 = tpu.memref_slice %arg6[%dma_start3A_15, %dma_start3A_16, %dma_start3A_17] : memref<4x100x128xf32, #tpu.memory_space<vmem>> -> memref<1x100x128xf32, #tpu.memory_space<vmem>>
    %dma_start3A_19 = tpu.memref_squeeze %dma_start3A_18 : memref<1x100x128xf32, #tpu.memory_space<vmem>> -> memref<100x128xf32, #tpu.memory_space<vmem>>
    %dma_start3A_20 = arith.constant 0 : i32
    %dma_start3A_21 = tpu.memref_slice %arg5[%dma_start3A_14, %dma_start3A_20] : memref<256x100xi32, #tpu.memory_space<vmem>> -> memref<1x100xi32, #tpu.memory_space<vmem>>
    %dma_start3A_22 = tpu.memref_squeeze %dma_start3A_21 : memref<1x100xi32, #tpu.memory_space<vmem>> -> memref<100xi32, #tpu.memory_space<vmem>>
    %dma_start3A_23 = arith.constant 0 : i32
    %dma_start3A_24 = arith.constant 0 : i32
    %dma_start3A_25 = tpu.memref_slice %arg3[%dma_start3A_23, %dma_start3A_24] : memref<1000000x128xf32, #tpu.memory_space<hbm>> -> memref<1000000x128xf32, #tpu.memory_space<hbm>>
    tpu.enqueue_indirect_dma source(%dma_start3A_25 : memref<1000000x128xf32, #tpu.memory_space<hbm>>) target(%dma_start3A_19 : memref<100x128xf32, #tpu.memory_space<vmem>>) offsets(%dma_start3A_22 : memref<100xi32, #tpu.memory_space<vmem>>) semaphore(%arg9 : memref<!tpu.dma_semaphore, #tpu.memory_space<semaphore_mem>>)
    %dma_start3A_26 = arith.constant 2 : i32
    %dma_start3A_27 = arith.constant 2 : i32
    %dma_start3A_28 = arith.constant 0 : i32
    %dma_start3A_29 = arith.constant 0 : i32
    %dma_start3A_30 = tpu.memref_slice %arg6[%dma_start3A_27, %dma_start3A_28, %dma_start3A_29] : memref<4x100x128xf32, #tpu.memory_space<vmem>> -> memref<1x100x128xf32, #tpu.memory_space<vmem>>
    %dma_start3A_31 = tpu.memref_squeeze %dma_start3A_30 : memref<1x100x128xf32, #tpu.memory_space<vmem>> -> memref<100x128xf32, #tpu.memory_space<vmem>>
    %dma_start3A_32 = arith.constant 0 : i32
    %dma_start3A_33 = tpu.memref_slice %arg5[%dma_start3A_26, %dma_start3A_32] : memref<256x100xi32, #tpu.memory_space<vmem>> -> memref<1x100xi32, #tpu.memory_space<vmem>>
    %dma_start3A_34 = tpu.memref_squeeze %dma_start3A_33 : memref<1x100xi32, #tpu.memory_space<vmem>> -> memref<100xi32, #tpu.memory_space<vmem>>
    %dma_start3A_35 = arith.constant 0 : i32
    %dma_start3A_36 = arith.constant 0 : i32
    %dma_start3A_37 = tpu.memref_slice %arg3[%dma_start3A_35, %dma_start3A_36] : memref<1000000x128xf32, #tpu.memory_space<hbm>> -> memref<1000000x128xf32, #tpu.memory_space<hbm>>
    tpu.enqueue_indirect_dma source(%dma_start3A_37 : memref<1000000x128xf32, #tpu.memory_space<hbm>>) target(%dma_start3A_31 : memref<100x128xf32, #tpu.memory_space<vmem>>) offsets(%dma_start3A_34 : memref<100xi32, #tpu.memory_space<vmem>>) semaphore(%arg10 : memref<!tpu.dma_semaphore, #tpu.memory_space<semaphore_mem>>)
    %dma_start3A_38 = arith.constant 3 : i32
    %dma_start3A_39 = arith.constant 3 : i32
    %dma_start3A_40 = arith.constant 0 : i32
    %dma_start3A_41 = arith.constant 0 : i32
    %dma_start3A_42 = tpu.memref_slice %arg6[%dma_start3A_39, %dma_start3A_40, %dma_start3A_41] : memref<4x100x128xf32, #tpu.memory_space<vmem>> -> memref<1x100x128xf32, #tpu.memory_space<vmem>>
    %dma_start3A_43 = tpu.memref_squeeze %dma_start3A_42 : memref<1x100x128xf32, #tpu.memory_space<vmem>> -> memref<100x128xf32, #tpu.memory_space<vmem>>
    %dma_start3A_44 = arith.constant 0 : i32
    %dma_start3A_45 = tpu.memref_slice %arg5[%dma_start3A_38, %dma_start3A_44] : memref<256x100xi32, #tpu.memory_space<vmem>> -> memref<1x100xi32, #tpu.memory_space<vmem>>
    %dma_start3A_46 = tpu.memref_squeeze %dma_start3A_45 : memref<1x100xi32, #tpu.memory_space<vmem>> -> memref<100xi32, #tpu.memory_space<vmem>>
    %dma_start3A_47 = arith.constant 0 : i32
    %dma_start3A_48 = arith.constant 0 : i32
    %dma_start3A_49 = tpu.memref_slice %arg3[%dma_start3A_47, %dma_start3A_48] : memref<1000000x128xf32, #tpu.memory_space<hbm>> -> memref<1000000x128xf32, #tpu.memory_space<hbm>>
    tpu.enqueue_indirect_dma source(%dma_start3A_49 : memref<1000000x128xf32, #tpu.memory_space<hbm>>) target(%dma_start3A_43 : memref<100x128xf32, #tpu.memory_space<vmem>>) offsets(%dma_start3A_46 : memref<100xi32, #tpu.memory_space<vmem>>) semaphore(%arg11 : memref<!tpu.dma_semaphore, #tpu.memory_space<semaphore_mem>>)
    %scan3A = arith.constant 0 : i32
    %scan3A_50 = arith.constant 0 : i32
    %scan3A_51 = arith.constant 32 : i32
    %scan3A_52 = arith.addi %scan3A_50, %scan3A_51 : i32
    %scan3A_53 = arith.constant 1 : i32
    scf.for %scan3A_65 = %scan3A_50 to %scan3A_52 step %scan3A_53  : i32 {
      %mul3A_66 = arith.constant 4 : i32
      %mul3A_67 = arith.muli %scan3A_65, %mul3A_66 : i32
      %add3A_68 = arith.constant 0 : i32
      %add3A_69 = arith.addi %add3A_68, %mul3A_67 : i32
      %add3A_70 = arith.constant 0 : i32
      %add3A_71 = arith.addi %add3A_69, %add3A_70 : i32
      %dma_wait3A = arith.constant 0 : i32
      %dma_wait3A_72 = arith.constant 0 : i32
      %dma_wait3A_73 = arith.constant 0 : i32
      %dma_wait3A_74 = tpu.memref_slice %arg6[%dma_wait3A, %dma_wait3A_72, %dma_wait3A_73] : memref<4x100x128xf32, #tpu.memory_space<vmem>> -> memref<1x100x128xf32, #tpu.memory_space<vmem>>
      %dma_wait3A_75 = tpu.memref_squeeze %dma_wait3A_74 : memref<1x100x128xf32, #tpu.memory_space<vmem>> -> memref<100x128xf32, #tpu.memory_space<vmem>>
      %dma_wait3A_76 = arith.constant 0 : i32
      %dma_wait3A_77 = tpu.memref_slice %arg5[%add3A_71, %dma_wait3A_76] : memref<256x100xi32, #tpu.memory_space<vmem>> -> memref<1x100xi32, #tpu.memory_space<vmem>>
      %dma_wait3A_78 = tpu.memref_squeeze %dma_wait3A_77 : memref<1x100xi32, #tpu.memory_space<vmem>> -> memref<100xi32, #tpu.memory_space<vmem>>
      %dma_wait3A_79 = arith.constant 0 : i32
      %dma_wait3A_80 = arith.constant 0 : i32
      %dma_wait3A_81 = tpu.memref_slice %arg3[%dma_wait3A_79, %dma_wait3A_80] : memref<1000000x128xf32, #tpu.memory_space<hbm>> -> memref<1000000x128xf32, #tpu.memory_space<hbm>>
      tpu.wait_indirect_dma semaphore(%arg8 : memref<!tpu.dma_semaphore, #tpu.memory_space<semaphore_mem>>) src(%dma_wait3A_81 : memref<1000000x128xf32, #tpu.memory_space<hbm>>) dst(%dma_wait3A_75 : memref<100x128xf32, #tpu.memory_space<vmem>>)
      %mul3A_82 = arith.constant 4 : i32
      %mul3A_83 = arith.muli %scan3A_65, %mul3A_82 : i32
      %add3A_84 = arith.constant 0 : i32
      %add3A_85 = arith.addi %mul3A_83, %add3A_84 : i32
      %mul3A_86 = arith.constant 2 : i32
      %mul3A_87 = arith.muli %add3A_85, %mul3A_86 : i32
      %broadcast_in_dim3A = arith.constant 0.000000e+00 : f32
      %broadcast_in_dim3A_88 = vector.broadcast %broadcast_in_dim3A : f32 to vector<16xf32>
      %broadcast_in_dim3A_89 = arith.constant 0.000000e+00 : f32
      %broadcast_in_dim3A_90 = vector.broadcast %broadcast_in_dim3A_89 : f32 to vector<16xf32>
      %broadcast_in_dim3A_91 = arith.constant 0.000000e+00 : f32
      %broadcast_in_dim3A_92 = vector.broadcast %broadcast_in_dim3A_91 : f32 to vector<16xf32>
      %broadcast_in_dim3A_93 = arith.constant 0.000000e+00 : f32
      %broadcast_in_dim3A_94 = vector.broadcast %broadcast_in_dim3A_93 : f32 to vector<16xf32>
      %broadcast_in_dim3A_95 = arith.constant 0.000000e+00 : f32
      %broadcast_in_dim3A_96 = vector.broadcast %broadcast_in_dim3A_95 : f32 to vector<16xf32>
      %broadcast_in_dim3A_97 = arith.constant 0.000000e+00 : f32
      %broadcast_in_dim3A_98 = vector.broadcast %broadcast_in_dim3A_97 : f32 to vector<16xf32>
      %broadcast_in_dim3A_99 = arith.constant 0.000000e+00 : f32
      %broadcast_in_dim3A_100 = vector.broadcast %broadcast_in_dim3A_99 : f32 to vector<16xf32>
      %broadcast_in_dim3A_101 = arith.constant 0.000000e+00 : f32
      %broadcast_in_dim3A_102 = vector.broadcast %broadcast_in_dim3A_101 : f32 to vector<16xf32>
      %scan3A_103 = arith.constant 0 : i32
      %scan3A_104 = arith.constant 0 : i32
      %scan3A_105 = arith.constant 25 : i32
      %scan3A_106 = arith.addi %scan3A_104, %scan3A_105 : i32
      %scan3A_107 = arith.constant 1 : i32
      %scan3A_108:8 = scf.for %scan3A_812 = %scan3A_104 to %scan3A_106 step %scan3A_107 iter_args(%scan3A_813 = %broadcast_in_dim3A_88, %scan3A_814 = %broadcast_in_dim3A_90, %scan3A_815 = %broadcast_in_dim3A_92, %scan3A_816 = %broadcast_in_dim3A_94, %scan3A_817 = %broadcast_in_dim3A_96, %scan3A_818 = %broadcast_in_dim3A_98, %scan3A_819 = %broadcast_in_dim3A_100, %scan3A_820 = %broadcast_in_dim3A_102) -> (vector<16xf32>, vector<16xf32>, vector<16xf32>, vector<16xf32>, vector<16xf32>, vector<16xf32>, vector<16xf32>, vector<16xf32>)  : i32 {
        %mul3A_821 = arith.constant 2 : i32
        %mul3A_822 = arith.muli %scan3A_812, %mul3A_821 : i32
        %add3A_823 = arith.constant 0 : i32
        %add3A_824 = arith.addi %add3A_823, %mul3A_822 : i32
        %add3A_825 = arith.constant 0 : i32
        %add3A_826 = arith.addi %add3A_824, %add3A_825 : i32
        %get3A = arith.constant 0 : i32
        %get3A_827 = arith.constant 0 : i32
        %get3A_828 = tpu.memref_slice %arg6[%scan3A_103, %get3A, %get3A_827] : memref<4x100x128xf32, #tpu.memory_space<vmem>> -> memref<1x100x128xf32, #tpu.memory_space<vmem>>
        %get3A_829 = tpu.memref_squeeze %get3A_828 : memref<1x100x128xf32, #tpu.memory_space<vmem>> -> memref<100x128xf32, #tpu.memory_space<vmem>>
        %get3A_830 = arith.index_cast %add3A_826 : i32 to index
        %get3A_831 = arith.constant 0 : index
        %get3A_832 = tpu.vector_load %get3A_829[%get3A_830, %get3A_831] {strides = array<i32>} : memref<100x128xf32, #tpu.memory_space<vmem>>, vector<1x16xf32>,
        %get3A_833 = vector.shape_cast %get3A_832 : vector<1x16xf32> to vector<16xf32>
        %add3A_834 = arith.addf %scan3A_813, %get3A_833 : vector<16xf32>
        %add3A_835 = arith.constant 0 : i32
        %add3A_836 = arith.addi %add3A_835, %mul3A_822 : i32
        %add3A_837 = arith.constant 0 : i32
        %add3A_838 = arith.addi %add3A_836, %add3A_837 : i32
        %get3A_839 = arith.constant 0 : i32
        %get3A_840 = arith.constant 0 : i32
        %get3A_841 = tpu.memref_slice %arg6[%scan3A_103, %get3A_839, %get3A_840] : memref<4x100x128xf32, #tpu.memory_space<vmem>> -> memref<1x100x128xf32, #tpu.memory_space<vmem>>
        %get3A_842 = tpu.memref_squeeze %get3A_841 : memref<1x100x128xf32, #tpu.memory_space<vmem>> -> memref<100x128xf32, #tpu.memory_space<vmem>>
        %get3A_843 = arith.index_cast %add3A_838 : i32 to index
        %get3A_844 = arith.constant 16 : index
        %get3A_845 = tpu.vector_load %get3A_842[%get3A_843, %get3A_844] {strides = array<i32>} : memref<100x128xf32, #tpu.memory_space<vmem>>, vector<1x16xf32>,
        %get3A_846 = vector.shape_cast %get3A_845 : vector<1x16xf32> to vector<16xf32>
        %add3A_847 = arith.addf %scan3A_814, %get3A_846 : vector<16xf32>
        %add3A_848 = arith.constant 0 : i32
        %add3A_849 = arith.addi %add3A_848, %mul3A_822 : i32
        %add3A_850 = arith.constant 0 : i32
        %add3A_851 = arith.addi %add3A_849, %add3A_850 : i32
        %get3A_852 = arith.constant 0 : i32
        %get3A_853 = arith.constant 0 : i32
        %get3A_854 = tpu.memref_slice %arg6[%scan3A_103, %get3A_852, %get3A_853] : memref<4x100x128xf32, #tpu.memory_space<vmem>> -> memref<1x100x128xf32, #tpu.memory_space<vmem>>
        %get3A_855 = tpu.memref_squeeze %get3A_854 : memref<1x100x128xf32, #tpu.memory_space<vmem>> -> memref<100x128xf32, #tpu.memory_space<vmem>>
        %get3A_856 = arith.index_cast %add3A_851 : i32 to index
        %get3A_857 = arith.constant 32 : index
        %get3A_858 = tpu.vector_load %get3A_855[%get3A_856, %get3A_857] {strides = array<i32>} : memref<100x128xf32, #tpu.memory_space<vmem>>, vector<1x16xf32>,
        %get3A_859 = vector.shape_cast %get3A_858 : vector<1x16xf32> to vector<16xf32>
        %add3A_860 = arith.addf %scan3A_815, %get3A_859 : vector<16xf32>
        %add3A_861 = arith.constant 0 : i32
        %add3A_862 = arith.addi %add3A_861, %mul3A_822 : i32
        %add3A_863 = arith.constant 0 : i32
        %add3A_864 = arith.addi %add3A_862, %add3A_863 : i32
        %get3A_865 = arith.constant 0 : i32
        %get3A_866 = arith.constant 0 : i32
        %get3A_867 = tpu.memref_slice %arg6[%scan3A_103, %get3A_865, %get3A_866] : memref<4x100x128xf32, #tpu.memory_space<vmem>> -> memref<1x100x128xf32, #tpu.memory_space<vmem>>
        %get3A_868 = tpu.memref_squeeze %get3A_867 : memref<1x100x128xf32, #tpu.memory_space<vmem>> -> memref<100x128xf32, #tpu.memory_space<vmem>>
        %get3A_869 = arith.index_cast %add3A_864 : i32 to index
        %get3A_870 = arith.constant 48 : index
        %get3A_871 = tpu.vector_load %get3A_868[%get3A_869, %get3A_870] {strides = array<i32>} : memref<100x128xf32, #tpu.memory_space<vmem>>, vector<1x16xf32>,
        %get3A_872 = vector.shape_cast %get3A_871 : vector<1x16xf32> to vector<16xf32>
        %add3A_873 = arith.addf %scan3A_816, %get3A_872 : vector<16xf32>
        %add3A_874 = arith.constant 0 : i32
        %add3A_875 = arith.addi %add3A_874, %mul3A_822 : i32
        %add3A_876 = arith.constant 0 : i32
        %add3A_877 = arith.addi %add3A_875, %add3A_876 : i32
        %get3A_878 = arith.constant 0 : i32
        %get3A_879 = arith.constant 0 : i32
        %get3A_880 = tpu.memref_slice %arg6[%scan3A_103, %get3A_878, %get3A_879] : memref<4x100x128xf32, #tpu.memory_space<vmem>> -> memref<1x100x128xf32, #tpu.memory_space<vmem>>
        %get3A_881 = tpu.memref_squeeze %get3A_880 : memref<1x100x128xf32, #tpu.memory_space<vmem>> -> memref<100x128xf32, #tpu.memory_space<vmem>>
        %get3A_882 = arith.index_cast %add3A_877 : i32 to index
        %get3A_883 = arith.constant 64 : index
        %get3A_884 = tpu.vector_load %get3A_881[%get3A_882, %get3A_883] {strides = array<i32>} : memref<100x128xf32, #tpu.memory_space<vmem>>, vector<1x16xf32>,
        %get3A_885 = vector.shape_cast %get3A_884 : vector<1x16xf32> to vector<16xf32>
        %add3A_886 = arith.addf %scan3A_817, %get3A_885 : vector<16xf32>
        %add3A_887 = arith.constant 0 : i32
        %add3A_888 = arith.addi %add3A_887, %mul3A_822 : i32
        %add3A_889 = arith.constant 0 : i32
        %add3A_890 = arith.addi %add3A_888, %add3A_889 : i32
        %get3A_891 = arith.constant 0 : i32
        %get3A_892 = arith.constant 0 : i32
        %get3A_893 = tpu.memref_slice %arg6[%scan3A_103, %get3A_891, %get3A_892] : memref<4x100x128xf32, #tpu.memory_space<vmem>> -> memref<1x100x128xf32, #tpu.memory_space<vmem>>
        %get3A_894 = tpu.memref_squeeze %get3A_893 : memref<1x100x128xf32, #tpu.memory_space<vmem>> -> memref<100x128xf32, #tpu.memory_space<vmem>>
        %get3A_895 = arith.index_cast %add3A_890 : i32 to index
        %get3A_896 = arith.constant 80 : index
        %get3A_897 = tpu.vector_load %get3A_894[%get3A_895, %get3A_896] {strides = array<i32>} : memref<100x128xf32, #tpu.memory_space<vmem>>, vector<1x16xf32>,
        %get3A_898 = vector.shape_cast %get3A_897 : vector<1x16xf32> to vector<16xf32>
        %add3A_899 = arith.addf %scan3A_818, %get3A_898 : vector<16xf32>
        %add3A_900 = arith.constant 0 : i32
        %add3A_901 = arith.addi %add3A_900, %mul3A_822 : i32
        %add3A_902 = arith.constant 0 : i32
        %add3A_903 = arith.addi %add3A_901, %add3A_902 : i32
        %get3A_904 = arith.constant 0 : i32
        %get3A_905 = arith.constant 0 : i32
        %get3A_906 = tpu.memref_slice %arg6[%scan3A_103, %get3A_904, %get3A_905] : memref<4x100x128xf32, #tpu.memory_space<vmem>> -> memref<1x100x128xf32, #tpu.memory_space<vmem>>
        %get3A_907 = tpu.memref_squeeze %get3A_906 : memref<1x100x128xf32, #tpu.memory_space<vmem>> -> memref<100x128xf32, #tpu.memory_space<vmem>>
        %get3A_908 = arith.index_cast %add3A_903 : i32 to index
        %get3A_909 = arith.constant 96 : index
        %get3A_910 = tpu.vector_load %get3A_907[%get3A_908, %get3A_909] {strides = array<i32>} : memref<100x128xf32, #tpu.memory_space<vmem>>, vector<1x16xf32>,
        %get3A_911 = vector.shape_cast %get3A_910 : vector<1x16xf32> to vector<16xf32>
        %add3A_912 = arith.addf %scan3A_819, %get3A_911 : vector<16xf32>
        %add3A_913 = arith.constant 0 : i32
        %add3A_914 = arith.addi %add3A_913, %mul3A_822 : i32
        %add3A_915 = arith.constant 0 : i32
        %add3A_916 = arith.addi %add3A_914, %add3A_915 : i32
        %get3A_917 = arith.constant 0 : i32
        %get3A_918 = arith.constant 0 : i32
        %get3A_919 = tpu.memref_slice %arg6[%scan3A_103, %get3A_917, %get3A_918] : memref<4x100x128xf32, #tpu.memory_space<vmem>> -> memref<1x100x128xf32, #tpu.memory_space<vmem>>
        %get3A_920 = tpu.memref_squeeze %get3A_919 : memref<1x100x128xf32, #tpu.memory_space<vmem>> -> memref<100x128xf32, #tpu.memory_space<vmem>>
        %get3A_921 = arith.index_cast %add3A_916 : i32 to index
        %get3A_922 = arith.constant 112 : index
        %get3A_923 = tpu.vector_load %get3A_920[%get3A_921, %get3A_922] {strides = array<i32>} : memref<100x128xf32, #tpu.memory_space<vmem>>, vector<1x16xf32>,
        %get3A_924 = vector.shape_cast %get3A_923 : vector<1x16xf32> to vector<16xf32>
        %add3A_925 = arith.addf %scan3A_820, %get3A_924 : vector<16xf32>
        %add3A_926 = arith.constant 0 : i32
        %add3A_927 = arith.addi %add3A_926, %mul3A_822 : i32
        %add3A_928 = arith.constant 1 : i32
        %add3A_929 = arith.addi %add3A_927, %add3A_928 : i32
        %get3A_930 = arith.constant 0 : i32
        %get3A_931 = arith.constant 0 : i32
        %get3A_932 = tpu.memref_slice %arg6[%scan3A_103, %get3A_930, %get3A_931] : memref<4x100x128xf32, #tpu.memory_space<vmem>> -> memref<1x100x128xf32, #tpu.memory_space<vmem>>
        %get3A_933 = tpu.memref_squeeze %get3A_932 : memref<1x100x128xf32, #tpu.memory_space<vmem>> -> memref<100x128xf32, #tpu.memory_space<vmem>>
        %get3A_934 = arith.index_cast %add3A_929 : i32 to index
        %get3A_935 = arith.constant 0 : index
        %get3A_936 = tpu.vector_load %get3A_933[%get3A_934, %get3A_935] {strides = array<i32>} : memref<100x128xf32, #tpu.memory_space<vmem>>, vector<1x16xf32>,
        %get3A_937 = vector.shape_cast %get3A_936 : vector<1x16xf32> to vector<16xf32>
        %add3A_938 = arith.addf %add3A_834, %get3A_937 : vector<16xf32>
        %add3A_939 = arith.constant 0 : i32
        %add3A_940 = arith.addi %add3A_939, %mul3A_822 : i32
        %add3A_941 = arith.constant 1 : i32
        %add3A_942 = arith.addi %add3A_940, %add3A_941 : i32
        %get3A_943 = arith.constant 0 : i32
        %get3A_944 = arith.constant 0 : i32
        %get3A_945 = tpu.memref_slice %arg6[%scan3A_103, %get3A_943, %get3A_944] : memref<4x100x128xf32, #tpu.memory_space<vmem>> -> memref<1x100x128xf32, #tpu.memory_space<vmem>>
        %get3A_946 = tpu.memref_squeeze %get3A_945 : memref<1x100x128xf32, #tpu.memory_space<vmem>> -> memref<100x128xf32, #tpu.memory_space<vmem>>
        %get3A_947 = arith.index_cast %add3A_942 : i32 to index
        %get3A_948 = arith.constant 16 : index
        %get3A_949 = tpu.vector_load %get3A_946[%get3A_947, %get3A_948] {strides = array<i32>} : memref<100x128xf32, #tpu.memory_space<vmem>>, vector<1x16xf32>,
        %get3A_950 = vector.shape_cast %get3A_949 : vector<1x16xf32> to vector<16xf32>
        %add3A_951 = arith.addf %add3A_847, %get3A_950 : vector<16xf32>
        %add3A_952 = arith.constant 0 : i32
        %add3A_953 = arith.addi %add3A_952, %mul3A_822 : i32
        %add3A_954 = arith.constant 1 : i32
        %add3A_955 = arith.addi %add3A_953, %add3A_954 : i32
        %get3A_956 = arith.constant 0 : i32
        %get3A_957 = arith.constant 0 : i32
        %get3A_958 = tpu.memref_slice %arg6[%scan3A_103, %get3A_956, %get3A_957] : memref<4x100x128xf32, #tpu.memory_space<vmem>> -> memref<1x100x128xf32, #tpu.memory_space<vmem>>
        %get3A_959 = tpu.memref_squeeze %get3A_958 : memref<1x100x128xf32, #tpu.memory_space<vmem>> -> memref<100x128xf32, #tpu.memory_space<vmem>>
        %get3A_960 = arith.index_cast %add3A_955 : i32 to index
        %get3A_961 = arith.constant 32 : index
        %get3A_962 = tpu.vector_load %get3A_959[%get3A_960, %get3A_961] {strides = array<i32>} : memref<100x128xf32, #tpu.memory_space<vmem>>, vector<1x16xf32>,
        %get3A_963 = vector.shape_cast %get3A_962 : vector<1x16xf32> to vector<16xf32>
        %add3A_964 = arith.addf %add3A_860, %get3A_963 : vector<16xf32>
        %add3A_965 = arith.constant 0 : i32
        %add3A_966 = arith.addi %add3A_965, %mul3A_822 : i32
        %add3A_967 = arith.constant 1 : i32
        %add3A_968 = arith.addi %add3A_966, %add3A_967 : i32
        %get3A_969 = arith.constant 0 : i32
        %get3A_970 = arith.constant 0 : i32
        %get3A_971 = tpu.memref_slice %arg6[%scan3A_103, %get3A_969, %get3A_970] : memref<4x100x128xf32, #tpu.memory_space<vmem>> -> memref<1x100x128xf32, #tpu.memory_space<vmem>>
        %get3A_972 = tpu.memref_squeeze %get3A_971 : memref<1x100x128xf32, #tpu.memory_space<vmem>> -> memref<100x128xf32, #tpu.memory_space<vmem>>
        %get3A_973 = arith.index_cast %add3A_968 : i32 to index
        %get3A_974 = arith.constant 48 : index
        %get3A_975 = tpu.vector_load %get3A_972[%get3A_973, %get3A_974] {strides = array<i32>} : memref<100x128xf32, #tpu.memory_space<vmem>>, vector<1x16xf32>,
        %get3A_976 = vector.shape_cast %get3A_975 : vector<1x16xf32> to vector<16xf32>
        %add3A_977 = arith.addf %add3A_873, %get3A_976 : vector<16xf32>
        %add3A_978 = arith.constant 0 : i32
        %add3A_979 = arith.addi %add3A_978, %mul3A_822 : i32
        %add3A_980 = arith.constant 1 : i32
        %add3A_981 = arith.addi %add3A_979, %add3A_980 : i32
        %get3A_982 = arith.constant 0 : i32
        %get3A_983 = arith.constant 0 : i32
        %get3A_984 = tpu.memref_slice %arg6[%scan3A_103, %get3A_982, %get3A_983] : memref<4x100x128xf32, #tpu.memory_space<vmem>> -> memref<1x100x128xf32, #tpu.memory_space<vmem>>
        %get3A_985 = tpu.memref_squeeze %get3A_984 : memref<1x100x128xf32, #tpu.memory_space<vmem>> -> memref<100x128xf32, #tpu.memory_space<vmem>>
        %get3A_986 = arith.index_cast %add3A_981 : i32 to index
        %get3A_987 = arith.constant 64 : index
        %get3A_988 = tpu.vector_load %get3A_985[%get3A_986, %get3A_987] {strides = array<i32>} : memref<100x128xf32, #tpu.memory_space<vmem>>, vector<1x16xf32>,
        %get3A_989 = vector.shape_cast %get3A_988 : vector<1x16xf32> to vector<16xf32>
        %add3A_990 = arith.addf %add3A_886, %get3A_989 : vector<16xf32>
        %add3A_991 = arith.constant 0 : i32
        %add3A_992 = arith.addi %add3A_991, %mul3A_822 : i32
        %add3A_993 = arith.constant 1 : i32
        %add3A_994 = arith.addi %add3A_992, %add3A_993 : i32
        %get3A_995 = arith.constant 0 : i32
        %get3A_996 = arith.constant 0 : i32
        %get3A_997 = tpu.memref_slice %arg6[%scan3A_103, %get3A_995, %get3A_996] : memref<4x100x128xf32, #tpu.memory_space<vmem>> -> memref<1x100x128xf32, #tpu.memory_space<vmem>>
        %get3A_998 = tpu.memref_squeeze %get3A_997 : memref<1x100x128xf32, #tpu.memory_space<vmem>> -> memref<100x128xf32, #tpu.memory_space<vmem>>
        %get3A_999 = arith.index_cast %add3A_994 : i32 to index
        %get3A_1000 = arith.constant 80 : index
        %get3A_1001 = tpu.vector_load %get3A_998[%get3A_999, %get3A_1000] {strides = array<i32>} : memref<100x128xf32, #tpu.memory_space<vmem>>, vector<1x16xf32>,
        %get3A_1002 = vector.shape_cast %get3A_1001 : vector<1x16xf32> to vector<16xf32>
        %add3A_1003 = arith.addf %add3A_899, %get3A_1002 : vector<16xf32>
        %add3A_1004 = arith.constant 0 : i32
        %add3A_1005 = arith.addi %add3A_1004, %mul3A_822 : i32
        %add3A_1006 = arith.constant 1 : i32
        %add3A_1007 = arith.addi %add3A_1005, %add3A_1006 : i32
        %get3A_1008 = arith.constant 0 : i32
        %get3A_1009 = arith.constant 0 : i32
        %get3A_1010 = tpu.memref_slice %arg6[%scan3A_103, %get3A_1008, %get3A_1009] : memref<4x100x128xf32, #tpu.memory_space<vmem>> -> memref<1x100x128xf32, #tpu.memory_space<vmem>>
        %get3A_1011 = tpu.memref_squeeze %get3A_1010 : memref<1x100x128xf32, #tpu.memory_space<vmem>> -> memref<100x128xf32, #tpu.memory_space<vmem>>
        %get3A_1012 = arith.index_cast %add3A_1007 : i32 to index
        %get3A_1013 = arith.constant 96 : index
        %get3A_1014 = tpu.vector_load %get3A_1011[%get3A_1012, %get3A_1013] {strides = array<i32>} : memref<100x128xf32, #tpu.memory_space<vmem>>, vector<1x16xf32>,
        %get3A_1015 = vector.shape_cast %get3A_1014 : vector<1x16xf32> to vector<16xf32>
        %add3A_1016 = arith.addf %add3A_912, %get3A_1015 : vector<16xf32>
        %add3A_1017 = arith.constant 0 : i32
        %add3A_1018 = arith.addi %add3A_1017, %mul3A_822 : i32
        %add3A_1019 = arith.constant 1 : i32
        %add3A_1020 = arith.addi %add3A_1018, %add3A_1019 : i32
        %get3A_1021 = arith.constant 0 : i32
        %get3A_1022 = arith.constant 0 : i32
        %get3A_1023 = tpu.memref_slice %arg6[%scan3A_103, %get3A_1021, %get3A_1022] : memref<4x100x128xf32, #tpu.memory_space<vmem>> -> memref<1x100x128xf32, #tpu.memory_space<vmem>>
        %get3A_1024 = tpu.memref_squeeze %get3A_1023 : memref<1x100x128xf32, #tpu.memory_space<vmem>> -> memref<100x128xf32, #tpu.memory_space<vmem>>
        %get3A_1025 = arith.index_cast %add3A_1020 : i32 to index
        %get3A_1026 = arith.constant 112 : index
        %get3A_1027 = tpu.vector_load %get3A_1024[%get3A_1025, %get3A_1026] {strides = array<i32>} : memref<100x128xf32, #tpu.memory_space<vmem>>, vector<1x16xf32>,
        %get3A_1028 = vector.shape_cast %get3A_1027 : vector<1x16xf32> to vector<16xf32>
        %add3A_1029 = arith.addf %add3A_925, %get3A_1028 : vector<16xf32>
        scf.yield %add3A_938, %add3A_951, %add3A_964, %add3A_977, %add3A_990, %add3A_1003, %add3A_1016, %add3A_1029 : vector<16xf32>, vector<16xf32>, vector<16xf32>, vector<16xf32>, vector<16xf32>, vector<16xf32>, vector<16xf32>, vector<16xf32>
      }
      %scan3A_109 = arith.constant 25 : i32
      %add3A_110 = arith.constant 0 : i32
      %add3A_111 = arith.addi %mul3A_87, %add3A_110 : i32
      %swap3A = arith.index_cast %add3A_111 : i32 to index
      %swap3A_112 = arith.constant 0 : index
      %swap3A_113 = tpu.vector_load %arg7[%swap3A, %swap3A_112] {strides = array<i32>} : memref<256x128xf32, #tpu.memory_space<vmem>>, vector<1x16xf32>,
      %swap3A_114 = vector.shape_cast %swap3A_113 : vector<1x16xf32> to vector<16xf32>
      %swap3A_115 = vector.shape_cast %scan3A_108#0 : vector<16xf32> to vector<1x16xf32>
      tpu.vector_store %arg7[%swap3A, %swap3A_112], %swap3A_115 {strides = array<i32>} : memref<256x128xf32, #tpu.memory_space<vmem>>, vector<1x16xf32>,
      %add3A_116 = arith.constant 0 : i32
      %add3A_117 = arith.addi %mul3A_87, %add3A_116 : i32
      %swap3A_118 = arith.index_cast %add3A_117 : i32 to index
      %swap3A_119 = arith.constant 16 : index
      %swap3A_120 = tpu.vector_load %arg7[%swap3A_118, %swap3A_119] {strides = array<i32>} : memref<256x128xf32, #tpu.memory_space<vmem>>, vector<1x16xf32>,
      %swap3A_121 = vector.shape_cast %swap3A_120 : vector<1x16xf32> to vector<16xf32>
      %swap3A_122 = vector.shape_cast %scan3A_108#1 : vector<16xf32> to vector<1x16xf32>
      tpu.vector_store %arg7[%swap3A_118, %swap3A_119], %swap3A_122 {strides = array<i32>} : memref<256x128xf32, #tpu.memory_space<vmem>>, vector<1x16xf32>,
      %add3A_123 = arith.constant 0 : i32
      %add3A_124 = arith.addi %mul3A_87, %add3A_123 : i32
      %swap3A_125 = arith.index_cast %add3A_124 : i32 to index
      %swap3A_126 = arith.constant 32 : index
      %swap3A_127 = tpu.vector_load %arg7[%swap3A_125, %swap3A_126] {strides = array<i32>} : memref<256x128xf32, #tpu.memory_space<vmem>>, vector<1x16xf32>,
      %swap3A_128 = vector.shape_cast %swap3A_127 : vector<1x16xf32> to vector<16xf32>
      %swap3A_129 = vector.shape_cast %scan3A_108#2 : vector<16xf32> to vector<1x16xf32>
      tpu.vector_store %arg7[%swap3A_125, %swap3A_126], %swap3A_129 {strides = array<i32>} : memref<256x128xf32, #tpu.memory_space<vmem>>, vector<1x16xf32>,
      %add3A_130 = arith.constant 0 : i32
      %add3A_131 = arith.addi %mul3A_87, %add3A_130 : i32
      %swap3A_132 = arith.index_cast %add3A_131 : i32 to index
      %swap3A_133 = arith.constant 48 : index
      %swap3A_134 = tpu.vector_load %arg7[%swap3A_132, %swap3A_133] {strides = array<i32>} : memref<256x128xf32, #tpu.memory_space<vmem>>, vector<1x16xf32>,
      %swap3A_135 = vector.shape_cast %swap3A_134 : vector<1x16xf32> to vector<16xf32>
      %swap3A_136 = vector.shape_cast %scan3A_108#3 : vector<16xf32> to vector<1x16xf32>
      tpu.vector_store %arg7[%swap3A_132, %swap3A_133], %swap3A_136 {strides = array<i32>} : memref<256x128xf32, #tpu.memory_space<vmem>>, vector<1x16xf32>,
      %add3A_137 = arith.constant 0 : i32
      %add3A_138 = arith.addi %mul3A_87, %add3A_137 : i32
      %swap3A_139 = arith.index_cast %add3A_138 : i32 to index
      %swap3A_140 = arith.constant 64 : index
      %swap3A_141 = tpu.vector_load %arg7[%swap3A_139, %swap3A_140] {strides = array<i32>} : memref<256x128xf32, #tpu.memory_space<vmem>>, vector<1x16xf32>,
      %swap3A_142 = vector.shape_cast %swap3A_141 : vector<1x16xf32> to vector<16xf32>
      %swap3A_143 = vector.shape_cast %scan3A_108#4 : vector<16xf32> to vector<1x16xf32>
      tpu.vector_store %arg7[%swap3A_139, %swap3A_140], %swap3A_143 {strides = array<i32>} : memref<256x128xf32, #tpu.memory_space<vmem>>, vector<1x16xf32>,
      %add3A_144 = arith.constant 0 : i32
      %add3A_145 = arith.addi %mul3A_87, %add3A_144 : i32
      %swap3A_146 = arith.index_cast %add3A_145 : i32 to index
      %swap3A_147 = arith.constant 80 : index
      %swap3A_148 = tpu.vector_load %arg7[%swap3A_146, %swap3A_147] {strides = array<i32>} : memref<256x128xf32, #tpu.memory_space<vmem>>, vector<1x16xf32>,
      %swap3A_149 = vector.shape_cast %swap3A_148 : vector<1x16xf32> to vector<16xf32>
      %swap3A_150 = vector.shape_cast %scan3A_108#5 : vector<16xf32> to vector<1x16xf32>
      tpu.vector_store %arg7[%swap3A_146, %swap3A_147], %swap3A_150 {strides = array<i32>} : memref<256x128xf32, #tpu.memory_space<vmem>>, vector<1x16xf32>,
      %add3A_151 = arith.constant 0 : i32
      %add3A_152 = arith.addi %mul3A_87, %add3A_151 : i32
      %swap3A_153 = arith.index_cast %add3A_152 : i32 to index
      %swap3A_154 = arith.constant 96 : index
      %swap3A_155 = tpu.vector_load %arg7[%swap3A_153, %swap3A_154] {strides = array<i32>} : memref<256x128xf32, #tpu.memory_space<vmem>>, vector<1x16xf32>,
      %swap3A_156 = vector.shape_cast %swap3A_155 : vector<1x16xf32> to vector<16xf32>
      %swap3A_157 = vector.shape_cast %scan3A_108#6 : vector<16xf32> to vector<1x16xf32>
      tpu.vector_store %arg7[%swap3A_153, %swap3A_154], %swap3A_157 {strides = array<i32>} : memref<256x128xf32, #tpu.memory_space<vmem>>, vector<1x16xf32>,
      %add3A_158 = arith.constant 0 : i32
      %add3A_159 = arith.addi %mul3A_87, %add3A_158 : i32
      %swap3A_160 = arith.index_cast %add3A_159 : i32 to index
      %swap3A_161 = arith.constant 112 : index
      %swap3A_162 = tpu.vector_load %arg7[%swap3A_160, %swap3A_161] {strides = array<i32>} : memref<256x128xf32, #tpu.memory_space<vmem>>, vector<1x16xf32>,
      %swap3A_163 = vector.shape_cast %swap3A_162 : vector<1x16xf32> to vector<16xf32>
      %swap3A_164 = vector.shape_cast %scan3A_108#7 : vector<16xf32> to vector<1x16xf32>
      tpu.vector_store %arg7[%swap3A_160, %swap3A_161], %swap3A_164 {strides = array<i32>} : memref<256x128xf32, #tpu.memory_space<vmem>>, vector<1x16xf32>,
      %broadcast_in_dim3A_165 = arith.constant 0.000000e+00 : f32
      %broadcast_in_dim3A_166 = vector.broadcast %broadcast_in_dim3A_165 : f32 to vector<16xf32>
      %broadcast_in_dim3A_167 = arith.constant 0.000000e+00 : f32
      %broadcast_in_dim3A_168 = vector.broadcast %broadcast_in_dim3A_167 : f32 to vector<16xf32>
      %broadcast_in_dim3A_169 = arith.constant 0.000000e+00 : f32
      %broadcast_in_dim3A_170 = vector.broadcast %broadcast_in_dim3A_169 : f32 to vector<16xf32>
      %broadcast_in_dim3A_171 = arith.constant 0.000000e+00 : f32
      %broadcast_in_dim3A_172 = vector.broadcast %broadcast_in_dim3A_171 : f32 to vector<16xf32>
      %broadcast_in_dim3A_173 = arith.constant 0.000000e+00 : f32
      %broadcast_in_dim3A_174 = vector.broadcast %broadcast_in_dim3A_173 : f32 to vector<16xf32>
      %broadcast_in_dim3A_175 = arith.constant 0.000000e+00 : f32
      %broadcast_in_dim3A_176 = vector.broadcast %broadcast_in_dim3A_175 : f32 to vector<16xf32>
      %broadcast_in_dim3A_177 = arith.constant 0.000000e+00 : f32
      %broadcast_in_dim3A_178 = vector.broadcast %broadcast_in_dim3A_177 : f32 to vector<16xf32>
      %broadcast_in_dim3A_179 = arith.constant 0.000000e+00 : f32
      %broadcast_in_dim3A_180 = vector.broadcast %broadcast_in_dim3A_179 : f32 to vector<16xf32>
      %scan3A_181 = arith.constant 0 : i32
      %scan3A_182 = arith.constant 0 : i32
      %scan3A_183 = arith.constant 25 : i32
      %scan3A_184 = arith.addi %scan3A_182, %scan3A_183 : i32
      %scan3A_185 = arith.constant 1 : i32
      %scan3A_186:8 = scf.for %scan3A_812 = %scan3A_182 to %scan3A_184 step %scan3A_185 iter_args(%scan3A_813 = %broadcast_in_dim3A_166, %scan3A_814 = %broadcast_in_dim3A_168, %scan3A_815 = %broadcast_in_dim3A_170, %scan3A_816 = %broadcast_in_dim3A_172, %scan3A_817 = %broadcast_in_dim3A_174, %scan3A_818 = %broadcast_in_dim3A_176, %scan3A_819 = %broadcast_in_dim3A_178, %scan3A_820 = %broadcast_in_dim3A_180) -> (vector<16xf32>, vector<16xf32>, vector<16xf32>, vector<16xf32>, vector<16xf32>, vector<16xf32>, vector<16xf32>, vector<16xf32>)  : i32 {
        %mul3A_821 = arith.constant 2 : i32
        %mul3A_822 = arith.muli %scan3A_812, %mul3A_821 : i32
        %add3A_823 = arith.constant 50 : i32
        %add3A_824 = arith.addi %add3A_823, %mul3A_822 : i32
        %add3A_825 = arith.constant 0 : i32
        %add3A_826 = arith.addi %add3A_824, %add3A_825 : i32
        %get3A = arith.constant 0 : i32
        %get3A_827 = arith.constant 0 : i32
        %get3A_828 = tpu.memref_slice %arg6[%scan3A_181, %get3A, %get3A_827] : memref<4x100x128xf32, #tpu.memory_space<vmem>> -> memref<1x100x128xf32, #tpu.memory_space<vmem>>
        %get3A_829 = tpu.memref_squeeze %get3A_828 : memref<1x100x128xf32, #tpu.memory_space<vmem>> -> memref<100x128xf32, #tpu.memory_space<vmem>>
        %get3A_830 = arith.index_cast %add3A_826 : i32 to index
        %get3A_831 = arith.constant 0 : index
        %get3A_832 = tpu.vector_load %get3A_829[%get3A_830, %get3A_831] {strides = array<i32>} : memref<100x128xf32, #tpu.memory_space<vmem>>, vector<1x16xf32>,
        %get3A_833 = vector.shape_cast %get3A_832 : vector<1x16xf32> to vector<16xf32>
        %add3A_834 = arith.addf %scan3A_813, %get3A_833 : vector<16xf32>
        %add3A_835 = arith.constant 50 : i32
        %add3A_836 = arith.addi %add3A_835, %mul3A_822 : i32
        %add3A_837 = arith.constant 0 : i32
        %add3A_838 = arith.addi %add3A_836, %add3A_837 : i32
        %get3A_839 = arith.constant 0 : i32
        %get3A_840 = arith.constant 0 : i32
        %get3A_841 = tpu.memref_slice %arg6[%scan3A_181, %get3A_839, %get3A_840] : memref<4x100x128xf32, #tpu.memory_space<vmem>> -> memref<1x100x128xf32, #tpu.memory_space<vmem>>
        %get3A_842 = tpu.memref_squeeze %get3A_841 : memref<1x100x128xf32, #tpu.memory_space<vmem>> -> memref<100x128xf32, #tpu.memory_space<vmem>>
        %get3A_843 = arith.index_cast %add3A_838 : i32 to index
        %get3A_844 = arith.constant 16 : index
        %get3A_845 = tpu.vector_load %get3A_842[%get3A_843, %get3A_844] {strides = array<i32>} : memref<100x128xf32, #tpu.memory_space<vmem>>, vector<1x16xf32>,
        %get3A_846 = vector.shape_cast %get3A_845 : vector<1x16xf32> to vector<16xf32>
        %add3A_847 = arith.addf %scan3A_814, %get3A_846 : vector<16xf32>
        %add3A_848 = arith.constant 50 : i32
        %add3A_849 = arith.addi %add3A_848, %mul3A_822 : i32
        %add3A_850 = arith.constant 0 : i32
        %add3A_851 = arith.addi %add3A_849, %add3A_850 : i32
        %get3A_852 = arith.constant 0 : i32
        %get3A_853 = arith.constant 0 : i32
        %get3A_854 = tpu.memref_slice %arg6[%scan3A_181, %get3A_852, %get3A_853] : memref<4x100x128xf32, #tpu.memory_space<vmem>> -> memref<1x100x128xf32, #tpu.memory_space<vmem>>
        %get3A_855 = tpu.memref_squeeze %get3A_854 : memref<1x100x128xf32, #tpu.memory_space<vmem>> -> memref<100x128xf32, #tpu.memory_space<vmem>>
        %get3A_856 = arith.index_cast %add3A_851 : i32 to index
        %get3A_857 = arith.constant 32 : index
        %get3A_858 = tpu.vector_load %get3A_855[%get3A_856, %get3A_857] {strides = array<i32>} : memref<100x128xf32, #tpu.memory_space<vmem>>, vector<1x16xf32>,
        %get3A_859 = vector.shape_cast %get3A_858 : vector<1x16xf32> to vector<16xf32>
        %add3A_860 = arith.addf %scan3A_815, %get3A_859 : vector<16xf32>
        %add3A_861 = arith.constant 50 : i32
        %add3A_862 = arith.addi %add3A_861, %mul3A_822 : i32
        %add3A_863 = arith.constant 0 : i32
        %add3A_864 = arith.addi %add3A_862, %add3A_863 : i32
        %get3A_865 = arith.constant 0 : i32
        %get3A_866 = arith.constant 0 : i32
        %get3A_867 = tpu.memref_slice %arg6[%scan3A_181, %get3A_865, %get3A_866] : memref<4x100x128xf32, #tpu.memory_space<vmem>> -> memref<1x100x128xf32, #tpu.memory_space<vmem>>
        %get3A_868 = tpu.memref_squeeze %get3A_867 : memref<1x100x128xf32, #tpu.memory_space<vmem>> -> memref<100x128xf32, #tpu.memory_space<vmem>>
        %get3A_869 = arith.index_cast %add3A_864 : i32 to index
        %get3A_870 = arith.constant 48 : index
        %get3A_871 = tpu.vector_load %get3A_868[%get3A_869, %get3A_870] {strides = array<i32>} : memref<100x128xf32, #tpu.memory_space<vmem>>, vector<1x16xf32>,
        %get3A_872 = vector.shape_cast %get3A_871 : vector<1x16xf32> to vector<16xf32>
        %add3A_873 = arith.addf %scan3A_816, %get3A_872 : vector<16xf32>
        %add3A_874 = arith.constant 50 : i32
        %add3A_875 = arith.addi %add3A_874, %mul3A_822 : i32
        %add3A_876 = arith.constant 0 : i32
        %add3A_877 = arith.addi %add3A_875, %add3A_876 : i32
        %get3A_878 = arith.constant 0 : i32
        %get3A_879 = arith.constant 0 : i32
        %get3A_880 = tpu.memref_slice %arg6[%scan3A_181, %get3A_878, %get3A_879] : memref<4x100x128xf32, #tpu.memory_space<vmem>> -> memref<1x100x128xf32, #tpu.memory_space<vmem>>
        %get3A_881 = tpu.memref_squeeze %get3A_880 : memref<1x100x128xf32, #tpu.memory_space<vmem>> -> memref<100x128xf32, #tpu.memory_space<vmem>>
        %get3A_882 = arith.index_cast %add3A_877 : i32 to index
        %get3A_883 = arith.constant 64 : index
        %get3A_884 = tpu.vector_load %get3A_881[%get3A_882, %get3A_883] {strides = array<i32>} : memref<100x128xf32, #tpu.memory_space<vmem>>, vector<1x16xf32>,
        %get3A_885 = vector.shape_cast %get3A_884 : vector<1x16xf32> to vector<16xf32>
        %add3A_886 = arith.addf %scan3A_817, %get3A_885 : vector<16xf32>
        %add3A_887 = arith.constant 50 : i32
        %add3A_888 = arith.addi %add3A_887, %mul3A_822 : i32
        %add3A_889 = arith.constant 0 : i32
        %add3A_890 = arith.addi %add3A_888, %add3A_889 : i32
        %get3A_891 = arith.constant 0 : i32
        %get3A_892 = arith.constant 0 : i32
        %get3A_893 = tpu.memref_slice %arg6[%scan3A_181, %get3A_891, %get3A_892] : memref<4x100x128xf32, #tpu.memory_space<vmem>> -> memref<1x100x128xf32, #tpu.memory_space<vmem>>
        %get3A_894 = tpu.memref_squeeze %get3A_893 : memref<1x100x128xf32, #tpu.memory_space<vmem>> -> memref<100x128xf32, #tpu.memory_space<vmem>>
        %get3A_895 = arith.index_cast %add3A_890 : i32 to index
        %get3A_896 = arith.constant 80 : index
        %get3A_897 = tpu.vector_load %get3A_894[%get3A_895, %get3A_896] {strides = array<i32>} : memref<100x128xf32, #tpu.memory_space<vmem>>, vector<1x16xf32>,
        %get3A_898 = vector.shape_cast %get3A_897 : vector<1x16xf32> to vector<16xf32>
        %add3A_899 = arith.addf %scan3A_818, %get3A_898 : vector<16xf32>
        %add3A_900 = arith.constant 50 : i32
        %add3A_901 = arith.addi %add3A_900, %mul3A_822 : i32
        %add3A_902 = arith.constant 0 : i32
        %add3A_903 = arith.addi %add3A_901, %add3A_902 : i32
        %get3A_904 = arith.constant 0 : i32
        %get3A_905 = arith.constant 0 : i32
        %get3A_906 = tpu.memref_slice %arg6[%scan3A_181, %get3A_904, %get3A_905] : memref<4x100x128xf32, #tpu.memory_space<vmem>> -> memref<1x100x128xf32, #tpu.memory_space<vmem>>
        %get3A_907 = tpu.memref_squeeze %get3A_906 : memref<1x100x128xf32, #tpu.memory_space<vmem>> -> memref<100x128xf32, #tpu.memory_space<vmem>>
        %get3A_908 = arith.index_cast %add3A_903 : i32 to index
        %get3A_909 = arith.constant 96 : index
        %get3A_910 = tpu.vector_load %get3A_907[%get3A_908, %get3A_909] {strides = array<i32>} : memref<100x128xf32, #tpu.memory_space<vmem>>, vector<1x16xf32>,
        %get3A_911 = vector.shape_cast %get3A_910 : vector<1x16xf32> to vector<16xf32>
        %add3A_912 = arith.addf %scan3A_819, %get3A_911 : vector<16xf32>
        %add3A_913 = arith.constant 50 : i32
        %add3A_914 = arith.addi %add3A_913, %mul3A_822 : i32
        %add3A_915 = arith.constant 0 : i32
        %add3A_916 = arith.addi %add3A_914, %add3A_915 : i32
        %get3A_917 = arith.constant 0 : i32
        %get3A_918 = arith.constant 0 : i32
        %get3A_919 = tpu.memref_slice %arg6[%scan3A_181, %get3A_917, %get3A_918] : memref<4x100x128xf32, #tpu.memory_space<vmem>> -> memref<1x100x128xf32, #tpu.memory_space<vmem>>
        %get3A_920 = tpu.memref_squeeze %get3A_919 : memref<1x100x128xf32, #tpu.memory_space<vmem>> -> memref<100x128xf32, #tpu.memory_space<vmem>>
        %get3A_921 = arith.index_cast %add3A_916 : i32 to index
        %get3A_922 = arith.constant 112 : index
        %get3A_923 = tpu.vector_load %get3A_920[%get3A_921, %get3A_922] {strides = array<i32>} : memref<100x128xf32, #tpu.memory_space<vmem>>, vector<1x16xf32>,
        %get3A_924 = vector.shape_cast %get3A_923 : vector<1x16xf32> to vector<16xf32>
        %add3A_925 = arith.addf %scan3A_820, %get3A_924 : vector<16xf32>
        %add3A_926 = arith.constant 50 : i32
        %add3A_927 = arith.addi %add3A_926, %mul3A_822 : i32
        %add3A_928 = arith.constant 1 : i32
        %add3A_929 = arith.addi %add3A_927, %add3A_928 : i32
        %get3A_930 = arith.constant 0 : i32
        %get3A_931 = arith.constant 0 : i32
        %get3A_932 = tpu.memref_slice %arg6[%scan3A_181, %get3A_930, %get3A_931] : memref<4x100x128xf32, #tpu.memory_space<vmem>> -> memref<1x100x128xf32, #tpu.memory_space<vmem>>
        %get3A_933 = tpu.memref_squeeze %get3A_932 : memref<1x100x128xf32, #tpu.memory_space<vmem>> -> memref<100x128xf32, #tpu.memory_space<vmem>>
        %get3A_934 = arith.index_cast %add3A_929 : i32 to index
        %get3A_935 = arith.constant 0 : index
        %get3A_936 = tpu.vector_load %get3A_933[%get3A_934, %get3A_935] {strides = array<i32>} : memref<100x128xf32, #tpu.memory_space<vmem>>, vector<1x16xf32>,
        %get3A_937 = vector.shape_cast %get3A_936 : vector<1x16xf32> to vector<16xf32>
        %add3A_938 = arith.addf %add3A_834, %get3A_937 : vector<16xf32>
        %add3A_939 = arith.constant 50 : i32
        %add3A_940 = arith.addi %add3A_939, %mul3A_822 : i32
        %add3A_941 = arith.constant 1 : i32
        %add3A_942 = arith.addi %add3A_940, %add3A_941 : i32
        %get3A_943 = arith.constant 0 : i32
        %get3A_944 = arith.constant 0 : i32
        %get3A_945 = tpu.memref_slice %arg6[%scan3A_181, %get3A_943, %get3A_944] : memref<4x100x128xf32, #tpu.memory_space<vmem>> -> memref<1x100x128xf32, #tpu.memory_space<vmem>>
        %get3A_946 = tpu.memref_squeeze %get3A_945 : memref<1x100x128xf32, #tpu.memory_space<vmem>> -> memref<100x128xf32, #tpu.memory_space<vmem>>
        %get3A_947 = arith.index_cast %add3A_942 : i32 to index
        %get3A_948 = arith.constant 16 : index
        %get3A_949 = tpu.vector_load %get3A_946[%get3A_947, %get3A_948] {strides = array<i32>} : memref<100x128xf32, #tpu.memory_space<vmem>>, vector<1x16xf32>,
        %get3A_950 = vector.shape_cast %get3A_949 : vector<1x16xf32> to vector<16xf32>
        %add3A_951 = arith.addf %add3A_847, %get3A_950 : vector<16xf32>
        %add3A_952 = arith.constant 50 : i32
        %add3A_953 = arith.addi %add3A_952, %mul3A_822 : i32
        %add3A_954 = arith.constant 1 : i32
        %add3A_955 = arith.addi %add3A_953, %add3A_954 : i32
        %get3A_956 = arith.constant 0 : i32
        %get3A_957 = arith.constant 0 : i32
        %get3A_958 = tpu.memref_slice %arg6[%scan3A_181, %get3A_956, %get3A_957] : memref<4x100x128xf32, #tpu.memory_space<vmem>> -> memref<1x100x128xf32, #tpu.memory_space<vmem>>
        %get3A_959 = tpu.memref_squeeze %get3A_958 : memref<1x100x128xf32, #tpu.memory_space<vmem>> -> memref<100x128xf32, #tpu.memory_space<vmem>>
        %get3A_960 = arith.index_cast %add3A_955 : i32 to index
        %get3A_961 = arith.constant 32 : index
        %get3A_962 = tpu.vector_load %get3A_959[%get3A_960, %get3A_961] {strides = array<i32>} : memref<100x128xf32, #tpu.memory_space<vmem>>, vector<1x16xf32>,
        %get3A_963 = vector.shape_cast %get3A_962 : vector<1x16xf32> to vector<16xf32>
        %add3A_964 = arith.addf %add3A_860, %get3A_963 : vector<16xf32>
        %add3A_965 = arith.constant 50 : i32
        %add3A_966 = arith.addi %add3A_965, %mul3A_822 : i32
        %add3A_967 = arith.constant 1 : i32
        %add3A_968 = arith.addi %add3A_966, %add3A_967 : i32
        %get3A_969 = arith.constant 0 : i32
        %get3A_970 = arith.constant 0 : i32
        %get3A_971 = tpu.memref_slice %arg6[%scan3A_181, %get3A_969, %get3A_970] : memref<4x100x128xf32, #tpu.memory_space<vmem>> -> memref<1x100x128xf32, #tpu.memory_space<vmem>>
        %get3A_972 = tpu.memref_squeeze %get3A_971 : memref<1x100x128xf32, #tpu.memory_space<vmem>> -> memref<100x128xf32, #tpu.memory_space<vmem>>
        %get3A_973 = arith.index_cast %add3A_968 : i32 to index
        %get3A_974 = arith.constant 48 : index
        %get3A_975 = tpu.vector_load %get3A_972[%get3A_973, %get3A_974] {strides = array<i32>} : memref<100x128xf32, #tpu.memory_space<vmem>>, vector<1x16xf32>,
        %get3A_976 = vector.shape_cast %get3A_975 : vector<1x16xf32> to vector<16xf32>
        %add3A_977 = arith.addf %add3A_873, %get3A_976 : vector<16xf32>
        %add3A_978 = arith.constant 50 : i32
        %add3A_979 = arith.addi %add3A_978, %mul3A_822 : i32
        %add3A_980 = arith.constant 1 : i32
        %add3A_981 = arith.addi %add3A_979, %add3A_980 : i32
        %get3A_982 = arith.constant 0 : i32
        %get3A_983 = arith.constant 0 : i32
        %get3A_984 = tpu.memref_slice %arg6[%scan3A_181, %get3A_982, %get3A_983] : memref<4x100x128xf32, #tpu.memory_space<vmem>> -> memref<1x100x128xf32, #tpu.memory_space<vmem>>
        %get3A_985 = tpu.memref_squeeze %get3A_984 : memref<1x100x128xf32, #tpu.memory_space<vmem>> -> memref<100x128xf32, #tpu.memory_space<vmem>>
        %get3A_986 = arith.index_cast %add3A_981 : i32 to index
        %get3A_987 = arith.constant 64 : index
        %get3A_988 = tpu.vector_load %get3A_985[%get3A_986, %get3A_987] {strides = array<i32>} : memref<100x128xf32, #tpu.memory_space<vmem>>, vector<1x16xf32>,
        %get3A_989 = vector.shape_cast %get3A_988 : vector<1x16xf32> to vector<16xf32>
        %add3A_990 = arith.addf %add3A_886, %get3A_989 : vector<16xf32>
        %add3A_991 = arith.constant 50 : i32
        %add3A_992 = arith.addi %add3A_991, %mul3A_822 : i32
        %add3A_993 = arith.constant 1 : i32
        %add3A_994 = arith.addi %add3A_992, %add3A_993 : i32
        %get3A_995 = arith.constant 0 : i32
        %get3A_996 = arith.constant 0 : i32
        %get3A_997 = tpu.memref_slice %arg6[%scan3A_181, %get3A_995, %get3A_996] : memref<4x100x128xf32, #tpu.memory_space<vmem>> -> memref<1x100x128xf32, #tpu.memory_space<vmem>>
        %get3A_998 = tpu.memref_squeeze %get3A_997 : memref<1x100x128xf32, #tpu.memory_space<vmem>> -> memref<100x128xf32, #tpu.memory_space<vmem>>
        %get3A_999 = arith.index_cast %add3A_994 : i32 to index
        %get3A_1000 = arith.constant 80 : index
        %get3A_1001 = tpu.vector_load %get3A_998[%get3A_999, %get3A_1000] {strides = array<i32>} : memref<100x128xf32, #tpu.memory_space<vmem>>, vector<1x16xf32>,
        %get3A_1002 = vector.shape_cast %get3A_1001 : vector<1x16xf32> to vector<16xf32>
        %add3A_1003 = arith.addf %add3A_899, %get3A_1002 : vector<16xf32>
        %add3A_1004 = arith.constant 50 : i32
        %add3A_1005 = arith.addi %add3A_1004, %mul3A_822 : i32
        %add3A_1006 = arith.constant 1 : i32
        %add3A_1007 = arith.addi %add3A_1005, %add3A_1006 : i32
        %get3A_1008 = arith.constant 0 : i32
        %get3A_1009 = arith.constant 0 : i32
        %get3A_1010 = tpu.memref_slice %arg6[%scan3A_181, %get3A_1008, %get3A_1009] : memref<4x100x128xf32, #tpu.memory_space<vmem>> -> memref<1x100x128xf32, #tpu.memory_space<vmem>>
        %get3A_1011 = tpu.memref_squeeze %get3A_1010 : memref<1x100x128xf32, #tpu.memory_space<vmem>> -> memref<100x128xf32, #tpu.memory_space<vmem>>
        %get3A_1012 = arith.index_cast %add3A_1007 : i32 to index
        %get3A_1013 = arith.constant 96 : index
        %get3A_1014 = tpu.vector_load %get3A_1011[%get3A_1012, %get3A_1013] {strides = array<i32>} : memref<100x128xf32, #tpu.memory_space<vmem>>, vector<1x16xf32>,
        %get3A_1015 = vector.shape_cast %get3A_1014 : vector<1x16xf32> to vector<16xf32>
        %add3A_1016 = arith.addf %add3A_912, %get3A_1015 : vector<16xf32>
        %add3A_1017 = arith.constant 50 : i32
        %add3A_1018 = arith.addi %add3A_1017, %mul3A_822 : i32
        %add3A_1019 = arith.constant 1 : i32
        %add3A_1020 = arith.addi %add3A_1018, %add3A_1019 : i32
        %get3A_1021 = arith.constant 0 : i32
        %get3A_1022 = arith.constant 0 : i32
        %get3A_1023 = tpu.memref_slice %arg6[%scan3A_181, %get3A_1021, %get3A_1022] : memref<4x100x128xf32, #tpu.memory_space<vmem>> -> memref<1x100x128xf32, #tpu.memory_space<vmem>>
        %get3A_1024 = tpu.memref_squeeze %get3A_1023 : memref<1x100x128xf32, #tpu.memory_space<vmem>> -> memref<100x128xf32, #tpu.memory_space<vmem>>
        %get3A_1025 = arith.index_cast %add3A_1020 : i32 to index
        %get3A_1026 = arith.constant 112 : index
        %get3A_1027 = tpu.vector_load %get3A_1024[%get3A_1025, %get3A_1026] {strides = array<i32>} : memref<100x128xf32, #tpu.memory_space<vmem>>, vector<1x16xf32>,
        %get3A_1028 = vector.shape_cast %get3A_1027 : vector<1x16xf32> to vector<16xf32>
        %add3A_1029 = arith.addf %add3A_925, %get3A_1028 : vector<16xf32>
        scf.yield %add3A_938, %add3A_951, %add3A_964, %add3A_977, %add3A_990, %add3A_1003, %add3A_1016, %add3A_1029 : vector<16xf32>, vector<16xf32>, vector<16xf32>, vector<16xf32>, vector<16xf32>, vector<16xf32>, vector<16xf32>, vector<16xf32>
      }
      %scan3A_187 = arith.constant 25 : i32
      %add3A_188 = arith.constant 1 : i32
      %add3A_189 = arith.addi %mul3A_87, %add3A_188 : i32
      %swap3A_190 = arith.index_cast %add3A_189 : i32 to index
      %swap3A_191 = arith.constant 0 : index
      %swap3A_192 = tpu.vector_load %arg7[%swap3A_190, %swap3A_191] {strides = array<i32>} : memref<256x128xf32, #tpu.memory_space<vmem>>, vector<1x16xf32>,
      %swap3A_193 = vector.shape_cast %swap3A_192 : vector<1x16xf32> to vector<16xf32>
      %swap3A_194 = vector.shape_cast %scan3A_186#0 : vector<16xf32> to vector<1x16xf32>
      tpu.vector_store %arg7[%swap3A_190, %swap3A_191], %swap3A_194 {strides = array<i32>} : memref<256x128xf32, #tpu.memory_space<vmem>>, vector<1x16xf32>,
      %add3A_195 = arith.constant 1 : i32
      %add3A_196 = arith.addi %mul3A_87, %add3A_195 : i32
      %swap3A_197 = arith.index_cast %add3A_196 : i32 to index
      %swap3A_198 = arith.constant 16 : index
      %swap3A_199 = tpu.vector_load %arg7[%swap3A_197, %swap3A_198] {strides = array<i32>} : memref<256x128xf32, #tpu.memory_space<vmem>>, vector<1x16xf32>,
      %swap3A_200 = vector.shape_cast %swap3A_199 : vector<1x16xf32> to vector<16xf32>
      %swap3A_201 = vector.shape_cast %scan3A_186#1 : vector<16xf32> to vector<1x16xf32>
      tpu.vector_store %arg7[%swap3A_197, %swap3A_198], %swap3A_201 {strides = array<i32>} : memref<256x128xf32, #tpu.memory_space<vmem>>, vector<1x16xf32>,
      %add3A_202 = arith.constant 1 : i32
      %add3A_203 = arith.addi %mul3A_87, %add3A_202 : i32
      %swap3A_204 = arith.index_cast %add3A_203 : i32 to index
      %swap3A_205 = arith.constant 32 : index
      %swap3A_206 = tpu.vector_load %arg7[%swap3A_204, %swap3A_205] {strides = array<i32>} : memref<256x128xf32, #tpu.memory_space<vmem>>, vector<1x16xf32>,
      %swap3A_207 = vector.shape_cast %swap3A_206 : vector<1x16xf32> to vector<16xf32>
      %swap3A_208 = vector.shape_cast %scan3A_186#2 : vector<16xf32> to vector<1x16xf32>
      tpu.vector_store %arg7[%swap3A_204, %swap3A_205], %swap3A_208 {strides = array<i32>} : memref<256x128xf32, #tpu.memory_space<vmem>>, vector<1x16xf32>,
      %add3A_209 = arith.constant 1 : i32
      %add3A_210 = arith.addi %mul3A_87, %add3A_209 : i32
      %swap3A_211 = arith.index_cast %add3A_210 : i32 to index
      %swap3A_212 = arith.constant 48 : index
      %swap3A_213 = tpu.vector_load %arg7[%swap3A_211, %swap3A_212] {strides = array<i32>} : memref<256x128xf32, #tpu.memory_space<vmem>>, vector<1x16xf32>,
      %swap3A_214 = vector.shape_cast %swap3A_213 : vector<1x16xf32> to vector<16xf32>
      %swap3A_215 = vector.shape_cast %scan3A_186#3 : vector<16xf32> to vector<1x16xf32>
      tpu.vector_store %arg7[%swap3A_211, %swap3A_212], %swap3A_215 {strides = array<i32>} : memref<256x128xf32, #tpu.memory_space<vmem>>, vector<1x16xf32>,
      %add3A_216 = arith.constant 1 : i32
      %add3A_217 = arith.addi %mul3A_87, %add3A_216 : i32
      %swap3A_218 = arith.index_cast %add3A_217 : i32 to index
      %swap3A_219 = arith.constant 64 : index
      %swap3A_220 = tpu.vector_load %arg7[%swap3A_218, %swap3A_219] {strides = array<i32>} : memref<256x128xf32, #tpu.memory_space<vmem>>, vector<1x16xf32>,
      %swap3A_221 = vector.shape_cast %swap3A_220 : vector<1x16xf32> to vector<16xf32>
      %swap3A_222 = vector.shape_cast %scan3A_186#4 : vector<16xf32> to vector<1x16xf32>
      tpu.vector_store %arg7[%swap3A_218, %swap3A_219], %swap3A_222 {strides = array<i32>} : memref<256x128xf32, #tpu.memory_space<vmem>>, vector<1x16xf32>,
      %add3A_223 = arith.constant 1 : i32
      %add3A_224 = arith.addi %mul3A_87, %add3A_223 : i32
      %swap3A_225 = arith.index_cast %add3A_224 : i32 to index
      %swap3A_226 = arith.constant 80 : index
      %swap3A_227 = tpu.vector_load %arg7[%swap3A_225, %swap3A_226] {strides = array<i32>} : memref<256x128xf32, #tpu.memory_space<vmem>>, vector<1x16xf32>,
      %swap3A_228 = vector.shape_cast %swap3A_227 : vector<1x16xf32> to vector<16xf32>
      %swap3A_229 = vector.shape_cast %scan3A_186#5 : vector<16xf32> to vector<1x16xf32>
      tpu.vector_store %arg7[%swap3A_225, %swap3A_226], %swap3A_229 {strides = array<i32>} : memref<256x128xf32, #tpu.memory_space<vmem>>, vector<1x16xf32>,
      %add3A_230 = arith.constant 1 : i32
      %add3A_231 = arith.addi %mul3A_87, %add3A_230 : i32
      %swap3A_232 = arith.index_cast %add3A_231 : i32 to index
      %swap3A_233 = arith.constant 96 : index
      %swap3A_234 = tpu.vector_load %arg7[%swap3A_232, %swap3A_233] {strides = array<i32>} : memref<256x128xf32, #tpu.memory_space<vmem>>, vector<1x16xf32>,
      %swap3A_235 = vector.shape_cast %swap3A_234 : vector<1x16xf32> to vector<16xf32>
      %swap3A_236 = vector.shape_cast %scan3A_186#6 : vector<16xf32> to vector<1x16xf32>
      tpu.vector_store %arg7[%swap3A_232, %swap3A_233], %swap3A_236 {strides = array<i32>} : memref<256x128xf32, #tpu.memory_space<vmem>>, vector<1x16xf32>,
      %add3A_237 = arith.constant 1 : i32
      %add3A_238 = arith.addi %mul3A_87, %add3A_237 : i32
      %swap3A_239 = arith.index_cast %add3A_238 : i32 to index
      %swap3A_240 = arith.constant 112 : index
      %swap3A_241 = tpu.vector_load %arg7[%swap3A_239, %swap3A_240] {strides = array<i32>} : memref<256x128xf32, #tpu.memory_space<vmem>>, vector<1x16xf32>,
      %swap3A_242 = vector.shape_cast %swap3A_241 : vector<1x16xf32> to vector<16xf32>
      %swap3A_243 = vector.shape_cast %scan3A_186#7 : vector<16xf32> to vector<1x16xf32>
      tpu.vector_store %arg7[%swap3A_239, %swap3A_240], %swap3A_243 {strides = array<i32>} : memref<256x128xf32, #tpu.memory_space<vmem>>, vector<1x16xf32>,
      %add3A_244 = arith.constant 4 : i32
      %add3A_245 = arith.addi %add3A_71, %add3A_244 : i32
      %lt3A = arith.constant 256 : i32
      %lt3A_246 = arith.cmpi slt, %add3A_245, %lt3A : i32
      %convert_element_type3A = arith.extui %lt3A_246 : i1 to i32
      %cond3A = arith.constant 0 : i32
      %cond3A_247 = arith.cmpi ne, %convert_element_type3A, %cond3A : i32
      scf.if %cond3A_247 {
        %add3A_812 = arith.constant 4 : i32
        %add3A_813 = arith.addi %add3A_71, %add3A_812 : i32
        %dma_start3A_814 = arith.constant 0 : i32
        %dma_start3A_815 = arith.constant 0 : i32
        %dma_start3A_816 = arith.constant 0 : i32
        %dma_start3A_817 = tpu.memref_slice %arg6[%dma_start3A_814, %dma_start3A_815, %dma_start3A_816] : memref<4x100x128xf32, #tpu.memory_space<vmem>> -> memref<1x100x128xf32, #tpu.memory_space<vmem>>
        %dma_start3A_818 = tpu.memref_squeeze %dma_start3A_817 : memref<1x100x128xf32, #tpu.memory_space<vmem>> -> memref<100x128xf32, #tpu.memory_space<vmem>>
        %dma_start3A_819 = arith.constant 0 : i32
        %dma_start3A_820 = tpu.memref_slice %arg5[%add3A_813, %dma_start3A_819] : memref<256x100xi32, #tpu.memory_space<vmem>> -> memref<1x100xi32, #tpu.memory_space<vmem>>
        %dma_start3A_821 = tpu.memref_squeeze %dma_start3A_820 : memref<1x100xi32, #tpu.memory_space<vmem>> -> memref<100xi32, #tpu.memory_space<vmem>>
        %dma_start3A_822 = arith.constant 0 : i32
        %dma_start3A_823 = arith.constant 0 : i32
        %dma_start3A_824 = tpu.memref_slice %arg3[%dma_start3A_822, %dma_start3A_823] : memref<1000000x128xf32, #tpu.memory_space<hbm>> -> memref<1000000x128xf32, #tpu.memory_space<hbm>>
        tpu.enqueue_indirect_dma source(%dma_start3A_824 : memref<1000000x128xf32, #tpu.memory_space<hbm>>) target(%dma_start3A_818 : memref<100x128xf32, #tpu.memory_space<vmem>>) offsets(%dma_start3A_821 : memref<100xi32, #tpu.memory_space<vmem>>) semaphore(%arg8 : memref<!tpu.dma_semaphore, #tpu.memory_space<semaphore_mem>>)
      } else {
      }
      %mul3A_248 = arith.constant 4 : i32
      %mul3A_249 = arith.muli %scan3A_65, %mul3A_248 : i32
      %add3A_250 = arith.constant 0 : i32
      %add3A_251 = arith.addi %add3A_250, %mul3A_249 : i32
      %add3A_252 = arith.constant 1 : i32
      %add3A_253 = arith.addi %add3A_251, %add3A_252 : i32
      %dma_wait3A_254 = arith.constant 1 : i32
      %dma_wait3A_255 = arith.constant 0 : i32
      %dma_wait3A_256 = arith.constant 0 : i32
      %dma_wait3A_257 = tpu.memref_slice %arg6[%dma_wait3A_254, %dma_wait3A_255, %dma_wait3A_256] : memref<4x100x128xf32, #tpu.memory_space<vmem>> -> memref<1x100x128xf32, #tpu.memory_space<vmem>>
      %dma_wait3A_258 = tpu.memref_squeeze %dma_wait3A_257 : memref<1x100x128xf32, #tpu.memory_space<vmem>> -> memref<100x128xf32, #tpu.memory_space<vmem>>
      %dma_wait3A_259 = arith.constant 0 : i32
      %dma_wait3A_260 = tpu.memref_slice %arg5[%add3A_253, %dma_wait3A_259] : memref<256x100xi32, #tpu.memory_space<vmem>> -> memref<1x100xi32, #tpu.memory_space<vmem>>
      %dma_wait3A_261 = tpu.memref_squeeze %dma_wait3A_260 : memref<1x100xi32, #tpu.memory_space<vmem>> -> memref<100xi32, #tpu.memory_space<vmem>>
      %dma_wait3A_262 = arith.constant 0 : i32
      %dma_wait3A_263 = arith.constant 0 : i32
      %dma_wait3A_264 = tpu.memref_slice %arg3[%dma_wait3A_262, %dma_wait3A_263] : memref<1000000x128xf32, #tpu.memory_space<hbm>> -> memref<1000000x128xf32, #tpu.memory_space<hbm>>
      tpu.wait_indirect_dma semaphore(%arg9 : memref<!tpu.dma_semaphore, #tpu.memory_space<semaphore_mem>>) src(%dma_wait3A_264 : memref<1000000x128xf32, #tpu.memory_space<hbm>>) dst(%dma_wait3A_258 : memref<100x128xf32, #tpu.memory_space<vmem>>)
      %mul3A_265 = arith.constant 4 : i32
      %mul3A_266 = arith.muli %scan3A_65, %mul3A_265 : i32
      %add3A_267 = arith.constant 1 : i32
      %add3A_268 = arith.addi %mul3A_266, %add3A_267 : i32
      %mul3A_269 = arith.constant 2 : i32
      %mul3A_270 = arith.muli %add3A_268, %mul3A_269 : i32
      %broadcast_in_dim3A_271 = arith.constant 0.000000e+00 : f32
      %broadcast_in_dim3A_272 = vector.broadcast %broadcast_in_dim3A_271 : f32 to vector<16xf32>
      %broadcast_in_dim3A_273 = arith.constant 0.000000e+00 : f32
      %broadcast_in_dim3A_274 = vector.broadcast %broadcast_in_dim3A_273 : f32 to vector<16xf32>
      %broadcast_in_dim3A_275 = arith.constant 0.000000e+00 : f32
      %broadcast_in_dim3A_276 = vector.broadcast %broadcast_in_dim3A_275 : f32 to vector<16xf32>
      %broadcast_in_dim3A_277 = arith.constant 0.000000e+00 : f32
      %broadcast_in_dim3A_278 = vector.broadcast %broadcast_in_dim3A_277 : f32 to vector<16xf32>
      %broadcast_in_dim3A_279 = arith.constant 0.000000e+00 : f32
      %broadcast_in_dim3A_280 = vector.broadcast %broadcast_in_dim3A_279 : f32 to vector<16xf32>
      %broadcast_in_dim3A_281 = arith.constant 0.000000e+00 : f32
      %broadcast_in_dim3A_282 = vector.broadcast %broadcast_in_dim3A_281 : f32 to vector<16xf32>
      %broadcast_in_dim3A_283 = arith.constant 0.000000e+00 : f32
      %broadcast_in_dim3A_284 = vector.broadcast %broadcast_in_dim3A_283 : f32 to vector<16xf32>
      %broadcast_in_dim3A_285 = arith.constant 0.000000e+00 : f32
      %broadcast_in_dim3A_286 = vector.broadcast %broadcast_in_dim3A_285 : f32 to vector<16xf32>
      %scan3A_287 = arith.constant 1 : i32
      %scan3A_288 = arith.constant 0 : i32
      %scan3A_289 = arith.constant 25 : i32
      %scan3A_290 = arith.addi %scan3A_288, %scan3A_289 : i32
      %scan3A_291 = arith.constant 1 : i32
      %scan3A_292:8 = scf.for %scan3A_812 = %scan3A_288 to %scan3A_290 step %scan3A_291 iter_args(%scan3A_813 = %broadcast_in_dim3A_272, %scan3A_814 = %broadcast_in_dim3A_274, %scan3A_815 = %broadcast_in_dim3A_276, %scan3A_816 = %broadcast_in_dim3A_278, %scan3A_817 = %broadcast_in_dim3A_280, %scan3A_818 = %broadcast_in_dim3A_282, %scan3A_819 = %broadcast_in_dim3A_284, %scan3A_820 = %broadcast_in_dim3A_286) -> (vector<16xf32>, vector<16xf32>, vector<16xf32>, vector<16xf32>, vector<16xf32>, vector<16xf32>, vector<16xf32>, vector<16xf32>)  : i32 {
        %mul3A_821 = arith.constant 2 : i32
        %mul3A_822 = arith.muli %scan3A_812, %mul3A_821 : i32
        %add3A_823 = arith.constant 0 : i32
        %add3A_824 = arith.addi %add3A_823, %mul3A_822 : i32
        %add3A_825 = arith.constant 0 : i32
        %add3A_826 = arith.addi %add3A_824, %add3A_825 : i32
        %get3A = arith.constant 0 : i32
        %get3A_827 = arith.constant 0 : i32
        %get3A_828 = tpu.memref_slice %arg6[%scan3A_287, %get3A, %get3A_827] : memref<4x100x128xf32, #tpu.memory_space<vmem>> -> memref<1x100x128xf32, #tpu.memory_space<vmem>>
        %get3A_829 = tpu.memref_squeeze %get3A_828 : memref<1x100x128xf32, #tpu.memory_space<vmem>> -> memref<100x128xf32, #tpu.memory_space<vmem>>
        %get3A_830 = arith.index_cast %add3A_826 : i32 to index
        %get3A_831 = arith.constant 0 : index
        %get3A_832 = tpu.vector_load %get3A_829[%get3A_830, %get3A_831] {strides = array<i32>} : memref<100x128xf32, #tpu.memory_space<vmem>>, vector<1x16xf32>,
        %get3A_833 = vector.shape_cast %get3A_832 : vector<1x16xf32> to vector<16xf32>
        %add3A_834 = arith.addf %scan3A_813, %get3A_833 : vector<16xf32>
        %add3A_835 = arith.constant 0 : i32
        %add3A_836 = arith.addi %add3A_835, %mul3A_822 : i32
        %add3A_837 = arith.constant 0 : i32
        %add3A_838 = arith.addi %add3A_836, %add3A_837 : i32
        %get3A_839 = arith.constant 0 : i32
        %get3A_840 = arith.constant 0 : i32
        %get3A_841 = tpu.memref_slice %arg6[%scan3A_287, %get3A_839, %get3A_840] : memref<4x100x128xf32, #tpu.memory_space<vmem>> -> memref<1x100x128xf32, #tpu.memory_space<vmem>>
        %get3A_842 = tpu.memref_squeeze %get3A_841 : memref<1x100x128xf32, #tpu.memory_space<vmem>> -> memref<100x128xf32, #tpu.memory_space<vmem>>
        %get3A_843 = arith.index_cast %add3A_838 : i32 to index
        %get3A_844 = arith.constant 16 : index
        %get3A_845 = tpu.vector_load %get3A_842[%get3A_843, %get3A_844] {strides = array<i32>} : memref<100x128xf32, #tpu.memory_space<vmem>>, vector<1x16xf32>,
        %get3A_846 = vector.shape_cast %get3A_845 : vector<1x16xf32> to vector<16xf32>
        %add3A_847 = arith.addf %scan3A_814, %get3A_846 : vector<16xf32>
        %add3A_848 = arith.constant 0 : i32
        %add3A_849 = arith.addi %add3A_848, %mul3A_822 : i32
        %add3A_850 = arith.constant 0 : i32
        %add3A_851 = arith.addi %add3A_849, %add3A_850 : i32
        %get3A_852 = arith.constant 0 : i32
        %get3A_853 = arith.constant 0 : i32
        %get3A_854 = tpu.memref_slice %arg6[%scan3A_287, %get3A_852, %get3A_853] : memref<4x100x128xf32, #tpu.memory_space<vmem>> -> memref<1x100x128xf32, #tpu.memory_space<vmem>>
        %get3A_855 = tpu.memref_squeeze %get3A_854 : memref<1x100x128xf32, #tpu.memory_space<vmem>> -> memref<100x128xf32, #tpu.memory_space<vmem>>
        %get3A_856 = arith.index_cast %add3A_851 : i32 to index
        %get3A_857 = arith.constant 32 : index
        %get3A_858 = tpu.vector_load %get3A_855[%get3A_856, %get3A_857] {strides = array<i32>} : memref<100x128xf32, #tpu.memory_space<vmem>>, vector<1x16xf32>,
        %get3A_859 = vector.shape_cast %get3A_858 : vector<1x16xf32> to vector<16xf32>
        %add3A_860 = arith.addf %scan3A_815, %get3A_859 : vector<16xf32>
        %add3A_861 = arith.constant 0 : i32
        %add3A_862 = arith.addi %add3A_861, %mul3A_822 : i32
        %add3A_863 = arith.constant 0 : i32
        %add3A_864 = arith.addi %add3A_862, %add3A_863 : i32
        %get3A_865 = arith.constant 0 : i32
        %get3A_866 = arith.constant 0 : i32
        %get3A_867 = tpu.memref_slice %arg6[%scan3A_287, %get3A_865, %get3A_866] : memref<4x100x128xf32, #tpu.memory_space<vmem>> -> memref<1x100x128xf32, #tpu.memory_space<vmem>>
        %get3A_868 = tpu.memref_squeeze %get3A_867 : memref<1x100x128xf32, #tpu.memory_space<vmem>> -> memref<100x128xf32, #tpu.memory_space<vmem>>
        %get3A_869 = arith.index_cast %add3A_864 : i32 to index
        %get3A_870 = arith.constant 48 : index
        %get3A_871 = tpu.vector_load %get3A_868[%get3A_869, %get3A_870] {strides = array<i32>} : memref<100x128xf32, #tpu.memory_space<vmem>>, vector<1x16xf32>,
        %get3A_872 = vector.shape_cast %get3A_871 : vector<1x16xf32> to vector<16xf32>
        %add3A_873 = arith.addf %scan3A_816, %get3A_872 : vector<16xf32>
        %add3A_874 = arith.constant 0 : i32
        %add3A_875 = arith.addi %add3A_874, %mul3A_822 : i32
        %add3A_876 = arith.constant 0 : i32
        %add3A_877 = arith.addi %add3A_875, %add3A_876 : i32
        %get3A_878 = arith.constant 0 : i32
        %get3A_879 = arith.constant 0 : i32
        %get3A_880 = tpu.memref_slice %arg6[%scan3A_287, %get3A_878, %get3A_879] : memref<4x100x128xf32, #tpu.memory_space<vmem>> -> memref<1x100x128xf32, #tpu.memory_space<vmem>>
        %get3A_881 = tpu.memref_squeeze %get3A_880 : memref<1x100x128xf32, #tpu.memory_space<vmem>> -> memref<100x128xf32, #tpu.memory_space<vmem>>
        %get3A_882 = arith.index_cast %add3A_877 : i32 to index
        %get3A_883 = arith.constant 64 : index
        %get3A_884 = tpu.vector_load %get3A_881[%get3A_882, %get3A_883] {strides = array<i32>} : memref<100x128xf32, #tpu.memory_space<vmem>>, vector<1x16xf32>,
        %get3A_885 = vector.shape_cast %get3A_884 : vector<1x16xf32> to vector<16xf32>
        %add3A_886 = arith.addf %scan3A_817, %get3A_885 : vector<16xf32>
        %add3A_887 = arith.constant 0 : i32
        %add3A_888 = arith.addi %add3A_887, %mul3A_822 : i32
        %add3A_889 = arith.constant 0 : i32
        %add3A_890 = arith.addi %add3A_888, %add3A_889 : i32
        %get3A_891 = arith.constant 0 : i32
        %get3A_892 = arith.constant 0 : i32
        %get3A_893 = tpu.memref_slice %arg6[%scan3A_287, %get3A_891, %get3A_892] : memref<4x100x128xf32, #tpu.memory_space<vmem>> -> memref<1x100x128xf32, #tpu.memory_space<vmem>>
        %get3A_894 = tpu.memref_squeeze %get3A_893 : memref<1x100x128xf32, #tpu.memory_space<vmem>> -> memref<100x128xf32, #tpu.memory_space<vmem>>
        %get3A_895 = arith.index_cast %add3A_890 : i32 to index
        %get3A_896 = arith.constant 80 : index
        %get3A_897 = tpu.vector_load %get3A_894[%get3A_895, %get3A_896] {strides = array<i32>} : memref<100x128xf32, #tpu.memory_space<vmem>>, vector<1x16xf32>,
        %get3A_898 = vector.shape_cast %get3A_897 : vector<1x16xf32> to vector<16xf32>
        %add3A_899 = arith.addf %scan3A_818, %get3A_898 : vector<16xf32>
        %add3A_900 = arith.constant 0 : i32
        %add3A_901 = arith.addi %add3A_900, %mul3A_822 : i32
        %add3A_902 = arith.constant 0 : i32
        %add3A_903 = arith.addi %add3A_901, %add3A_902 : i32
        %get3A_904 = arith.constant 0 : i32
        %get3A_905 = arith.constant 0 : i32
        %get3A_906 = tpu.memref_slice %arg6[%scan3A_287, %get3A_904, %get3A_905] : memref<4x100x128xf32, #tpu.memory_space<vmem>> -> memref<1x100x128xf32, #tpu.memory_space<vmem>>
        %get3A_907 = tpu.memref_squeeze %get3A_906 : memref<1x100x128xf32, #tpu.memory_space<vmem>> -> memref<100x128xf32, #tpu.memory_space<vmem>>
        %get3A_908 = arith.index_cast %add3A_903 : i32 to index
        %get3A_909 = arith.constant 96 : index
        %get3A_910 = tpu.vector_load %get3A_907[%get3A_908, %get3A_909] {strides = array<i32>} : memref<100x128xf32, #tpu.memory_space<vmem>>, vector<1x16xf32>,
        %get3A_911 = vector.shape_cast %get3A_910 : vector<1x16xf32> to vector<16xf32>
        %add3A_912 = arith.addf %scan3A_819, %get3A_911 : vector<16xf32>
        %add3A_913 = arith.constant 0 : i32
        %add3A_914 = arith.addi %add3A_913, %mul3A_822 : i32
        %add3A_915 = arith.constant 0 : i32
        %add3A_916 = arith.addi %add3A_914, %add3A_915 : i32
        %get3A_917 = arith.constant 0 : i32
        %get3A_918 = arith.constant 0 : i32
        %get3A_919 = tpu.memref_slice %arg6[%scan3A_287, %get3A_917, %get3A_918] : memref<4x100x128xf32, #tpu.memory_space<vmem>> -> memref<1x100x128xf32, #tpu.memory_space<vmem>>
        %get3A_920 = tpu.memref_squeeze %get3A_919 : memref<1x100x128xf32, #tpu.memory_space<vmem>> -> memref<100x128xf32, #tpu.memory_space<vmem>>
        %get3A_921 = arith.index_cast %add3A_916 : i32 to index
        %get3A_922 = arith.constant 112 : index
        %get3A_923 = tpu.vector_load %get3A_920[%get3A_921, %get3A_922] {strides = array<i32>} : memref<100x128xf32, #tpu.memory_space<vmem>>, vector<1x16xf32>,
        %get3A_924 = vector.shape_cast %get3A_923 : vector<1x16xf32> to vector<16xf32>
        %add3A_925 = arith.addf %scan3A_820, %get3A_924 : vector<16xf32>
        %add3A_926 = arith.constant 0 : i32
        %add3A_927 = arith.addi %add3A_926, %mul3A_822 : i32
        %add3A_928 = arith.constant 1 : i32
        %add3A_929 = arith.addi %add3A_927, %add3A_928 : i32
        %get3A_930 = arith.constant 0 : i32
        %get3A_931 = arith.constant 0 : i32
        %get3A_932 = tpu.memref_slice %arg6[%scan3A_287, %get3A_930, %get3A_931] : memref<4x100x128xf32, #tpu.memory_space<vmem>> -> memref<1x100x128xf32, #tpu.memory_space<vmem>>
        %get3A_933 = tpu.memref_squeeze %get3A_932 : memref<1x100x128xf32, #tpu.memory_space<vmem>> -> memref<100x128xf32, #tpu.memory_space<vmem>>
        %get3A_934 = arith.index_cast %add3A_929 : i32 to index
        %get3A_935 = arith.constant 0 : index
        %get3A_936 = tpu.vector_load %get3A_933[%get3A_934, %get3A_935] {strides = array<i32>} : memref<100x128xf32, #tpu.memory_space<vmem>>, vector<1x16xf32>,
        %get3A_937 = vector.shape_cast %get3A_936 : vector<1x16xf32> to vector<16xf32>
        %add3A_938 = arith.addf %add3A_834, %get3A_937 : vector<16xf32>
        %add3A_939 = arith.constant 0 : i32
        %add3A_940 = arith.addi %add3A_939, %mul3A_822 : i32
        %add3A_941 = arith.constant 1 : i32
        %add3A_942 = arith.addi %add3A_940, %add3A_941 : i32
        %get3A_943 = arith.constant 0 : i32
        %get3A_944 = arith.constant 0 : i32
        %get3A_945 = tpu.memref_slice %arg6[%scan3A_287, %get3A_943, %get3A_944] : memref<4x100x128xf32, #tpu.memory_space<vmem>> -> memref<1x100x128xf32, #tpu.memory_space<vmem>>
        %get3A_946 = tpu.memref_squeeze %get3A_945 : memref<1x100x128xf32, #tpu.memory_space<vmem>> -> memref<100x128xf32, #tpu.memory_space<vmem>>
        %get3A_947 = arith.index_cast %add3A_942 : i32 to index
        %get3A_948 = arith.constant 16 : index
        %get3A_949 = tpu.vector_load %get3A_946[%get3A_947, %get3A_948] {strides = array<i32>} : memref<100x128xf32, #tpu.memory_space<vmem>>, vector<1x16xf32>,
        %get3A_950 = vector.shape_cast %get3A_949 : vector<1x16xf32> to vector<16xf32>
        %add3A_951 = arith.addf %add3A_847, %get3A_950 : vector<16xf32>
        %add3A_952 = arith.constant 0 : i32
        %add3A_953 = arith.addi %add3A_952, %mul3A_822 : i32
        %add3A_954 = arith.constant 1 : i32
        %add3A_955 = arith.addi %add3A_953, %add3A_954 : i32
        %get3A_956 = arith.constant 0 : i32
        %get3A_957 = arith.constant 0 : i32
        %get3A_958 = tpu.memref_slice %arg6[%scan3A_287, %get3A_956, %get3A_957] : memref<4x100x128xf32, #tpu.memory_space<vmem>> -> memref<1x100x128xf32, #tpu.memory_space<vmem>>
        %get3A_959 = tpu.memref_squeeze %get3A_958 : memref<1x100x128xf32, #tpu.memory_space<vmem>> -> memref<100x128xf32, #tpu.memory_space<vmem>>
        %get3A_960 = arith.index_cast %add3A_955 : i32 to index
        %get3A_961 = arith.constant 32 : index
        %get3A_962 = tpu.vector_load %get3A_959[%get3A_960, %get3A_961] {strides = array<i32>} : memref<100x128xf32, #tpu.memory_space<vmem>>, vector<1x16xf32>,
        %get3A_963 = vector.shape_cast %get3A_962 : vector<1x16xf32> to vector<16xf32>
        %add3A_964 = arith.addf %add3A_860, %get3A_963 : vector<16xf32>
        %add3A_965 = arith.constant 0 : i32
        %add3A_966 = arith.addi %add3A_965, %mul3A_822 : i32
        %add3A_967 = arith.constant 1 : i32
        %add3A_968 = arith.addi %add3A_966, %add3A_967 : i32
        %get3A_969 = arith.constant 0 : i32
        %get3A_970 = arith.constant 0 : i32
        %get3A_971 = tpu.memref_slice %arg6[%scan3A_287, %get3A_969, %get3A_970] : memref<4x100x128xf32, #tpu.memory_space<vmem>> -> memref<1x100x128xf32, #tpu.memory_space<vmem>>
        %get3A_972 = tpu.memref_squeeze %get3A_971 : memref<1x100x128xf32, #tpu.memory_space<vmem>> -> memref<100x128xf32, #tpu.memory_space<vmem>>
        %get3A_973 = arith.index_cast %add3A_968 : i32 to index
        %get3A_974 = arith.constant 48 : index
        %get3A_975 = tpu.vector_load %get3A_972[%get3A_973, %get3A_974] {strides = array<i32>} : memref<100x128xf32, #tpu.memory_space<vmem>>, vector<1x16xf32>,
        %get3A_976 = vector.shape_cast %get3A_975 : vector<1x16xf32> to vector<16xf32>
        %add3A_977 = arith.addf %add3A_873, %get3A_976 : vector<16xf32>
        %add3A_978 = arith.constant 0 : i32
        %add3A_979 = arith.addi %add3A_978, %mul3A_822 : i32
        %add3A_980 = arith.constant 1 : i32
        %add3A_981 = arith.addi %add3A_979, %add3A_980 : i32
        %get3A_982 = arith.constant 0 : i32
        %get3A_983 = arith.constant 0 : i32
        %get3A_984 = tpu.memref_slice %arg6[%scan3A_287, %get3A_982, %get3A_983] : memref<4x100x128xf32, #tpu.memory_space<vmem>> -> memref<1x100x128xf32, #tpu.memory_space<vmem>>
        %get3A_985 = tpu.memref_squeeze %get3A_984 : memref<1x100x128xf32, #tpu.memory_space<vmem>> -> memref<100x128xf32, #tpu.memory_space<vmem>>
        %get3A_986 = arith.index_cast %add3A_981 : i32 to index
        %get3A_987 = arith.constant 64 : index
        %get3A_988 = tpu.vector_load %get3A_985[%get3A_986, %get3A_987] {strides = array<i32>} : memref<100x128xf32, #tpu.memory_space<vmem>>, vector<1x16xf32>,
        %get3A_989 = vector.shape_cast %get3A_988 : vector<1x16xf32> to vector<16xf32>
        %add3A_990 = arith.addf %add3A_886, %get3A_989 : vector<16xf32>
        %add3A_991 = arith.constant 0 : i32
        %add3A_992 = arith.addi %add3A_991, %mul3A_822 : i32
        %add3A_993 = arith.constant 1 : i32
        %add3A_994 = arith.addi %add3A_992, %add3A_993 : i32
        %get3A_995 = arith.constant 0 : i32
        %get3A_996 = arith.constant 0 : i32
        %get3A_997 = tpu.memref_slice %arg6[%scan3A_287, %get3A_995, %get3A_996] : memref<4x100x128xf32, #tpu.memory_space<vmem>> -> memref<1x100x128xf32, #tpu.memory_space<vmem>>
        %get3A_998 = tpu.memref_squeeze %get3A_997 : memref<1x100x128xf32, #tpu.memory_space<vmem>> -> memref<100x128xf32, #tpu.memory_space<vmem>>
        %get3A_999 = arith.index_cast %add3A_994 : i32 to index
        %get3A_1000 = arith.constant 80 : index
        %get3A_1001 = tpu.vector_load %get3A_998[%get3A_999, %get3A_1000] {strides = array<i32>} : memref<100x128xf32, #tpu.memory_space<vmem>>, vector<1x16xf32>,
        %get3A_1002 = vector.shape_cast %get3A_1001 : vector<1x16xf32> to vector<16xf32>
        %add3A_1003 = arith.addf %add3A_899, %get3A_1002 : vector<16xf32>
        %add3A_1004 = arith.constant 0 : i32
        %add3A_1005 = arith.addi %add3A_1004, %mul3A_822 : i32
        %add3A_1006 = arith.constant 1 : i32
        %add3A_1007 = arith.addi %add3A_1005, %add3A_1006 : i32
        %get3A_1008 = arith.constant 0 : i32
        %get3A_1009 = arith.constant 0 : i32
        %get3A_1010 = tpu.memref_slice %arg6[%scan3A_287, %get3A_1008, %get3A_1009] : memref<4x100x128xf32, #tpu.memory_space<vmem>> -> memref<1x100x128xf32, #tpu.memory_space<vmem>>
        %get3A_1011 = tpu.memref_squeeze %get3A_1010 : memref<1x100x128xf32, #tpu.memory_space<vmem>> -> memref<100x128xf32, #tpu.memory_space<vmem>>
        %get3A_1012 = arith.index_cast %add3A_1007 : i32 to index
        %get3A_1013 = arith.constant 96 : index
        %get3A_1014 = tpu.vector_load %get3A_1011[%get3A_1012, %get3A_1013] {strides = array<i32>} : memref<100x128xf32, #tpu.memory_space<vmem>>, vector<1x16xf32>,
        %get3A_1015 = vector.shape_cast %get3A_1014 : vector<1x16xf32> to vector<16xf32>
        %add3A_1016 = arith.addf %add3A_912, %get3A_1015 : vector<16xf32>
        %add3A_1017 = arith.constant 0 : i32
        %add3A_1018 = arith.addi %add3A_1017, %mul3A_822 : i32
        %add3A_1019 = arith.constant 1 : i32
        %add3A_1020 = arith.addi %add3A_1018, %add3A_1019 : i32
        %get3A_1021 = arith.constant 0 : i32
        %get3A_1022 = arith.constant 0 : i32
        %get3A_1023 = tpu.memref_slice %arg6[%scan3A_287, %get3A_1021, %get3A_1022] : memref<4x100x128xf32, #tpu.memory_space<vmem>> -> memref<1x100x128xf32, #tpu.memory_space<vmem>>
        %get3A_1024 = tpu.memref_squeeze %get3A_1023 : memref<1x100x128xf32, #tpu.memory_space<vmem>> -> memref<100x128xf32, #tpu.memory_space<vmem>>
        %get3A_1025 = arith.index_cast %add3A_1020 : i32 to index
        %get3A_1026 = arith.constant 112 : index
        %get3A_1027 = tpu.vector_load %get3A_1024[%get3A_1025, %get3A_1026] {strides = array<i32>} : memref<100x128xf32, #tpu.memory_space<vmem>>, vector<1x16xf32>,
        %get3A_1028 = vector.shape_cast %get3A_1027 : vector<1x16xf32> to vector<16xf32>
        %add3A_1029 = arith.addf %add3A_925, %get3A_1028 : vector<16xf32>
        scf.yield %add3A_938, %add3A_951, %add3A_964, %add3A_977, %add3A_990, %add3A_1003, %add3A_1016, %add3A_1029 : vector<16xf32>, vector<16xf32>, vector<16xf32>, vector<16xf32>, vector<16xf32>, vector<16xf32>, vector<16xf32>, vector<16xf32>
      }
      %scan3A_293 = arith.constant 25 : i32
      %add3A_294 = arith.constant 0 : i32
      %add3A_295 = arith.addi %mul3A_270, %add3A_294 : i32
      %swap3A_296 = arith.index_cast %add3A_295 : i32 to index
      %swap3A_297 = arith.constant 0 : index
      %swap3A_298 = tpu.vector_load %arg7[%swap3A_296, %swap3A_297] {strides = array<i32>} : memref<256x128xf32, #tpu.memory_space<vmem>>, vector<1x16xf32>,
      %swap3A_299 = vector.shape_cast %swap3A_298 : vector<1x16xf32> to vector<16xf32>
      %swap3A_300 = vector.shape_cast %scan3A_292#0 : vector<16xf32> to vector<1x16xf32>
      tpu.vector_store %arg7[%swap3A_296, %swap3A_297], %swap3A_300 {strides = array<i32>} : memref<256x128xf32, #tpu.memory_space<vmem>>, vector<1x16xf32>,
      %add3A_301 = arith.constant 0 : i32
      %add3A_302 = arith.addi %mul3A_270, %add3A_301 : i32
      %swap3A_303 = arith.index_cast %add3A_302 : i32 to index
      %swap3A_304 = arith.constant 16 : index
      %swap3A_305 = tpu.vector_load %arg7[%swap3A_303, %swap3A_304] {strides = array<i32>} : memref<256x128xf32, #tpu.memory_space<vmem>>, vector<1x16xf32>,
      %swap3A_306 = vector.shape_cast %swap3A_305 : vector<1x16xf32> to vector<16xf32>
      %swap3A_307 = vector.shape_cast %scan3A_292#1 : vector<16xf32> to vector<1x16xf32>
      tpu.vector_store %arg7[%swap3A_303, %swap3A_304], %swap3A_307 {strides = array<i32>} : memref<256x128xf32, #tpu.memory_space<vmem>>, vector<1x16xf32>,
      %add3A_308 = arith.constant 0 : i32
      %add3A_309 = arith.addi %mul3A_270, %add3A_308 : i32
      %swap3A_310 = arith.index_cast %add3A_309 : i32 to index
      %swap3A_311 = arith.constant 32 : index
      %swap3A_312 = tpu.vector_load %arg7[%swap3A_310, %swap3A_311] {strides = array<i32>} : memref<256x128xf32, #tpu.memory_space<vmem>>, vector<1x16xf32>,
      %swap3A_313 = vector.shape_cast %swap3A_312 : vector<1x16xf32> to vector<16xf32>
      %swap3A_314 = vector.shape_cast %scan3A_292#2 : vector<16xf32> to vector<1x16xf32>
      tpu.vector_store %arg7[%swap3A_310, %swap3A_311], %swap3A_314 {strides = array<i32>} : memref<256x128xf32, #tpu.memory_space<vmem>>, vector<1x16xf32>,
      %add3A_315 = arith.constant 0 : i32
      %add3A_316 = arith.addi %mul3A_270, %add3A_315 : i32
      %swap3A_317 = arith.index_cast %add3A_316 : i32 to index
      %swap3A_318 = arith.constant 48 : index
      %swap3A_319 = tpu.vector_load %arg7[%swap3A_317, %swap3A_318] {strides = array<i32>} : memref<256x128xf32, #tpu.memory_space<vmem>>, vector<1x16xf32>,
      %swap3A_320 = vector.shape_cast %swap3A_319 : vector<1x16xf32> to vector<16xf32>
      %swap3A_321 = vector.shape_cast %scan3A_292#3 : vector<16xf32> to vector<1x16xf32>
      tpu.vector_store %arg7[%swap3A_317, %swap3A_318], %swap3A_321 {strides = array<i32>} : memref<256x128xf32, #tpu.memory_space<vmem>>, vector<1x16xf32>,
      %add3A_322 = arith.constant 0 : i32
      %add3A_323 = arith.addi %mul3A_270, %add3A_322 : i32
      %swap3A_324 = arith.index_cast %add3A_323 : i32 to index
      %swap3A_325 = arith.constant 64 : index
      %swap3A_326 = tpu.vector_load %arg7[%swap3A_324, %swap3A_325] {strides = array<i32>} : memref<256x128xf32, #tpu.memory_space<vmem>>, vector<1x16xf32>,
      %swap3A_327 = vector.shape_cast %swap3A_326 : vector<1x16xf32> to vector<16xf32>
      %swap3A_328 = vector.shape_cast %scan3A_292#4 : vector<16xf32> to vector<1x16xf32>
      tpu.vector_store %arg7[%swap3A_324, %swap3A_325], %swap3A_328 {strides = array<i32>} : memref<256x128xf32, #tpu.memory_space<vmem>>, vector<1x16xf32>,
      %add3A_329 = arith.constant 0 : i32
      %add3A_330 = arith.addi %mul3A_270, %add3A_329 : i32
      %swap3A_331 = arith.index_cast %add3A_330 : i32 to index
      %swap3A_332 = arith.constant 80 : index
      %swap3A_333 = tpu.vector_load %arg7[%swap3A_331, %swap3A_332] {strides = array<i32>} : memref<256x128xf32, #tpu.memory_space<vmem>>, vector<1x16xf32>,
      %swap3A_334 = vector.shape_cast %swap3A_333 : vector<1x16xf32> to vector<16xf32>
      %swap3A_335 = vector.shape_cast %scan3A_292#5 : vector<16xf32> to vector<1x16xf32>
      tpu.vector_store %arg7[%swap3A_331, %swap3A_332], %swap3A_335 {strides = array<i32>} : memref<256x128xf32, #tpu.memory_space<vmem>>, vector<1x16xf32>,
      %add3A_336 = arith.constant 0 : i32
      %add3A_337 = arith.addi %mul3A_270, %add3A_336 : i32
      %swap3A_338 = arith.index_cast %add3A_337 : i32 to index
      %swap3A_339 = arith.constant 96 : index
      %swap3A_340 = tpu.vector_load %arg7[%swap3A_338, %swap3A_339] {strides = array<i32>} : memref<256x128xf32, #tpu.memory_space<vmem>>, vector<1x16xf32>,
      %swap3A_341 = vector.shape_cast %swap3A_340 : vector<1x16xf32> to vector<16xf32>
      %swap3A_342 = vector.shape_cast %scan3A_292#6 : vector<16xf32> to vector<1x16xf32>
      tpu.vector_store %arg7[%swap3A_338, %swap3A_339], %swap3A_342 {strides = array<i32>} : memref<256x128xf32, #tpu.memory_space<vmem>>, vector<1x16xf32>,
      %add3A_343 = arith.constant 0 : i32
      %add3A_344 = arith.addi %mul3A_270, %add3A_343 : i32
      %swap3A_345 = arith.index_cast %add3A_344 : i32 to index
      %swap3A_346 = arith.constant 112 : index
      %swap3A_347 = tpu.vector_load %arg7[%swap3A_345, %swap3A_346] {strides = array<i32>} : memref<256x128xf32, #tpu.memory_space<vmem>>, vector<1x16xf32>,
      %swap3A_348 = vector.shape_cast %swap3A_347 : vector<1x16xf32> to vector<16xf32>
      %swap3A_349 = vector.shape_cast %scan3A_292#7 : vector<16xf32> to vector<1x16xf32>
      tpu.vector_store %arg7[%swap3A_345, %swap3A_346], %swap3A_349 {strides = array<i32>} : memref<256x128xf32, #tpu.memory_space<vmem>>, vector<1x16xf32>,
      %broadcast_in_dim3A_350 = arith.constant 0.000000e+00 : f32
      %broadcast_in_dim3A_351 = vector.broadcast %broadcast_in_dim3A_350 : f32 to vector<16xf32>
      %broadcast_in_dim3A_352 = arith.constant 0.000000e+00 : f32
      %broadcast_in_dim3A_353 = vector.broadcast %broadcast_in_dim3A_352 : f32 to vector<16xf32>
      %broadcast_in_dim3A_354 = arith.constant 0.000000e+00 : f32
      %broadcast_in_dim3A_355 = vector.broadcast %broadcast_in_dim3A_354 : f32 to vector<16xf32>
      %broadcast_in_dim3A_356 = arith.constant 0.000000e+00 : f32
      %broadcast_in_dim3A_357 = vector.broadcast %broadcast_in_dim3A_356 : f32 to vector<16xf32>
      %broadcast_in_dim3A_358 = arith.constant 0.000000e+00 : f32
      %broadcast_in_dim3A_359 = vector.broadcast %broadcast_in_dim3A_358 : f32 to vector<16xf32>
      %broadcast_in_dim3A_360 = arith.constant 0.000000e+00 : f32
      %broadcast_in_dim3A_361 = vector.broadcast %broadcast_in_dim3A_360 : f32 to vector<16xf32>
      %broadcast_in_dim3A_362 = arith.constant 0.000000e+00 : f32
      %broadcast_in_dim3A_363 = vector.broadcast %broadcast_in_dim3A_362 : f32 to vector<16xf32>
      %broadcast_in_dim3A_364 = arith.constant 0.000000e+00 : f32
      %broadcast_in_dim3A_365 = vector.broadcast %broadcast_in_dim3A_364 : f32 to vector<16xf32>
      %scan3A_366 = arith.constant 1 : i32
      %scan3A_367 = arith.constant 0 : i32
      %scan3A_368 = arith.constant 25 : i32
      %scan3A_369 = arith.addi %scan3A_367, %scan3A_368 : i32
      %scan3A_370 = arith.constant 1 : i32
      %scan3A_371:8 = scf.for %scan3A_812 = %scan3A_367 to %scan3A_369 step %scan3A_370 iter_args(%scan3A_813 = %broadcast_in_dim3A_351, %scan3A_814 = %broadcast_in_dim3A_353, %scan3A_815 = %broadcast_in_dim3A_355, %scan3A_816 = %broadcast_in_dim3A_357, %scan3A_817 = %broadcast_in_dim3A_359, %scan3A_818 = %broadcast_in_dim3A_361, %scan3A_819 = %broadcast_in_dim3A_363, %scan3A_820 = %broadcast_in_dim3A_365) -> (vector<16xf32>, vector<16xf32>, vector<16xf32>, vector<16xf32>, vector<16xf32>, vector<16xf32>, vector<16xf32>, vector<16xf32>)  : i32 {
        %mul3A_821 = arith.constant 2 : i32
        %mul3A_822 = arith.muli %scan3A_812, %mul3A_821 : i32
        %add3A_823 = arith.constant 50 : i32
        %add3A_824 = arith.addi %add3A_823, %mul3A_822 : i32
        %add3A_825 = arith.constant 0 : i32
        %add3A_826 = arith.addi %add3A_824, %add3A_825 : i32
        %get3A = arith.constant 0 : i32
        %get3A_827 = arith.constant 0 : i32
        %get3A_828 = tpu.memref_slice %arg6[%scan3A_366, %get3A, %get3A_827] : memref<4x100x128xf32, #tpu.memory_space<vmem>> -> memref<1x100x128xf32, #tpu.memory_space<vmem>>
        %get3A_829 = tpu.memref_squeeze %get3A_828 : memref<1x100x128xf32, #tpu.memory_space<vmem>> -> memref<100x128xf32, #tpu.memory_space<vmem>>
        %get3A_830 = arith.index_cast %add3A_826 : i32 to index
        %get3A_831 = arith.constant 0 : index
        %get3A_832 = tpu.vector_load %get3A_829[%get3A_830, %get3A_831] {strides = array<i32>} : memref<100x128xf32, #tpu.memory_space<vmem>>, vector<1x16xf32>,
        %get3A_833 = vector.shape_cast %get3A_832 : vector<1x16xf32> to vector<16xf32>
        %add3A_834 = arith.addf %scan3A_813, %get3A_833 : vector<16xf32>
        %add3A_835 = arith.constant 50 : i32
        %add3A_836 = arith.addi %add3A_835, %mul3A_822 : i32
        %add3A_837 = arith.constant 0 : i32
        %add3A_838 = arith.addi %add3A_836, %add3A_837 : i32
        %get3A_839 = arith.constant 0 : i32
        %get3A_840 = arith.constant 0 : i32
        %get3A_841 = tpu.memref_slice %arg6[%scan3A_366, %get3A_839, %get3A_840] : memref<4x100x128xf32, #tpu.memory_space<vmem>> -> memref<1x100x128xf32, #tpu.memory_space<vmem>>
        %get3A_842 = tpu.memref_squeeze %get3A_841 : memref<1x100x128xf32, #tpu.memory_space<vmem>> -> memref<100x128xf32, #tpu.memory_space<vmem>>
        %get3A_843 = arith.index_cast %add3A_838 : i32 to index
        %get3A_844 = arith.constant 16 : index
        %get3A_845 = tpu.vector_load %get3A_842[%get3A_843, %get3A_844] {strides = array<i32>} : memref<100x128xf32, #tpu.memory_space<vmem>>, vector<1x16xf32>,
        %get3A_846 = vector.shape_cast %get3A_845 : vector<1x16xf32> to vector<16xf32>
        %add3A_847 = arith.addf %scan3A_814, %get3A_846 : vector<16xf32>
        %add3A_848 = arith.constant 50 : i32
        %add3A_849 = arith.addi %add3A_848, %mul3A_822 : i32
        %add3A_850 = arith.constant 0 : i32
        %add3A_851 = arith.addi %add3A_849, %add3A_850 : i32
        %get3A_852 = arith.constant 0 : i32
        %get3A_853 = arith.constant 0 : i32
        %get3A_854 = tpu.memref_slice %arg6[%scan3A_366, %get3A_852, %get3A_853] : memref<4x100x128xf32, #tpu.memory_space<vmem>> -> memref<1x100x128xf32, #tpu.memory_space<vmem>>
        %get3A_855 = tpu.memref_squeeze %get3A_854 : memref<1x100x128xf32, #tpu.memory_space<vmem>> -> memref<100x128xf32, #tpu.memory_space<vmem>>
        %get3A_856 = arith.index_cast %add3A_851 : i32 to index
        %get3A_857 = arith.constant 32 : index
        %get3A_858 = tpu.vector_load %get3A_855[%get3A_856, %get3A_857] {strides = array<i32>} : memref<100x128xf32, #tpu.memory_space<vmem>>, vector<1x16xf32>,
        %get3A_859 = vector.shape_cast %get3A_858 : vector<1x16xf32> to vector<16xf32>
        %add3A_860 = arith.addf %scan3A_815, %get3A_859 : vector<16xf32>
        %add3A_861 = arith.constant 50 : i32
        %add3A_862 = arith.addi %add3A_861, %mul3A_822 : i32
        %add3A_863 = arith.constant 0 : i32
        %add3A_864 = arith.addi %add3A_862, %add3A_863 : i32
        %get3A_865 = arith.constant 0 : i32
        %get3A_866 = arith.constant 0 : i32
        %get3A_867 = tpu.memref_slice %arg6[%scan3A_366, %get3A_865, %get3A_866] : memref<4x100x128xf32, #tpu.memory_space<vmem>> -> memref<1x100x128xf32, #tpu.memory_space<vmem>>
        %get3A_868 = tpu.memref_squeeze %get3A_867 : memref<1x100x128xf32, #tpu.memory_space<vmem>> -> memref<100x128xf32, #tpu.memory_space<vmem>>
        %get3A_869 = arith.index_cast %add3A_864 : i32 to index
        %get3A_870 = arith.constant 48 : index
        %get3A_871 = tpu.vector_load %get3A_868[%get3A_869, %get3A_870] {strides = array<i32>} : memref<100x128xf32, #tpu.memory_space<vmem>>, vector<1x16xf32>,
        %get3A_872 = vector.shape_cast %get3A_871 : vector<1x16xf32> to vector<16xf32>
        %add3A_873 = arith.addf %scan3A_816, %get3A_872 : vector<16xf32>
        %add3A_874 = arith.constant 50 : i32
        %add3A_875 = arith.addi %add3A_874, %mul3A_822 : i32
        %add3A_876 = arith.constant 0 : i32
        %add3A_877 = arith.addi %add3A_875, %add3A_876 : i32
        %get3A_878 = arith.constant 0 : i32
        %get3A_879 = arith.constant 0 : i32
        %get3A_880 = tpu.memref_slice %arg6[%scan3A_366, %get3A_878, %get3A_879] : memref<4x100x128xf32, #tpu.memory_space<vmem>> -> memref<1x100x128xf32, #tpu.memory_space<vmem>>
        %get3A_881 = tpu.memref_squeeze %get3A_880 : memref<1x100x128xf32, #tpu.memory_space<vmem>> -> memref<100x128xf32, #tpu.memory_space<vmem>>
        %get3A_882 = arith.index_cast %add3A_877 : i32 to index
        %get3A_883 = arith.constant 64 : index
        %get3A_884 = tpu.vector_load %get3A_881[%get3A_882, %get3A_883] {strides = array<i32>} : memref<100x128xf32, #tpu.memory_space<vmem>>, vector<1x16xf32>,
        %get3A_885 = vector.shape_cast %get3A_884 : vector<1x16xf32> to vector<16xf32>
        %add3A_886 = arith.addf %scan3A_817, %get3A_885 : vector<16xf32>
        %add3A_887 = arith.constant 50 : i32
        %add3A_888 = arith.addi %add3A_887, %mul3A_822 : i32
        %add3A_889 = arith.constant 0 : i32
        %add3A_890 = arith.addi %add3A_888, %add3A_889 : i32
        %get3A_891 = arith.constant 0 : i32
        %get3A_892 = arith.constant 0 : i32
        %get3A_893 = tpu.memref_slice %arg6[%scan3A_366, %get3A_891, %get3A_892] : memref<4x100x128xf32, #tpu.memory_space<vmem>> -> memref<1x100x128xf32, #tpu.memory_space<vmem>>
        %get3A_894 = tpu.memref_squeeze %get3A_893 : memref<1x100x128xf32, #tpu.memory_space<vmem>> -> memref<100x128xf32, #tpu.memory_space<vmem>>
        %get3A_895 = arith.index_cast %add3A_890 : i32 to index
        %get3A_896 = arith.constant 80 : index
        %get3A_897 = tpu.vector_load %get3A_894[%get3A_895, %get3A_896] {strides = array<i32>} : memref<100x128xf32, #tpu.memory_space<vmem>>, vector<1x16xf32>,
        %get3A_898 = vector.shape_cast %get3A_897 : vector<1x16xf32> to vector<16xf32>
        %add3A_899 = arith.addf %scan3A_818, %get3A_898 : vector<16xf32>
        %add3A_900 = arith.constant 50 : i32
        %add3A_901 = arith.addi %add3A_900, %mul3A_822 : i32
        %add3A_902 = arith.constant 0 : i32
        %add3A_903 = arith.addi %add3A_901, %add3A_902 : i32
        %get3A_904 = arith.constant 0 : i32
        %get3A_905 = arith.constant 0 : i32
        %get3A_906 = tpu.memref_slice %arg6[%scan3A_366, %get3A_904, %get3A_905] : memref<4x100x128xf32, #tpu.memory_space<vmem>> -> memref<1x100x128xf32, #tpu.memory_space<vmem>>
        %get3A_907 = tpu.memref_squeeze %get3A_906 : memref<1x100x128xf32, #tpu.memory_space<vmem>> -> memref<100x128xf32, #tpu.memory_space<vmem>>
        %get3A_908 = arith.index_cast %add3A_903 : i32 to index
        %get3A_909 = arith.constant 96 : index
        %get3A_910 = tpu.vector_load %get3A_907[%get3A_908, %get3A_909] {strides = array<i32>} : memref<100x128xf32, #tpu.memory_space<vmem>>, vector<1x16xf32>,
        %get3A_911 = vector.shape_cast %get3A_910 : vector<1x16xf32> to vector<16xf32>
        %add3A_912 = arith.addf %scan3A_819, %get3A_911 : vector<16xf32>
        %add3A_913 = arith.constant 50 : i32
        %add3A_914 = arith.addi %add3A_913, %mul3A_822 : i32
        %add3A_915 = arith.constant 0 : i32
        %add3A_916 = arith.addi %add3A_914, %add3A_915 : i32
        %get3A_917 = arith.constant 0 : i32
        %get3A_918 = arith.constant 0 : i32
        %get3A_919 = tpu.memref_slice %arg6[%scan3A_366, %get3A_917, %get3A_918] : memref<4x100x128xf32, #tpu.memory_space<vmem>> -> memref<1x100x128xf32, #tpu.memory_space<vmem>>
        %get3A_920 = tpu.memref_squeeze %get3A_919 : memref<1x100x128xf32, #tpu.memory_space<vmem>> -> memref<100x128xf32, #tpu.memory_space<vmem>>
        %get3A_921 = arith.index_cast %add3A_916 : i32 to index
        %get3A_922 = arith.constant 112 : index
        %get3A_923 = tpu.vector_load %get3A_920[%get3A_921, %get3A_922] {strides = array<i32>} : memref<100x128xf32, #tpu.memory_space<vmem>>, vector<1x16xf32>,
        %get3A_924 = vector.shape_cast %get3A_923 : vector<1x16xf32> to vector<16xf32>
        %add3A_925 = arith.addf %scan3A_820, %get3A_924 : vector<16xf32>
        %add3A_926 = arith.constant 50 : i32
        %add3A_927 = arith.addi %add3A_926, %mul3A_822 : i32
        %add3A_928 = arith.constant 1 : i32
        %add3A_929 = arith.addi %add3A_927, %add3A_928 : i32
        %get3A_930 = arith.constant 0 : i32
        %get3A_931 = arith.constant 0 : i32
        %get3A_932 = tpu.memref_slice %arg6[%scan3A_366, %get3A_930, %get3A_931] : memref<4x100x128xf32, #tpu.memory_space<vmem>> -> memref<1x100x128xf32, #tpu.memory_space<vmem>>
        %get3A_933 = tpu.memref_squeeze %get3A_932 : memref<1x100x128xf32, #tpu.memory_space<vmem>> -> memref<100x128xf32, #tpu.memory_space<vmem>>
        %get3A_934 = arith.index_cast %add3A_929 : i32 to index
        %get3A_935 = arith.constant 0 : index
        %get3A_936 = tpu.vector_load %get3A_933[%get3A_934, %get3A_935] {strides = array<i32>} : memref<100x128xf32, #tpu.memory_space<vmem>>, vector<1x16xf32>,
        %get3A_937 = vector.shape_cast %get3A_936 : vector<1x16xf32> to vector<16xf32>
        %add3A_938 = arith.addf %add3A_834, %get3A_937 : vector<16xf32>
        %add3A_939 = arith.constant 50 : i32
        %add3A_940 = arith.addi %add3A_939, %mul3A_822 : i32
        %add3A_941 = arith.constant 1 : i32
        %add3A_942 = arith.addi %add3A_940, %add3A_941 : i32
        %get3A_943 = arith.constant 0 : i32
        %get3A_944 = arith.constant 0 : i32
        %get3A_945 = tpu.memref_slice %arg6[%scan3A_366, %get3A_943, %get3A_944] : memref<4x100x128xf32, #tpu.memory_space<vmem>> -> memref<1x100x128xf32, #tpu.memory_space<vmem>>
        %get3A_946 = tpu.memref_squeeze %get3A_945 : memref<1x100x128xf32, #tpu.memory_space<vmem>> -> memref<100x128xf32, #tpu.memory_space<vmem>>
        %get3A_947 = arith.index_cast %add3A_942 : i32 to index
        %get3A_948 = arith.constant 16 : index
        %get3A_949 = tpu.vector_load %get3A_946[%get3A_947, %get3A_948] {strides = array<i32>} : memref<100x128xf32, #tpu.memory_space<vmem>>, vector<1x16xf32>,
        %get3A_950 = vector.shape_cast %get3A_949 : vector<1x16xf32> to vector<16xf32>
        %add3A_951 = arith.addf %add3A_847, %get3A_950 : vector<16xf32>
        %add3A_952 = arith.constant 50 : i32
        %add3A_953 = arith.addi %add3A_952, %mul3A_822 : i32
        %add3A_954 = arith.constant 1 : i32
        %add3A_955 = arith.addi %add3A_953, %add3A_954 : i32
        %get3A_956 = arith.constant 0 : i32
        %get3A_957 = arith.constant 0 : i32
        %get3A_958 = tpu.memref_slice %arg6[%scan3A_366, %get3A_956, %get3A_957] : memref<4x100x128xf32, #tpu.memory_space<vmem>> -> memref<1x100x128xf32, #tpu.memory_space<vmem>>
        %get3A_959 = tpu.memref_squeeze %get3A_958 : memref<1x100x128xf32, #tpu.memory_space<vmem>> -> memref<100x128xf32, #tpu.memory_space<vmem>>
        %get3A_960 = arith.index_cast %add3A_955 : i32 to index
        %get3A_961 = arith.constant 32 : index
        %get3A_962 = tpu.vector_load %get3A_959[%get3A_960, %get3A_961] {strides = array<i32>} : memref<100x128xf32, #tpu.memory_space<vmem>>, vector<1x16xf32>,
        %get3A_963 = vector.shape_cast %get3A_962 : vector<1x16xf32> to vector<16xf32>
        %add3A_964 = arith.addf %add3A_860, %get3A_963 : vector<16xf32>
        %add3A_965 = arith.constant 50 : i32
        %add3A_966 = arith.addi %add3A_965, %mul3A_822 : i32
        %add3A_967 = arith.constant 1 : i32
        %add3A_968 = arith.addi %add3A_966, %add3A_967 : i32
        %get3A_969 = arith.constant 0 : i32
        %get3A_970 = arith.constant 0 : i32
        %get3A_971 = tpu.memref_slice %arg6[%scan3A_366, %get3A_969, %get3A_970] : memref<4x100x128xf32, #tpu.memory_space<vmem>> -> memref<1x100x128xf32, #tpu.memory_space<vmem>>
        %get3A_972 = tpu.memref_squeeze %get3A_971 : memref<1x100x128xf32, #tpu.memory_space<vmem>> -> memref<100x128xf32, #tpu.memory_space<vmem>>
        %get3A_973 = arith.index_cast %add3A_968 : i32 to index
        %get3A_974 = arith.constant 48 : index
        %get3A_975 = tpu.vector_load %get3A_972[%get3A_973, %get3A_974] {strides = array<i32>} : memref<100x128xf32, #tpu.memory_space<vmem>>, vector<1x16xf32>,
        %get3A_976 = vector.shape_cast %get3A_975 : vector<1x16xf32> to vector<16xf32>
        %add3A_977 = arith.addf %add3A_873, %get3A_976 : vector<16xf32>
        %add3A_978 = arith.constant 50 : i32
        %add3A_979 = arith.addi %add3A_978, %mul3A_822 : i32
        %add3A_980 = arith.constant 1 : i32
        %add3A_981 = arith.addi %add3A_979, %add3A_980 : i32
        %get3A_982 = arith.constant 0 : i32
        %get3A_983 = arith.constant 0 : i32
        %get3A_984 = tpu.memref_slice %arg6[%scan3A_366, %get3A_982, %get3A_983] : memref<4x100x128xf32, #tpu.memory_space<vmem>> -> memref<1x100x128xf32, #tpu.memory_space<vmem>>
        %get3A_985 = tpu.memref_squeeze %get3A_984 : memref<1x100x128xf32, #tpu.memory_space<vmem>> -> memref<100x128xf32, #tpu.memory_space<vmem>>
        %get3A_986 = arith.index_cast %add3A_981 : i32 to index
        %get3A_987 = arith.constant 64 : index
        %get3A_988 = tpu.vector_load %get3A_985[%get3A_986, %get3A_987] {strides = array<i32>} : memref<100x128xf32, #tpu.memory_space<vmem>>, vector<1x16xf32>,
        %get3A_989 = vector.shape_cast %get3A_988 : vector<1x16xf32> to vector<16xf32>
        %add3A_990 = arith.addf %add3A_886, %get3A_989 : vector<16xf32>
        %add3A_991 = arith.constant 50 : i32
        %add3A_992 = arith.addi %add3A_991, %mul3A_822 : i32
        %add3A_993 = arith.constant 1 : i32
        %add3A_994 = arith.addi %add3A_992, %add3A_993 : i32
        %get3A_995 = arith.constant 0 : i32
        %get3A_996 = arith.constant 0 : i32
        %get3A_997 = tpu.memref_slice %arg6[%scan3A_366, %get3A_995, %get3A_996] : memref<4x100x128xf32, #tpu.memory_space<vmem>> -> memref<1x100x128xf32, #tpu.memory_space<vmem>>
        %get3A_998 = tpu.memref_squeeze %get3A_997 : memref<1x100x128xf32, #tpu.memory_space<vmem>> -> memref<100x128xf32, #tpu.memory_space<vmem>>
        %get3A_999 = arith.index_cast %add3A_994 : i32 to index
        %get3A_1000 = arith.constant 80 : index
        %get3A_1001 = tpu.vector_load %get3A_998[%get3A_999, %get3A_1000] {strides = array<i32>} : memref<100x128xf32, #tpu.memory_space<vmem>>, vector<1x16xf32>,
        %get3A_1002 = vector.shape_cast %get3A_1001 : vector<1x16xf32> to vector<16xf32>
        %add3A_1003 = arith.addf %add3A_899, %get3A_1002 : vector<16xf32>
        %add3A_1004 = arith.constant 50 : i32
        %add3A_1005 = arith.addi %add3A_1004, %mul3A_822 : i32
        %add3A_1006 = arith.constant 1 : i32
        %add3A_1007 = arith.addi %add3A_1005, %add3A_1006 : i32
        %get3A_1008 = arith.constant 0 : i32
        %get3A_1009 = arith.constant 0 : i32
        %get3A_1010 = tpu.memref_slice %arg6[%scan3A_366, %get3A_1008, %get3A_1009] : memref<4x100x128xf32, #tpu.memory_space<vmem>> -> memref<1x100x128xf32, #tpu.memory_space<vmem>>
        %get3A_1011 = tpu.memref_squeeze %get3A_1010 : memref<1x100x128xf32, #tpu.memory_space<vmem>> -> memref<100x128xf32, #tpu.memory_space<vmem>>
        %get3A_1012 = arith.index_cast %add3A_1007 : i32 to index
        %get3A_1013 = arith.constant 96 : index
        %get3A_1014 = tpu.vector_load %get3A_1011[%get3A_1012, %get3A_1013] {strides = array<i32>} : memref<100x128xf32, #tpu.memory_space<vmem>>, vector<1x16xf32>,
        %get3A_1015 = vector.shape_cast %get3A_1014 : vector<1x16xf32> to vector<16xf32>
        %add3A_1016 = arith.addf %add3A_912, %get3A_1015 : vector<16xf32>
        %add3A_1017 = arith.constant 50 : i32
        %add3A_1018 = arith.addi %add3A_1017, %mul3A_822 : i32
        %add3A_1019 = arith.constant 1 : i32
        %add3A_1020 = arith.addi %add3A_1018, %add3A_1019 : i32
        %get3A_1021 = arith.constant 0 : i32
        %get3A_1022 = arith.constant 0 : i32
        %get3A_1023 = tpu.memref_slice %arg6[%scan3A_366, %get3A_1021, %get3A_1022] : memref<4x100x128xf32, #tpu.memory_space<vmem>> -> memref<1x100x128xf32, #tpu.memory_space<vmem>>
        %get3A_1024 = tpu.memref_squeeze %get3A_1023 : memref<1x100x128xf32, #tpu.memory_space<vmem>> -> memref<100x128xf32, #tpu.memory_space<vmem>>
        %get3A_1025 = arith.index_cast %add3A_1020 : i32 to index
        %get3A_1026 = arith.constant 112 : index
        %get3A_1027 = tpu.vector_load %get3A_1024[%get3A_1025, %get3A_1026] {strides = array<i32>} : memref<100x128xf32, #tpu.memory_space<vmem>>, vector<1x16xf32>,
        %get3A_1028 = vector.shape_cast %get3A_1027 : vector<1x16xf32> to vector<16xf32>
        %add3A_1029 = arith.addf %add3A_925, %get3A_1028 : vector<16xf32>
        scf.yield %add3A_938, %add3A_951, %add3A_964, %add3A_977, %add3A_990, %add3A_1003, %add3A_1016, %add3A_1029 : vector<16xf32>, vector<16xf32>, vector<16xf32>, vector<16xf32>, vector<16xf32>, vector<16xf32>, vector<16xf32>, vector<16xf32>
      }
      %scan3A_372 = arith.constant 25 : i32
      %add3A_373 = arith.constant 1 : i32
      %add3A_374 = arith.addi %mul3A_270, %add3A_373 : i32
      %swap3A_375 = arith.index_cast %add3A_374 : i32 to index
      %swap3A_376 = arith.constant 0 : index
      %swap3A_377 = tpu.vector_load %arg7[%swap3A_375, %swap3A_376] {strides = array<i32>} : memref<256x128xf32, #tpu.memory_space<vmem>>, vector<1x16xf32>,
      %swap3A_378 = vector.shape_cast %swap3A_377 : vector<1x16xf32> to vector<16xf32>
      %swap3A_379 = vector.shape_cast %scan3A_371#0 : vector<16xf32> to vector<1x16xf32>
      tpu.vector_store %arg7[%swap3A_375, %swap3A_376], %swap3A_379 {strides = array<i32>} : memref<256x128xf32, #tpu.memory_space<vmem>>, vector<1x16xf32>,
      %add3A_380 = arith.constant 1 : i32
      %add3A_381 = arith.addi %mul3A_270, %add3A_380 : i32
      %swap3A_382 = arith.index_cast %add3A_381 : i32 to index
      %swap3A_383 = arith.constant 16 : index
      %swap3A_384 = tpu.vector_load %arg7[%swap3A_382, %swap3A_383] {strides = array<i32>} : memref<256x128xf32, #tpu.memory_space<vmem>>, vector<1x16xf32>,
      %swap3A_385 = vector.shape_cast %swap3A_384 : vector<1x16xf32> to vector<16xf32>
      %swap3A_386 = vector.shape_cast %scan3A_371#1 : vector<16xf32> to vector<1x16xf32>
      tpu.vector_store %arg7[%swap3A_382, %swap3A_383], %swap3A_386 {strides = array<i32>} : memref<256x128xf32, #tpu.memory_space<vmem>>, vector<1x16xf32>,
      %add3A_387 = arith.constant 1 : i32
      %add3A_388 = arith.addi %mul3A_270, %add3A_387 : i32
      %swap3A_389 = arith.index_cast %add3A_388 : i32 to index
      %swap3A_390 = arith.constant 32 : index
      %swap3A_391 = tpu.vector_load %arg7[%swap3A_389, %swap3A_390] {strides = array<i32>} : memref<256x128xf32, #tpu.memory_space<vmem>>, vector<1x16xf32>,
      %swap3A_392 = vector.shape_cast %swap3A_391 : vector<1x16xf32> to vector<16xf32>
      %swap3A_393 = vector.shape_cast %scan3A_371#2 : vector<16xf32> to vector<1x16xf32>
      tpu.vector_store %arg7[%swap3A_389, %swap3A_390], %swap3A_393 {strides = array<i32>} : memref<256x128xf32, #tpu.memory_space<vmem>>, vector<1x16xf32>,
      %add3A_394 = arith.constant 1 : i32
      %add3A_395 = arith.addi %mul3A_270, %add3A_394 : i32
      %swap3A_396 = arith.index_cast %add3A_395 : i32 to index
      %swap3A_397 = arith.constant 48 : index
      %swap3A_398 = tpu.vector_load %arg7[%swap3A_396, %swap3A_397] {strides = array<i32>} : memref<256x128xf32, #tpu.memory_space<vmem>>, vector<1x16xf32>,
      %swap3A_399 = vector.shape_cast %swap3A_398 : vector<1x16xf32> to vector<16xf32>
      %swap3A_400 = vector.shape_cast %scan3A_371#3 : vector<16xf32> to vector<1x16xf32>
      tpu.vector_store %arg7[%swap3A_396, %swap3A_397], %swap3A_400 {strides = array<i32>} : memref<256x128xf32, #tpu.memory_space<vmem>>, vector<1x16xf32>,
      %add3A_401 = arith.constant 1 : i32
      %add3A_402 = arith.addi %mul3A_270, %add3A_401 : i32
      %swap3A_403 = arith.index_cast %add3A_402 : i32 to index
      %swap3A_404 = arith.constant 64 : index
      %swap3A_405 = tpu.vector_load %arg7[%swap3A_403, %swap3A_404] {strides = array<i32>} : memref<256x128xf32, #tpu.memory_space<vmem>>, vector<1x16xf32>,
      %swap3A_406 = vector.shape_cast %swap3A_405 : vector<1x16xf32> to vector<16xf32>
      %swap3A_407 = vector.shape_cast %scan3A_371#4 : vector<16xf32> to vector<1x16xf32>
      tpu.vector_store %arg7[%swap3A_403, %swap3A_404], %swap3A_407 {strides = array<i32>} : memref<256x128xf32, #tpu.memory_space<vmem>>, vector<1x16xf32>,
      %add3A_408 = arith.constant 1 : i32
      %add3A_409 = arith.addi %mul3A_270, %add3A_408 : i32
      %swap3A_410 = arith.index_cast %add3A_409 : i32 to index
      %swap3A_411 = arith.constant 80 : index
      %swap3A_412 = tpu.vector_load %arg7[%swap3A_410, %swap3A_411] {strides = array<i32>} : memref<256x128xf32, #tpu.memory_space<vmem>>, vector<1x16xf32>,
      %swap3A_413 = vector.shape_cast %swap3A_412 : vector<1x16xf32> to vector<16xf32>
      %swap3A_414 = vector.shape_cast %scan3A_371#5 : vector<16xf32> to vector<1x16xf32>
      tpu.vector_store %arg7[%swap3A_410, %swap3A_411], %swap3A_414 {strides = array<i32>} : memref<256x128xf32, #tpu.memory_space<vmem>>, vector<1x16xf32>,
      %add3A_415 = arith.constant 1 : i32
      %add3A_416 = arith.addi %mul3A_270, %add3A_415 : i32
      %swap3A_417 = arith.index_cast %add3A_416 : i32 to index
      %swap3A_418 = arith.constant 96 : index
      %swap3A_419 = tpu.vector_load %arg7[%swap3A_417, %swap3A_418] {strides = array<i32>} : memref<256x128xf32, #tpu.memory_space<vmem>>, vector<1x16xf32>,
      %swap3A_420 = vector.shape_cast %swap3A_419 : vector<1x16xf32> to vector<16xf32>
      %swap3A_421 = vector.shape_cast %scan3A_371#6 : vector<16xf32> to vector<1x16xf32>
      tpu.vector_store %arg7[%swap3A_417, %swap3A_418], %swap3A_421 {strides = array<i32>} : memref<256x128xf32, #tpu.memory_space<vmem>>, vector<1x16xf32>,
      %add3A_422 = arith.constant 1 : i32
      %add3A_423 = arith.addi %mul3A_270, %add3A_422 : i32
      %swap3A_424 = arith.index_cast %add3A_423 : i32 to index
      %swap3A_425 = arith.constant 112 : index
      %swap3A_426 = tpu.vector_load %arg7[%swap3A_424, %swap3A_425] {strides = array<i32>} : memref<256x128xf32, #tpu.memory_space<vmem>>, vector<1x16xf32>,
      %swap3A_427 = vector.shape_cast %swap3A_426 : vector<1x16xf32> to vector<16xf32>
      %swap3A_428 = vector.shape_cast %scan3A_371#7 : vector<16xf32> to vector<1x16xf32>
      tpu.vector_store %arg7[%swap3A_424, %swap3A_425], %swap3A_428 {strides = array<i32>} : memref<256x128xf32, #tpu.memory_space<vmem>>, vector<1x16xf32>,
      %add3A_429 = arith.constant 4 : i32
      %add3A_430 = arith.addi %add3A_253, %add3A_429 : i32
      %lt3A_431 = arith.constant 256 : i32
      %lt3A_432 = arith.cmpi slt, %add3A_430, %lt3A_431 : i32
      %convert_element_type3A_433 = arith.extui %lt3A_432 : i1 to i32
      %cond3A_434 = arith.constant 0 : i32
      %cond3A_435 = arith.cmpi ne, %convert_element_type3A_433, %cond3A_434 : i32
      scf.if %cond3A_435 {
        %add3A_812 = arith.constant 4 : i32
        %add3A_813 = arith.addi %add3A_253, %add3A_812 : i32
        %dma_start3A_814 = arith.constant 1 : i32
        %dma_start3A_815 = arith.constant 0 : i32
        %dma_start3A_816 = arith.constant 0 : i32
        %dma_start3A_817 = tpu.memref_slice %arg6[%dma_start3A_814, %dma_start3A_815, %dma_start3A_816] : memref<4x100x128xf32, #tpu.memory_space<vmem>> -> memref<1x100x128xf32, #tpu.memory_space<vmem>>
        %dma_start3A_818 = tpu.memref_squeeze %dma_start3A_817 : memref<1x100x128xf32, #tpu.memory_space<vmem>> -> memref<100x128xf32, #tpu.memory_space<vmem>>
        %dma_start3A_819 = arith.constant 0 : i32
        %dma_start3A_820 = tpu.memref_slice %arg5[%add3A_813, %dma_start3A_819] : memref<256x100xi32, #tpu.memory_space<vmem>> -> memref<1x100xi32, #tpu.memory_space<vmem>>
        %dma_start3A_821 = tpu.memref_squeeze %dma_start3A_820 : memref<1x100xi32, #tpu.memory_space<vmem>> -> memref<100xi32, #tpu.memory_space<vmem>>
        %dma_start3A_822 = arith.constant 0 : i32
        %dma_start3A_823 = arith.constant 0 : i32
        %dma_start3A_824 = tpu.memref_slice %arg3[%dma_start3A_822, %dma_start3A_823] : memref<1000000x128xf32, #tpu.memory_space<hbm>> -> memref<1000000x128xf32, #tpu.memory_space<hbm>>
        tpu.enqueue_indirect_dma source(%dma_start3A_824 : memref<1000000x128xf32, #tpu.memory_space<hbm>>) target(%dma_start3A_818 : memref<100x128xf32, #tpu.memory_space<vmem>>) offsets(%dma_start3A_821 : memref<100xi32, #tpu.memory_space<vmem>>) semaphore(%arg9 : memref<!tpu.dma_semaphore, #tpu.memory_space<semaphore_mem>>)
      } else {
      }
      %mul3A_436 = arith.constant 4 : i32
      %mul3A_437 = arith.muli %scan3A_65, %mul3A_436 : i32
      %add3A_438 = arith.constant 0 : i32
      %add3A_439 = arith.addi %add3A_438, %mul3A_437 : i32
      %add3A_440 = arith.constant 2 : i32
      %add3A_441 = arith.addi %add3A_439, %add3A_440 : i32
      %dma_wait3A_442 = arith.constant 2 : i32
      %dma_wait3A_443 = arith.constant 0 : i32
      %dma_wait3A_444 = arith.constant 0 : i32
      %dma_wait3A_445 = tpu.memref_slice %arg6[%dma_wait3A_442, %dma_wait3A_443, %dma_wait3A_444] : memref<4x100x128xf32, #tpu.memory_space<vmem>> -> memref<1x100x128xf32, #tpu.memory_space<vmem>>
      %dma_wait3A_446 = tpu.memref_squeeze %dma_wait3A_445 : memref<1x100x128xf32, #tpu.memory_space<vmem>> -> memref<100x128xf32, #tpu.memory_space<vmem>>
      %dma_wait3A_447 = arith.constant 0 : i32
      %dma_wait3A_448 = tpu.memref_slice %arg5[%add3A_441, %dma_wait3A_447] : memref<256x100xi32, #tpu.memory_space<vmem>> -> memref<1x100xi32, #tpu.memory_space<vmem>>
      %dma_wait3A_449 = tpu.memref_squeeze %dma_wait3A_448 : memref<1x100xi32, #tpu.memory_space<vmem>> -> memref<100xi32, #tpu.memory_space<vmem>>
      %dma_wait3A_450 = arith.constant 0 : i32
      %dma_wait3A_451 = arith.constant 0 : i32
      %dma_wait3A_452 = tpu.memref_slice %arg3[%dma_wait3A_450, %dma_wait3A_451] : memref<1000000x128xf32, #tpu.memory_space<hbm>> -> memref<1000000x128xf32, #tpu.memory_space<hbm>>
      tpu.wait_indirect_dma semaphore(%arg10 : memref<!tpu.dma_semaphore, #tpu.memory_space<semaphore_mem>>) src(%dma_wait3A_452 : memref<1000000x128xf32, #tpu.memory_space<hbm>>) dst(%dma_wait3A_446 : memref<100x128xf32, #tpu.memory_space<vmem>>)
      %mul3A_453 = arith.constant 4 : i32
      %mul3A_454 = arith.muli %scan3A_65, %mul3A_453 : i32
      %add3A_455 = arith.constant 2 : i32
      %add3A_456 = arith.addi %mul3A_454, %add3A_455 : i32
      %mul3A_457 = arith.constant 2 : i32
      %mul3A_458 = arith.muli %add3A_456, %mul3A_457 : i32
      %broadcast_in_dim3A_459 = arith.constant 0.000000e+00 : f32
      %broadcast_in_dim3A_460 = vector.broadcast %broadcast_in_dim3A_459 : f32 to vector<16xf32>
      %broadcast_in_dim3A_461 = arith.constant 0.000000e+00 : f32
      %broadcast_in_dim3A_462 = vector.broadcast %broadcast_in_dim3A_461 : f32 to vector<16xf32>
      %broadcast_in_dim3A_463 = arith.constant 0.000000e+00 : f32
      %broadcast_in_dim3A_464 = vector.broadcast %broadcast_in_dim3A_463 : f32 to vector<16xf32>
      %broadcast_in_dim3A_465 = arith.constant 0.000000e+00 : f32
      %broadcast_in_dim3A_466 = vector.broadcast %broadcast_in_dim3A_465 : f32 to vector<16xf32>
      %broadcast_in_dim3A_467 = arith.constant 0.000000e+00 : f32
      %broadcast_in_dim3A_468 = vector.broadcast %broadcast_in_dim3A_467 : f32 to vector<16xf32>
      %broadcast_in_dim3A_469 = arith.constant 0.000000e+00 : f32
      %broadcast_in_dim3A_470 = vector.broadcast %broadcast_in_dim3A_469 : f32 to vector<16xf32>
      %broadcast_in_dim3A_471 = arith.constant 0.000000e+00 : f32
      %broadcast_in_dim3A_472 = vector.broadcast %broadcast_in_dim3A_471 : f32 to vector<16xf32>
      %broadcast_in_dim3A_473 = arith.constant 0.000000e+00 : f32
      %broadcast_in_dim3A_474 = vector.broadcast %broadcast_in_dim3A_473 : f32 to vector<16xf32>
      %scan3A_475 = arith.constant 2 : i32
      %scan3A_476 = arith.constant 0 : i32
      %scan3A_477 = arith.constant 25 : i32
      %scan3A_478 = arith.addi %scan3A_476, %scan3A_477 : i32
      %scan3A_479 = arith.constant 1 : i32
      %scan3A_480:8 = scf.for %scan3A_812 = %scan3A_476 to %scan3A_478 step %scan3A_479 iter_args(%scan3A_813 = %broadcast_in_dim3A_460, %scan3A_814 = %broadcast_in_dim3A_462, %scan3A_815 = %broadcast_in_dim3A_464, %scan3A_816 = %broadcast_in_dim3A_466, %scan3A_817 = %broadcast_in_dim3A_468, %scan3A_818 = %broadcast_in_dim3A_470, %scan3A_819 = %broadcast_in_dim3A_472, %scan3A_820 = %broadcast_in_dim3A_474) -> (vector<16xf32>, vector<16xf32>, vector<16xf32>, vector<16xf32>, vector<16xf32>, vector<16xf32>, vector<16xf32>, vector<16xf32>)  : i32 {
        %mul3A_821 = arith.constant 2 : i32
        %mul3A_822 = arith.muli %scan3A_812, %mul3A_821 : i32
        %add3A_823 = arith.constant 0 : i32
        %add3A_824 = arith.addi %add3A_823, %mul3A_822 : i32
        %add3A_825 = arith.constant 0 : i32
        %add3A_826 = arith.addi %add3A_824, %add3A_825 : i32
        %get3A = arith.constant 0 : i32
        %get3A_827 = arith.constant 0 : i32
        %get3A_828 = tpu.memref_slice %arg6[%scan3A_475, %get3A, %get3A_827] : memref<4x100x128xf32, #tpu.memory_space<vmem>> -> memref<1x100x128xf32, #tpu.memory_space<vmem>>
        %get3A_829 = tpu.memref_squeeze %get3A_828 : memref<1x100x128xf32, #tpu.memory_space<vmem>> -> memref<100x128xf32, #tpu.memory_space<vmem>>
        %get3A_830 = arith.index_cast %add3A_826 : i32 to index
        %get3A_831 = arith.constant 0 : index
        %get3A_832 = tpu.vector_load %get3A_829[%get3A_830, %get3A_831] {strides = array<i32>} : memref<100x128xf32, #tpu.memory_space<vmem>>, vector<1x16xf32>,
        %get3A_833 = vector.shape_cast %get3A_832 : vector<1x16xf32> to vector<16xf32>
        %add3A_834 = arith.addf %scan3A_813, %get3A_833 : vector<16xf32>
        %add3A_835 = arith.constant 0 : i32
        %add3A_836 = arith.addi %add3A_835, %mul3A_822 : i32
        %add3A_837 = arith.constant 0 : i32
        %add3A_838 = arith.addi %add3A_836, %add3A_837 : i32
        %get3A_839 = arith.constant 0 : i32
        %get3A_840 = arith.constant 0 : i32
        %get3A_841 = tpu.memref_slice %arg6[%scan3A_475, %get3A_839, %get3A_840] : memref<4x100x128xf32, #tpu.memory_space<vmem>> -> memref<1x100x128xf32, #tpu.memory_space<vmem>>
        %get3A_842 = tpu.memref_squeeze %get3A_841 : memref<1x100x128xf32, #tpu.memory_space<vmem>> -> memref<100x128xf32, #tpu.memory_space<vmem>>
        %get3A_843 = arith.index_cast %add3A_838 : i32 to index
        %get3A_844 = arith.constant 16 : index
        %get3A_845 = tpu.vector_load %get3A_842[%get3A_843, %get3A_844] {strides = array<i32>} : memref<100x128xf32, #tpu.memory_space<vmem>>, vector<1x16xf32>,
        %get3A_846 = vector.shape_cast %get3A_845 : vector<1x16xf32> to vector<16xf32>
        %add3A_847 = arith.addf %scan3A_814, %get3A_846 : vector<16xf32>
        %add3A_848 = arith.constant 0 : i32
        %add3A_849 = arith.addi %add3A_848, %mul3A_822 : i32
        %add3A_850 = arith.constant 0 : i32
        %add3A_851 = arith.addi %add3A_849, %add3A_850 : i32
        %get3A_852 = arith.constant 0 : i32
        %get3A_853 = arith.constant 0 : i32
        %get3A_854 = tpu.memref_slice %arg6[%scan3A_475, %get3A_852, %get3A_853] : memref<4x100x128xf32, #tpu.memory_space<vmem>> -> memref<1x100x128xf32, #tpu.memory_space<vmem>>
        %get3A_855 = tpu.memref_squeeze %get3A_854 : memref<1x100x128xf32, #tpu.memory_space<vmem>> -> memref<100x128xf32, #tpu.memory_space<vmem>>
        %get3A_856 = arith.index_cast %add3A_851 : i32 to index
        %get3A_857 = arith.constant 32 : index
        %get3A_858 = tpu.vector_load %get3A_855[%get3A_856, %get3A_857] {strides = array<i32>} : memref<100x128xf32, #tpu.memory_space<vmem>>, vector<1x16xf32>,
        %get3A_859 = vector.shape_cast %get3A_858 : vector<1x16xf32> to vector<16xf32>
        %add3A_860 = arith.addf %scan3A_815, %get3A_859 : vector<16xf32>
        %add3A_861 = arith.constant 0 : i32
        %add3A_862 = arith.addi %add3A_861, %mul3A_822 : i32
        %add3A_863 = arith.constant 0 : i32
        %add3A_864 = arith.addi %add3A_862, %add3A_863 : i32
        %get3A_865 = arith.constant 0 : i32
        %get3A_866 = arith.constant 0 : i32
        %get3A_867 = tpu.memref_slice %arg6[%scan3A_475, %get3A_865, %get3A_866] : memref<4x100x128xf32, #tpu.memory_space<vmem>> -> memref<1x100x128xf32, #tpu.memory_space<vmem>>
        %get3A_868 = tpu.memref_squeeze %get3A_867 : memref<1x100x128xf32, #tpu.memory_space<vmem>> -> memref<100x128xf32, #tpu.memory_space<vmem>>
        %get3A_869 = arith.index_cast %add3A_864 : i32 to index
        %get3A_870 = arith.constant 48 : index
        %get3A_871 = tpu.vector_load %get3A_868[%get3A_869, %get3A_870] {strides = array<i32>} : memref<100x128xf32, #tpu.memory_space<vmem>>, vector<1x16xf32>,
        %get3A_872 = vector.shape_cast %get3A_871 : vector<1x16xf32> to vector<16xf32>
        %add3A_873 = arith.addf %scan3A_816, %get3A_872 : vector<16xf32>
        %add3A_874 = arith.constant 0 : i32
        %add3A_875 = arith.addi %add3A_874, %mul3A_822 : i32
        %add3A_876 = arith.constant 0 : i32
        %add3A_877 = arith.addi %add3A_875, %add3A_876 : i32
        %get3A_878 = arith.constant 0 : i32
        %get3A_879 = arith.constant 0 : i32
        %get3A_880 = tpu.memref_slice %arg6[%scan3A_475, %get3A_878, %get3A_879] : memref<4x100x128xf32, #tpu.memory_space<vmem>> -> memref<1x100x128xf32, #tpu.memory_space<vmem>>
        %get3A_881 = tpu.memref_squeeze %get3A_880 : memref<1x100x128xf32, #tpu.memory_space<vmem>> -> memref<100x128xf32, #tpu.memory_space<vmem>>
        %get3A_882 = arith.index_cast %add3A_877 : i32 to index
        %get3A_883 = arith.constant 64 : index
        %get3A_884 = tpu.vector_load %get3A_881[%get3A_882, %get3A_883] {strides = array<i32>} : memref<100x128xf32, #tpu.memory_space<vmem>>, vector<1x16xf32>,
        %get3A_885 = vector.shape_cast %get3A_884 : vector<1x16xf32> to vector<16xf32>
        %add3A_886 = arith.addf %scan3A_817, %get3A_885 : vector<16xf32>
        %add3A_887 = arith.constant 0 : i32
        %add3A_888 = arith.addi %add3A_887, %mul3A_822 : i32
        %add3A_889 = arith.constant 0 : i32
        %add3A_890 = arith.addi %add3A_888, %add3A_889 : i32
        %get3A_891 = arith.constant 0 : i32
        %get3A_892 = arith.constant 0 : i32
        %get3A_893 = tpu.memref_slice %arg6[%scan3A_475, %get3A_891, %get3A_892] : memref<4x100x128xf32, #tpu.memory_space<vmem>> -> memref<1x100x128xf32, #tpu.memory_space<vmem>>
        %get3A_894 = tpu.memref_squeeze %get3A_893 : memref<1x100x128xf32, #tpu.memory_space<vmem>> -> memref<100x128xf32, #tpu.memory_space<vmem>>
        %get3A_895 = arith.index_cast %add3A_890 : i32 to index
        %get3A_896 = arith.constant 80 : index
        %get3A_897 = tpu.vector_load %get3A_894[%get3A_895, %get3A_896] {strides = array<i32>} : memref<100x128xf32, #tpu.memory_space<vmem>>, vector<1x16xf32>,
        %get3A_898 = vector.shape_cast %get3A_897 : vector<1x16xf32> to vector<16xf32>
        %add3A_899 = arith.addf %scan3A_818, %get3A_898 : vector<16xf32>
        %add3A_900 = arith.constant 0 : i32
        %add3A_901 = arith.addi %add3A_900, %mul3A_822 : i32
        %add3A_902 = arith.constant 0 : i32
        %add3A_903 = arith.addi %add3A_901, %add3A_902 : i32
        %get3A_904 = arith.constant 0 : i32
        %get3A_905 = arith.constant 0 : i32
        %get3A_906 = tpu.memref_slice %arg6[%scan3A_475, %get3A_904, %get3A_905] : memref<4x100x128xf32, #tpu.memory_space<vmem>> -> memref<1x100x128xf32, #tpu.memory_space<vmem>>
        %get3A_907 = tpu.memref_squeeze %get3A_906 : memref<1x100x128xf32, #tpu.memory_space<vmem>> -> memref<100x128xf32, #tpu.memory_space<vmem>>
        %get3A_908 = arith.index_cast %add3A_903 : i32 to index
        %get3A_909 = arith.constant 96 : index
        %get3A_910 = tpu.vector_load %get3A_907[%get3A_908, %get3A_909] {strides = array<i32>} : memref<100x128xf32, #tpu.memory_space<vmem>>, vector<1x16xf32>,
        %get3A_911 = vector.shape_cast %get3A_910 : vector<1x16xf32> to vector<16xf32>
        %add3A_912 = arith.addf %scan3A_819, %get3A_911 : vector<16xf32>
        %add3A_913 = arith.constant 0 : i32
        %add3A_914 = arith.addi %add3A_913, %mul3A_822 : i32
        %add3A_915 = arith.constant 0 : i32
        %add3A_916 = arith.addi %add3A_914, %add3A_915 : i32
        %get3A_917 = arith.constant 0 : i32
        %get3A_918 = arith.constant 0 : i32
        %get3A_919 = tpu.memref_slice %arg6[%scan3A_475, %get3A_917, %get3A_918] : memref<4x100x128xf32, #tpu.memory_space<vmem>> -> memref<1x100x128xf32, #tpu.memory_space<vmem>>
        %get3A_920 = tpu.memref_squeeze %get3A_919 : memref<1x100x128xf32, #tpu.memory_space<vmem>> -> memref<100x128xf32, #tpu.memory_space<vmem>>
        %get3A_921 = arith.index_cast %add3A_916 : i32 to index
        %get3A_922 = arith.constant 112 : index
        %get3A_923 = tpu.vector_load %get3A_920[%get3A_921, %get3A_922] {strides = array<i32>} : memref<100x128xf32, #tpu.memory_space<vmem>>, vector<1x16xf32>,
        %get3A_924 = vector.shape_cast %get3A_923 : vector<1x16xf32> to vector<16xf32>
        %add3A_925 = arith.addf %scan3A_820, %get3A_924 : vector<16xf32>
        %add3A_926 = arith.constant 0 : i32
        %add3A_927 = arith.addi %add3A_926, %mul3A_822 : i32
        %add3A_928 = arith.constant 1 : i32
        %add3A_929 = arith.addi %add3A_927, %add3A_928 : i32
        %get3A_930 = arith.constant 0 : i32
        %get3A_931 = arith.constant 0 : i32
        %get3A_932 = tpu.memref_slice %arg6[%scan3A_475, %get3A_930, %get3A_931] : memref<4x100x128xf32, #tpu.memory_space<vmem>> -> memref<1x100x128xf32, #tpu.memory_space<vmem>>
        %get3A_933 = tpu.memref_squeeze %get3A_932 : memref<1x100x128xf32, #tpu.memory_space<vmem>> -> memref<100x128xf32, #tpu.memory_space<vmem>>
        %get3A_934 = arith.index_cast %add3A_929 : i32 to index
        %get3A_935 = arith.constant 0 : index
        %get3A_936 = tpu.vector_load %get3A_933[%get3A_934, %get3A_935] {strides = array<i32>} : memref<100x128xf32, #tpu.memory_space<vmem>>, vector<1x16xf32>,
        %get3A_937 = vector.shape_cast %get3A_936 : vector<1x16xf32> to vector<16xf32>
        %add3A_938 = arith.addf %add3A_834, %get3A_937 : vector<16xf32>
        %add3A_939 = arith.constant 0 : i32
        %add3A_940 = arith.addi %add3A_939, %mul3A_822 : i32
        %add3A_941 = arith.constant 1 : i32
        %add3A_942 = arith.addi %add3A_940, %add3A_941 : i32
        %get3A_943 = arith.constant 0 : i32
        %get3A_944 = arith.constant 0 : i32
        %get3A_945 = tpu.memref_slice %arg6[%scan3A_475, %get3A_943, %get3A_944] : memref<4x100x128xf32, #tpu.memory_space<vmem>> -> memref<1x100x128xf32, #tpu.memory_space<vmem>>
        %get3A_946 = tpu.memref_squeeze %get3A_945 : memref<1x100x128xf32, #tpu.memory_space<vmem>> -> memref<100x128xf32, #tpu.memory_space<vmem>>
        %get3A_947 = arith.index_cast %add3A_942 : i32 to index
        %get3A_948 = arith.constant 16 : index
        %get3A_949 = tpu.vector_load %get3A_946[%get3A_947, %get3A_948] {strides = array<i32>} : memref<100x128xf32, #tpu.memory_space<vmem>>, vector<1x16xf32>,
        %get3A_950 = vector.shape_cast %get3A_949 : vector<1x16xf32> to vector<16xf32>
        %add3A_951 = arith.addf %add3A_847, %get3A_950 : vector<16xf32>
        %add3A_952 = arith.constant 0 : i32
        %add3A_953 = arith.addi %add3A_952, %mul3A_822 : i32
        %add3A_954 = arith.constant 1 : i32
        %add3A_955 = arith.addi %add3A_953, %add3A_954 : i32
        %get3A_956 = arith.constant 0 : i32
        %get3A_957 = arith.constant 0 : i32
        %get3A_958 = tpu.memref_slice %arg6[%scan3A_475, %get3A_956, %get3A_957] : memref<4x100x128xf32, #tpu.memory_space<vmem>> -> memref<1x100x128xf32, #tpu.memory_space<vmem>>
        %get3A_959 = tpu.memref_squeeze %get3A_958 : memref<1x100x128xf32, #tpu.memory_space<vmem>> -> memref<100x128xf32, #tpu.memory_space<vmem>>
        %get3A_960 = arith.index_cast %add3A_955 : i32 to index
        %get3A_961 = arith.constant 32 : index
        %get3A_962 = tpu.vector_load %get3A_959[%get3A_960, %get3A_961] {strides = array<i32>} : memref<100x128xf32, #tpu.memory_space<vmem>>, vector<1x16xf32>,
        %get3A_963 = vector.shape_cast %get3A_962 : vector<1x16xf32> to vector<16xf32>
        %add3A_964 = arith.addf %add3A_860, %get3A_963 : vector<16xf32>
        %add3A_965 = arith.constant 0 : i32
        %add3A_966 = arith.addi %add3A_965, %mul3A_822 : i32
        %add3A_967 = arith.constant 1 : i32
        %add3A_968 = arith.addi %add3A_966, %add3A_967 : i32
        %get3A_969 = arith.constant 0 : i32
        %get3A_970 = arith.constant 0 : i32
        %get3A_971 = tpu.memref_slice %arg6[%scan3A_475, %get3A_969, %get3A_970] : memref<4x100x128xf32, #tpu.memory_space<vmem>> -> memref<1x100x128xf32, #tpu.memory_space<vmem>>
        %get3A_972 = tpu.memref_squeeze %get3A_971 : memref<1x100x128xf32, #tpu.memory_space<vmem>> -> memref<100x128xf32, #tpu.memory_space<vmem>>
        %get3A_973 = arith.index_cast %add3A_968 : i32 to index
        %get3A_974 = arith.constant 48 : index
        %get3A_975 = tpu.vector_load %get3A_972[%get3A_973, %get3A_974] {strides = array<i32>} : memref<100x128xf32, #tpu.memory_space<vmem>>, vector<1x16xf32>,
        %get3A_976 = vector.shape_cast %get3A_975 : vector<1x16xf32> to vector<16xf32>
        %add3A_977 = arith.addf %add3A_873, %get3A_976 : vector<16xf32>
        %add3A_978 = arith.constant 0 : i32
        %add3A_979 = arith.addi %add3A_978, %mul3A_822 : i32
        %add3A_980 = arith.constant 1 : i32
        %add3A_981 = arith.addi %add3A_979, %add3A_980 : i32
        %get3A_982 = arith.constant 0 : i32
        %get3A_983 = arith.constant 0 : i32
        %get3A_984 = tpu.memref_slice %arg6[%scan3A_475, %get3A_982, %get3A_983] : memref<4x100x128xf32, #tpu.memory_space<vmem>> -> memref<1x100x128xf32, #tpu.memory_space<vmem>>
        %get3A_985 = tpu.memref_squeeze %get3A_984 : memref<1x100x128xf32, #tpu.memory_space<vmem>> -> memref<100x128xf32, #tpu.memory_space<vmem>>
        %get3A_986 = arith.index_cast %add3A_981 : i32 to index
        %get3A_987 = arith.constant 64 : index
        %get3A_988 = tpu.vector_load %get3A_985[%get3A_986, %get3A_987] {strides = array<i32>} : memref<100x128xf32, #tpu.memory_space<vmem>>, vector<1x16xf32>,
        %get3A_989 = vector.shape_cast %get3A_988 : vector<1x16xf32> to vector<16xf32>
        %add3A_990 = arith.addf %add3A_886, %get3A_989 : vector<16xf32>
        %add3A_991 = arith.constant 0 : i32
        %add3A_992 = arith.addi %add3A_991, %mul3A_822 : i32
        %add3A_993 = arith.constant 1 : i32
        %add3A_994 = arith.addi %add3A_992, %add3A_993 : i32
        %get3A_995 = arith.constant 0 : i32
        %get3A_996 = arith.constant 0 : i32
        %get3A_997 = tpu.memref_slice %arg6[%scan3A_475, %get3A_995, %get3A_996] : memref<4x100x128xf32, #tpu.memory_space<vmem>> -> memref<1x100x128xf32, #tpu.memory_space<vmem>>
        %get3A_998 = tpu.memref_squeeze %get3A_997 : memref<1x100x128xf32, #tpu.memory_space<vmem>> -> memref<100x128xf32, #tpu.memory_space<vmem>>
        %get3A_999 = arith.index_cast %add3A_994 : i32 to index
        %get3A_1000 = arith.constant 80 : index
        %get3A_1001 = tpu.vector_load %get3A_998[%get3A_999, %get3A_1000] {strides = array<i32>} : memref<100x128xf32, #tpu.memory_space<vmem>>, vector<1x16xf32>,
        %get3A_1002 = vector.shape_cast %get3A_1001 : vector<1x16xf32> to vector<16xf32>
        %add3A_1003 = arith.addf %add3A_899, %get3A_1002 : vector<16xf32>
        %add3A_1004 = arith.constant 0 : i32
        %add3A_1005 = arith.addi %add3A_1004, %mul3A_822 : i32
        %add3A_1006 = arith.constant 1 : i32
        %add3A_1007 = arith.addi %add3A_1005, %add3A_1006 : i32
        %get3A_1008 = arith.constant 0 : i32
        %get3A_1009 = arith.constant 0 : i32
        %get3A_1010 = tpu.memref_slice %arg6[%scan3A_475, %get3A_1008, %get3A_1009] : memref<4x100x128xf32, #tpu.memory_space<vmem>> -> memref<1x100x128xf32, #tpu.memory_space<vmem>>
        %get3A_1011 = tpu.memref_squeeze %get3A_1010 : memref<1x100x128xf32, #tpu.memory_space<vmem>> -> memref<100x128xf32, #tpu.memory_space<vmem>>
        %get3A_1012 = arith.index_cast %add3A_1007 : i32 to index
        %get3A_1013 = arith.constant 96 : index
        %get3A_1014 = tpu.vector_load %get3A_1011[%get3A_1012, %get3A_1013] {strides = array<i32>} : memref<100x128xf32, #tpu.memory_space<vmem>>, vector<1x16xf32>,
        %get3A_1015 = vector.shape_cast %get3A_1014 : vector<1x16xf32> to vector<16xf32>
        %add3A_1016 = arith.addf %add3A_912, %get3A_1015 : vector<16xf32>
        %add3A_1017 = arith.constant 0 : i32
        %add3A_1018 = arith.addi %add3A_1017, %mul3A_822 : i32
        %add3A_1019 = arith.constant 1 : i32
        %add3A_1020 = arith.addi %add3A_1018, %add3A_1019 : i32
        %get3A_1021 = arith.constant 0 : i32
        %get3A_1022 = arith.constant 0 : i32
        %get3A_1023 = tpu.memref_slice %arg6[%scan3A_475, %get3A_1021, %get3A_1022] : memref<4x100x128xf32, #tpu.memory_space<vmem>> -> memref<1x100x128xf32, #tpu.memory_space<vmem>>
        %get3A_1024 = tpu.memref_squeeze %get3A_1023 : memref<1x100x128xf32, #tpu.memory_space<vmem>> -> memref<100x128xf32, #tpu.memory_space<vmem>>
        %get3A_1025 = arith.index_cast %add3A_1020 : i32 to index
        %get3A_1026 = arith.constant 112 : index
        %get3A_1027 = tpu.vector_load %get3A_1024[%get3A_1025, %get3A_1026] {strides = array<i32>} : memref<100x128xf32, #tpu.memory_space<vmem>>, vector<1x16xf32>,
        %get3A_1028 = vector.shape_cast %get3A_1027 : vector<1x16xf32> to vector<16xf32>
        %add3A_1029 = arith.addf %add3A_925, %get3A_1028 : vector<16xf32>
        scf.yield %add3A_938, %add3A_951, %add3A_964, %add3A_977, %add3A_990, %add3A_1003, %add3A_1016, %add3A_1029 : vector<16xf32>, vector<16xf32>, vector<16xf32>, vector<16xf32>, vector<16xf32>, vector<16xf32>, vector<16xf32>, vector<16xf32>
      }
      %scan3A_481 = arith.constant 25 : i32
      %add3A_482 = arith.constant 0 : i32
      %add3A_483 = arith.addi %mul3A_458, %add3A_482 : i32
      %swap3A_484 = arith.index_cast %add3A_483 : i32 to index
      %swap3A_485 = arith.constant 0 : index
      %swap3A_486 = tpu.vector_load %arg7[%swap3A_484, %swap3A_485] {strides = array<i32>} : memref<256x128xf32, #tpu.memory_space<vmem>>, vector<1x16xf32>,
      %swap3A_487 = vector.shape_cast %swap3A_486 : vector<1x16xf32> to vector<16xf32>
      %swap3A_488 = vector.shape_cast %scan3A_480#0 : vector<16xf32> to vector<1x16xf32>
      tpu.vector_store %arg7[%swap3A_484, %swap3A_485], %swap3A_488 {strides = array<i32>} : memref<256x128xf32, #tpu.memory_space<vmem>>, vector<1x16xf32>,
      %add3A_489 = arith.constant 0 : i32
      %add3A_490 = arith.addi %mul3A_458, %add3A_489 : i32
      %swap3A_491 = arith.index_cast %add3A_490 : i32 to index
      %swap3A_492 = arith.constant 16 : index
      %swap3A_493 = tpu.vector_load %arg7[%swap3A_491, %swap3A_492] {strides = array<i32>} : memref<256x128xf32, #tpu.memory_space<vmem>>, vector<1x16xf32>,
      %swap3A_494 = vector.shape_cast %swap3A_493 : vector<1x16xf32> to vector<16xf32>
      %swap3A_495 = vector.shape_cast %scan3A_480#1 : vector<16xf32> to vector<1x16xf32>
      tpu.vector_store %arg7[%swap3A_491, %swap3A_492], %swap3A_495 {strides = array<i32>} : memref<256x128xf32, #tpu.memory_space<vmem>>, vector<1x16xf32>,
      %add3A_496 = arith.constant 0 : i32
      %add3A_497 = arith.addi %mul3A_458, %add3A_496 : i32
      %swap3A_498 = arith.index_cast %add3A_497 : i32 to index
      %swap3A_499 = arith.constant 32 : index
      %swap3A_500 = tpu.vector_load %arg7[%swap3A_498, %swap3A_499] {strides = array<i32>} : memref<256x128xf32, #tpu.memory_space<vmem>>, vector<1x16xf32>,
      %swap3A_501 = vector.shape_cast %swap3A_500 : vector<1x16xf32> to vector<16xf32>
      %swap3A_502 = vector.shape_cast %scan3A_480#2 : vector<16xf32> to vector<1x16xf32>
      tpu.vector_store %arg7[%swap3A_498, %swap3A_499], %swap3A_502 {strides = array<i32>} : memref<256x128xf32, #tpu.memory_space<vmem>>, vector<1x16xf32>,
      %add3A_503 = arith.constant 0 : i32
      %add3A_504 = arith.addi %mul3A_458, %add3A_503 : i32
      %swap3A_505 = arith.index_cast %add3A_504 : i32 to index
      %swap3A_506 = arith.constant 48 : index
      %swap3A_507 = tpu.vector_load %arg7[%swap3A_505, %swap3A_506] {strides = array<i32>} : memref<256x128xf32, #tpu.memory_space<vmem>>, vector<1x16xf32>,
      %swap3A_508 = vector.shape_cast %swap3A_507 : vector<1x16xf32> to vector<16xf32>
      %swap3A_509 = vector.shape_cast %scan3A_480#3 : vector<16xf32> to vector<1x16xf32>
      tpu.vector_store %arg7[%swap3A_505, %swap3A_506], %swap3A_509 {strides = array<i32>} : memref<256x128xf32, #tpu.memory_space<vmem>>, vector<1x16xf32>,
      %add3A_510 = arith.constant 0 : i32
      %add3A_511 = arith.addi %mul3A_458, %add3A_510 : i32
      %swap3A_512 = arith.index_cast %add3A_511 : i32 to index
      %swap3A_513 = arith.constant 64 : index
      %swap3A_514 = tpu.vector_load %arg7[%swap3A_512, %swap3A_513] {strides = array<i32>} : memref<256x128xf32, #tpu.memory_space<vmem>>, vector<1x16xf32>,
      %swap3A_515 = vector.shape_cast %swap3A_514 : vector<1x16xf32> to vector<16xf32>
      %swap3A_516 = vector.shape_cast %scan3A_480#4 : vector<16xf32> to vector<1x16xf32>
      tpu.vector_store %arg7[%swap3A_512, %swap3A_513], %swap3A_516 {strides = array<i32>} : memref<256x128xf32, #tpu.memory_space<vmem>>, vector<1x16xf32>,
      %add3A_517 = arith.constant 0 : i32
      %add3A_518 = arith.addi %mul3A_458, %add3A_517 : i32
      %swap3A_519 = arith.index_cast %add3A_518 : i32 to index
      %swap3A_520 = arith.constant 80 : index
      %swap3A_521 = tpu.vector_load %arg7[%swap3A_519, %swap3A_520] {strides = array<i32>} : memref<256x128xf32, #tpu.memory_space<vmem>>, vector<1x16xf32>,
      %swap3A_522 = vector.shape_cast %swap3A_521 : vector<1x16xf32> to vector<16xf32>
      %swap3A_523 = vector.shape_cast %scan3A_480#5 : vector<16xf32> to vector<1x16xf32>
      tpu.vector_store %arg7[%swap3A_519, %swap3A_520], %swap3A_523 {strides = array<i32>} : memref<256x128xf32, #tpu.memory_space<vmem>>, vector<1x16xf32>,
      %add3A_524 = arith.constant 0 : i32
      %add3A_525 = arith.addi %mul3A_458, %add3A_524 : i32
      %swap3A_526 = arith.index_cast %add3A_525 : i32 to index
      %swap3A_527 = arith.constant 96 : index
      %swap3A_528 = tpu.vector_load %arg7[%swap3A_526, %swap3A_527] {strides = array<i32>} : memref<256x128xf32, #tpu.memory_space<vmem>>, vector<1x16xf32>,
      %swap3A_529 = vector.shape_cast %swap3A_528 : vector<1x16xf32> to vector<16xf32>
      %swap3A_530 = vector.shape_cast %scan3A_480#6 : vector<16xf32> to vector<1x16xf32>
      tpu.vector_store %arg7[%swap3A_526, %swap3A_527], %swap3A_530 {strides = array<i32>} : memref<256x128xf32, #tpu.memory_space<vmem>>, vector<1x16xf32>,
      %add3A_531 = arith.constant 0 : i32
      %add3A_532 = arith.addi %mul3A_458, %add3A_531 : i32
      %swap3A_533 = arith.index_cast %add3A_532 : i32 to index
      %swap3A_534 = arith.constant 112 : index
      %swap3A_535 = tpu.vector_load %arg7[%swap3A_533, %swap3A_534] {strides = array<i32>} : memref<256x128xf32, #tpu.memory_space<vmem>>, vector<1x16xf32>,
      %swap3A_536 = vector.shape_cast %swap3A_535 : vector<1x16xf32> to vector<16xf32>
      %swap3A_537 = vector.shape_cast %scan3A_480#7 : vector<16xf32> to vector<1x16xf32>
      tpu.vector_store %arg7[%swap3A_533, %swap3A_534], %swap3A_537 {strides = array<i32>} : memref<256x128xf32, #tpu.memory_space<vmem>>, vector<1x16xf32>,
      %broadcast_in_dim3A_538 = arith.constant 0.000000e+00 : f32
      %broadcast_in_dim3A_539 = vector.broadcast %broadcast_in_dim3A_538 : f32 to vector<16xf32>
      %broadcast_in_dim3A_540 = arith.constant 0.000000e+00 : f32
      %broadcast_in_dim3A_541 = vector.broadcast %broadcast_in_dim3A_540 : f32 to vector<16xf32>
      %broadcast_in_dim3A_542 = arith.constant 0.000000e+00 : f32
      %broadcast_in_dim3A_543 = vector.broadcast %broadcast_in_dim3A_542 : f32 to vector<16xf32>
      %broadcast_in_dim3A_544 = arith.constant 0.000000e+00 : f32
      %broadcast_in_dim3A_545 = vector.broadcast %broadcast_in_dim3A_544 : f32 to vector<16xf32>
      %broadcast_in_dim3A_546 = arith.constant 0.000000e+00 : f32
      %broadcast_in_dim3A_547 = vector.broadcast %broadcast_in_dim3A_546 : f32 to vector<16xf32>
      %broadcast_in_dim3A_548 = arith.constant 0.000000e+00 : f32
      %broadcast_in_dim3A_549 = vector.broadcast %broadcast_in_dim3A_548 : f32 to vector<16xf32>
      %broadcast_in_dim3A_550 = arith.constant 0.000000e+00 : f32
      %broadcast_in_dim3A_551 = vector.broadcast %broadcast_in_dim3A_550 : f32 to vector<16xf32>
      %broadcast_in_dim3A_552 = arith.constant 0.000000e+00 : f32
      %broadcast_in_dim3A_553 = vector.broadcast %broadcast_in_dim3A_552 : f32 to vector<16xf32>
      %scan3A_554 = arith.constant 2 : i32
      %scan3A_555 = arith.constant 0 : i32
      %scan3A_556 = arith.constant 25 : i32
      %scan3A_557 = arith.addi %scan3A_555, %scan3A_556 : i32
      %scan3A_558 = arith.constant 1 : i32
      %scan3A_559:8 = scf.for %scan3A_812 = %scan3A_555 to %scan3A_557 step %scan3A_558 iter_args(%scan3A_813 = %broadcast_in_dim3A_539, %scan3A_814 = %broadcast_in_dim3A_541, %scan3A_815 = %broadcast_in_dim3A_543, %scan3A_816 = %broadcast_in_dim3A_545, %scan3A_817 = %broadcast_in_dim3A_547, %scan3A_818 = %broadcast_in_dim3A_549, %scan3A_819 = %broadcast_in_dim3A_551, %scan3A_820 = %broadcast_in_dim3A_553) -> (vector<16xf32>, vector<16xf32>, vector<16xf32>, vector<16xf32>, vector<16xf32>, vector<16xf32>, vector<16xf32>, vector<16xf32>)  : i32 {
        %mul3A_821 = arith.constant 2 : i32
        %mul3A_822 = arith.muli %scan3A_812, %mul3A_821 : i32
        %add3A_823 = arith.constant 50 : i32
        %add3A_824 = arith.addi %add3A_823, %mul3A_822 : i32
        %add3A_825 = arith.constant 0 : i32
        %add3A_826 = arith.addi %add3A_824, %add3A_825 : i32
        %get3A = arith.constant 0 : i32
        %get3A_827 = arith.constant 0 : i32
        %get3A_828 = tpu.memref_slice %arg6[%scan3A_554, %get3A, %get3A_827] : memref<4x100x128xf32, #tpu.memory_space<vmem>> -> memref<1x100x128xf32, #tpu.memory_space<vmem>>
        %get3A_829 = tpu.memref_squeeze %get3A_828 : memref<1x100x128xf32, #tpu.memory_space<vmem>> -> memref<100x128xf32, #tpu.memory_space<vmem>>
        %get3A_830 = arith.index_cast %add3A_826 : i32 to index
        %get3A_831 = arith.constant 0 : index
        %get3A_832 = tpu.vector_load %get3A_829[%get3A_830, %get3A_831] {strides = array<i32>} : memref<100x128xf32, #tpu.memory_space<vmem>>, vector<1x16xf32>,
        %get3A_833 = vector.shape_cast %get3A_832 : vector<1x16xf32> to vector<16xf32>
        %add3A_834 = arith.addf %scan3A_813, %get3A_833 : vector<16xf32>
        %add3A_835 = arith.constant 50 : i32
        %add3A_836 = arith.addi %add3A_835, %mul3A_822 : i32
        %add3A_837 = arith.constant 0 : i32
        %add3A_838 = arith.addi %add3A_836, %add3A_837 : i32
        %get3A_839 = arith.constant 0 : i32
        %get3A_840 = arith.constant 0 : i32
        %get3A_841 = tpu.memref_slice %arg6[%scan3A_554, %get3A_839, %get3A_840] : memref<4x100x128xf32, #tpu.memory_space<vmem>> -> memref<1x100x128xf32, #tpu.memory_space<vmem>>
        %get3A_842 = tpu.memref_squeeze %get3A_841 : memref<1x100x128xf32, #tpu.memory_space<vmem>> -> memref<100x128xf32, #tpu.memory_space<vmem>>
        %get3A_843 = arith.index_cast %add3A_838 : i32 to index
        %get3A_844 = arith.constant 16 : index
        %get3A_845 = tpu.vector_load %get3A_842[%get3A_843, %get3A_844] {strides = array<i32>} : memref<100x128xf32, #tpu.memory_space<vmem>>, vector<1x16xf32>,
        %get3A_846 = vector.shape_cast %get3A_845 : vector<1x16xf32> to vector<16xf32>
        %add3A_847 = arith.addf %scan3A_814, %get3A_846 : vector<16xf32>
        %add3A_848 = arith.constant 50 : i32
        %add3A_849 = arith.addi %add3A_848, %mul3A_822 : i32
        %add3A_850 = arith.constant 0 : i32
        %add3A_851 = arith.addi %add3A_849, %add3A_850 : i32
        %get3A_852 = arith.constant 0 : i32
        %get3A_853 = arith.constant 0 : i32
        %get3A_854 = tpu.memref_slice %arg6[%scan3A_554, %get3A_852, %get3A_853] : memref<4x100x128xf32, #tpu.memory_space<vmem>> -> memref<1x100x128xf32, #tpu.memory_space<vmem>>
        %get3A_855 = tpu.memref_squeeze %get3A_854 : memref<1x100x128xf32, #tpu.memory_space<vmem>> -> memref<100x128xf32, #tpu.memory_space<vmem>>
        %get3A_856 = arith.index_cast %add3A_851 : i32 to index
        %get3A_857 = arith.constant 32 : index
        %get3A_858 = tpu.vector_load %get3A_855[%get3A_856, %get3A_857] {strides = array<i32>} : memref<100x128xf32, #tpu.memory_space<vmem>>, vector<1x16xf32>,
        %get3A_859 = vector.shape_cast %get3A_858 : vector<1x16xf32> to vector<16xf32>
        %add3A_860 = arith.addf %scan3A_815, %get3A_859 : vector<16xf32>
        %add3A_861 = arith.constant 50 : i32
        %add3A_862 = arith.addi %add3A_861, %mul3A_822 : i32
        %add3A_863 = arith.constant 0 : i32
        %add3A_864 = arith.addi %add3A_862, %add3A_863 : i32
        %get3A_865 = arith.constant 0 : i32
        %get3A_866 = arith.constant 0 : i32
        %get3A_867 = tpu.memref_slice %arg6[%scan3A_554, %get3A_865, %get3A_866] : memref<4x100x128xf32, #tpu.memory_space<vmem>> -> memref<1x100x128xf32, #tpu.memory_space<vmem>>
        %get3A_868 = tpu.memref_squeeze %get3A_867 : memref<1x100x128xf32, #tpu.memory_space<vmem>> -> memref<100x128xf32, #tpu.memory_space<vmem>>
        %get3A_869 = arith.index_cast %add3A_864 : i32 to index
        %get3A_870 = arith.constant 48 : index
        %get3A_871 = tpu.vector_load %get3A_868[%get3A_869, %get3A_870] {strides = array<i32>} : memref<100x128xf32, #tpu.memory_space<vmem>>, vector<1x16xf32>,
        %get3A_872 = vector.shape_cast %get3A_871 : vector<1x16xf32> to vector<16xf32>
        %add3A_873 = arith.addf %scan3A_816, %get3A_872 : vector<16xf32>
        %add3A_874 = arith.constant 50 : i32
        %add3A_875 = arith.addi %add3A_874, %mul3A_822 : i32
        %add3A_876 = arith.constant 0 : i32
        %add3A_877 = arith.addi %add3A_875, %add3A_876 : i32
        %get3A_878 = arith.constant 0 : i32
        %get3A_879 = arith.constant 0 : i32
        %get3A_880 = tpu.memref_slice %arg6[%scan3A_554, %get3A_878, %get3A_879] : memref<4x100x128xf32, #tpu.memory_space<vmem>> -> memref<1x100x128xf32, #tpu.memory_space<vmem>>
        %get3A_881 = tpu.memref_squeeze %get3A_880 : memref<1x100x128xf32, #tpu.memory_space<vmem>> -> memref<100x128xf32, #tpu.memory_space<vmem>>
        %get3A_882 = arith.index_cast %add3A_877 : i32 to index
        %get3A_883 = arith.constant 64 : index
        %get3A_884 = tpu.vector_load %get3A_881[%get3A_882, %get3A_883] {strides = array<i32>} : memref<100x128xf32, #tpu.memory_space<vmem>>, vector<1x16xf32>,
        %get3A_885 = vector.shape_cast %get3A_884 : vector<1x16xf32> to vector<16xf32>
        %add3A_886 = arith.addf %scan3A_817, %get3A_885 : vector<16xf32>
        %add3A_887 = arith.constant 50 : i32
        %add3A_888 = arith.addi %add3A_887, %mul3A_822 : i32
        %add3A_889 = arith.constant 0 : i32
        %add3A_890 = arith.addi %add3A_888, %add3A_889 : i32
        %get3A_891 = arith.constant 0 : i32
        %get3A_892 = arith.constant 0 : i32
        %get3A_893 = tpu.memref_slice %arg6[%scan3A_554, %get3A_891, %get3A_892] : memref<4x100x128xf32, #tpu.memory_space<vmem>> -> memref<1x100x128xf32, #tpu.memory_space<vmem>>
        %get3A_894 = tpu.memref_squeeze %get3A_893 : memref<1x100x128xf32, #tpu.memory_space<vmem>> -> memref<100x128xf32, #tpu.memory_space<vmem>>
        %get3A_895 = arith.index_cast %add3A_890 : i32 to index
        %get3A_896 = arith.constant 80 : index
        %get3A_897 = tpu.vector_load %get3A_894[%get3A_895, %get3A_896] {strides = array<i32>} : memref<100x128xf32, #tpu.memory_space<vmem>>, vector<1x16xf32>,
        %get3A_898 = vector.shape_cast %get3A_897 : vector<1x16xf32> to vector<16xf32>
        %add3A_899 = arith.addf %scan3A_818, %get3A_898 : vector<16xf32>
        %add3A_900 = arith.constant 50 : i32
        %add3A_901 = arith.addi %add3A_900, %mul3A_822 : i32
        %add3A_902 = arith.constant 0 : i32
        %add3A_903 = arith.addi %add3A_901, %add3A_902 : i32
        %get3A_904 = arith.constant 0 : i32
        %get3A_905 = arith.constant 0 : i32
        %get3A_906 = tpu.memref_slice %arg6[%scan3A_554, %get3A_904, %get3A_905] : memref<4x100x128xf32, #tpu.memory_space<vmem>> -> memref<1x100x128xf32, #tpu.memory_space<vmem>>
        %get3A_907 = tpu.memref_squeeze %get3A_906 : memref<1x100x128xf32, #tpu.memory_space<vmem>> -> memref<100x128xf32, #tpu.memory_space<vmem>>
        %get3A_908 = arith.index_cast %add3A_903 : i32 to index
        %get3A_909 = arith.constant 96 : index
        %get3A_910 = tpu.vector_load %get3A_907[%get3A_908, %get3A_909] {strides = array<i32>} : memref<100x128xf32, #tpu.memory_space<vmem>>, vector<1x16xf32>,
        %get3A_911 = vector.shape_cast %get3A_910 : vector<1x16xf32> to vector<16xf32>
        %add3A_912 = arith.addf %scan3A_819, %get3A_911 : vector<16xf32>
        %add3A_913 = arith.constant 50 : i32
        %add3A_914 = arith.addi %add3A_913, %mul3A_822 : i32
        %add3A_915 = arith.constant 0 : i32
        %add3A_916 = arith.addi %add3A_914, %add3A_915 : i32
        %get3A_917 = arith.constant 0 : i32
        %get3A_918 = arith.constant 0 : i32
        %get3A_919 = tpu.memref_slice %arg6[%scan3A_554, %get3A_917, %get3A_918] : memref<4x100x128xf32, #tpu.memory_space<vmem>> -> memref<1x100x128xf32, #tpu.memory_space<vmem>>
        %get3A_920 = tpu.memref_squeeze %get3A_919 : memref<1x100x128xf32, #tpu.memory_space<vmem>> -> memref<100x128xf32, #tpu.memory_space<vmem>>
        %get3A_921 = arith.index_cast %add3A_916 : i32 to index
        %get3A_922 = arith.constant 112 : index
        %get3A_923 = tpu.vector_load %get3A_920[%get3A_921, %get3A_922] {strides = array<i32>} : memref<100x128xf32, #tpu.memory_space<vmem>>, vector<1x16xf32>,
        %get3A_924 = vector.shape_cast %get3A_923 : vector<1x16xf32> to vector<16xf32>
        %add3A_925 = arith.addf %scan3A_820, %get3A_924 : vector<16xf32>
        %add3A_926 = arith.constant 50 : i32
        %add3A_927 = arith.addi %add3A_926, %mul3A_822 : i32
        %add3A_928 = arith.constant 1 : i32
        %add3A_929 = arith.addi %add3A_927, %add3A_928 : i32
        %get3A_930 = arith.constant 0 : i32
        %get3A_931 = arith.constant 0 : i32
        %get3A_932 = tpu.memref_slice %arg6[%scan3A_554, %get3A_930, %get3A_931] : memref<4x100x128xf32, #tpu.memory_space<vmem>> -> memref<1x100x128xf32, #tpu.memory_space<vmem>>
        %get3A_933 = tpu.memref_squeeze %get3A_932 : memref<1x100x128xf32, #tpu.memory_space<vmem>> -> memref<100x128xf32, #tpu.memory_space<vmem>>
        %get3A_934 = arith.index_cast %add3A_929 : i32 to index
        %get3A_935 = arith.constant 0 : index
        %get3A_936 = tpu.vector_load %get3A_933[%get3A_934, %get3A_935] {strides = array<i32>} : memref<100x128xf32, #tpu.memory_space<vmem>>, vector<1x16xf32>,
        %get3A_937 = vector.shape_cast %get3A_936 : vector<1x16xf32> to vector<16xf32>
        %add3A_938 = arith.addf %add3A_834, %get3A_937 : vector<16xf32>
        %add3A_939 = arith.constant 50 : i32
        %add3A_940 = arith.addi %add3A_939, %mul3A_822 : i32
        %add3A_941 = arith.constant 1 : i32
        %add3A_942 = arith.addi %add3A_940, %add3A_941 : i32
        %get3A_943 = arith.constant 0 : i32
        %get3A_944 = arith.constant 0 : i32
        %get3A_945 = tpu.memref_slice %arg6[%scan3A_554, %get3A_943, %get3A_944] : memref<4x100x128xf32, #tpu.memory_space<vmem>> -> memref<1x100x128xf32, #tpu.memory_space<vmem>>
        %get3A_946 = tpu.memref_squeeze %get3A_945 : memref<1x100x128xf32, #tpu.memory_space<vmem>> -> memref<100x128xf32, #tpu.memory_space<vmem>>
        %get3A_947 = arith.index_cast %add3A_942 : i32 to index
        %get3A_948 = arith.constant 16 : index
        %get3A_949 = tpu.vector_load %get3A_946[%get3A_947, %get3A_948] {strides = array<i32>} : memref<100x128xf32, #tpu.memory_space<vmem>>, vector<1x16xf32>,
        %get3A_950 = vector.shape_cast %get3A_949 : vector<1x16xf32> to vector<16xf32>
        %add3A_951 = arith.addf %add3A_847, %get3A_950 : vector<16xf32>
        %add3A_952 = arith.constant 50 : i32
        %add3A_953 = arith.addi %add3A_952, %mul3A_822 : i32
        %add3A_954 = arith.constant 1 : i32
        %add3A_955 = arith.addi %add3A_953, %add3A_954 : i32
        %get3A_956 = arith.constant 0 : i32
        %get3A_957 = arith.constant 0 : i32
        %get3A_958 = tpu.memref_slice %arg6[%scan3A_554, %get3A_956, %get3A_957] : memref<4x100x128xf32, #tpu.memory_space<vmem>> -> memref<1x100x128xf32, #tpu.memory_space<vmem>>
        %get3A_959 = tpu.memref_squeeze %get3A_958 : memref<1x100x128xf32, #tpu.memory_space<vmem>> -> memref<100x128xf32, #tpu.memory_space<vmem>>
        %get3A_960 = arith.index_cast %add3A_955 : i32 to index
        %get3A_961 = arith.constant 32 : index
        %get3A_962 = tpu.vector_load %get3A_959[%get3A_960, %get3A_961] {strides = array<i32>} : memref<100x128xf32, #tpu.memory_space<vmem>>, vector<1x16xf32>,
        %get3A_963 = vector.shape_cast %get3A_962 : vector<1x16xf32> to vector<16xf32>
        %add3A_964 = arith.addf %add3A_860, %get3A_963 : vector<16xf32>
        %add3A_965 = arith.constant 50 : i32
        %add3A_966 = arith.addi %add3A_965, %mul3A_822 : i32
        %add3A_967 = arith.constant 1 : i32
        %add3A_968 = arith.addi %add3A_966, %add3A_967 : i32
        %get3A_969 = arith.constant 0 : i32
        %get3A_970 = arith.constant 0 : i32
        %get3A_971 = tpu.memref_slice %arg6[%scan3A_554, %get3A_969, %get3A_970] : memref<4x100x128xf32, #tpu.memory_space<vmem>> -> memref<1x100x128xf32, #tpu.memory_space<vmem>>
        %get3A_972 = tpu.memref_squeeze %get3A_971 : memref<1x100x128xf32, #tpu.memory_space<vmem>> -> memref<100x128xf32, #tpu.memory_space<vmem>>
        %get3A_973 = arith.index_cast %add3A_968 : i32 to index
        %get3A_974 = arith.constant 48 : index
        %get3A_975 = tpu.vector_load %get3A_972[%get3A_973, %get3A_974] {strides = array<i32>} : memref<100x128xf32, #tpu.memory_space<vmem>>, vector<1x16xf32>,
        %get3A_976 = vector.shape_cast %get3A_975 : vector<1x16xf32> to vector<16xf32>
        %add3A_977 = arith.addf %add3A_873, %get3A_976 : vector<16xf32>
        %add3A_978 = arith.constant 50 : i32
        %add3A_979 = arith.addi %add3A_978, %mul3A_822 : i32
        %add3A_980 = arith.constant 1 : i32
        %add3A_981 = arith.addi %add3A_979, %add3A_980 : i32
        %get3A_982 = arith.constant 0 : i32
        %get3A_983 = arith.constant 0 : i32
        %get3A_984 = tpu.memref_slice %arg6[%scan3A_554, %get3A_982, %get3A_983] : memref<4x100x128xf32, #tpu.memory_space<vmem>> -> memref<1x100x128xf32, #tpu.memory_space<vmem>>
        %get3A_985 = tpu.memref_squeeze %get3A_984 : memref<1x100x128xf32, #tpu.memory_space<vmem>> -> memref<100x128xf32, #tpu.memory_space<vmem>>
        %get3A_986 = arith.index_cast %add3A_981 : i32 to index
        %get3A_987 = arith.constant 64 : index
        %get3A_988 = tpu.vector_load %get3A_985[%get3A_986, %get3A_987] {strides = array<i32>} : memref<100x128xf32, #tpu.memory_space<vmem>>, vector<1x16xf32>,
        %get3A_989 = vector.shape_cast %get3A_988 : vector<1x16xf32> to vector<16xf32>
        %add3A_990 = arith.addf %add3A_886, %get3A_989 : vector<16xf32>
        %add3A_991 = arith.constant 50 : i32
        %add3A_992 = arith.addi %add3A_991, %mul3A_822 : i32
        %add3A_993 = arith.constant 1 : i32
        %add3A_994 = arith.addi %add3A_992, %add3A_993 : i32
        %get3A_995 = arith.constant 0 : i32
        %get3A_996 = arith.constant 0 : i32
        %get3A_997 = tpu.memref_slice %arg6[%scan3A_554, %get3A_995, %get3A_996] : memref<4x100x128xf32, #tpu.memory_space<vmem>> -> memref<1x100x128xf32, #tpu.memory_space<vmem>>
        %get3A_998 = tpu.memref_squeeze %get3A_997 : memref<1x100x128xf32, #tpu.memory_space<vmem>> -> memref<100x128xf32, #tpu.memory_space<vmem>>
        %get3A_999 = arith.index_cast %add3A_994 : i32 to index
        %get3A_1000 = arith.constant 80 : index
        %get3A_1001 = tpu.vector_load %get3A_998[%get3A_999, %get3A_1000] {strides = array<i32>} : memref<100x128xf32, #tpu.memory_space<vmem>>, vector<1x16xf32>,
        %get3A_1002 = vector.shape_cast %get3A_1001 : vector<1x16xf32> to vector<16xf32>
        %add3A_1003 = arith.addf %add3A_899, %get3A_1002 : vector<16xf32>
        %add3A_1004 = arith.constant 50 : i32
        %add3A_1005 = arith.addi %add3A_1004, %mul3A_822 : i32
        %add3A_1006 = arith.constant 1 : i32
        %add3A_1007 = arith.addi %add3A_1005, %add3A_1006 : i32
        %get3A_1008 = arith.constant 0 : i32
        %get3A_1009 = arith.constant 0 : i32
        %get3A_1010 = tpu.memref_slice %arg6[%scan3A_554, %get3A_1008, %get3A_1009] : memref<4x100x128xf32, #tpu.memory_space<vmem>> -> memref<1x100x128xf32, #tpu.memory_space<vmem>>
        %get3A_1011 = tpu.memref_squeeze %get3A_1010 : memref<1x100x128xf32, #tpu.memory_space<vmem>> -> memref<100x128xf32, #tpu.memory_space<vmem>>
        %get3A_1012 = arith.index_cast %add3A_1007 : i32 to index
        %get3A_1013 = arith.constant 96 : index
        %get3A_1014 = tpu.vector_load %get3A_1011[%get3A_1012, %get3A_1013] {strides = array<i32>} : memref<100x128xf32, #tpu.memory_space<vmem>>, vector<1x16xf32>,
        %get3A_1015 = vector.shape_cast %get3A_1014 : vector<1x16xf32> to vector<16xf32>
        %add3A_1016 = arith.addf %add3A_912, %get3A_1015 : vector<16xf32>
        %add3A_1017 = arith.constant 50 : i32
        %add3A_1018 = arith.addi %add3A_1017, %mul3A_822 : i32
        %add3A_1019 = arith.constant 1 : i32
        %add3A_1020 = arith.addi %add3A_1018, %add3A_1019 : i32
        %get3A_1021 = arith.constant 0 : i32
        %get3A_1022 = arith.constant 0 : i32
        %get3A_1023 = tpu.memref_slice %arg6[%scan3A_554, %get3A_1021, %get3A_1022] : memref<4x100x128xf32, #tpu.memory_space<vmem>> -> memref<1x100x128xf32, #tpu.memory_space<vmem>>
        %get3A_1024 = tpu.memref_squeeze %get3A_1023 : memref<1x100x128xf32, #tpu.memory_space<vmem>> -> memref<100x128xf32, #tpu.memory_space<vmem>>
        %get3A_1025 = arith.index_cast %add3A_1020 : i32 to index
        %get3A_1026 = arith.constant 112 : index
        %get3A_1027 = tpu.vector_load %get3A_1024[%get3A_1025, %get3A_1026] {strides = array<i32>} : memref<100x128xf32, #tpu.memory_space<vmem>>, vector<1x16xf32>,
        %get3A_1028 = vector.shape_cast %get3A_1027 : vector<1x16xf32> to vector<16xf32>
        %add3A_1029 = arith.addf %add3A_925, %get3A_1028 : vector<16xf32>
        scf.yield %add3A_938, %add3A_951, %add3A_964, %add3A_977, %add3A_990, %add3A_1003, %add3A_1016, %add3A_1029 : vector<16xf32>, vector<16xf32>, vector<16xf32>, vector<16xf32>, vector<16xf32>, vector<16xf32>, vector<16xf32>, vector<16xf32>
      }
      %scan3A_560 = arith.constant 25 : i32
      %add3A_561 = arith.constant 1 : i32
      %add3A_562 = arith.addi %mul3A_458, %add3A_561 : i32
      %swap3A_563 = arith.index_cast %add3A_562 : i32 to index
      %swap3A_564 = arith.constant 0 : index
      %swap3A_565 = tpu.vector_load %arg7[%swap3A_563, %swap3A_564] {strides = array<i32>} : memref<256x128xf32, #tpu.memory_space<vmem>>, vector<1x16xf32>,
      %swap3A_566 = vector.shape_cast %swap3A_565 : vector<1x16xf32> to vector<16xf32>
      %swap3A_567 = vector.shape_cast %scan3A_559#0 : vector<16xf32> to vector<1x16xf32>
      tpu.vector_store %arg7[%swap3A_563, %swap3A_564], %swap3A_567 {strides = array<i32>} : memref<256x128xf32, #tpu.memory_space<vmem>>, vector<1x16xf32>,
      %add3A_568 = arith.constant 1 : i32
      %add3A_569 = arith.addi %mul3A_458, %add3A_568 : i32
      %swap3A_570 = arith.index_cast %add3A_569 : i32 to index
      %swap3A_571 = arith.constant 16 : index
      %swap3A_572 = tpu.vector_load %arg7[%swap3A_570, %swap3A_571] {strides = array<i32>} : memref<256x128xf32, #tpu.memory_space<vmem>>, vector<1x16xf32>,
      %swap3A_573 = vector.shape_cast %swap3A_572 : vector<1x16xf32> to vector<16xf32>
      %swap3A_574 = vector.shape_cast %scan3A_559#1 : vector<16xf32> to vector<1x16xf32>
      tpu.vector_store %arg7[%swap3A_570, %swap3A_571], %swap3A_574 {strides = array<i32>} : memref<256x128xf32, #tpu.memory_space<vmem>>, vector<1x16xf32>,
      %add3A_575 = arith.constant 1 : i32
      %add3A_576 = arith.addi %mul3A_458, %add3A_575 : i32
      %swap3A_577 = arith.index_cast %add3A_576 : i32 to index
      %swap3A_578 = arith.constant 32 : index
      %swap3A_579 = tpu.vector_load %arg7[%swap3A_577, %swap3A_578] {strides = array<i32>} : memref<256x128xf32, #tpu.memory_space<vmem>>, vector<1x16xf32>,
      %swap3A_580 = vector.shape_cast %swap3A_579 : vector<1x16xf32> to vector<16xf32>
      %swap3A_581 = vector.shape_cast %scan3A_559#2 : vector<16xf32> to vector<1x16xf32>
      tpu.vector_store %arg7[%swap3A_577, %swap3A_578], %swap3A_581 {strides = array<i32>} : memref<256x128xf32, #tpu.memory_space<vmem>>, vector<1x16xf32>,
      %add3A_582 = arith.constant 1 : i32
      %add3A_583 = arith.addi %mul3A_458, %add3A_582 : i32
      %swap3A_584 = arith.index_cast %add3A_583 : i32 to index
      %swap3A_585 = arith.constant 48 : index
      %swap3A_586 = tpu.vector_load %arg7[%swap3A_584, %swap3A_585] {strides = array<i32>} : memref<256x128xf32, #tpu.memory_space<vmem>>, vector<1x16xf32>,
      %swap3A_587 = vector.shape_cast %swap3A_586 : vector<1x16xf32> to vector<16xf32>
      %swap3A_588 = vector.shape_cast %scan3A_559#3 : vector<16xf32> to vector<1x16xf32>
      tpu.vector_store %arg7[%swap3A_584, %swap3A_585], %swap3A_588 {strides = array<i32>} : memref<256x128xf32, #tpu.memory_space<vmem>>, vector<1x16xf32>,
      %add3A_589 = arith.constant 1 : i32
      %add3A_590 = arith.addi %mul3A_458, %add3A_589 : i32
      %swap3A_591 = arith.index_cast %add3A_590 : i32 to index
      %swap3A_592 = arith.constant 64 : index
      %swap3A_593 = tpu.vector_load %arg7[%swap3A_591, %swap3A_592] {strides = array<i32>} : memref<256x128xf32, #tpu.memory_space<vmem>>, vector<1x16xf32>,
      %swap3A_594 = vector.shape_cast %swap3A_593 : vector<1x16xf32> to vector<16xf32>
      %swap3A_595 = vector.shape_cast %scan3A_559#4 : vector<16xf32> to vector<1x16xf32>
      tpu.vector_store %arg7[%swap3A_591, %swap3A_592], %swap3A_595 {strides = array<i32>} : memref<256x128xf32, #tpu.memory_space<vmem>>, vector<1x16xf32>,
      %add3A_596 = arith.constant 1 : i32
      %add3A_597 = arith.addi %mul3A_458, %add3A_596 : i32
      %swap3A_598 = arith.index_cast %add3A_597 : i32 to index
      %swap3A_599 = arith.constant 80 : index
      %swap3A_600 = tpu.vector_load %arg7[%swap3A_598, %swap3A_599] {strides = array<i32>} : memref<256x128xf32, #tpu.memory_space<vmem>>, vector<1x16xf32>,
      %swap3A_601 = vector.shape_cast %swap3A_600 : vector<1x16xf32> to vector<16xf32>
      %swap3A_602 = vector.shape_cast %scan3A_559#5 : vector<16xf32> to vector<1x16xf32>
      tpu.vector_store %arg7[%swap3A_598, %swap3A_599], %swap3A_602 {strides = array<i32>} : memref<256x128xf32, #tpu.memory_space<vmem>>, vector<1x16xf32>,
      %add3A_603 = arith.constant 1 : i32
      %add3A_604 = arith.addi %mul3A_458, %add3A_603 : i32
      %swap3A_605 = arith.index_cast %add3A_604 : i32 to index
      %swap3A_606 = arith.constant 96 : index
      %swap3A_607 = tpu.vector_load %arg7[%swap3A_605, %swap3A_606] {strides = array<i32>} : memref<256x128xf32, #tpu.memory_space<vmem>>, vector<1x16xf32>,
      %swap3A_608 = vector.shape_cast %swap3A_607 : vector<1x16xf32> to vector<16xf32>
      %swap3A_609 = vector.shape_cast %scan3A_559#6 : vector<16xf32> to vector<1x16xf32>
      tpu.vector_store %arg7[%swap3A_605, %swap3A_606], %swap3A_609 {strides = array<i32>} : memref<256x128xf32, #tpu.memory_space<vmem>>, vector<1x16xf32>,
      %add3A_610 = arith.constant 1 : i32
      %add3A_611 = arith.addi %mul3A_458, %add3A_610 : i32
      %swap3A_612 = arith.index_cast %add3A_611 : i32 to index
      %swap3A_613 = arith.constant 112 : index
      %swap3A_614 = tpu.vector_load %arg7[%swap3A_612, %swap3A_613] {strides = array<i32>} : memref<256x128xf32, #tpu.memory_space<vmem>>, vector<1x16xf32>,
      %swap3A_615 = vector.shape_cast %swap3A_614 : vector<1x16xf32> to vector<16xf32>
      %swap3A_616 = vector.shape_cast %scan3A_559#7 : vector<16xf32> to vector<1x16xf32>
      tpu.vector_store %arg7[%swap3A_612, %swap3A_613], %swap3A_616 {strides = array<i32>} : memref<256x128xf32, #tpu.memory_space<vmem>>, vector<1x16xf32>,
      %add3A_617 = arith.constant 4 : i32
      %add3A_618 = arith.addi %add3A_441, %add3A_617 : i32
      %lt3A_619 = arith.constant 256 : i32
      %lt3A_620 = arith.cmpi slt, %add3A_618, %lt3A_619 : i32
      %convert_element_type3A_621 = arith.extui %lt3A_620 : i1 to i32
      %cond3A_622 = arith.constant 0 : i32
      %cond3A_623 = arith.cmpi ne, %convert_element_type3A_621, %cond3A_622 : i32
      scf.if %cond3A_623 {
        %add3A_812 = arith.constant 4 : i32
        %add3A_813 = arith.addi %add3A_441, %add3A_812 : i32
        %dma_start3A_814 = arith.constant 2 : i32
        %dma_start3A_815 = arith.constant 0 : i32
        %dma_start3A_816 = arith.constant 0 : i32
        %dma_start3A_817 = tpu.memref_slice %arg6[%dma_start3A_814, %dma_start3A_815, %dma_start3A_816] : memref<4x100x128xf32, #tpu.memory_space<vmem>> -> memref<1x100x128xf32, #tpu.memory_space<vmem>>
        %dma_start3A_818 = tpu.memref_squeeze %dma_start3A_817 : memref<1x100x128xf32, #tpu.memory_space<vmem>> -> memref<100x128xf32, #tpu.memory_space<vmem>>
        %dma_start3A_819 = arith.constant 0 : i32
        %dma_start3A_820 = tpu.memref_slice %arg5[%add3A_813, %dma_start3A_819] : memref<256x100xi32, #tpu.memory_space<vmem>> -> memref<1x100xi32, #tpu.memory_space<vmem>>
        %dma_start3A_821 = tpu.memref_squeeze %dma_start3A_820 : memref<1x100xi32, #tpu.memory_space<vmem>> -> memref<100xi32, #tpu.memory_space<vmem>>
        %dma_start3A_822 = arith.constant 0 : i32
        %dma_start3A_823 = arith.constant 0 : i32
        %dma_start3A_824 = tpu.memref_slice %arg3[%dma_start3A_822, %dma_start3A_823] : memref<1000000x128xf32, #tpu.memory_space<hbm>> -> memref<1000000x128xf32, #tpu.memory_space<hbm>>
        tpu.enqueue_indirect_dma source(%dma_start3A_824 : memref<1000000x128xf32, #tpu.memory_space<hbm>>) target(%dma_start3A_818 : memref<100x128xf32, #tpu.memory_space<vmem>>) offsets(%dma_start3A_821 : memref<100xi32, #tpu.memory_space<vmem>>) semaphore(%arg10 : memref<!tpu.dma_semaphore, #tpu.memory_space<semaphore_mem>>)
      } else {
      }
      %mul3A_624 = arith.constant 4 : i32
      %mul3A_625 = arith.muli %scan3A_65, %mul3A_624 : i32
      %add3A_626 = arith.constant 0 : i32
      %add3A_627 = arith.addi %add3A_626, %mul3A_625 : i32
      %add3A_628 = arith.constant 3 : i32
      %add3A_629 = arith.addi %add3A_627, %add3A_628 : i32
      %dma_wait3A_630 = arith.constant 3 : i32
      %dma_wait3A_631 = arith.constant 0 : i32
      %dma_wait3A_632 = arith.constant 0 : i32
      %dma_wait3A_633 = tpu.memref_slice %arg6[%dma_wait3A_630, %dma_wait3A_631, %dma_wait3A_632] : memref<4x100x128xf32, #tpu.memory_space<vmem>> -> memref<1x100x128xf32, #tpu.memory_space<vmem>>
      %dma_wait3A_634 = tpu.memref_squeeze %dma_wait3A_633 : memref<1x100x128xf32, #tpu.memory_space<vmem>> -> memref<100x128xf32, #tpu.memory_space<vmem>>
      %dma_wait3A_635 = arith.constant 0 : i32
      %dma_wait3A_636 = tpu.memref_slice %arg5[%add3A_629, %dma_wait3A_635] : memref<256x100xi32, #tpu.memory_space<vmem>> -> memref<1x100xi32, #tpu.memory_space<vmem>>
      %dma_wait3A_637 = tpu.memref_squeeze %dma_wait3A_636 : memref<1x100xi32, #tpu.memory_space<vmem>> -> memref<100xi32, #tpu.memory_space<vmem>>
      %dma_wait3A_638 = arith.constant 0 : i32
      %dma_wait3A_639 = arith.constant 0 : i32
      %dma_wait3A_640 = tpu.memref_slice %arg3[%dma_wait3A_638, %dma_wait3A_639] : memref<1000000x128xf32, #tpu.memory_space<hbm>> -> memref<1000000x128xf32, #tpu.memory_space<hbm>>
      tpu.wait_indirect_dma semaphore(%arg11 : memref<!tpu.dma_semaphore, #tpu.memory_space<semaphore_mem>>) src(%dma_wait3A_640 : memref<1000000x128xf32, #tpu.memory_space<hbm>>) dst(%dma_wait3A_634 : memref<100x128xf32, #tpu.memory_space<vmem>>)
      %mul3A_641 = arith.constant 4 : i32
      %mul3A_642 = arith.muli %scan3A_65, %mul3A_641 : i32
      %add3A_643 = arith.constant 3 : i32
      %add3A_644 = arith.addi %mul3A_642, %add3A_643 : i32
      %mul3A_645 = arith.constant 2 : i32
      %mul3A_646 = arith.muli %add3A_644, %mul3A_645 : i32
      %broadcast_in_dim3A_647 = arith.constant 0.000000e+00 : f32
      %broadcast_in_dim3A_648 = vector.broadcast %broadcast_in_dim3A_647 : f32 to vector<16xf32>
      %broadcast_in_dim3A_649 = arith.constant 0.000000e+00 : f32
      %broadcast_in_dim3A_650 = vector.broadcast %broadcast_in_dim3A_649 : f32 to vector<16xf32>
      %broadcast_in_dim3A_651 = arith.constant 0.000000e+00 : f32
      %broadcast_in_dim3A_652 = vector.broadcast %broadcast_in_dim3A_651 : f32 to vector<16xf32>
      %broadcast_in_dim3A_653 = arith.constant 0.000000e+00 : f32
      %broadcast_in_dim3A_654 = vector.broadcast %broadcast_in_dim3A_653 : f32 to vector<16xf32>
      %broadcast_in_dim3A_655 = arith.constant 0.000000e+00 : f32
      %broadcast_in_dim3A_656 = vector.broadcast %broadcast_in_dim3A_655 : f32 to vector<16xf32>
      %broadcast_in_dim3A_657 = arith.constant 0.000000e+00 : f32
      %broadcast_in_dim3A_658 = vector.broadcast %broadcast_in_dim3A_657 : f32 to vector<16xf32>
      %broadcast_in_dim3A_659 = arith.constant 0.000000e+00 : f32
      %broadcast_in_dim3A_660 = vector.broadcast %broadcast_in_dim3A_659 : f32 to vector<16xf32>
      %broadcast_in_dim3A_661 = arith.constant 0.000000e+00 : f32
      %broadcast_in_dim3A_662 = vector.broadcast %broadcast_in_dim3A_661 : f32 to vector<16xf32>
      %scan3A_663 = arith.constant 3 : i32
      %scan3A_664 = arith.constant 0 : i32
      %scan3A_665 = arith.constant 25 : i32
      %scan3A_666 = arith.addi %scan3A_664, %scan3A_665 : i32
      %scan3A_667 = arith.constant 1 : i32
      %scan3A_668:8 = scf.for %scan3A_812 = %scan3A_664 to %scan3A_666 step %scan3A_667 iter_args(%scan3A_813 = %broadcast_in_dim3A_648, %scan3A_814 = %broadcast_in_dim3A_650, %scan3A_815 = %broadcast_in_dim3A_652, %scan3A_816 = %broadcast_in_dim3A_654, %scan3A_817 = %broadcast_in_dim3A_656, %scan3A_818 = %broadcast_in_dim3A_658, %scan3A_819 = %broadcast_in_dim3A_660, %scan3A_820 = %broadcast_in_dim3A_662) -> (vector<16xf32>, vector<16xf32>, vector<16xf32>, vector<16xf32>, vector<16xf32>, vector<16xf32>, vector<16xf32>, vector<16xf32>)  : i32 {
        %mul3A_821 = arith.constant 2 : i32
        %mul3A_822 = arith.muli %scan3A_812, %mul3A_821 : i32
        %add3A_823 = arith.constant 0 : i32
        %add3A_824 = arith.addi %add3A_823, %mul3A_822 : i32
        %add3A_825 = arith.constant 0 : i32
        %add3A_826 = arith.addi %add3A_824, %add3A_825 : i32
        %get3A = arith.constant 0 : i32
        %get3A_827 = arith.constant 0 : i32
        %get3A_828 = tpu.memref_slice %arg6[%scan3A_663, %get3A, %get3A_827] : memref<4x100x128xf32, #tpu.memory_space<vmem>> -> memref<1x100x128xf32, #tpu.memory_space<vmem>>
        %get3A_829 = tpu.memref_squeeze %get3A_828 : memref<1x100x128xf32, #tpu.memory_space<vmem>> -> memref<100x128xf32, #tpu.memory_space<vmem>>
        %get3A_830 = arith.index_cast %add3A_826 : i32 to index
        %get3A_831 = arith.constant 0 : index
        %get3A_832 = tpu.vector_load %get3A_829[%get3A_830, %get3A_831] {strides = array<i32>} : memref<100x128xf32, #tpu.memory_space<vmem>>, vector<1x16xf32>,
        %get3A_833 = vector.shape_cast %get3A_832 : vector<1x16xf32> to vector<16xf32>
        %add3A_834 = arith.addf %scan3A_813, %get3A_833 : vector<16xf32>
        %add3A_835 = arith.constant 0 : i32
        %add3A_836 = arith.addi %add3A_835, %mul3A_822 : i32
        %add3A_837 = arith.constant 0 : i32
        %add3A_838 = arith.addi %add3A_836, %add3A_837 : i32
        %get3A_839 = arith.constant 0 : i32
        %get3A_840 = arith.constant 0 : i32
        %get3A_841 = tpu.memref_slice %arg6[%scan3A_663, %get3A_839, %get3A_840] : memref<4x100x128xf32, #tpu.memory_space<vmem>> -> memref<1x100x128xf32, #tpu.memory_space<vmem>>
        %get3A_842 = tpu.memref_squeeze %get3A_841 : memref<1x100x128xf32, #tpu.memory_space<vmem>> -> memref<100x128xf32, #tpu.memory_space<vmem>>
        %get3A_843 = arith.index_cast %add3A_838 : i32 to index
        %get3A_844 = arith.constant 16 : index
        %get3A_845 = tpu.vector_load %get3A_842[%get3A_843, %get3A_844] {strides = array<i32>} : memref<100x128xf32, #tpu.memory_space<vmem>>, vector<1x16xf32>,
        %get3A_846 = vector.shape_cast %get3A_845 : vector<1x16xf32> to vector<16xf32>
        %add3A_847 = arith.addf %scan3A_814, %get3A_846 : vector<16xf32>
        %add3A_848 = arith.constant 0 : i32
        %add3A_849 = arith.addi %add3A_848, %mul3A_822 : i32
        %add3A_850 = arith.constant 0 : i32
        %add3A_851 = arith.addi %add3A_849, %add3A_850 : i32
        %get3A_852 = arith.constant 0 : i32
        %get3A_853 = arith.constant 0 : i32
        %get3A_854 = tpu.memref_slice %arg6[%scan3A_663, %get3A_852, %get3A_853] : memref<4x100x128xf32, #tpu.memory_space<vmem>> -> memref<1x100x128xf32, #tpu.memory_space<vmem>>
        %get3A_855 = tpu.memref_squeeze %get3A_854 : memref<1x100x128xf32, #tpu.memory_space<vmem>> -> memref<100x128xf32, #tpu.memory_space<vmem>>
        %get3A_856 = arith.index_cast %add3A_851 : i32 to index
        %get3A_857 = arith.constant 32 : index
        %get3A_858 = tpu.vector_load %get3A_855[%get3A_856, %get3A_857] {strides = array<i32>} : memref<100x128xf32, #tpu.memory_space<vmem>>, vector<1x16xf32>,
        %get3A_859 = vector.shape_cast %get3A_858 : vector<1x16xf32> to vector<16xf32>
        %add3A_860 = arith.addf %scan3A_815, %get3A_859 : vector<16xf32>
        %add3A_861 = arith.constant 0 : i32
        %add3A_862 = arith.addi %add3A_861, %mul3A_822 : i32
        %add3A_863 = arith.constant 0 : i32
        %add3A_864 = arith.addi %add3A_862, %add3A_863 : i32
        %get3A_865 = arith.constant 0 : i32
        %get3A_866 = arith.constant 0 : i32
        %get3A_867 = tpu.memref_slice %arg6[%scan3A_663, %get3A_865, %get3A_866] : memref<4x100x128xf32, #tpu.memory_space<vmem>> -> memref<1x100x128xf32, #tpu.memory_space<vmem>>
        %get3A_868 = tpu.memref_squeeze %get3A_867 : memref<1x100x128xf32, #tpu.memory_space<vmem>> -> memref<100x128xf32, #tpu.memory_space<vmem>>
        %get3A_869 = arith.index_cast %add3A_864 : i32 to index
        %get3A_870 = arith.constant 48 : index
        %get3A_871 = tpu.vector_load %get3A_868[%get3A_869, %get3A_870] {strides = array<i32>} : memref<100x128xf32, #tpu.memory_space<vmem>>, vector<1x16xf32>,
        %get3A_872 = vector.shape_cast %get3A_871 : vector<1x16xf32> to vector<16xf32>
        %add3A_873 = arith.addf %scan3A_816, %get3A_872 : vector<16xf32>
        %add3A_874 = arith.constant 0 : i32
        %add3A_875 = arith.addi %add3A_874, %mul3A_822 : i32
        %add3A_876 = arith.constant 0 : i32
        %add3A_877 = arith.addi %add3A_875, %add3A_876 : i32
        %get3A_878 = arith.constant 0 : i32
        %get3A_879 = arith.constant 0 : i32
        %get3A_880 = tpu.memref_slice %arg6[%scan3A_663, %get3A_878, %get3A_879] : memref<4x100x128xf32, #tpu.memory_space<vmem>> -> memref<1x100x128xf32, #tpu.memory_space<vmem>>
        %get3A_881 = tpu.memref_squeeze %get3A_880 : memref<1x100x128xf32, #tpu.memory_space<vmem>> -> memref<100x128xf32, #tpu.memory_space<vmem>>
        %get3A_882 = arith.index_cast %add3A_877 : i32 to index
        %get3A_883 = arith.constant 64 : index
        %get3A_884 = tpu.vector_load %get3A_881[%get3A_882, %get3A_883] {strides = array<i32>} : memref<100x128xf32, #tpu.memory_space<vmem>>, vector<1x16xf32>,
        %get3A_885 = vector.shape_cast %get3A_884 : vector<1x16xf32> to vector<16xf32>
        %add3A_886 = arith.addf %scan3A_817, %get3A_885 : vector<16xf32>
        %add3A_887 = arith.constant 0 : i32
        %add3A_888 = arith.addi %add3A_887, %mul3A_822 : i32
        %add3A_889 = arith.constant 0 : i32
        %add3A_890 = arith.addi %add3A_888, %add3A_889 : i32
        %get3A_891 = arith.constant 0 : i32
        %get3A_892 = arith.constant 0 : i32
        %get3A_893 = tpu.memref_slice %arg6[%scan3A_663, %get3A_891, %get3A_892] : memref<4x100x128xf32, #tpu.memory_space<vmem>> -> memref<1x100x128xf32, #tpu.memory_space<vmem>>
        %get3A_894 = tpu.memref_squeeze %get3A_893 : memref<1x100x128xf32, #tpu.memory_space<vmem>> -> memref<100x128xf32, #tpu.memory_space<vmem>>
        %get3A_895 = arith.index_cast %add3A_890 : i32 to index
        %get3A_896 = arith.constant 80 : index
        %get3A_897 = tpu.vector_load %get3A_894[%get3A_895, %get3A_896] {strides = array<i32>} : memref<100x128xf32, #tpu.memory_space<vmem>>, vector<1x16xf32>,
        %get3A_898 = vector.shape_cast %get3A_897 : vector<1x16xf32> to vector<16xf32>
        %add3A_899 = arith.addf %scan3A_818, %get3A_898 : vector<16xf32>
        %add3A_900 = arith.constant 0 : i32
        %add3A_901 = arith.addi %add3A_900, %mul3A_822 : i32
        %add3A_902 = arith.constant 0 : i32
        %add3A_903 = arith.addi %add3A_901, %add3A_902 : i32
        %get3A_904 = arith.constant 0 : i32
        %get3A_905 = arith.constant 0 : i32
        %get3A_906 = tpu.memref_slice %arg6[%scan3A_663, %get3A_904, %get3A_905] : memref<4x100x128xf32, #tpu.memory_space<vmem>> -> memref<1x100x128xf32, #tpu.memory_space<vmem>>
        %get3A_907 = tpu.memref_squeeze %get3A_906 : memref<1x100x128xf32, #tpu.memory_space<vmem>> -> memref<100x128xf32, #tpu.memory_space<vmem>>
        %get3A_908 = arith.index_cast %add3A_903 : i32 to index
        %get3A_909 = arith.constant 96 : index
        %get3A_910 = tpu.vector_load %get3A_907[%get3A_908, %get3A_909] {strides = array<i32>} : memref<100x128xf32, #tpu.memory_space<vmem>>, vector<1x16xf32>,
        %get3A_911 = vector.shape_cast %get3A_910 : vector<1x16xf32> to vector<16xf32>
        %add3A_912 = arith.addf %scan3A_819, %get3A_911 : vector<16xf32>
        %add3A_913 = arith.constant 0 : i32
        %add3A_914 = arith.addi %add3A_913, %mul3A_822 : i32
        %add3A_915 = arith.constant 0 : i32
        %add3A_916 = arith.addi %add3A_914, %add3A_915 : i32
        %get3A_917 = arith.constant 0 : i32
        %get3A_918 = arith.constant 0 : i32
        %get3A_919 = tpu.memref_slice %arg6[%scan3A_663, %get3A_917, %get3A_918] : memref<4x100x128xf32, #tpu.memory_space<vmem>> -> memref<1x100x128xf32, #tpu.memory_space<vmem>>
        %get3A_920 = tpu.memref_squeeze %get3A_919 : memref<1x100x128xf32, #tpu.memory_space<vmem>> -> memref<100x128xf32, #tpu.memory_space<vmem>>
        %get3A_921 = arith.index_cast %add3A_916 : i32 to index
        %get3A_922 = arith.constant 112 : index
        %get3A_923 = tpu.vector_load %get3A_920[%get3A_921, %get3A_922] {strides = array<i32>} : memref<100x128xf32, #tpu.memory_space<vmem>>, vector<1x16xf32>,
        %get3A_924 = vector.shape_cast %get3A_923 : vector<1x16xf32> to vector<16xf32>
        %add3A_925 = arith.addf %scan3A_820, %get3A_924 : vector<16xf32>
        %add3A_926 = arith.constant 0 : i32
        %add3A_927 = arith.addi %add3A_926, %mul3A_822 : i32
        %add3A_928 = arith.constant 1 : i32
        %add3A_929 = arith.addi %add3A_927, %add3A_928 : i32
        %get3A_930 = arith.constant 0 : i32
        %get3A_931 = arith.constant 0 : i32
        %get3A_932 = tpu.memref_slice %arg6[%scan3A_663, %get3A_930, %get3A_931] : memref<4x100x128xf32, #tpu.memory_space<vmem>> -> memref<1x100x128xf32, #tpu.memory_space<vmem>>
        %get3A_933 = tpu.memref_squeeze %get3A_932 : memref<1x100x128xf32, #tpu.memory_space<vmem>> -> memref<100x128xf32, #tpu.memory_space<vmem>>
        %get3A_934 = arith.index_cast %add3A_929 : i32 to index
        %get3A_935 = arith.constant 0 : index
        %get3A_936 = tpu.vector_load %get3A_933[%get3A_934, %get3A_935] {strides = array<i32>} : memref<100x128xf32, #tpu.memory_space<vmem>>, vector<1x16xf32>,
        %get3A_937 = vector.shape_cast %get3A_936 : vector<1x16xf32> to vector<16xf32>
        %add3A_938 = arith.addf %add3A_834, %get3A_937 : vector<16xf32>
        %add3A_939 = arith.constant 0 : i32
        %add3A_940 = arith.addi %add3A_939, %mul3A_822 : i32
        %add3A_941 = arith.constant 1 : i32
        %add3A_942 = arith.addi %add3A_940, %add3A_941 : i32
        %get3A_943 = arith.constant 0 : i32
        %get3A_944 = arith.constant 0 : i32
        %get3A_945 = tpu.memref_slice %arg6[%scan3A_663, %get3A_943, %get3A_944] : memref<4x100x128xf32, #tpu.memory_space<vmem>> -> memref<1x100x128xf32, #tpu.memory_space<vmem>>
        %get3A_946 = tpu.memref_squeeze %get3A_945 : memref<1x100x128xf32, #tpu.memory_space<vmem>> -> memref<100x128xf32, #tpu.memory_space<vmem>>
        %get3A_947 = arith.index_cast %add3A_942 : i32 to index
        %get3A_948 = arith.constant 16 : index
        %get3A_949 = tpu.vector_load %get3A_946[%get3A_947, %get3A_948] {strides = array<i32>} : memref<100x128xf32, #tpu.memory_space<vmem>>, vector<1x16xf32>,
        %get3A_950 = vector.shape_cast %get3A_949 : vector<1x16xf32> to vector<16xf32>
        %add3A_951 = arith.addf %add3A_847, %get3A_950 : vector<16xf32>
        %add3A_952 = arith.constant 0 : i32
        %add3A_953 = arith.addi %add3A_952, %mul3A_822 : i32
        %add3A_954 = arith.constant 1 : i32
        %add3A_955 = arith.addi %add3A_953, %add3A_954 : i32
        %get3A_956 = arith.constant 0 : i32
        %get3A_957 = arith.constant 0 : i32
        %get3A_958 = tpu.memref_slice %arg6[%scan3A_663, %get3A_956, %get3A_957] : memref<4x100x128xf32, #tpu.memory_space<vmem>> -> memref<1x100x128xf32, #tpu.memory_space<vmem>>
        %get3A_959 = tpu.memref_squeeze %get3A_958 : memref<1x100x128xf32, #tpu.memory_space<vmem>> -> memref<100x128xf32, #tpu.memory_space<vmem>>
        %get3A_960 = arith.index_cast %add3A_955 : i32 to index
        %get3A_961 = arith.constant 32 : index
        %get3A_962 = tpu.vector_load %get3A_959[%get3A_960, %get3A_961] {strides = array<i32>} : memref<100x128xf32, #tpu.memory_space<vmem>>, vector<1x16xf32>,
        %get3A_963 = vector.shape_cast %get3A_962 : vector<1x16xf32> to vector<16xf32>
        %add3A_964 = arith.addf %add3A_860, %get3A_963 : vector<16xf32>
        %add3A_965 = arith.constant 0 : i32
        %add3A_966 = arith.addi %add3A_965, %mul3A_822 : i32
        %add3A_967 = arith.constant 1 : i32
        %add3A_968 = arith.addi %add3A_966, %add3A_967 : i32
        %get3A_969 = arith.constant 0 : i32
        %get3A_970 = arith.constant 0 : i32
        %get3A_971 = tpu.memref_slice %arg6[%scan3A_663, %get3A_969, %get3A_970] : memref<4x100x128xf32, #tpu.memory_space<vmem>> -> memref<1x100x128xf32, #tpu.memory_space<vmem>>
        %get3A_972 = tpu.memref_squeeze %get3A_971 : memref<1x100x128xf32, #tpu.memory_space<vmem>> -> memref<100x128xf32, #tpu.memory_space<vmem>>
        %get3A_973 = arith.index_cast %add3A_968 : i32 to index
        %get3A_974 = arith.constant 48 : index
        %get3A_975 = tpu.vector_load %get3A_972[%get3A_973, %get3A_974] {strides = array<i32>} : memref<100x128xf32, #tpu.memory_space<vmem>>, vector<1x16xf32>,
        %get3A_976 = vector.shape_cast %get3A_975 : vector<1x16xf32> to vector<16xf32>
        %add3A_977 = arith.addf %add3A_873, %get3A_976 : vector<16xf32>
        %add3A_978 = arith.constant 0 : i32
        %add3A_979 = arith.addi %add3A_978, %mul3A_822 : i32
        %add3A_980 = arith.constant 1 : i32
        %add3A_981 = arith.addi %add3A_979, %add3A_980 : i32
        %get3A_982 = arith.constant 0 : i32
        %get3A_983 = arith.constant 0 : i32
        %get3A_984 = tpu.memref_slice %arg6[%scan3A_663, %get3A_982, %get3A_983] : memref<4x100x128xf32, #tpu.memory_space<vmem>> -> memref<1x100x128xf32, #tpu.memory_space<vmem>>
        %get3A_985 = tpu.memref_squeeze %get3A_984 : memref<1x100x128xf32, #tpu.memory_space<vmem>> -> memref<100x128xf32, #tpu.memory_space<vmem>>
        %get3A_986 = arith.index_cast %add3A_981 : i32 to index
        %get3A_987 = arith.constant 64 : index
        %get3A_988 = tpu.vector_load %get3A_985[%get3A_986, %get3A_987] {strides = array<i32>} : memref<100x128xf32, #tpu.memory_space<vmem>>, vector<1x16xf32>,
        %get3A_989 = vector.shape_cast %get3A_988 : vector<1x16xf32> to vector<16xf32>
        %add3A_990 = arith.addf %add3A_886, %get3A_989 : vector<16xf32>
        %add3A_991 = arith.constant 0 : i32
        %add3A_992 = arith.addi %add3A_991, %mul3A_822 : i32
        %add3A_993 = arith.constant 1 : i32
        %add3A_994 = arith.addi %add3A_992, %add3A_993 : i32
        %get3A_995 = arith.constant 0 : i32
        %get3A_996 = arith.constant 0 : i32
        %get3A_997 = tpu.memref_slice %arg6[%scan3A_663, %get3A_995, %get3A_996] : memref<4x100x128xf32, #tpu.memory_space<vmem>> -> memref<1x100x128xf32, #tpu.memory_space<vmem>>
        %get3A_998 = tpu.memref_squeeze %get3A_997 : memref<1x100x128xf32, #tpu.memory_space<vmem>> -> memref<100x128xf32, #tpu.memory_space<vmem>>
        %get3A_999 = arith.index_cast %add3A_994 : i32 to index
        %get3A_1000 = arith.constant 80 : index
        %get3A_1001 = tpu.vector_load %get3A_998[%get3A_999, %get3A_1000] {strides = array<i32>} : memref<100x128xf32, #tpu.memory_space<vmem>>, vector<1x16xf32>,
        %get3A_1002 = vector.shape_cast %get3A_1001 : vector<1x16xf32> to vector<16xf32>
        %add3A_1003 = arith.addf %add3A_899, %get3A_1002 : vector<16xf32>
        %add3A_1004 = arith.constant 0 : i32
        %add3A_1005 = arith.addi %add3A_1004, %mul3A_822 : i32
        %add3A_1006 = arith.constant 1 : i32
        %add3A_1007 = arith.addi %add3A_1005, %add3A_1006 : i32
        %get3A_1008 = arith.constant 0 : i32
        %get3A_1009 = arith.constant 0 : i32
        %get3A_1010 = tpu.memref_slice %arg6[%scan3A_663, %get3A_1008, %get3A_1009] : memref<4x100x128xf32, #tpu.memory_space<vmem>> -> memref<1x100x128xf32, #tpu.memory_space<vmem>>
        %get3A_1011 = tpu.memref_squeeze %get3A_1010 : memref<1x100x128xf32, #tpu.memory_space<vmem>> -> memref<100x128xf32, #tpu.memory_space<vmem>>
        %get3A_1012 = arith.index_cast %add3A_1007 : i32 to index
        %get3A_1013 = arith.constant 96 : index
        %get3A_1014 = tpu.vector_load %get3A_1011[%get3A_1012, %get3A_1013] {strides = array<i32>} : memref<100x128xf32, #tpu.memory_space<vmem>>, vector<1x16xf32>,
        %get3A_1015 = vector.shape_cast %get3A_1014 : vector<1x16xf32> to vector<16xf32>
        %add3A_1016 = arith.addf %add3A_912, %get3A_1015 : vector<16xf32>
        %add3A_1017 = arith.constant 0 : i32
        %add3A_1018 = arith.addi %add3A_1017, %mul3A_822 : i32
        %add3A_1019 = arith.constant 1 : i32
        %add3A_1020 = arith.addi %add3A_1018, %add3A_1019 : i32
        %get3A_1021 = arith.constant 0 : i32
        %get3A_1022 = arith.constant 0 : i32
        %get3A_1023 = tpu.memref_slice %arg6[%scan3A_663, %get3A_1021, %get3A_1022] : memref<4x100x128xf32, #tpu.memory_space<vmem>> -> memref<1x100x128xf32, #tpu.memory_space<vmem>>
        %get3A_1024 = tpu.memref_squeeze %get3A_1023 : memref<1x100x128xf32, #tpu.memory_space<vmem>> -> memref<100x128xf32, #tpu.memory_space<vmem>>
        %get3A_1025 = arith.index_cast %add3A_1020 : i32 to index
        %get3A_1026 = arith.constant 112 : index
        %get3A_1027 = tpu.vector_load %get3A_1024[%get3A_1025, %get3A_1026] {strides = array<i32>} : memref<100x128xf32, #tpu.memory_space<vmem>>, vector<1x16xf32>,
        %get3A_1028 = vector.shape_cast %get3A_1027 : vector<1x16xf32> to vector<16xf32>
        %add3A_1029 = arith.addf %add3A_925, %get3A_1028 : vector<16xf32>
        scf.yield %add3A_938, %add3A_951, %add3A_964, %add3A_977, %add3A_990, %add3A_1003, %add3A_1016, %add3A_1029 : vector<16xf32>, vector<16xf32>, vector<16xf32>, vector<16xf32>, vector<16xf32>, vector<16xf32>, vector<16xf32>, vector<16xf32>
      }
      %scan3A_669 = arith.constant 25 : i32
      %add3A_670 = arith.constant 0 : i32
      %add3A_671 = arith.addi %mul3A_646, %add3A_670 : i32
      %swap3A_672 = arith.index_cast %add3A_671 : i32 to index
      %swap3A_673 = arith.constant 0 : index
      %swap3A_674 = tpu.vector_load %arg7[%swap3A_672, %swap3A_673] {strides = array<i32>} : memref<256x128xf32, #tpu.memory_space<vmem>>, vector<1x16xf32>,
      %swap3A_675 = vector.shape_cast %swap3A_674 : vector<1x16xf32> to vector<16xf32>
      %swap3A_676 = vector.shape_cast %scan3A_668#0 : vector<16xf32> to vector<1x16xf32>
      tpu.vector_store %arg7[%swap3A_672, %swap3A_673], %swap3A_676 {strides = array<i32>} : memref<256x128xf32, #tpu.memory_space<vmem>>, vector<1x16xf32>,
      %add3A_677 = arith.constant 0 : i32
      %add3A_678 = arith.addi %mul3A_646, %add3A_677 : i32
      %swap3A_679 = arith.index_cast %add3A_678 : i32 to index
      %swap3A_680 = arith.constant 16 : index
      %swap3A_681 = tpu.vector_load %arg7[%swap3A_679, %swap3A_680] {strides = array<i32>} : memref<256x128xf32, #tpu.memory_space<vmem>>, vector<1x16xf32>,
      %swap3A_682 = vector.shape_cast %swap3A_681 : vector<1x16xf32> to vector<16xf32>
      %swap3A_683 = vector.shape_cast %scan3A_668#1 : vector<16xf32> to vector<1x16xf32>
      tpu.vector_store %arg7[%swap3A_679, %swap3A_680], %swap3A_683 {strides = array<i32>} : memref<256x128xf32, #tpu.memory_space<vmem>>, vector<1x16xf32>,
      %add3A_684 = arith.constant 0 : i32
      %add3A_685 = arith.addi %mul3A_646, %add3A_684 : i32
      %swap3A_686 = arith.index_cast %add3A_685 : i32 to index
      %swap3A_687 = arith.constant 32 : index
      %swap3A_688 = tpu.vector_load %arg7[%swap3A_686, %swap3A_687] {strides = array<i32>} : memref<256x128xf32, #tpu.memory_space<vmem>>, vector<1x16xf32>,
      %swap3A_689 = vector.shape_cast %swap3A_688 : vector<1x16xf32> to vector<16xf32>
      %swap3A_690 = vector.shape_cast %scan3A_668#2 : vector<16xf32> to vector<1x16xf32>
      tpu.vector_store %arg7[%swap3A_686, %swap3A_687], %swap3A_690 {strides = array<i32>} : memref<256x128xf32, #tpu.memory_space<vmem>>, vector<1x16xf32>,
      %add3A_691 = arith.constant 0 : i32
      %add3A_692 = arith.addi %mul3A_646, %add3A_691 : i32
      %swap3A_693 = arith.index_cast %add3A_692 : i32 to index
      %swap3A_694 = arith.constant 48 : index
      %swap3A_695 = tpu.vector_load %arg7[%swap3A_693, %swap3A_694] {strides = array<i32>} : memref<256x128xf32, #tpu.memory_space<vmem>>, vector<1x16xf32>,
      %swap3A_696 = vector.shape_cast %swap3A_695 : vector<1x16xf32> to vector<16xf32>
      %swap3A_697 = vector.shape_cast %scan3A_668#3 : vector<16xf32> to vector<1x16xf32>
      tpu.vector_store %arg7[%swap3A_693, %swap3A_694], %swap3A_697 {strides = array<i32>} : memref<256x128xf32, #tpu.memory_space<vmem>>, vector<1x16xf32>,
      %add3A_698 = arith.constant 0 : i32
      %add3A_699 = arith.addi %mul3A_646, %add3A_698 : i32
      %swap3A_700 = arith.index_cast %add3A_699 : i32 to index
      %swap3A_701 = arith.constant 64 : index
      %swap3A_702 = tpu.vector_load %arg7[%swap3A_700, %swap3A_701] {strides = array<i32>} : memref<256x128xf32, #tpu.memory_space<vmem>>, vector<1x16xf32>,
      %swap3A_703 = vector.shape_cast %swap3A_702 : vector<1x16xf32> to vector<16xf32>
      %swap3A_704 = vector.shape_cast %scan3A_668#4 : vector<16xf32> to vector<1x16xf32>
      tpu.vector_store %arg7[%swap3A_700, %swap3A_701], %swap3A_704 {strides = array<i32>} : memref<256x128xf32, #tpu.memory_space<vmem>>, vector<1x16xf32>,
      %add3A_705 = arith.constant 0 : i32
      %add3A_706 = arith.addi %mul3A_646, %add3A_705 : i32
      %swap3A_707 = arith.index_cast %add3A_706 : i32 to index
      %swap3A_708 = arith.constant 80 : index
      %swap3A_709 = tpu.vector_load %arg7[%swap3A_707, %swap3A_708] {strides = array<i32>} : memref<256x128xf32, #tpu.memory_space<vmem>>, vector<1x16xf32>,
      %swap3A_710 = vector.shape_cast %swap3A_709 : vector<1x16xf32> to vector<16xf32>
      %swap3A_711 = vector.shape_cast %scan3A_668#5 : vector<16xf32> to vector<1x16xf32>
      tpu.vector_store %arg7[%swap3A_707, %swap3A_708], %swap3A_711 {strides = array<i32>} : memref<256x128xf32, #tpu.memory_space<vmem>>, vector<1x16xf32>,
      %add3A_712 = arith.constant 0 : i32
      %add3A_713 = arith.addi %mul3A_646, %add3A_712 : i32
      %swap3A_714 = arith.index_cast %add3A_713 : i32 to index
      %swap3A_715 = arith.constant 96 : index
      %swap3A_716 = tpu.vector_load %arg7[%swap3A_714, %swap3A_715] {strides = array<i32>} : memref<256x128xf32, #tpu.memory_space<vmem>>, vector<1x16xf32>,
      %swap3A_717 = vector.shape_cast %swap3A_716 : vector<1x16xf32> to vector<16xf32>
      %swap3A_718 = vector.shape_cast %scan3A_668#6 : vector<16xf32> to vector<1x16xf32>
      tpu.vector_store %arg7[%swap3A_714, %swap3A_715], %swap3A_718 {strides = array<i32>} : memref<256x128xf32, #tpu.memory_space<vmem>>, vector<1x16xf32>,
      %add3A_719 = arith.constant 0 : i32
      %add3A_720 = arith.addi %mul3A_646, %add3A_719 : i32
      %swap3A_721 = arith.index_cast %add3A_720 : i32 to index
      %swap3A_722 = arith.constant 112 : index
      %swap3A_723 = tpu.vector_load %arg7[%swap3A_721, %swap3A_722] {strides = array<i32>} : memref<256x128xf32, #tpu.memory_space<vmem>>, vector<1x16xf32>,
      %swap3A_724 = vector.shape_cast %swap3A_723 : vector<1x16xf32> to vector<16xf32>
      %swap3A_725 = vector.shape_cast %scan3A_668#7 : vector<16xf32> to vector<1x16xf32>
      tpu.vector_store %arg7[%swap3A_721, %swap3A_722], %swap3A_725 {strides = array<i32>} : memref<256x128xf32, #tpu.memory_space<vmem>>, vector<1x16xf32>,
      %broadcast_in_dim3A_726 = arith.constant 0.000000e+00 : f32
      %broadcast_in_dim3A_727 = vector.broadcast %broadcast_in_dim3A_726 : f32 to vector<16xf32>
      %broadcast_in_dim3A_728 = arith.constant 0.000000e+00 : f32
      %broadcast_in_dim3A_729 = vector.broadcast %broadcast_in_dim3A_728 : f32 to vector<16xf32>
      %broadcast_in_dim3A_730 = arith.constant 0.000000e+00 : f32
      %broadcast_in_dim3A_731 = vector.broadcast %broadcast_in_dim3A_730 : f32 to vector<16xf32>
      %broadcast_in_dim3A_732 = arith.constant 0.000000e+00 : f32
      %broadcast_in_dim3A_733 = vector.broadcast %broadcast_in_dim3A_732 : f32 to vector<16xf32>
      %broadcast_in_dim3A_734 = arith.constant 0.000000e+00 : f32
      %broadcast_in_dim3A_735 = vector.broadcast %broadcast_in_dim3A_734 : f32 to vector<16xf32>
      %broadcast_in_dim3A_736 = arith.constant 0.000000e+00 : f32
      %broadcast_in_dim3A_737 = vector.broadcast %broadcast_in_dim3A_736 : f32 to vector<16xf32>
      %broadcast_in_dim3A_738 = arith.constant 0.000000e+00 : f32
      %broadcast_in_dim3A_739 = vector.broadcast %broadcast_in_dim3A_738 : f32 to vector<16xf32>
      %broadcast_in_dim3A_740 = arith.constant 0.000000e+00 : f32
      %broadcast_in_dim3A_741 = vector.broadcast %broadcast_in_dim3A_740 : f32 to vector<16xf32>
      %scan3A_742 = arith.constant 3 : i32
      %scan3A_743 = arith.constant 0 : i32
      %scan3A_744 = arith.constant 25 : i32
      %scan3A_745 = arith.addi %scan3A_743, %scan3A_744 : i32
      %scan3A_746 = arith.constant 1 : i32
      %scan3A_747:8 = scf.for %scan3A_812 = %scan3A_743 to %scan3A_745 step %scan3A_746 iter_args(%scan3A_813 = %broadcast_in_dim3A_727, %scan3A_814 = %broadcast_in_dim3A_729, %scan3A_815 = %broadcast_in_dim3A_731, %scan3A_816 = %broadcast_in_dim3A_733, %scan3A_817 = %broadcast_in_dim3A_735, %scan3A_818 = %broadcast_in_dim3A_737, %scan3A_819 = %broadcast_in_dim3A_739, %scan3A_820 = %broadcast_in_dim3A_741) -> (vector<16xf32>, vector<16xf32>, vector<16xf32>, vector<16xf32>, vector<16xf32>, vector<16xf32>, vector<16xf32>, vector<16xf32>)  : i32 {
        %mul3A_821 = arith.constant 2 : i32
        %mul3A_822 = arith.muli %scan3A_812, %mul3A_821 : i32
        %add3A_823 = arith.constant 50 : i32
        %add3A_824 = arith.addi %add3A_823, %mul3A_822 : i32
        %add3A_825 = arith.constant 0 : i32
        %add3A_826 = arith.addi %add3A_824, %add3A_825 : i32
        %get3A = arith.constant 0 : i32
        %get3A_827 = arith.constant 0 : i32
        %get3A_828 = tpu.memref_slice %arg6[%scan3A_742, %get3A, %get3A_827] : memref<4x100x128xf32, #tpu.memory_space<vmem>> -> memref<1x100x128xf32, #tpu.memory_space<vmem>>
        %get3A_829 = tpu.memref_squeeze %get3A_828 : memref<1x100x128xf32, #tpu.memory_space<vmem>> -> memref<100x128xf32, #tpu.memory_space<vmem>>
        %get3A_830 = arith.index_cast %add3A_826 : i32 to index
        %get3A_831 = arith.constant 0 : index
        %get3A_832 = tpu.vector_load %get3A_829[%get3A_830, %get3A_831] {strides = array<i32>} : memref<100x128xf32, #tpu.memory_space<vmem>>, vector<1x16xf32>,
        %get3A_833 = vector.shape_cast %get3A_832 : vector<1x16xf32> to vector<16xf32>
        %add3A_834 = arith.addf %scan3A_813, %get3A_833 : vector<16xf32>
        %add3A_835 = arith.constant 50 : i32
        %add3A_836 = arith.addi %add3A_835, %mul3A_822 : i32
        %add3A_837 = arith.constant 0 : i32
        %add3A_838 = arith.addi %add3A_836, %add3A_837 : i32
        %get3A_839 = arith.constant 0 : i32
        %get3A_840 = arith.constant 0 : i32
        %get3A_841 = tpu.memref_slice %arg6[%scan3A_742, %get3A_839, %get3A_840] : memref<4x100x128xf32, #tpu.memory_space<vmem>> -> memref<1x100x128xf32, #tpu.memory_space<vmem>>
        %get3A_842 = tpu.memref_squeeze %get3A_841 : memref<1x100x128xf32, #tpu.memory_space<vmem>> -> memref<100x128xf32, #tpu.memory_space<vmem>>
        %get3A_843 = arith.index_cast %add3A_838 : i32 to index
        %get3A_844 = arith.constant 16 : index
        %get3A_845 = tpu.vector_load %get3A_842[%get3A_843, %get3A_844] {strides = array<i32>} : memref<100x128xf32, #tpu.memory_space<vmem>>, vector<1x16xf32>,
        %get3A_846 = vector.shape_cast %get3A_845 : vector<1x16xf32> to vector<16xf32>
        %add3A_847 = arith.addf %scan3A_814, %get3A_846 : vector<16xf32>
        %add3A_848 = arith.constant 50 : i32
        %add3A_849 = arith.addi %add3A_848, %mul3A_822 : i32
        %add3A_850 = arith.constant 0 : i32
        %add3A_851 = arith.addi %add3A_849, %add3A_850 : i32
        %get3A_852 = arith.constant 0 : i32
        %get3A_853 = arith.constant 0 : i32
        %get3A_854 = tpu.memref_slice %arg6[%scan3A_742, %get3A_852, %get3A_853] : memref<4x100x128xf32, #tpu.memory_space<vmem>> -> memref<1x100x128xf32, #tpu.memory_space<vmem>>
        %get3A_855 = tpu.memref_squeeze %get3A_854 : memref<1x100x128xf32, #tpu.memory_space<vmem>> -> memref<100x128xf32, #tpu.memory_space<vmem>>
        %get3A_856 = arith.index_cast %add3A_851 : i32 to index
        %get3A_857 = arith.constant 32 : index
        %get3A_858 = tpu.vector_load %get3A_855[%get3A_856, %get3A_857] {strides = array<i32>} : memref<100x128xf32, #tpu.memory_space<vmem>>, vector<1x16xf32>,
        %get3A_859 = vector.shape_cast %get3A_858 : vector<1x16xf32> to vector<16xf32>
        %add3A_860 = arith.addf %scan3A_815, %get3A_859 : vector<16xf32>
        %add3A_861 = arith.constant 50 : i32
        %add3A_862 = arith.addi %add3A_861, %mul3A_822 : i32
        %add3A_863 = arith.constant 0 : i32
        %add3A_864 = arith.addi %add3A_862, %add3A_863 : i32
        %get3A_865 = arith.constant 0 : i32
        %get3A_866 = arith.constant 0 : i32
        %get3A_867 = tpu.memref_slice %arg6[%scan3A_742, %get3A_865, %get3A_866] : memref<4x100x128xf32, #tpu.memory_space<vmem>> -> memref<1x100x128xf32, #tpu.memory_space<vmem>>
        %get3A_868 = tpu.memref_squeeze %get3A_867 : memref<1x100x128xf32, #tpu.memory_space<vmem>> -> memref<100x128xf32, #tpu.memory_space<vmem>>
        %get3A_869 = arith.index_cast %add3A_864 : i32 to index
        %get3A_870 = arith.constant 48 : index
        %get3A_871 = tpu.vector_load %get3A_868[%get3A_869, %get3A_870] {strides = array<i32>} : memref<100x128xf32, #tpu.memory_space<vmem>>, vector<1x16xf32>,
        %get3A_872 = vector.shape_cast %get3A_871 : vector<1x16xf32> to vector<16xf32>
        %add3A_873 = arith.addf %scan3A_816, %get3A_872 : vector<16xf32>
        %add3A_874 = arith.constant 50 : i32
        %add3A_875 = arith.addi %add3A_874, %mul3A_822 : i32
        %add3A_876 = arith.constant 0 : i32
        %add3A_877 = arith.addi %add3A_875, %add3A_876 : i32
        %get3A_878 = arith.constant 0 : i32
        %get3A_879 = arith.constant 0 : i32
        %get3A_880 = tpu.memref_slice %arg6[%scan3A_742, %get3A_878, %get3A_879] : memref<4x100x128xf32, #tpu.memory_space<vmem>> -> memref<1x100x128xf32, #tpu.memory_space<vmem>>
        %get3A_881 = tpu.memref_squeeze %get3A_880 : memref<1x100x128xf32, #tpu.memory_space<vmem>> -> memref<100x128xf32, #tpu.memory_space<vmem>>
        %get3A_882 = arith.index_cast %add3A_877 : i32 to index
        %get3A_883 = arith.constant 64 : index
        %get3A_884 = tpu.vector_load %get3A_881[%get3A_882, %get3A_883] {strides = array<i32>} : memref<100x128xf32, #tpu.memory_space<vmem>>, vector<1x16xf32>,
        %get3A_885 = vector.shape_cast %get3A_884 : vector<1x16xf32> to vector<16xf32>
        %add3A_886 = arith.addf %scan3A_817, %get3A_885 : vector<16xf32>
        %add3A_887 = arith.constant 50 : i32
        %add3A_888 = arith.addi %add3A_887, %mul3A_822 : i32
        %add3A_889 = arith.constant 0 : i32
        %add3A_890 = arith.addi %add3A_888, %add3A_889 : i32
        %get3A_891 = arith.constant 0 : i32
        %get3A_892 = arith.constant 0 : i32
        %get3A_893 = tpu.memref_slice %arg6[%scan3A_742, %get3A_891, %get3A_892] : memref<4x100x128xf32, #tpu.memory_space<vmem>> -> memref<1x100x128xf32, #tpu.memory_space<vmem>>
        %get3A_894 = tpu.memref_squeeze %get3A_893 : memref<1x100x128xf32, #tpu.memory_space<vmem>> -> memref<100x128xf32, #tpu.memory_space<vmem>>
        %get3A_895 = arith.index_cast %add3A_890 : i32 to index
        %get3A_896 = arith.constant 80 : index
        %get3A_897 = tpu.vector_load %get3A_894[%get3A_895, %get3A_896] {strides = array<i32>} : memref<100x128xf32, #tpu.memory_space<vmem>>, vector<1x16xf32>,
        %get3A_898 = vector.shape_cast %get3A_897 : vector<1x16xf32> to vector<16xf32>
        %add3A_899 = arith.addf %scan3A_818, %get3A_898 : vector<16xf32>
        %add3A_900 = arith.constant 50 : i32
        %add3A_901 = arith.addi %add3A_900, %mul3A_822 : i32
        %add3A_902 = arith.constant 0 : i32
        %add3A_903 = arith.addi %add3A_901, %add3A_902 : i32
        %get3A_904 = arith.constant 0 : i32
        %get3A_905 = arith.constant 0 : i32
        %get3A_906 = tpu.memref_slice %arg6[%scan3A_742, %get3A_904, %get3A_905] : memref<4x100x128xf32, #tpu.memory_space<vmem>> -> memref<1x100x128xf32, #tpu.memory_space<vmem>>
        %get3A_907 = tpu.memref_squeeze %get3A_906 : memref<1x100x128xf32, #tpu.memory_space<vmem>> -> memref<100x128xf32, #tpu.memory_space<vmem>>
        %get3A_908 = arith.index_cast %add3A_903 : i32 to index
        %get3A_909 = arith.constant 96 : index
        %get3A_910 = tpu.vector_load %get3A_907[%get3A_908, %get3A_909] {strides = array<i32>} : memref<100x128xf32, #tpu.memory_space<vmem>>, vector<1x16xf32>,
        %get3A_911 = vector.shape_cast %get3A_910 : vector<1x16xf32> to vector<16xf32>
        %add3A_912 = arith.addf %scan3A_819, %get3A_911 : vector<16xf32>
        %add3A_913 = arith.constant 50 : i32
        %add3A_914 = arith.addi %add3A_913, %mul3A_822 : i32
        %add3A_915 = arith.constant 0 : i32
        %add3A_916 = arith.addi %add3A_914, %add3A_915 : i32
        %get3A_917 = arith.constant 0 : i32
        %get3A_918 = arith.constant 0 : i32
        %get3A_919 = tpu.memref_slice %arg6[%scan3A_742, %get3A_917, %get3A_918] : memref<4x100x128xf32, #tpu.memory_space<vmem>> -> memref<1x100x128xf32, #tpu.memory_space<vmem>>
        %get3A_920 = tpu.memref_squeeze %get3A_919 : memref<1x100x128xf32, #tpu.memory_space<vmem>> -> memref<100x128xf32, #tpu.memory_space<vmem>>
        %get3A_921 = arith.index_cast %add3A_916 : i32 to index
        %get3A_922 = arith.constant 112 : index
        %get3A_923 = tpu.vector_load %get3A_920[%get3A_921, %get3A_922] {strides = array<i32>} : memref<100x128xf32, #tpu.memory_space<vmem>>, vector<1x16xf32>,
        %get3A_924 = vector.shape_cast %get3A_923 : vector<1x16xf32> to vector<16xf32>
        %add3A_925 = arith.addf %scan3A_820, %get3A_924 : vector<16xf32>
        %add3A_926 = arith.constant 50 : i32
        %add3A_927 = arith.addi %add3A_926, %mul3A_822 : i32
        %add3A_928 = arith.constant 1 : i32
        %add3A_929 = arith.addi %add3A_927, %add3A_928 : i32
        %get3A_930 = arith.constant 0 : i32
        %get3A_931 = arith.constant 0 : i32
        %get3A_932 = tpu.memref_slice %arg6[%scan3A_742, %get3A_930, %get3A_931] : memref<4x100x128xf32, #tpu.memory_space<vmem>> -> memref<1x100x128xf32, #tpu.memory_space<vmem>>
        %get3A_933 = tpu.memref_squeeze %get3A_932 : memref<1x100x128xf32, #tpu.memory_space<vmem>> -> memref<100x128xf32, #tpu.memory_space<vmem>>
        %get3A_934 = arith.index_cast %add3A_929 : i32 to index
        %get3A_935 = arith.constant 0 : index
        %get3A_936 = tpu.vector_load %get3A_933[%get3A_934, %get3A_935] {strides = array<i32>} : memref<100x128xf32, #tpu.memory_space<vmem>>, vector<1x16xf32>,
        %get3A_937 = vector.shape_cast %get3A_936 : vector<1x16xf32> to vector<16xf32>
        %add3A_938 = arith.addf %add3A_834, %get3A_937 : vector<16xf32>
        %add3A_939 = arith.constant 50 : i32
        %add3A_940 = arith.addi %add3A_939, %mul3A_822 : i32
        %add3A_941 = arith.constant 1 : i32
        %add3A_942 = arith.addi %add3A_940, %add3A_941 : i32
        %get3A_943 = arith.constant 0 : i32
        %get3A_944 = arith.constant 0 : i32
        %get3A_945 = tpu.memref_slice %arg6[%scan3A_742, %get3A_943, %get3A_944] : memref<4x100x128xf32, #tpu.memory_space<vmem>> -> memref<1x100x128xf32, #tpu.memory_space<vmem>>
        %get3A_946 = tpu.memref_squeeze %get3A_945 : memref<1x100x128xf32, #tpu.memory_space<vmem>> -> memref<100x128xf32, #tpu.memory_space<vmem>>
        %get3A_947 = arith.index_cast %add3A_942 : i32 to index
        %get3A_948 = arith.constant 16 : index
        %get3A_949 = tpu.vector_load %get3A_946[%get3A_947, %get3A_948] {strides = array<i32>} : memref<100x128xf32, #tpu.memory_space<vmem>>, vector<1x16xf32>,
        %get3A_950 = vector.shape_cast %get3A_949 : vector<1x16xf32> to vector<16xf32>
        %add3A_951 = arith.addf %add3A_847, %get3A_950 : vector<16xf32>
        %add3A_952 = arith.constant 50 : i32
        %add3A_953 = arith.addi %add3A_952, %mul3A_822 : i32
        %add3A_954 = arith.constant 1 : i32
        %add3A_955 = arith.addi %add3A_953, %add3A_954 : i32
        %get3A_956 = arith.constant 0 : i32
        %get3A_957 = arith.constant 0 : i32
        %get3A_958 = tpu.memref_slice %arg6[%scan3A_742, %get3A_956, %get3A_957] : memref<4x100x128xf32, #tpu.memory_space<vmem>> -> memref<1x100x128xf32, #tpu.memory_space<vmem>>
        %get3A_959 = tpu.memref_squeeze %get3A_958 : memref<1x100x128xf32, #tpu.memory_space<vmem>> -> memref<100x128xf32, #tpu.memory_space<vmem>>
        %get3A_960 = arith.index_cast %add3A_955 : i32 to index
        %get3A_961 = arith.constant 32 : index
        %get3A_962 = tpu.vector_load %get3A_959[%get3A_960, %get3A_961] {strides = array<i32>} : memref<100x128xf32, #tpu.memory_space<vmem>>, vector<1x16xf32>,
        %get3A_963 = vector.shape_cast %get3A_962 : vector<1x16xf32> to vector<16xf32>
        %add3A_964 = arith.addf %add3A_860, %get3A_963 : vector<16xf32>
        %add3A_965 = arith.constant 50 : i32
        %add3A_966 = arith.addi %add3A_965, %mul3A_822 : i32
        %add3A_967 = arith.constant 1 : i32
        %add3A_968 = arith.addi %add3A_966, %add3A_967 : i32
        %get3A_969 = arith.constant 0 : i32
        %get3A_970 = arith.constant 0 : i32
        %get3A_971 = tpu.memref_slice %arg6[%scan3A_742, %get3A_969, %get3A_970] : memref<4x100x128xf32, #tpu.memory_space<vmem>> -> memref<1x100x128xf32, #tpu.memory_space<vmem>>
        %get3A_972 = tpu.memref_squeeze %get3A_971 : memref<1x100x128xf32, #tpu.memory_space<vmem>> -> memref<100x128xf32, #tpu.memory_space<vmem>>
        %get3A_973 = arith.index_cast %add3A_968 : i32 to index
        %get3A_974 = arith.constant 48 : index
        %get3A_975 = tpu.vector_load %get3A_972[%get3A_973, %get3A_974] {strides = array<i32>} : memref<100x128xf32, #tpu.memory_space<vmem>>, vector<1x16xf32>,
        %get3A_976 = vector.shape_cast %get3A_975 : vector<1x16xf32> to vector<16xf32>
        %add3A_977 = arith.addf %add3A_873, %get3A_976 : vector<16xf32>
        %add3A_978 = arith.constant 50 : i32
        %add3A_979 = arith.addi %add3A_978, %mul3A_822 : i32
        %add3A_980 = arith.constant 1 : i32
        %add3A_981 = arith.addi %add3A_979, %add3A_980 : i32
        %get3A_982 = arith.constant 0 : i32
        %get3A_983 = arith.constant 0 : i32
        %get3A_984 = tpu.memref_slice %arg6[%scan3A_742, %get3A_982, %get3A_983] : memref<4x100x128xf32, #tpu.memory_space<vmem>> -> memref<1x100x128xf32, #tpu.memory_space<vmem>>
        %get3A_985 = tpu.memref_squeeze %get3A_984 : memref<1x100x128xf32, #tpu.memory_space<vmem>> -> memref<100x128xf32, #tpu.memory_space<vmem>>
        %get3A_986 = arith.index_cast %add3A_981 : i32 to index
        %get3A_987 = arith.constant 64 : index
        %get3A_988 = tpu.vector_load %get3A_985[%get3A_986, %get3A_987] {strides = array<i32>} : memref<100x128xf32, #tpu.memory_space<vmem>>, vector<1x16xf32>,
        %get3A_989 = vector.shape_cast %get3A_988 : vector<1x16xf32> to vector<16xf32>
        %add3A_990 = arith.addf %add3A_886, %get3A_989 : vector<16xf32>
        %add3A_991 = arith.constant 50 : i32
        %add3A_992 = arith.addi %add3A_991, %mul3A_822 : i32
        %add3A_993 = arith.constant 1 : i32
        %add3A_994 = arith.addi %add3A_992, %add3A_993 : i32
        %get3A_995 = arith.constant 0 : i32
        %get3A_996 = arith.constant 0 : i32
        %get3A_997 = tpu.memref_slice %arg6[%scan3A_742, %get3A_995, %get3A_996] : memref<4x100x128xf32, #tpu.memory_space<vmem>> -> memref<1x100x128xf32, #tpu.memory_space<vmem>>
        %get3A_998 = tpu.memref_squeeze %get3A_997 : memref<1x100x128xf32, #tpu.memory_space<vmem>> -> memref<100x128xf32, #tpu.memory_space<vmem>>
        %get3A_999 = arith.index_cast %add3A_994 : i32 to index
        %get3A_1000 = arith.constant 80 : index
        %get3A_1001 = tpu.vector_load %get3A_998[%get3A_999, %get3A_1000] {strides = array<i32>} : memref<100x128xf32, #tpu.memory_space<vmem>>, vector<1x16xf32>,
        %get3A_1002 = vector.shape_cast %get3A_1001 : vector<1x16xf32> to vector<16xf32>
        %add3A_1003 = arith.addf %add3A_899, %get3A_1002 : vector<16xf32>
        %add3A_1004 = arith.constant 50 : i32
        %add3A_1005 = arith.addi %add3A_1004, %mul3A_822 : i32
        %add3A_1006 = arith.constant 1 : i32
        %add3A_1007 = arith.addi %add3A_1005, %add3A_1006 : i32
        %get3A_1008 = arith.constant 0 : i32
        %get3A_1009 = arith.constant 0 : i32
        %get3A_1010 = tpu.memref_slice %arg6[%scan3A_742, %get3A_1008, %get3A_1009] : memref<4x100x128xf32, #tpu.memory_space<vmem>> -> memref<1x100x128xf32, #tpu.memory_space<vmem>>
        %get3A_1011 = tpu.memref_squeeze %get3A_1010 : memref<1x100x128xf32, #tpu.memory_space<vmem>> -> memref<100x128xf32, #tpu.memory_space<vmem>>
        %get3A_1012 = arith.index_cast %add3A_1007 : i32 to index
        %get3A_1013 = arith.constant 96 : index
        %get3A_1014 = tpu.vector_load %get3A_1011[%get3A_1012, %get3A_1013] {strides = array<i32>} : memref<100x128xf32, #tpu.memory_space<vmem>>, vector<1x16xf32>,
        %get3A_1015 = vector.shape_cast %get3A_1014 : vector<1x16xf32> to vector<16xf32>
        %add3A_1016 = arith.addf %add3A_912, %get3A_1015 : vector<16xf32>
        %add3A_1017 = arith.constant 50 : i32
        %add3A_1018 = arith.addi %add3A_1017, %mul3A_822 : i32
        %add3A_1019 = arith.constant 1 : i32
        %add3A_1020 = arith.addi %add3A_1018, %add3A_1019 : i32
        %get3A_1021 = arith.constant 0 : i32
        %get3A_1022 = arith.constant 0 : i32
        %get3A_1023 = tpu.memref_slice %arg6[%scan3A_742, %get3A_1021, %get3A_1022] : memref<4x100x128xf32, #tpu.memory_space<vmem>> -> memref<1x100x128xf32, #tpu.memory_space<vmem>>
        %get3A_1024 = tpu.memref_squeeze %get3A_1023 : memref<1x100x128xf32, #tpu.memory_space<vmem>> -> memref<100x128xf32, #tpu.memory_space<vmem>>
        %get3A_1025 = arith.index_cast %add3A_1020 : i32 to index
        %get3A_1026 = arith.constant 112 : index
        %get3A_1027 = tpu.vector_load %get3A_1024[%get3A_1025, %get3A_1026] {strides = array<i32>} : memref<100x128xf32, #tpu.memory_space<vmem>>, vector<1x16xf32>,
        %get3A_1028 = vector.shape_cast %get3A_1027 : vector<1x16xf32> to vector<16xf32>
        %add3A_1029 = arith.addf %add3A_925, %get3A_1028 : vector<16xf32>
        scf.yield %add3A_938, %add3A_951, %add3A_964, %add3A_977, %add3A_990, %add3A_1003, %add3A_1016, %add3A_1029 : vector<16xf32>, vector<16xf32>, vector<16xf32>, vector<16xf32>, vector<16xf32>, vector<16xf32>, vector<16xf32>, vector<16xf32>
      }
      %scan3A_748 = arith.constant 25 : i32
      %add3A_749 = arith.constant 1 : i32
      %add3A_750 = arith.addi %mul3A_646, %add3A_749 : i32
      %swap3A_751 = arith.index_cast %add3A_750 : i32 to index
      %swap3A_752 = arith.constant 0 : index
      %swap3A_753 = tpu.vector_load %arg7[%swap3A_751, %swap3A_752] {strides = array<i32>} : memref<256x128xf32, #tpu.memory_space<vmem>>, vector<1x16xf32>,
      %swap3A_754 = vector.shape_cast %swap3A_753 : vector<1x16xf32> to vector<16xf32>
      %swap3A_755 = vector.shape_cast %scan3A_747#0 : vector<16xf32> to vector<1x16xf32>
      tpu.vector_store %arg7[%swap3A_751, %swap3A_752], %swap3A_755 {strides = array<i32>} : memref<256x128xf32, #tpu.memory_space<vmem>>, vector<1x16xf32>,
      %add3A_756 = arith.constant 1 : i32
      %add3A_757 = arith.addi %mul3A_646, %add3A_756 : i32
      %swap3A_758 = arith.index_cast %add3A_757 : i32 to index
      %swap3A_759 = arith.constant 16 : index
      %swap3A_760 = tpu.vector_load %arg7[%swap3A_758, %swap3A_759] {strides = array<i32>} : memref<256x128xf32, #tpu.memory_space<vmem>>, vector<1x16xf32>,
      %swap3A_761 = vector.shape_cast %swap3A_760 : vector<1x16xf32> to vector<16xf32>
      %swap3A_762 = vector.shape_cast %scan3A_747#1 : vector<16xf32> to vector<1x16xf32>
      tpu.vector_store %arg7[%swap3A_758, %swap3A_759], %swap3A_762 {strides = array<i32>} : memref<256x128xf32, #tpu.memory_space<vmem>>, vector<1x16xf32>,
      %add3A_763 = arith.constant 1 : i32
      %add3A_764 = arith.addi %mul3A_646, %add3A_763 : i32
      %swap3A_765 = arith.index_cast %add3A_764 : i32 to index
      %swap3A_766 = arith.constant 32 : index
      %swap3A_767 = tpu.vector_load %arg7[%swap3A_765, %swap3A_766] {strides = array<i32>} : memref<256x128xf32, #tpu.memory_space<vmem>>, vector<1x16xf32>,
      %swap3A_768 = vector.shape_cast %swap3A_767 : vector<1x16xf32> to vector<16xf32>
      %swap3A_769 = vector.shape_cast %scan3A_747#2 : vector<16xf32> to vector<1x16xf32>
      tpu.vector_store %arg7[%swap3A_765, %swap3A_766], %swap3A_769 {strides = array<i32>} : memref<256x128xf32, #tpu.memory_space<vmem>>, vector<1x16xf32>,
      %add3A_770 = arith.constant 1 : i32
      %add3A_771 = arith.addi %mul3A_646, %add3A_770 : i32
      %swap3A_772 = arith.index_cast %add3A_771 : i32 to index
      %swap3A_773 = arith.constant 48 : index
      %swap3A_774 = tpu.vector_load %arg7[%swap3A_772, %swap3A_773] {strides = array<i32>} : memref<256x128xf32, #tpu.memory_space<vmem>>, vector<1x16xf32>,
      %swap3A_775 = vector.shape_cast %swap3A_774 : vector<1x16xf32> to vector<16xf32>
      %swap3A_776 = vector.shape_cast %scan3A_747#3 : vector<16xf32> to vector<1x16xf32>
      tpu.vector_store %arg7[%swap3A_772, %swap3A_773], %swap3A_776 {strides = array<i32>} : memref<256x128xf32, #tpu.memory_space<vmem>>, vector<1x16xf32>,
      %add3A_777 = arith.constant 1 : i32
      %add3A_778 = arith.addi %mul3A_646, %add3A_777 : i32
      %swap3A_779 = arith.index_cast %add3A_778 : i32 to index
      %swap3A_780 = arith.constant 64 : index
      %swap3A_781 = tpu.vector_load %arg7[%swap3A_779, %swap3A_780] {strides = array<i32>} : memref<256x128xf32, #tpu.memory_space<vmem>>, vector<1x16xf32>,
      %swap3A_782 = vector.shape_cast %swap3A_781 : vector<1x16xf32> to vector<16xf32>
      %swap3A_783 = vector.shape_cast %scan3A_747#4 : vector<16xf32> to vector<1x16xf32>
      tpu.vector_store %arg7[%swap3A_779, %swap3A_780], %swap3A_783 {strides = array<i32>} : memref<256x128xf32, #tpu.memory_space<vmem>>, vector<1x16xf32>,
      %add3A_784 = arith.constant 1 : i32
      %add3A_785 = arith.addi %mul3A_646, %add3A_784 : i32
      %swap3A_786 = arith.index_cast %add3A_785 : i32 to index
      %swap3A_787 = arith.constant 80 : index
      %swap3A_788 = tpu.vector_load %arg7[%swap3A_786, %swap3A_787] {strides = array<i32>} : memref<256x128xf32, #tpu.memory_space<vmem>>, vector<1x16xf32>,
      %swap3A_789 = vector.shape_cast %swap3A_788 : vector<1x16xf32> to vector<16xf32>
      %swap3A_790 = vector.shape_cast %scan3A_747#5 : vector<16xf32> to vector<1x16xf32>
      tpu.vector_store %arg7[%swap3A_786, %swap3A_787], %swap3A_790 {strides = array<i32>} : memref<256x128xf32, #tpu.memory_space<vmem>>, vector<1x16xf32>,
      %add3A_791 = arith.constant 1 : i32
      %add3A_792 = arith.addi %mul3A_646, %add3A_791 : i32
      %swap3A_793 = arith.index_cast %add3A_792 : i32 to index
      %swap3A_794 = arith.constant 96 : index
      %swap3A_795 = tpu.vector_load %arg7[%swap3A_793, %swap3A_794] {strides = array<i32>} : memref<256x128xf32, #tpu.memory_space<vmem>>, vector<1x16xf32>,
      %swap3A_796 = vector.shape_cast %swap3A_795 : vector<1x16xf32> to vector<16xf32>
      %swap3A_797 = vector.shape_cast %scan3A_747#6 : vector<16xf32> to vector<1x16xf32>
      tpu.vector_store %arg7[%swap3A_793, %swap3A_794], %swap3A_797 {strides = array<i32>} : memref<256x128xf32, #tpu.memory_space<vmem>>, vector<1x16xf32>,
      %add3A_798 = arith.constant 1 : i32
      %add3A_799 = arith.addi %mul3A_646, %add3A_798 : i32
      %swap3A_800 = arith.index_cast %add3A_799 : i32 to index
      %swap3A_801 = arith.constant 112 : index
      %swap3A_802 = tpu.vector_load %arg7[%swap3A_800, %swap3A_801] {strides = array<i32>} : memref<256x128xf32, #tpu.memory_space<vmem>>, vector<1x16xf32>,
      %swap3A_803 = vector.shape_cast %swap3A_802 : vector<1x16xf32> to vector<16xf32>
      %swap3A_804 = vector.shape_cast %scan3A_747#7 : vector<16xf32> to vector<1x16xf32>
      tpu.vector_store %arg7[%swap3A_800, %swap3A_801], %swap3A_804 {strides = array<i32>} : memref<256x128xf32, #tpu.memory_space<vmem>>, vector<1x16xf32>,
      %add3A_805 = arith.constant 4 : i32
      %add3A_806 = arith.addi %add3A_629, %add3A_805 : i32
      %lt3A_807 = arith.constant 256 : i32
      %lt3A_808 = arith.cmpi slt, %add3A_806, %lt3A_807 : i32
      %convert_element_type3A_809 = arith.extui %lt3A_808 : i1 to i32
      %cond3A_810 = arith.constant 0 : i32
      %cond3A_811 = arith.cmpi ne, %convert_element_type3A_809, %cond3A_810 : i32
      scf.if %cond3A_811 {
        %add3A_812 = arith.constant 4 : i32
        %add3A_813 = arith.addi %add3A_629, %add3A_812 : i32
        %dma_start3A_814 = arith.constant 3 : i32
        %dma_start3A_815 = arith.constant 0 : i32
        %dma_start3A_816 = arith.constant 0 : i32
        %dma_start3A_817 = tpu.memref_slice %arg6[%dma_start3A_814, %dma_start3A_815, %dma_start3A_816] : memref<4x100x128xf32, #tpu.memory_space<vmem>> -> memref<1x100x128xf32, #tpu.memory_space<vmem>>
        %dma_start3A_818 = tpu.memref_squeeze %dma_start3A_817 : memref<1x100x128xf32, #tpu.memory_space<vmem>> -> memref<100x128xf32, #tpu.memory_space<vmem>>
        %dma_start3A_819 = arith.constant 0 : i32
        %dma_start3A_820 = tpu.memref_slice %arg5[%add3A_813, %dma_start3A_819] : memref<256x100xi32, #tpu.memory_space<vmem>> -> memref<1x100xi32, #tpu.memory_space<vmem>>
        %dma_start3A_821 = tpu.memref_squeeze %dma_start3A_820 : memref<1x100xi32, #tpu.memory_space<vmem>> -> memref<100xi32, #tpu.memory_space<vmem>>
        %dma_start3A_822 = arith.constant 0 : i32
        %dma_start3A_823 = arith.constant 0 : i32
        %dma_start3A_824 = tpu.memref_slice %arg3[%dma_start3A_822, %dma_start3A_823] : memref<1000000x128xf32, #tpu.memory_space<hbm>> -> memref<1000000x128xf32, #tpu.memory_space<hbm>>
        tpu.enqueue_indirect_dma source(%dma_start3A_824 : memref<1000000x128xf32, #tpu.memory_space<hbm>>) target(%dma_start3A_818 : memref<100x128xf32, #tpu.memory_space<vmem>>) offsets(%dma_start3A_821 : memref<100xi32, #tpu.memory_space<vmem>>) semaphore(%arg11 : memref<!tpu.dma_semaphore, #tpu.memory_space<semaphore_mem>>)
      } else {
      }
    }
    %scan3A_54 = arith.constant 32 : i32
    %add3A_55 = arith.constant 0 : i32
    %add3A_56 = arith.addi %mul3A_2, %add3A_55 : i32
    "tpu.region"() ({
      %run_scoped3A = tpu.sem_alloc : memref<!tpu.dma_semaphore, #tpu.memory_space<semaphore_mem>>
      %dma_start3A_65 = arith.constant 0 : i32
      %dma_start3A_66 = tpu.memref_slice %arg4[%add3A_56, %dma_start3A_65] : memref<16384x128xf32, #tpu.memory_space<hbm>> -> memref<256x128xf32, #tpu.memory_space<hbm>>
      %dma_start3A_67 = arith.constant 0 : i32
      %dma_start3A_68 = tpu.memref_slice %arg4[%add3A_56, %dma_start3A_67] : memref<16384x128xf32, #tpu.memory_space<hbm>> -> memref<256x128xf32, #tpu.memory_space<hbm>>
      tpu.enqueue_dma source(%arg7 : memref<256x128xf32, #tpu.memory_space<vmem>>) target(%dma_start3A_68 : memref<256x128xf32, #tpu.memory_space<hbm>>) target_semaphore(%run_scoped3A : memref<!tpu.dma_semaphore, #tpu.memory_space<semaphore_mem>>)
      %dma_wait3A = arith.constant 0 : i32
      %dma_wait3A_69 = tpu.memref_slice %arg4[%add3A_56, %dma_wait3A] : memref<16384x128xf32, #tpu.memory_space<hbm>> -> memref<256x128xf32, #tpu.memory_space<hbm>>
      %dma_wait3A_70 = arith.constant 0 : i32
      %dma_wait3A_71 = tpu.memref_slice %arg4[%add3A_56, %dma_wait3A_70] : memref<16384x128xf32, #tpu.memory_space<hbm>> -> memref<256x128xf32, #tpu.memory_space<hbm>>
      tpu.wait_dma2 semaphore(%run_scoped3A : memref<!tpu.dma_semaphore, #tpu.memory_space<semaphore_mem>>) src(%arg7 : memref<256x128xf32, #tpu.memory_space<vmem>>) dst(%dma_wait3A_71 : memref<256x128xf32, #tpu.memory_space<hbm>>)
      tpu.yield
    }) : () -> ()
    %scan3A_57 = arith.constant 0 : i32
    %scan3A_58 = arith.constant 0 : i32
    %scan3A_59 = arith.constant 32 : i32
    %scan3A_60 = arith.addi %scan3A_58, %scan3A_59 : i32
    %scan3A_61 = arith.constant 1 : i32
    scf.for %scan3A_65 = %scan3A_58 to %scan3A_60 step %scan3A_61  : i32 {
      %mul3A_66 = arith.constant 4 : i32
      %mul3A_67 = arith.muli %scan3A_65, %mul3A_66 : i32
      %add3A_68 = arith.constant 128 : i32
      %add3A_69 = arith.addi %add3A_68, %mul3A_67 : i32
      %add3A_70 = arith.constant 0 : i32
      %add3A_71 = arith.addi %add3A_69, %add3A_70 : i32
      %dma_wait3A = arith.constant 0 : i32
      %dma_wait3A_72 = arith.constant 0 : i32
      %dma_wait3A_73 = arith.constant 0 : i32
      %dma_wait3A_74 = tpu.memref_slice %arg6[%dma_wait3A, %dma_wait3A_72, %dma_wait3A_73] : memref<4x100x128xf32, #tpu.memory_space<vmem>> -> memref<1x100x128xf32, #tpu.memory_space<vmem>>
      %dma_wait3A_75 = tpu.memref_squeeze %dma_wait3A_74 : memref<1x100x128xf32, #tpu.memory_space<vmem>> -> memref<100x128xf32, #tpu.memory_space<vmem>>
      %dma_wait3A_76 = arith.constant 0 : i32
      %dma_wait3A_77 = tpu.memref_slice %arg5[%add3A_71, %dma_wait3A_76] : memref<256x100xi32, #tpu.memory_space<vmem>> -> memref<1x100xi32, #tpu.memory_space<vmem>>
      %dma_wait3A_78 = tpu.memref_squeeze %dma_wait3A_77 : memref<1x100xi32, #tpu.memory_space<vmem>> -> memref<100xi32, #tpu.memory_space<vmem>>
      %dma_wait3A_79 = arith.constant 0 : i32
      %dma_wait3A_80 = arith.constant 0 : i32
      %dma_wait3A_81 = tpu.memref_slice %arg3[%dma_wait3A_79, %dma_wait3A_80] : memref<1000000x128xf32, #tpu.memory_space<hbm>> -> memref<1000000x128xf32, #tpu.memory_space<hbm>>
      tpu.wait_indirect_dma semaphore(%arg8 : memref<!tpu.dma_semaphore, #tpu.memory_space<semaphore_mem>>) src(%dma_wait3A_81 : memref<1000000x128xf32, #tpu.memory_space<hbm>>) dst(%dma_wait3A_75 : memref<100x128xf32, #tpu.memory_space<vmem>>)
      %mul3A_82 = arith.constant 4 : i32
      %mul3A_83 = arith.muli %scan3A_65, %mul3A_82 : i32
      %add3A_84 = arith.constant 0 : i32
      %add3A_85 = arith.addi %mul3A_83, %add3A_84 : i32
      %mul3A_86 = arith.constant 2 : i32
      %mul3A_87 = arith.muli %add3A_85, %mul3A_86 : i32
      %broadcast_in_dim3A = arith.constant 0.000000e+00 : f32
      %broadcast_in_dim3A_88 = vector.broadcast %broadcast_in_dim3A : f32 to vector<16xf32>
      %broadcast_in_dim3A_89 = arith.constant 0.000000e+00 : f32
      %broadcast_in_dim3A_90 = vector.broadcast %broadcast_in_dim3A_89 : f32 to vector<16xf32>
      %broadcast_in_dim3A_91 = arith.constant 0.000000e+00 : f32
      %broadcast_in_dim3A_92 = vector.broadcast %broadcast_in_dim3A_91 : f32 to vector<16xf32>
      %broadcast_in_dim3A_93 = arith.constant 0.000000e+00 : f32
      %broadcast_in_dim3A_94 = vector.broadcast %broadcast_in_dim3A_93 : f32 to vector<16xf32>
      %broadcast_in_dim3A_95 = arith.constant 0.000000e+00 : f32
      %broadcast_in_dim3A_96 = vector.broadcast %broadcast_in_dim3A_95 : f32 to vector<16xf32>
      %broadcast_in_dim3A_97 = arith.constant 0.000000e+00 : f32
      %broadcast_in_dim3A_98 = vector.broadcast %broadcast_in_dim3A_97 : f32 to vector<16xf32>
      %broadcast_in_dim3A_99 = arith.constant 0.000000e+00 : f32
      %broadcast_in_dim3A_100 = vector.broadcast %broadcast_in_dim3A_99 : f32 to vector<16xf32>
      %broadcast_in_dim3A_101 = arith.constant 0.000000e+00 : f32
      %broadcast_in_dim3A_102 = vector.broadcast %broadcast_in_dim3A_101 : f32 to vector<16xf32>
      %scan3A_103 = arith.constant 0 : i32
      %scan3A_104 = arith.constant 0 : i32
      %scan3A_105 = arith.constant 25 : i32
      %scan3A_106 = arith.addi %scan3A_104, %scan3A_105 : i32
      %scan3A_107 = arith.constant 1 : i32
      %scan3A_108:8 = scf.for %scan3A_812 = %scan3A_104 to %scan3A_106 step %scan3A_107 iter_args(%scan3A_813 = %broadcast_in_dim3A_88, %scan3A_814 = %broadcast_in_dim3A_90, %scan3A_815 = %broadcast_in_dim3A_92, %scan3A_816 = %broadcast_in_dim3A_94, %scan3A_817 = %broadcast_in_dim3A_96, %scan3A_818 = %broadcast_in_dim3A_98, %scan3A_819 = %broadcast_in_dim3A_100, %scan3A_820 = %broadcast_in_dim3A_102) -> (vector<16xf32>, vector<16xf32>, vector<16xf32>, vector<16xf32>, vector<16xf32>, vector<16xf32>, vector<16xf32>, vector<16xf32>)  : i32 {
        %mul3A_821 = arith.constant 2 : i32
        %mul3A_822 = arith.muli %scan3A_812, %mul3A_821 : i32
        %add3A_823 = arith.constant 0 : i32
        %add3A_824 = arith.addi %add3A_823, %mul3A_822 : i32
        %add3A_825 = arith.constant 0 : i32
        %add3A_826 = arith.addi %add3A_824, %add3A_825 : i32
        %get3A = arith.constant 0 : i32
        %get3A_827 = arith.constant 0 : i32
        %get3A_828 = tpu.memref_slice %arg6[%scan3A_103, %get3A, %get3A_827] : memref<4x100x128xf32, #tpu.memory_space<vmem>> -> memref<1x100x128xf32, #tpu.memory_space<vmem>>
        %get3A_829 = tpu.memref_squeeze %get3A_828 : memref<1x100x128xf32, #tpu.memory_space<vmem>> -> memref<100x128xf32, #tpu.memory_space<vmem>>
        %get3A_830 = arith.index_cast %add3A_826 : i32 to index
        %get3A_831 = arith.constant 0 : index
        %get3A_832 = tpu.vector_load %get3A_829[%get3A_830, %get3A_831] {strides = array<i32>} : memref<100x128xf32, #tpu.memory_space<vmem>>, vector<1x16xf32>,
        %get3A_833 = vector.shape_cast %get3A_832 : vector<1x16xf32> to vector<16xf32>
        %add3A_834 = arith.addf %scan3A_813, %get3A_833 : vector<16xf32>
        %add3A_835 = arith.constant 0 : i32
        %add3A_836 = arith.addi %add3A_835, %mul3A_822 : i32
        %add3A_837 = arith.constant 0 : i32
        %add3A_838 = arith.addi %add3A_836, %add3A_837 : i32
        %get3A_839 = arith.constant 0 : i32
        %get3A_840 = arith.constant 0 : i32
        %get3A_841 = tpu.memref_slice %arg6[%scan3A_103, %get3A_839, %get3A_840] : memref<4x100x128xf32, #tpu.memory_space<vmem>> -> memref<1x100x128xf32, #tpu.memory_space<vmem>>
        %get3A_842 = tpu.memref_squeeze %get3A_841 : memref<1x100x128xf32, #tpu.memory_space<vmem>> -> memref<100x128xf32, #tpu.memory_space<vmem>>
        %get3A_843 = arith.index_cast %add3A_838 : i32 to index
        %get3A_844 = arith.constant 16 : index
        %get3A_845 = tpu.vector_load %get3A_842[%get3A_843, %get3A_844] {strides = array<i32>} : memref<100x128xf32, #tpu.memory_space<vmem>>, vector<1x16xf32>,
        %get3A_846 = vector.shape_cast %get3A_845 : vector<1x16xf32> to vector<16xf32>
        %add3A_847 = arith.addf %scan3A_814, %get3A_846 : vector<16xf32>
        %add3A_848 = arith.constant 0 : i32
        %add3A_849 = arith.addi %add3A_848, %mul3A_822 : i32
        %add3A_850 = arith.constant 0 : i32
        %add3A_851 = arith.addi %add3A_849, %add3A_850 : i32
        %get3A_852 = arith.constant 0 : i32
        %get3A_853 = arith.constant 0 : i32
        %get3A_854 = tpu.memref_slice %arg6[%scan3A_103, %get3A_852, %get3A_853] : memref<4x100x128xf32, #tpu.memory_space<vmem>> -> memref<1x100x128xf32, #tpu.memory_space<vmem>>
        %get3A_855 = tpu.memref_squeeze %get3A_854 : memref<1x100x128xf32, #tpu.memory_space<vmem>> -> memref<100x128xf32, #tpu.memory_space<vmem>>
        %get3A_856 = arith.index_cast %add3A_851 : i32 to index
        %get3A_857 = arith.constant 32 : index
        %get3A_858 = tpu.vector_load %get3A_855[%get3A_856, %get3A_857] {strides = array<i32>} : memref<100x128xf32, #tpu.memory_space<vmem>>, vector<1x16xf32>,
        %get3A_859 = vector.shape_cast %get3A_858 : vector<1x16xf32> to vector<16xf32>
        %add3A_860 = arith.addf %scan3A_815, %get3A_859 : vector<16xf32>
        %add3A_861 = arith.constant 0 : i32
        %add3A_862 = arith.addi %add3A_861, %mul3A_822 : i32
        %add3A_863 = arith.constant 0 : i32
        %add3A_864 = arith.addi %add3A_862, %add3A_863 : i32
        %get3A_865 = arith.constant 0 : i32
        %get3A_866 = arith.constant 0 : i32
        %get3A_867 = tpu.memref_slice %arg6[%scan3A_103, %get3A_865, %get3A_866] : memref<4x100x128xf32, #tpu.memory_space<vmem>> -> memref<1x100x128xf32, #tpu.memory_space<vmem>>
        %get3A_868 = tpu.memref_squeeze %get3A_867 : memref<1x100x128xf32, #tpu.memory_space<vmem>> -> memref<100x128xf32, #tpu.memory_space<vmem>>
        %get3A_869 = arith.index_cast %add3A_864 : i32 to index
        %get3A_870 = arith.constant 48 : index
        %get3A_871 = tpu.vector_load %get3A_868[%get3A_869, %get3A_870] {strides = array<i32>} : memref<100x128xf32, #tpu.memory_space<vmem>>, vector<1x16xf32>,
        %get3A_872 = vector.shape_cast %get3A_871 : vector<1x16xf32> to vector<16xf32>
        %add3A_873 = arith.addf %scan3A_816, %get3A_872 : vector<16xf32>
        %add3A_874 = arith.constant 0 : i32
        %add3A_875 = arith.addi %add3A_874, %mul3A_822 : i32
        %add3A_876 = arith.constant 0 : i32
        %add3A_877 = arith.addi %add3A_875, %add3A_876 : i32
        %get3A_878 = arith.constant 0 : i32
        %get3A_879 = arith.constant 0 : i32
        %get3A_880 = tpu.memref_slice %arg6[%scan3A_103, %get3A_878, %get3A_879] : memref<4x100x128xf32, #tpu.memory_space<vmem>> -> memref<1x100x128xf32, #tpu.memory_space<vmem>>
        %get3A_881 = tpu.memref_squeeze %get3A_880 : memref<1x100x128xf32, #tpu.memory_space<vmem>> -> memref<100x128xf32, #tpu.memory_space<vmem>>
        %get3A_882 = arith.index_cast %add3A_877 : i32 to index
        %get3A_883 = arith.constant 64 : index
        %get3A_884 = tpu.vector_load %get3A_881[%get3A_882, %get3A_883] {strides = array<i32>} : memref<100x128xf32, #tpu.memory_space<vmem>>, vector<1x16xf32>,
        %get3A_885 = vector.shape_cast %get3A_884 : vector<1x16xf32> to vector<16xf32>
        %add3A_886 = arith.addf %scan3A_817, %get3A_885 : vector<16xf32>
        %add3A_887 = arith.constant 0 : i32
        %add3A_888 = arith.addi %add3A_887, %mul3A_822 : i32
        %add3A_889 = arith.constant 0 : i32
        %add3A_890 = arith.addi %add3A_888, %add3A_889 : i32
        %get3A_891 = arith.constant 0 : i32
        %get3A_892 = arith.constant 0 : i32
        %get3A_893 = tpu.memref_slice %arg6[%scan3A_103, %get3A_891, %get3A_892] : memref<4x100x128xf32, #tpu.memory_space<vmem>> -> memref<1x100x128xf32, #tpu.memory_space<vmem>>
        %get3A_894 = tpu.memref_squeeze %get3A_893 : memref<1x100x128xf32, #tpu.memory_space<vmem>> -> memref<100x128xf32, #tpu.memory_space<vmem>>
        %get3A_895 = arith.index_cast %add3A_890 : i32 to index
        %get3A_896 = arith.constant 80 : index
        %get3A_897 = tpu.vector_load %get3A_894[%get3A_895, %get3A_896] {strides = array<i32>} : memref<100x128xf32, #tpu.memory_space<vmem>>, vector<1x16xf32>,
        %get3A_898 = vector.shape_cast %get3A_897 : vector<1x16xf32> to vector<16xf32>
        %add3A_899 = arith.addf %scan3A_818, %get3A_898 : vector<16xf32>
        %add3A_900 = arith.constant 0 : i32
        %add3A_901 = arith.addi %add3A_900, %mul3A_822 : i32
        %add3A_902 = arith.constant 0 : i32
        %add3A_903 = arith.addi %add3A_901, %add3A_902 : i32
        %get3A_904 = arith.constant 0 : i32
        %get3A_905 = arith.constant 0 : i32
        %get3A_906 = tpu.memref_slice %arg6[%scan3A_103, %get3A_904, %get3A_905] : memref<4x100x128xf32, #tpu.memory_space<vmem>> -> memref<1x100x128xf32, #tpu.memory_space<vmem>>
        %get3A_907 = tpu.memref_squeeze %get3A_906 : memref<1x100x128xf32, #tpu.memory_space<vmem>> -> memref<100x128xf32, #tpu.memory_space<vmem>>
        %get3A_908 = arith.index_cast %add3A_903 : i32 to index
        %get3A_909 = arith.constant 96 : index
        %get3A_910 = tpu.vector_load %get3A_907[%get3A_908, %get3A_909] {strides = array<i32>} : memref<100x128xf32, #tpu.memory_space<vmem>>, vector<1x16xf32>,
        %get3A_911 = vector.shape_cast %get3A_910 : vector<1x16xf32> to vector<16xf32>
        %add3A_912 = arith.addf %scan3A_819, %get3A_911 : vector<16xf32>
        %add3A_913 = arith.constant 0 : i32
        %add3A_914 = arith.addi %add3A_913, %mul3A_822 : i32
        %add3A_915 = arith.constant 0 : i32
        %add3A_916 = arith.addi %add3A_914, %add3A_915 : i32
        %get3A_917 = arith.constant 0 : i32
        %get3A_918 = arith.constant 0 : i32
        %get3A_919 = tpu.memref_slice %arg6[%scan3A_103, %get3A_917, %get3A_918] : memref<4x100x128xf32, #tpu.memory_space<vmem>> -> memref<1x100x128xf32, #tpu.memory_space<vmem>>
        %get3A_920 = tpu.memref_squeeze %get3A_919 : memref<1x100x128xf32, #tpu.memory_space<vmem>> -> memref<100x128xf32, #tpu.memory_space<vmem>>
        %get3A_921 = arith.index_cast %add3A_916 : i32 to index
        %get3A_922 = arith.constant 112 : index
        %get3A_923 = tpu.vector_load %get3A_920[%get3A_921, %get3A_922] {strides = array<i32>} : memref<100x128xf32, #tpu.memory_space<vmem>>, vector<1x16xf32>,
        %get3A_924 = vector.shape_cast %get3A_923 : vector<1x16xf32> to vector<16xf32>
        %add3A_925 = arith.addf %scan3A_820, %get3A_924 : vector<16xf32>
        %add3A_926 = arith.constant 0 : i32
        %add3A_927 = arith.addi %add3A_926, %mul3A_822 : i32
        %add3A_928 = arith.constant 1 : i32
        %add3A_929 = arith.addi %add3A_927, %add3A_928 : i32
        %get3A_930 = arith.constant 0 : i32
        %get3A_931 = arith.constant 0 : i32
        %get3A_932 = tpu.memref_slice %arg6[%scan3A_103, %get3A_930, %get3A_931] : memref<4x100x128xf32, #tpu.memory_space<vmem>> -> memref<1x100x128xf32, #tpu.memory_space<vmem>>
        %get3A_933 = tpu.memref_squeeze %get3A_932 : memref<1x100x128xf32, #tpu.memory_space<vmem>> -> memref<100x128xf32, #tpu.memory_space<vmem>>
        %get3A_934 = arith.index_cast %add3A_929 : i32 to index
        %get3A_935 = arith.constant 0 : index
        %get3A_936 = tpu.vector_load %get3A_933[%get3A_934, %get3A_935] {strides = array<i32>} : memref<100x128xf32, #tpu.memory_space<vmem>>, vector<1x16xf32>,
        %get3A_937 = vector.shape_cast %get3A_936 : vector<1x16xf32> to vector<16xf32>
        %add3A_938 = arith.addf %add3A_834, %get3A_937 : vector<16xf32>
        %add3A_939 = arith.constant 0 : i32
        %add3A_940 = arith.addi %add3A_939, %mul3A_822 : i32
        %add3A_941 = arith.constant 1 : i32
        %add3A_942 = arith.addi %add3A_940, %add3A_941 : i32
        %get3A_943 = arith.constant 0 : i32
        %get3A_944 = arith.constant 0 : i32
        %get3A_945 = tpu.memref_slice %arg6[%scan3A_103, %get3A_943, %get3A_944] : memref<4x100x128xf32, #tpu.memory_space<vmem>> -> memref<1x100x128xf32, #tpu.memory_space<vmem>>
        %get3A_946 = tpu.memref_squeeze %get3A_945 : memref<1x100x128xf32, #tpu.memory_space<vmem>> -> memref<100x128xf32, #tpu.memory_space<vmem>>
        %get3A_947 = arith.index_cast %add3A_942 : i32 to index
        %get3A_948 = arith.constant 16 : index
        %get3A_949 = tpu.vector_load %get3A_946[%get3A_947, %get3A_948] {strides = array<i32>} : memref<100x128xf32, #tpu.memory_space<vmem>>, vector<1x16xf32>,
        %get3A_950 = vector.shape_cast %get3A_949 : vector<1x16xf32> to vector<16xf32>
        %add3A_951 = arith.addf %add3A_847, %get3A_950 : vector<16xf32>
        %add3A_952 = arith.constant 0 : i32
        %add3A_953 = arith.addi %add3A_952, %mul3A_822 : i32
        %add3A_954 = arith.constant 1 : i32
        %add3A_955 = arith.addi %add3A_953, %add3A_954 : i32
        %get3A_956 = arith.constant 0 : i32
        %get3A_957 = arith.constant 0 : i32
        %get3A_958 = tpu.memref_slice %arg6[%scan3A_103, %get3A_956, %get3A_957] : memref<4x100x128xf32, #tpu.memory_space<vmem>> -> memref<1x100x128xf32, #tpu.memory_space<vmem>>
        %get3A_959 = tpu.memref_squeeze %get3A_958 : memref<1x100x128xf32, #tpu.memory_space<vmem>> -> memref<100x128xf32, #tpu.memory_space<vmem>>
        %get3A_960 = arith.index_cast %add3A_955 : i32 to index
        %get3A_961 = arith.constant 32 : index
        %get3A_962 = tpu.vector_load %get3A_959[%get3A_960, %get3A_961] {strides = array<i32>} : memref<100x128xf32, #tpu.memory_space<vmem>>, vector<1x16xf32>,
        %get3A_963 = vector.shape_cast %get3A_962 : vector<1x16xf32> to vector<16xf32>
        %add3A_964 = arith.addf %add3A_860, %get3A_963 : vector<16xf32>
        %add3A_965 = arith.constant 0 : i32
        %add3A_966 = arith.addi %add3A_965, %mul3A_822 : i32
        %add3A_967 = arith.constant 1 : i32
        %add3A_968 = arith.addi %add3A_966, %add3A_967 : i32
        %get3A_969 = arith.constant 0 : i32
        %get3A_970 = arith.constant 0 : i32
        %get3A_971 = tpu.memref_slice %arg6[%scan3A_103, %get3A_969, %get3A_970] : memref<4x100x128xf32, #tpu.memory_space<vmem>> -> memref<1x100x128xf32, #tpu.memory_space<vmem>>
        %get3A_972 = tpu.memref_squeeze %get3A_971 : memref<1x100x128xf32, #tpu.memory_space<vmem>> -> memref<100x128xf32, #tpu.memory_space<vmem>>
        %get3A_973 = arith.index_cast %add3A_968 : i32 to index
        %get3A_974 = arith.constant 48 : index
        %get3A_975 = tpu.vector_load %get3A_972[%get3A_973, %get3A_974] {strides = array<i32>} : memref<100x128xf32, #tpu.memory_space<vmem>>, vector<1x16xf32>,
        %get3A_976 = vector.shape_cast %get3A_975 : vector<1x16xf32> to vector<16xf32>
        %add3A_977 = arith.addf %add3A_873, %get3A_976 : vector<16xf32>
        %add3A_978 = arith.constant 0 : i32
        %add3A_979 = arith.addi %add3A_978, %mul3A_822 : i32
        %add3A_980 = arith.constant 1 : i32
        %add3A_981 = arith.addi %add3A_979, %add3A_980 : i32
        %get3A_982 = arith.constant 0 : i32
        %get3A_983 = arith.constant 0 : i32
        %get3A_984 = tpu.memref_slice %arg6[%scan3A_103, %get3A_982, %get3A_983] : memref<4x100x128xf32, #tpu.memory_space<vmem>> -> memref<1x100x128xf32, #tpu.memory_space<vmem>>
        %get3A_985 = tpu.memref_squeeze %get3A_984 : memref<1x100x128xf32, #tpu.memory_space<vmem>> -> memref<100x128xf32, #tpu.memory_space<vmem>>
        %get3A_986 = arith.index_cast %add3A_981 : i32 to index
        %get3A_987 = arith.constant 64 : index
        %get3A_988 = tpu.vector_load %get3A_985[%get3A_986, %get3A_987] {strides = array<i32>} : memref<100x128xf32, #tpu.memory_space<vmem>>, vector<1x16xf32>,
        %get3A_989 = vector.shape_cast %get3A_988 : vector<1x16xf32> to vector<16xf32>
        %add3A_990 = arith.addf %add3A_886, %get3A_989 : vector<16xf32>
        %add3A_991 = arith.constant 0 : i32
        %add3A_992 = arith.addi %add3A_991, %mul3A_822 : i32
        %add3A_993 = arith.constant 1 : i32
        %add3A_994 = arith.addi %add3A_992, %add3A_993 : i32
        %get3A_995 = arith.constant 0 : i32
        %get3A_996 = arith.constant 0 : i32
        %get3A_997 = tpu.memref_slice %arg6[%scan3A_103, %get3A_995, %get3A_996] : memref<4x100x128xf32, #tpu.memory_space<vmem>> -> memref<1x100x128xf32, #tpu.memory_space<vmem>>
        %get3A_998 = tpu.memref_squeeze %get3A_997 : memref<1x100x128xf32, #tpu.memory_space<vmem>> -> memref<100x128xf32, #tpu.memory_space<vmem>>
        %get3A_999 = arith.index_cast %add3A_994 : i32 to index
        %get3A_1000 = arith.constant 80 : index
        %get3A_1001 = tpu.vector_load %get3A_998[%get3A_999, %get3A_1000] {strides = array<i32>} : memref<100x128xf32, #tpu.memory_space<vmem>>, vector<1x16xf32>,
        %get3A_1002 = vector.shape_cast %get3A_1001 : vector<1x16xf32> to vector<16xf32>
        %add3A_1003 = arith.addf %add3A_899, %get3A_1002 : vector<16xf32>
        %add3A_1004 = arith.constant 0 : i32
        %add3A_1005 = arith.addi %add3A_1004, %mul3A_822 : i32
        %add3A_1006 = arith.constant 1 : i32
        %add3A_1007 = arith.addi %add3A_1005, %add3A_1006 : i32
        %get3A_1008 = arith.constant 0 : i32
        %get3A_1009 = arith.constant 0 : i32
        %get3A_1010 = tpu.memref_slice %arg6[%scan3A_103, %get3A_1008, %get3A_1009] : memref<4x100x128xf32, #tpu.memory_space<vmem>> -> memref<1x100x128xf32, #tpu.memory_space<vmem>>
        %get3A_1011 = tpu.memref_squeeze %get3A_1010 : memref<1x100x128xf32, #tpu.memory_space<vmem>> -> memref<100x128xf32, #tpu.memory_space<vmem>>
        %get3A_1012 = arith.index_cast %add3A_1007 : i32 to index
        %get3A_1013 = arith.constant 96 : index
        %get3A_1014 = tpu.vector_load %get3A_1011[%get3A_1012, %get3A_1013] {strides = array<i32>} : memref<100x128xf32, #tpu.memory_space<vmem>>, vector<1x16xf32>,
        %get3A_1015 = vector.shape_cast %get3A_1014 : vector<1x16xf32> to vector<16xf32>
        %add3A_1016 = arith.addf %add3A_912, %get3A_1015 : vector<16xf32>
        %add3A_1017 = arith.constant 0 : i32
        %add3A_1018 = arith.addi %add3A_1017, %mul3A_822 : i32
        %add3A_1019 = arith.constant 1 : i32
        %add3A_1020 = arith.addi %add3A_1018, %add3A_1019 : i32
        %get3A_1021 = arith.constant 0 : i32
        %get3A_1022 = arith.constant 0 : i32
        %get3A_1023 = tpu.memref_slice %arg6[%scan3A_103, %get3A_1021, %get3A_1022] : memref<4x100x128xf32, #tpu.memory_space<vmem>> -> memref<1x100x128xf32, #tpu.memory_space<vmem>>
        %get3A_1024 = tpu.memref_squeeze %get3A_1023 : memref<1x100x128xf32, #tpu.memory_space<vmem>> -> memref<100x128xf32, #tpu.memory_space<vmem>>
        %get3A_1025 = arith.index_cast %add3A_1020 : i32 to index
        %get3A_1026 = arith.constant 112 : index
        %get3A_1027 = tpu.vector_load %get3A_1024[%get3A_1025, %get3A_1026] {strides = array<i32>} : memref<100x128xf32, #tpu.memory_space<vmem>>, vector<1x16xf32>,
        %get3A_1028 = vector.shape_cast %get3A_1027 : vector<1x16xf32> to vector<16xf32>
        %add3A_1029 = arith.addf %add3A_925, %get3A_1028 : vector<16xf32>
        scf.yield %add3A_938, %add3A_951, %add3A_964, %add3A_977, %add3A_990, %add3A_1003, %add3A_1016, %add3A_1029 : vector<16xf32>, vector<16xf32>, vector<16xf32>, vector<16xf32>, vector<16xf32>, vector<16xf32>, vector<16xf32>, vector<16xf32>
      }
      %scan3A_109 = arith.constant 25 : i32
      %add3A_110 = arith.constant 0 : i32
      %add3A_111 = arith.addi %mul3A_87, %add3A_110 : i32
      %swap3A = arith.index_cast %add3A_111 : i32 to index
      %swap3A_112 = arith.constant 0 : index
      %swap3A_113 = tpu.vector_load %arg7[%swap3A, %swap3A_112] {strides = array<i32>} : memref<256x128xf32, #tpu.memory_space<vmem>>, vector<1x16xf32>,
      %swap3A_114 = vector.shape_cast %swap3A_113 : vector<1x16xf32> to vector<16xf32>
      %swap3A_115 = vector.shape_cast %scan3A_108#0 : vector<16xf32> to vector<1x16xf32>
      tpu.vector_store %arg7[%swap3A, %swap3A_112], %swap3A_115 {strides = array<i32>} : memref<256x128xf32, #tpu.memory_space<vmem>>, vector<1x16xf32>,
      %add3A_116 = arith.constant 0 : i32
      %add3A_117 = arith.addi %mul3A_87, %add3A_116 : i32
      %swap3A_118 = arith.index_cast %add3A_117 : i32 to index
      %swap3A_119 = arith.constant 16 : index
      %swap3A_120 = tpu.vector_load %arg7[%swap3A_118, %swap3A_119] {strides = array<i32>} : memref<256x128xf32, #tpu.memory_space<vmem>>, vector<1x16xf32>,
      %swap3A_121 = vector.shape_cast %swap3A_120 : vector<1x16xf32> to vector<16xf32>
      %swap3A_122 = vector.shape_cast %scan3A_108#1 : vector<16xf32> to vector<1x16xf32>
      tpu.vector_store %arg7[%swap3A_118, %swap3A_119], %swap3A_122 {strides = array<i32>} : memref<256x128xf32, #tpu.memory_space<vmem>>, vector<1x16xf32>,
      %add3A_123 = arith.constant 0 : i32
      %add3A_124 = arith.addi %mul3A_87, %add3A_123 : i32
      %swap3A_125 = arith.index_cast %add3A_124 : i32 to index
      %swap3A_126 = arith.constant 32 : index
      %swap3A_127 = tpu.vector_load %arg7[%swap3A_125, %swap3A_126] {strides = array<i32>} : memref<256x128xf32, #tpu.memory_space<vmem>>, vector<1x16xf32>,
      %swap3A_128 = vector.shape_cast %swap3A_127 : vector<1x16xf32> to vector<16xf32>
      %swap3A_129 = vector.shape_cast %scan3A_108#2 : vector<16xf32> to vector<1x16xf32>
      tpu.vector_store %arg7[%swap3A_125, %swap3A_126], %swap3A_129 {strides = array<i32>} : memref<256x128xf32, #tpu.memory_space<vmem>>, vector<1x16xf32>,
      %add3A_130 = arith.constant 0 : i32
      %add3A_131 = arith.addi %mul3A_87, %add3A_130 : i32
      %swap3A_132 = arith.index_cast %add3A_131 : i32 to index
      %swap3A_133 = arith.constant 48 : index
      %swap3A_134 = tpu.vector_load %arg7[%swap3A_132, %swap3A_133] {strides = array<i32>} : memref<256x128xf32, #tpu.memory_space<vmem>>, vector<1x16xf32>,
      %swap3A_135 = vector.shape_cast %swap3A_134 : vector<1x16xf32> to vector<16xf32>
      %swap3A_136 = vector.shape_cast %scan3A_108#3 : vector<16xf32> to vector<1x16xf32>
      tpu.vector_store %arg7[%swap3A_132, %swap3A_133], %swap3A_136 {strides = array<i32>} : memref<256x128xf32, #tpu.memory_space<vmem>>, vector<1x16xf32>,
      %add3A_137 = arith.constant 0 : i32
      %add3A_138 = arith.addi %mul3A_87, %add3A_137 : i32
      %swap3A_139 = arith.index_cast %add3A_138 : i32 to index
      %swap3A_140 = arith.constant 64 : index
      %swap3A_141 = tpu.vector_load %arg7[%swap3A_139, %swap3A_140] {strides = array<i32>} : memref<256x128xf32, #tpu.memory_space<vmem>>, vector<1x16xf32>,
      %swap3A_142 = vector.shape_cast %swap3A_141 : vector<1x16xf32> to vector<16xf32>
      %swap3A_143 = vector.shape_cast %scan3A_108#4 : vector<16xf32> to vector<1x16xf32>
      tpu.vector_store %arg7[%swap3A_139, %swap3A_140], %swap3A_143 {strides = array<i32>} : memref<256x128xf32, #tpu.memory_space<vmem>>, vector<1x16xf32>,
      %add3A_144 = arith.constant 0 : i32
      %add3A_145 = arith.addi %mul3A_87, %add3A_144 : i32
      %swap3A_146 = arith.index_cast %add3A_145 : i32 to index
      %swap3A_147 = arith.constant 80 : index
      %swap3A_148 = tpu.vector_load %arg7[%swap3A_146, %swap3A_147] {strides = array<i32>} : memref<256x128xf32, #tpu.memory_space<vmem>>, vector<1x16xf32>,
      %swap3A_149 = vector.shape_cast %swap3A_148 : vector<1x16xf32> to vector<16xf32>
      %swap3A_150 = vector.shape_cast %scan3A_108#5 : vector<16xf32> to vector<1x16xf32>
      tpu.vector_store %arg7[%swap3A_146, %swap3A_147], %swap3A_150 {strides = array<i32>} : memref<256x128xf32, #tpu.memory_space<vmem>>, vector<1x16xf32>,
      %add3A_151 = arith.constant 0 : i32
      %add3A_152 = arith.addi %mul3A_87, %add3A_151 : i32
      %swap3A_153 = arith.index_cast %add3A_152 : i32 to index
      %swap3A_154 = arith.constant 96 : index
      %swap3A_155 = tpu.vector_load %arg7[%swap3A_153, %swap3A_154] {strides = array<i32>} : memref<256x128xf32, #tpu.memory_space<vmem>>, vector<1x16xf32>,
      %swap3A_156 = vector.shape_cast %swap3A_155 : vector<1x16xf32> to vector<16xf32>
      %swap3A_157 = vector.shape_cast %scan3A_108#6 : vector<16xf32> to vector<1x16xf32>
      tpu.vector_store %arg7[%swap3A_153, %swap3A_154], %swap3A_157 {strides = array<i32>} : memref<256x128xf32, #tpu.memory_space<vmem>>, vector<1x16xf32>,
      %add3A_158 = arith.constant 0 : i32
      %add3A_159 = arith.addi %mul3A_87, %add3A_158 : i32
      %swap3A_160 = arith.index_cast %add3A_159 : i32 to index
      %swap3A_161 = arith.constant 112 : index
      %swap3A_162 = tpu.vector_load %arg7[%swap3A_160, %swap3A_161] {strides = array<i32>} : memref<256x128xf32, #tpu.memory_space<vmem>>, vector<1x16xf32>,
      %swap3A_163 = vector.shape_cast %swap3A_162 : vector<1x16xf32> to vector<16xf32>
      %swap3A_164 = vector.shape_cast %scan3A_108#7 : vector<16xf32> to vector<1x16xf32>
      tpu.vector_store %arg7[%swap3A_160, %swap3A_161], %swap3A_164 {strides = array<i32>} : memref<256x128xf32, #tpu.memory_space<vmem>>, vector<1x16xf32>,
      %broadcast_in_dim3A_165 = arith.constant 0.000000e+00 : f32
      %broadcast_in_dim3A_166 = vector.broadcast %broadcast_in_dim3A_165 : f32 to vector<16xf32>
      %broadcast_in_dim3A_167 = arith.constant 0.000000e+00 : f32
      %broadcast_in_dim3A_168 = vector.broadcast %broadcast_in_dim3A_167 : f32 to vector<16xf32>
      %broadcast_in_dim3A_169 = arith.constant 0.000000e+00 : f32
      %broadcast_in_dim3A_170 = vector.broadcast %broadcast_in_dim3A_169 : f32 to vector<16xf32>
      %broadcast_in_dim3A_171 = arith.constant 0.000000e+00 : f32
      %broadcast_in_dim3A_172 = vector.broadcast %broadcast_in_dim3A_171 : f32 to vector<16xf32>
      %broadcast_in_dim3A_173 = arith.constant 0.000000e+00 : f32
      %broadcast_in_dim3A_174 = vector.broadcast %broadcast_in_dim3A_173 : f32 to vector<16xf32>
      %broadcast_in_dim3A_175 = arith.constant 0.000000e+00 : f32
      %broadcast_in_dim3A_176 = vector.broadcast %broadcast_in_dim3A_175 : f32 to vector<16xf32>
      %broadcast_in_dim3A_177 = arith.constant 0.000000e+00 : f32
      %broadcast_in_dim3A_178 = vector.broadcast %broadcast_in_dim3A_177 : f32 to vector<16xf32>
      %broadcast_in_dim3A_179 = arith.constant 0.000000e+00 : f32
      %broadcast_in_dim3A_180 = vector.broadcast %broadcast_in_dim3A_179 : f32 to vector<16xf32>
      %scan3A_181 = arith.constant 0 : i32
      %scan3A_182 = arith.constant 0 : i32
      %scan3A_183 = arith.constant 25 : i32
      %scan3A_184 = arith.addi %scan3A_182, %scan3A_183 : i32
      %scan3A_185 = arith.constant 1 : i32
      %scan3A_186:8 = scf.for %scan3A_812 = %scan3A_182 to %scan3A_184 step %scan3A_185 iter_args(%scan3A_813 = %broadcast_in_dim3A_166, %scan3A_814 = %broadcast_in_dim3A_168, %scan3A_815 = %broadcast_in_dim3A_170, %scan3A_816 = %broadcast_in_dim3A_172, %scan3A_817 = %broadcast_in_dim3A_174, %scan3A_818 = %broadcast_in_dim3A_176, %scan3A_819 = %broadcast_in_dim3A_178, %scan3A_820 = %broadcast_in_dim3A_180) -> (vector<16xf32>, vector<16xf32>, vector<16xf32>, vector<16xf32>, vector<16xf32>, vector<16xf32>, vector<16xf32>, vector<16xf32>)  : i32 {
        %mul3A_821 = arith.constant 2 : i32
        %mul3A_822 = arith.muli %scan3A_812, %mul3A_821 : i32
        %add3A_823 = arith.constant 50 : i32
        %add3A_824 = arith.addi %add3A_823, %mul3A_822 : i32
        %add3A_825 = arith.constant 0 : i32
        %add3A_826 = arith.addi %add3A_824, %add3A_825 : i32
        %get3A = arith.constant 0 : i32
        %get3A_827 = arith.constant 0 : i32
        %get3A_828 = tpu.memref_slice %arg6[%scan3A_181, %get3A, %get3A_827] : memref<4x100x128xf32, #tpu.memory_space<vmem>> -> memref<1x100x128xf32, #tpu.memory_space<vmem>>
        %get3A_829 = tpu.memref_squeeze %get3A_828 : memref<1x100x128xf32, #tpu.memory_space<vmem>> -> memref<100x128xf32, #tpu.memory_space<vmem>>
        %get3A_830 = arith.index_cast %add3A_826 : i32 to index
        %get3A_831 = arith.constant 0 : index
        %get3A_832 = tpu.vector_load %get3A_829[%get3A_830, %get3A_831] {strides = array<i32>} : memref<100x128xf32, #tpu.memory_space<vmem>>, vector<1x16xf32>,
        %get3A_833 = vector.shape_cast %get3A_832 : vector<1x16xf32> to vector<16xf32>
        %add3A_834 = arith.addf %scan3A_813, %get3A_833 : vector<16xf32>
        %add3A_835 = arith.constant 50 : i32
        %add3A_836 = arith.addi %add3A_835, %mul3A_822 : i32
        %add3A_837 = arith.constant 0 : i32
        %add3A_838 = arith.addi %add3A_836, %add3A_837 : i32
        %get3A_839 = arith.constant 0 : i32
        %get3A_840 = arith.constant 0 : i32
        %get3A_841 = tpu.memref_slice %arg6[%scan3A_181, %get3A_839, %get3A_840] : memref<4x100x128xf32, #tpu.memory_space<vmem>> -> memref<1x100x128xf32, #tpu.memory_space<vmem>>
        %get3A_842 = tpu.memref_squeeze %get3A_841 : memref<1x100x128xf32, #tpu.memory_space<vmem>> -> memref<100x128xf32, #tpu.memory_space<vmem>>
        %get3A_843 = arith.index_cast %add3A_838 : i32 to index
        %get3A_844 = arith.constant 16 : index
        %get3A_845 = tpu.vector_load %get3A_842[%get3A_843, %get3A_844] {strides = array<i32>} : memref<100x128xf32, #tpu.memory_space<vmem>>, vector<1x16xf32>,
        %get3A_846 = vector.shape_cast %get3A_845 : vector<1x16xf32> to vector<16xf32>
        %add3A_847 = arith.addf %scan3A_814, %get3A_846 : vector<16xf32>
        %add3A_848 = arith.constant 50 : i32
        %add3A_849 = arith.addi %add3A_848, %mul3A_822 : i32
        %add3A_850 = arith.constant 0 : i32
        %add3A_851 = arith.addi %add3A_849, %add3A_850 : i32
        %get3A_852 = arith.constant 0 : i32
        %get3A_853 = arith.constant 0 : i32
        %get3A_854 = tpu.memref_slice %arg6[%scan3A_181, %get3A_852, %get3A_853] : memref<4x100x128xf32, #tpu.memory_space<vmem>> -> memref<1x100x128xf32, #tpu.memory_space<vmem>>
        %get3A_855 = tpu.memref_squeeze %get3A_854 : memref<1x100x128xf32, #tpu.memory_space<vmem>> -> memref<100x128xf32, #tpu.memory_space<vmem>>
        %get3A_856 = arith.index_cast %add3A_851 : i32 to index
        %get3A_857 = arith.constant 32 : index
        %get3A_858 = tpu.vector_load %get3A_855[%get3A_856, %get3A_857] {strides = array<i32>} : memref<100x128xf32, #tpu.memory_space<vmem>>, vector<1x16xf32>,
        %get3A_859 = vector.shape_cast %get3A_858 : vector<1x16xf32> to vector<16xf32>
        %add3A_860 = arith.addf %scan3A_815, %get3A_859 : vector<16xf32>
        %add3A_861 = arith.constant 50 : i32
        %add3A_862 = arith.addi %add3A_861, %mul3A_822 : i32
        %add3A_863 = arith.constant 0 : i32
        %add3A_864 = arith.addi %add3A_862, %add3A_863 : i32
        %get3A_865 = arith.constant 0 : i32
        %get3A_866 = arith.constant 0 : i32
        %get3A_867 = tpu.memref_slice %arg6[%scan3A_181, %get3A_865, %get3A_866] : memref<4x100x128xf32, #tpu.memory_space<vmem>> -> memref<1x100x128xf32, #tpu.memory_space<vmem>>
        %get3A_868 = tpu.memref_squeeze %get3A_867 : memref<1x100x128xf32, #tpu.memory_space<vmem>> -> memref<100x128xf32, #tpu.memory_space<vmem>>
        %get3A_869 = arith.index_cast %add3A_864 : i32 to index
        %get3A_870 = arith.constant 48 : index
        %get3A_871 = tpu.vector_load %get3A_868[%get3A_869, %get3A_870] {strides = array<i32>} : memref<100x128xf32, #tpu.memory_space<vmem>>, vector<1x16xf32>,
        %get3A_872 = vector.shape_cast %get3A_871 : vector<1x16xf32> to vector<16xf32>
        %add3A_873 = arith.addf %scan3A_816, %get3A_872 : vector<16xf32>
        %add3A_874 = arith.constant 50 : i32
        %add3A_875 = arith.addi %add3A_874, %mul3A_822 : i32
        %add3A_876 = arith.constant 0 : i32
        %add3A_877 = arith.addi %add3A_875, %add3A_876 : i32
        %get3A_878 = arith.constant 0 : i32
        %get3A_879 = arith.constant 0 : i32
        %get3A_880 = tpu.memref_slice %arg6[%scan3A_181, %get3A_878, %get3A_879] : memref<4x100x128xf32, #tpu.memory_space<vmem>> -> memref<1x100x128xf32, #tpu.memory_space<vmem>>
        %get3A_881 = tpu.memref_squeeze %get3A_880 : memref<1x100x128xf32, #tpu.memory_space<vmem>> -> memref<100x128xf32, #tpu.memory_space<vmem>>
        %get3A_882 = arith.index_cast %add3A_877 : i32 to index
        %get3A_883 = arith.constant 64 : index
        %get3A_884 = tpu.vector_load %get3A_881[%get3A_882, %get3A_883] {strides = array<i32>} : memref<100x128xf32, #tpu.memory_space<vmem>>, vector<1x16xf32>,
        %get3A_885 = vector.shape_cast %get3A_884 : vector<1x16xf32> to vector<16xf32>
        %add3A_886 = arith.addf %scan3A_817, %get3A_885 : vector<16xf32>
        %add3A_887 = arith.constant 50 : i32
        %add3A_888 = arith.addi %add3A_887, %mul3A_822 : i32
        %add3A_889 = arith.constant 0 : i32
        %add3A_890 = arith.addi %add3A_888, %add3A_889 : i32
        %get3A_891 = arith.constant 0 : i32
        %get3A_892 = arith.constant 0 : i32
        %get3A_893 = tpu.memref_slice %arg6[%scan3A_181, %get3A_891, %get3A_892] : memref<4x100x128xf32, #tpu.memory_space<vmem>> -> memref<1x100x128xf32, #tpu.memory_space<vmem>>
        %get3A_894 = tpu.memref_squeeze %get3A_893 : memref<1x100x128xf32, #tpu.memory_space<vmem>> -> memref<100x128xf32, #tpu.memory_space<vmem>>
        %get3A_895 = arith.index_cast %add3A_890 : i32 to index
        %get3A_896 = arith.constant 80 : index
        %get3A_897 = tpu.vector_load %get3A_894[%get3A_895, %get3A_896] {strides = array<i32>} : memref<100x128xf32, #tpu.memory_space<vmem>>, vector<1x16xf32>,
        %get3A_898 = vector.shape_cast %get3A_897 : vector<1x16xf32> to vector<16xf32>
        %add3A_899 = arith.addf %scan3A_818, %get3A_898 : vector<16xf32>
        %add3A_900 = arith.constant 50 : i32
        %add3A_901 = arith.addi %add3A_900, %mul3A_822 : i32
        %add3A_902 = arith.constant 0 : i32
        %add3A_903 = arith.addi %add3A_901, %add3A_902 : i32
        %get3A_904 = arith.constant 0 : i32
        %get3A_905 = arith.constant 0 : i32
        %get3A_906 = tpu.memref_slice %arg6[%scan3A_181, %get3A_904, %get3A_905] : memref<4x100x128xf32, #tpu.memory_space<vmem>> -> memref<1x100x128xf32, #tpu.memory_space<vmem>>
        %get3A_907 = tpu.memref_squeeze %get3A_906 : memref<1x100x128xf32, #tpu.memory_space<vmem>> -> memref<100x128xf32, #tpu.memory_space<vmem>>
        %get3A_908 = arith.index_cast %add3A_903 : i32 to index
        %get3A_909 = arith.constant 96 : index
        %get3A_910 = tpu.vector_load %get3A_907[%get3A_908, %get3A_909] {strides = array<i32>} : memref<100x128xf32, #tpu.memory_space<vmem>>, vector<1x16xf32>,
        %get3A_911 = vector.shape_cast %get3A_910 : vector<1x16xf32> to vector<16xf32>
        %add3A_912 = arith.addf %scan3A_819, %get3A_911 : vector<16xf32>
        %add3A_913 = arith.constant 50 : i32
        %add3A_914 = arith.addi %add3A_913, %mul3A_822 : i32
        %add3A_915 = arith.constant 0 : i32
        %add3A_916 = arith.addi %add3A_914, %add3A_915 : i32
        %get3A_917 = arith.constant 0 : i32
        %get3A_918 = arith.constant 0 : i32
        %get3A_919 = tpu.memref_slice %arg6[%scan3A_181, %get3A_917, %get3A_918] : memref<4x100x128xf32, #tpu.memory_space<vmem>> -> memref<1x100x128xf32, #tpu.memory_space<vmem>>
        %get3A_920 = tpu.memref_squeeze %get3A_919 : memref<1x100x128xf32, #tpu.memory_space<vmem>> -> memref<100x128xf32, #tpu.memory_space<vmem>>
        %get3A_921 = arith.index_cast %add3A_916 : i32 to index
        %get3A_922 = arith.constant 112 : index
        %get3A_923 = tpu.vector_load %get3A_920[%get3A_921, %get3A_922] {strides = array<i32>} : memref<100x128xf32, #tpu.memory_space<vmem>>, vector<1x16xf32>,
        %get3A_924 = vector.shape_cast %get3A_923 : vector<1x16xf32> to vector<16xf32>
        %add3A_925 = arith.addf %scan3A_820, %get3A_924 : vector<16xf32>
        %add3A_926 = arith.constant 50 : i32
        %add3A_927 = arith.addi %add3A_926, %mul3A_822 : i32
        %add3A_928 = arith.constant 1 : i32
        %add3A_929 = arith.addi %add3A_927, %add3A_928 : i32
        %get3A_930 = arith.constant 0 : i32
        %get3A_931 = arith.constant 0 : i32
        %get3A_932 = tpu.memref_slice %arg6[%scan3A_181, %get3A_930, %get3A_931] : memref<4x100x128xf32, #tpu.memory_space<vmem>> -> memref<1x100x128xf32, #tpu.memory_space<vmem>>
        %get3A_933 = tpu.memref_squeeze %get3A_932 : memref<1x100x128xf32, #tpu.memory_space<vmem>> -> memref<100x128xf32, #tpu.memory_space<vmem>>
        %get3A_934 = arith.index_cast %add3A_929 : i32 to index
        %get3A_935 = arith.constant 0 : index
        %get3A_936 = tpu.vector_load %get3A_933[%get3A_934, %get3A_935] {strides = array<i32>} : memref<100x128xf32, #tpu.memory_space<vmem>>, vector<1x16xf32>,
        %get3A_937 = vector.shape_cast %get3A_936 : vector<1x16xf32> to vector<16xf32>
        %add3A_938 = arith.addf %add3A_834, %get3A_937 : vector<16xf32>
        %add3A_939 = arith.constant 50 : i32
        %add3A_940 = arith.addi %add3A_939, %mul3A_822 : i32
        %add3A_941 = arith.constant 1 : i32
        %add3A_942 = arith.addi %add3A_940, %add3A_941 : i32
        %get3A_943 = arith.constant 0 : i32
        %get3A_944 = arith.constant 0 : i32
        %get3A_945 = tpu.memref_slice %arg6[%scan3A_181, %get3A_943, %get3A_944] : memref<4x100x128xf32, #tpu.memory_space<vmem>> -> memref<1x100x128xf32, #tpu.memory_space<vmem>>
        %get3A_946 = tpu.memref_squeeze %get3A_945 : memref<1x100x128xf32, #tpu.memory_space<vmem>> -> memref<100x128xf32, #tpu.memory_space<vmem>>
        %get3A_947 = arith.index_cast %add3A_942 : i32 to index
        %get3A_948 = arith.constant 16 : index
        %get3A_949 = tpu.vector_load %get3A_946[%get3A_947, %get3A_948] {strides = array<i32>} : memref<100x128xf32, #tpu.memory_space<vmem>>, vector<1x16xf32>,
        %get3A_950 = vector.shape_cast %get3A_949 : vector<1x16xf32> to vector<16xf32>
        %add3A_951 = arith.addf %add3A_847, %get3A_950 : vector<16xf32>
        %add3A_952 = arith.constant 50 : i32
        %add3A_953 = arith.addi %add3A_952, %mul3A_822 : i32
        %add3A_954 = arith.constant 1 : i32
        %add3A_955 = arith.addi %add3A_953, %add3A_954 : i32
        %get3A_956 = arith.constant 0 : i32
        %get3A_957 = arith.constant 0 : i32
        %get3A_958 = tpu.memref_slice %arg6[%scan3A_181, %get3A_956, %get3A_957] : memref<4x100x128xf32, #tpu.memory_space<vmem>> -> memref<1x100x128xf32, #tpu.memory_space<vmem>>
        %get3A_959 = tpu.memref_squeeze %get3A_958 : memref<1x100x128xf32, #tpu.memory_space<vmem>> -> memref<100x128xf32, #tpu.memory_space<vmem>>
        %get3A_960 = arith.index_cast %add3A_955 : i32 to index
        %get3A_961 = arith.constant 32 : index
        %get3A_962 = tpu.vector_load %get3A_959[%get3A_960, %get3A_961] {strides = array<i32>} : memref<100x128xf32, #tpu.memory_space<vmem>>, vector<1x16xf32>,
        %get3A_963 = vector.shape_cast %get3A_962 : vector<1x16xf32> to vector<16xf32>
        %add3A_964 = arith.addf %add3A_860, %get3A_963 : vector<16xf32>
        %add3A_965 = arith.constant 50 : i32
        %add3A_966 = arith.addi %add3A_965, %mul3A_822 : i32
        %add3A_967 = arith.constant 1 : i32
        %add3A_968 = arith.addi %add3A_966, %add3A_967 : i32
        %get3A_969 = arith.constant 0 : i32
        %get3A_970 = arith.constant 0 : i32
        %get3A_971 = tpu.memref_slice %arg6[%scan3A_181, %get3A_969, %get3A_970] : memref<4x100x128xf32, #tpu.memory_space<vmem>> -> memref<1x100x128xf32, #tpu.memory_space<vmem>>
        %get3A_972 = tpu.memref_squeeze %get3A_971 : memref<1x100x128xf32, #tpu.memory_space<vmem>> -> memref<100x128xf32, #tpu.memory_space<vmem>>
        %get3A_973 = arith.index_cast %add3A_968 : i32 to index
        %get3A_974 = arith.constant 48 : index
        %get3A_975 = tpu.vector_load %get3A_972[%get3A_973, %get3A_974] {strides = array<i32>} : memref<100x128xf32, #tpu.memory_space<vmem>>, vector<1x16xf32>,
        %get3A_976 = vector.shape_cast %get3A_975 : vector<1x16xf32> to vector<16xf32>
        %add3A_977 = arith.addf %add3A_873, %get3A_976 : vector<16xf32>
        %add3A_978 = arith.constant 50 : i32
        %add3A_979 = arith.addi %add3A_978, %mul3A_822 : i32
        %add3A_980 = arith.constant 1 : i32
        %add3A_981 = arith.addi %add3A_979, %add3A_980 : i32
        %get3A_982 = arith.constant 0 : i32
        %get3A_983 = arith.constant 0 : i32
        %get3A_984 = tpu.memref_slice %arg6[%scan3A_181, %get3A_982, %get3A_983] : memref<4x100x128xf32, #tpu.memory_space<vmem>> -> memref<1x100x128xf32, #tpu.memory_space<vmem>>
        %get3A_985 = tpu.memref_squeeze %get3A_984 : memref<1x100x128xf32, #tpu.memory_space<vmem>> -> memref<100x128xf32, #tpu.memory_space<vmem>>
        %get3A_986 = arith.index_cast %add3A_981 : i32 to index
        %get3A_987 = arith.constant 64 : index
        %get3A_988 = tpu.vector_load %get3A_985[%get3A_986, %get3A_987] {strides = array<i32>} : memref<100x128xf32, #tpu.memory_space<vmem>>, vector<1x16xf32>,
        %get3A_989 = vector.shape_cast %get3A_988 : vector<1x16xf32> to vector<16xf32>
        %add3A_990 = arith.addf %add3A_886, %get3A_989 : vector<16xf32>
        %add3A_991 = arith.constant 50 : i32
        %add3A_992 = arith.addi %add3A_991, %mul3A_822 : i32
        %add3A_993 = arith.constant 1 : i32
        %add3A_994 = arith.addi %add3A_992, %add3A_993 : i32
        %get3A_995 = arith.constant 0 : i32
        %get3A_996 = arith.constant 0 : i32
        %get3A_997 = tpu.memref_slice %arg6[%scan3A_181, %get3A_995, %get3A_996] : memref<4x100x128xf32, #tpu.memory_space<vmem>> -> memref<1x100x128xf32, #tpu.memory_space<vmem>>
        %get3A_998 = tpu.memref_squeeze %get3A_997 : memref<1x100x128xf32, #tpu.memory_space<vmem>> -> memref<100x128xf32, #tpu.memory_space<vmem>>
        %get3A_999 = arith.index_cast %add3A_994 : i32 to index
        %get3A_1000 = arith.constant 80 : index
        %get3A_1001 = tpu.vector_load %get3A_998[%get3A_999, %get3A_1000] {strides = array<i32>} : memref<100x128xf32, #tpu.memory_space<vmem>>, vector<1x16xf32>,
        %get3A_1002 = vector.shape_cast %get3A_1001 : vector<1x16xf32> to vector<16xf32>
        %add3A_1003 = arith.addf %add3A_899, %get3A_1002 : vector<16xf32>
        %add3A_1004 = arith.constant 50 : i32
        %add3A_1005 = arith.addi %add3A_1004, %mul3A_822 : i32
        %add3A_1006 = arith.constant 1 : i32
        %add3A_1007 = arith.addi %add3A_1005, %add3A_1006 : i32
        %get3A_1008 = arith.constant 0 : i32
        %get3A_1009 = arith.constant 0 : i32
        %get3A_1010 = tpu.memref_slice %arg6[%scan3A_181, %get3A_1008, %get3A_1009] : memref<4x100x128xf32, #tpu.memory_space<vmem>> -> memref<1x100x128xf32, #tpu.memory_space<vmem>>
        %get3A_1011 = tpu.memref_squeeze %get3A_1010 : memref<1x100x128xf32, #tpu.memory_space<vmem>> -> memref<100x128xf32, #tpu.memory_space<vmem>>
        %get3A_1012 = arith.index_cast %add3A_1007 : i32 to index
        %get3A_1013 = arith.constant 96 : index
        %get3A_1014 = tpu.vector_load %get3A_1011[%get3A_1012, %get3A_1013] {strides = array<i32>} : memref<100x128xf32, #tpu.memory_space<vmem>>, vector<1x16xf32>,
        %get3A_1015 = vector.shape_cast %get3A_1014 : vector<1x16xf32> to vector<16xf32>
        %add3A_1016 = arith.addf %add3A_912, %get3A_1015 : vector<16xf32>
        %add3A_1017 = arith.constant 50 : i32
        %add3A_1018 = arith.addi %add3A_1017, %mul3A_822 : i32
        %add3A_1019 = arith.constant 1 : i32
        %add3A_1020 = arith.addi %add3A_1018, %add3A_1019 : i32
        %get3A_1021 = arith.constant 0 : i32
        %get3A_1022 = arith.constant 0 : i32
        %get3A_1023 = tpu.memref_slice %arg6[%scan3A_181, %get3A_1021, %get3A_1022] : memref<4x100x128xf32, #tpu.memory_space<vmem>> -> memref<1x100x128xf32, #tpu.memory_space<vmem>>
        %get3A_1024 = tpu.memref_squeeze %get3A_1023 : memref<1x100x128xf32, #tpu.memory_space<vmem>> -> memref<100x128xf32, #tpu.memory_space<vmem>>
        %get3A_1025 = arith.index_cast %add3A_1020 : i32 to index
        %get3A_1026 = arith.constant 112 : index
        %get3A_1027 = tpu.vector_load %get3A_1024[%get3A_1025, %get3A_1026] {strides = array<i32>} : memref<100x128xf32, #tpu.memory_space<vmem>>, vector<1x16xf32>,
        %get3A_1028 = vector.shape_cast %get3A_1027 : vector<1x16xf32> to vector<16xf32>
        %add3A_1029 = arith.addf %add3A_925, %get3A_1028 : vector<16xf32>
        scf.yield %add3A_938, %add3A_951, %add3A_964, %add3A_977, %add3A_990, %add3A_1003, %add3A_1016, %add3A_1029 : vector<16xf32>, vector<16xf32>, vector<16xf32>, vector<16xf32>, vector<16xf32>, vector<16xf32>, vector<16xf32>, vector<16xf32>
      }
      %scan3A_187 = arith.constant 25 : i32
      %add3A_188 = arith.constant 1 : i32
      %add3A_189 = arith.addi %mul3A_87, %add3A_188 : i32
      %swap3A_190 = arith.index_cast %add3A_189 : i32 to index
      %swap3A_191 = arith.constant 0 : index
      %swap3A_192 = tpu.vector_load %arg7[%swap3A_190, %swap3A_191] {strides = array<i32>} : memref<256x128xf32, #tpu.memory_space<vmem>>, vector<1x16xf32>,
      %swap3A_193 = vector.shape_cast %swap3A_192 : vector<1x16xf32> to vector<16xf32>
      %swap3A_194 = vector.shape_cast %scan3A_186#0 : vector<16xf32> to vector<1x16xf32>
      tpu.vector_store %arg7[%swap3A_190, %swap3A_191], %swap3A_194 {strides = array<i32>} : memref<256x128xf32, #tpu.memory_space<vmem>>, vector<1x16xf32>,
      %add3A_195 = arith.constant 1 : i32
      %add3A_196 = arith.addi %mul3A_87, %add3A_195 : i32
      %swap3A_197 = arith.index_cast %add3A_196 : i32 to index
      %swap3A_198 = arith.constant 16 : index
      %swap3A_199 = tpu.vector_load %arg7[%swap3A_197, %swap3A_198] {strides = array<i32>} : memref<256x128xf32, #tpu.memory_space<vmem>>, vector<1x16xf32>,
      %swap3A_200 = vector.shape_cast %swap3A_199 : vector<1x16xf32> to vector<16xf32>
      %swap3A_201 = vector.shape_cast %scan3A_186#1 : vector<16xf32> to vector<1x16xf32>
      tpu.vector_store %arg7[%swap3A_197, %swap3A_198], %swap3A_201 {strides = array<i32>} : memref<256x128xf32, #tpu.memory_space<vmem>>, vector<1x16xf32>,
      %add3A_202 = arith.constant 1 : i32
      %add3A_203 = arith.addi %mul3A_87, %add3A_202 : i32
      %swap3A_204 = arith.index_cast %add3A_203 : i32 to index
      %swap3A_205 = arith.constant 32 : index
      %swap3A_206 = tpu.vector_load %arg7[%swap3A_204, %swap3A_205] {strides = array<i32>} : memref<256x128xf32, #tpu.memory_space<vmem>>, vector<1x16xf32>,
      %swap3A_207 = vector.shape_cast %swap3A_206 : vector<1x16xf32> to vector<16xf32>
      %swap3A_208 = vector.shape_cast %scan3A_186#2 : vector<16xf32> to vector<1x16xf32>
      tpu.vector_store %arg7[%swap3A_204, %swap3A_205], %swap3A_208 {strides = array<i32>} : memref<256x128xf32, #tpu.memory_space<vmem>>, vector<1x16xf32>,
      %add3A_209 = arith.constant 1 : i32
      %add3A_210 = arith.addi %mul3A_87, %add3A_209 : i32
      %swap3A_211 = arith.index_cast %add3A_210 : i32 to index
      %swap3A_212 = arith.constant 48 : index
      %swap3A_213 = tpu.vector_load %arg7[%swap3A_211, %swap3A_212] {strides = array<i32>} : memref<256x128xf32, #tpu.memory_space<vmem>>, vector<1x16xf32>,
      %swap3A_214 = vector.shape_cast %swap3A_213 : vector<1x16xf32> to vector<16xf32>
      %swap3A_215 = vector.shape_cast %scan3A_186#3 : vector<16xf32> to vector<1x16xf32>
      tpu.vector_store %arg7[%swap3A_211, %swap3A_212], %swap3A_215 {strides = array<i32>} : memref<256x128xf32, #tpu.memory_space<vmem>>, vector<1x16xf32>,
      %add3A_216 = arith.constant 1 : i32
      %add3A_217 = arith.addi %mul3A_87, %add3A_216 : i32
      %swap3A_218 = arith.index_cast %add3A_217 : i32 to index
      %swap3A_219 = arith.constant 64 : index
      %swap3A_220 = tpu.vector_load %arg7[%swap3A_218, %swap3A_219] {strides = array<i32>} : memref<256x128xf32, #tpu.memory_space<vmem>>, vector<1x16xf32>,
      %swap3A_221 = vector.shape_cast %swap3A_220 : vector<1x16xf32> to vector<16xf32>
      %swap3A_222 = vector.shape_cast %scan3A_186#4 : vector<16xf32> to vector<1x16xf32>
      tpu.vector_store %arg7[%swap3A_218, %swap3A_219], %swap3A_222 {strides = array<i32>} : memref<256x128xf32, #tpu.memory_space<vmem>>, vector<1x16xf32>,
      %add3A_223 = arith.constant 1 : i32
      %add3A_224 = arith.addi %mul3A_87, %add3A_223 : i32
      %swap3A_225 = arith.index_cast %add3A_224 : i32 to index
      %swap3A_226 = arith.constant 80 : index
      %swap3A_227 = tpu.vector_load %arg7[%swap3A_225, %swap3A_226] {strides = array<i32>} : memref<256x128xf32, #tpu.memory_space<vmem>>, vector<1x16xf32>,
      %swap3A_228 = vector.shape_cast %swap3A_227 : vector<1x16xf32> to vector<16xf32>
      %swap3A_229 = vector.shape_cast %scan3A_186#5 : vector<16xf32> to vector<1x16xf32>
      tpu.vector_store %arg7[%swap3A_225, %swap3A_226], %swap3A_229 {strides = array<i32>} : memref<256x128xf32, #tpu.memory_space<vmem>>, vector<1x16xf32>,
      %add3A_230 = arith.constant 1 : i32
      %add3A_231 = arith.addi %mul3A_87, %add3A_230 : i32
      %swap3A_232 = arith.index_cast %add3A_231 : i32 to index
      %swap3A_233 = arith.constant 96 : index
      %swap3A_234 = tpu.vector_load %arg7[%swap3A_232, %swap3A_233] {strides = array<i32>} : memref<256x128xf32, #tpu.memory_space<vmem>>, vector<1x16xf32>,
      %swap3A_235 = vector.shape_cast %swap3A_234 : vector<1x16xf32> to vector<16xf32>
      %swap3A_236 = vector.shape_cast %scan3A_186#6 : vector<16xf32> to vector<1x16xf32>
      tpu.vector_store %arg7[%swap3A_232, %swap3A_233], %swap3A_236 {strides = array<i32>} : memref<256x128xf32, #tpu.memory_space<vmem>>, vector<1x16xf32>,
      %add3A_237 = arith.constant 1 : i32
      %add3A_238 = arith.addi %mul3A_87, %add3A_237 : i32
      %swap3A_239 = arith.index_cast %add3A_238 : i32 to index
      %swap3A_240 = arith.constant 112 : index
      %swap3A_241 = tpu.vector_load %arg7[%swap3A_239, %swap3A_240] {strides = array<i32>} : memref<256x128xf32, #tpu.memory_space<vmem>>, vector<1x16xf32>,
      %swap3A_242 = vector.shape_cast %swap3A_241 : vector<1x16xf32> to vector<16xf32>
      %swap3A_243 = vector.shape_cast %scan3A_186#7 : vector<16xf32> to vector<1x16xf32>
      tpu.vector_store %arg7[%swap3A_239, %swap3A_240], %swap3A_243 {strides = array<i32>} : memref<256x128xf32, #tpu.memory_space<vmem>>, vector<1x16xf32>,
      %add3A_244 = arith.constant 4 : i32
      %add3A_245 = arith.addi %add3A_71, %add3A_244 : i32
      %lt3A = arith.constant 256 : i32
      %lt3A_246 = arith.cmpi slt, %add3A_245, %lt3A : i32
      %convert_element_type3A = arith.extui %lt3A_246 : i1 to i32
      %cond3A = arith.constant 0 : i32
      %cond3A_247 = arith.cmpi ne, %convert_element_type3A, %cond3A : i32
      scf.if %cond3A_247 {
        %add3A_812 = arith.constant 4 : i32
        %add3A_813 = arith.addi %add3A_71, %add3A_812 : i32
        %dma_start3A_814 = arith.constant 0 : i32
        %dma_start3A_815 = arith.constant 0 : i32
        %dma_start3A_816 = arith.constant 0 : i32
        %dma_start3A_817 = tpu.memref_slice %arg6[%dma_start3A_814, %dma_start3A_815, %dma_start3A_816] : memref<4x100x128xf32, #tpu.memory_space<vmem>> -> memref<1x100x128xf32, #tpu.memory_space<vmem>>
        %dma_start3A_818 = tpu.memref_squeeze %dma_start3A_817 : memref<1x100x128xf32, #tpu.memory_space<vmem>> -> memref<100x128xf32, #tpu.memory_space<vmem>>
        %dma_start3A_819 = arith.constant 0 : i32
        %dma_start3A_820 = tpu.memref_slice %arg5[%add3A_813, %dma_start3A_819] : memref<256x100xi32, #tpu.memory_space<vmem>> -> memref<1x100xi32, #tpu.memory_space<vmem>>
        %dma_start3A_821 = tpu.memref_squeeze %dma_start3A_820 : memref<1x100xi32, #tpu.memory_space<vmem>> -> memref<100xi32, #tpu.memory_space<vmem>>
        %dma_start3A_822 = arith.constant 0 : i32
        %dma_start3A_823 = arith.constant 0 : i32
        %dma_start3A_824 = tpu.memref_slice %arg3[%dma_start3A_822, %dma_start3A_823] : memref<1000000x128xf32, #tpu.memory_space<hbm>> -> memref<1000000x128xf32, #tpu.memory_space<hbm>>
        tpu.enqueue_indirect_dma source(%dma_start3A_824 : memref<1000000x128xf32, #tpu.memory_space<hbm>>) target(%dma_start3A_818 : memref<100x128xf32, #tpu.memory_space<vmem>>) offsets(%dma_start3A_821 : memref<100xi32, #tpu.memory_space<vmem>>) semaphore(%arg8 : memref<!tpu.dma_semaphore, #tpu.memory_space<semaphore_mem>>)
      } else {
      }
      %mul3A_248 = arith.constant 4 : i32
      %mul3A_249 = arith.muli %scan3A_65, %mul3A_248 : i32
      %add3A_250 = arith.constant 128 : i32
      %add3A_251 = arith.addi %add3A_250, %mul3A_249 : i32
      %add3A_252 = arith.constant 1 : i32
      %add3A_253 = arith.addi %add3A_251, %add3A_252 : i32
      %dma_wait3A_254 = arith.constant 1 : i32
      %dma_wait3A_255 = arith.constant 0 : i32
      %dma_wait3A_256 = arith.constant 0 : i32
      %dma_wait3A_257 = tpu.memref_slice %arg6[%dma_wait3A_254, %dma_wait3A_255, %dma_wait3A_256] : memref<4x100x128xf32, #tpu.memory_space<vmem>> -> memref<1x100x128xf32, #tpu.memory_space<vmem>>
      %dma_wait3A_258 = tpu.memref_squeeze %dma_wait3A_257 : memref<1x100x128xf32, #tpu.memory_space<vmem>> -> memref<100x128xf32, #tpu.memory_space<vmem>>
      %dma_wait3A_259 = arith.constant 0 : i32
      %dma_wait3A_260 = tpu.memref_slice %arg5[%add3A_253, %dma_wait3A_259] : memref<256x100xi32, #tpu.memory_space<vmem>> -> memref<1x100xi32, #tpu.memory_space<vmem>>
      %dma_wait3A_261 = tpu.memref_squeeze %dma_wait3A_260 : memref<1x100xi32, #tpu.memory_space<vmem>> -> memref<100xi32, #tpu.memory_space<vmem>>
      %dma_wait3A_262 = arith.constant 0 : i32
      %dma_wait3A_263 = arith.constant 0 : i32
      %dma_wait3A_264 = tpu.memref_slice %arg3[%dma_wait3A_262, %dma_wait3A_263] : memref<1000000x128xf32, #tpu.memory_space<hbm>> -> memref<1000000x128xf32, #tpu.memory_space<hbm>>
      tpu.wait_indirect_dma semaphore(%arg9 : memref<!tpu.dma_semaphore, #tpu.memory_space<semaphore_mem>>) src(%dma_wait3A_264 : memref<1000000x128xf32, #tpu.memory_space<hbm>>) dst(%dma_wait3A_258 : memref<100x128xf32, #tpu.memory_space<vmem>>)
      %mul3A_265 = arith.constant 4 : i32
      %mul3A_266 = arith.muli %scan3A_65, %mul3A_265 : i32
      %add3A_267 = arith.constant 1 : i32
      %add3A_268 = arith.addi %mul3A_266, %add3A_267 : i32
      %mul3A_269 = arith.constant 2 : i32
      %mul3A_270 = arith.muli %add3A_268, %mul3A_269 : i32
      %broadcast_in_dim3A_271 = arith.constant 0.000000e+00 : f32
      %broadcast_in_dim3A_272 = vector.broadcast %broadcast_in_dim3A_271 : f32 to vector<16xf32>
      %broadcast_in_dim3A_273 = arith.constant 0.000000e+00 : f32
      %broadcast_in_dim3A_274 = vector.broadcast %broadcast_in_dim3A_273 : f32 to vector<16xf32>
      %broadcast_in_dim3A_275 = arith.constant 0.000000e+00 : f32
      %broadcast_in_dim3A_276 = vector.broadcast %broadcast_in_dim3A_275 : f32 to vector<16xf32>
      %broadcast_in_dim3A_277 = arith.constant 0.000000e+00 : f32
      %broadcast_in_dim3A_278 = vector.broadcast %broadcast_in_dim3A_277 : f32 to vector<16xf32>
      %broadcast_in_dim3A_279 = arith.constant 0.000000e+00 : f32
      %broadcast_in_dim3A_280 = vector.broadcast %broadcast_in_dim3A_279 : f32 to vector<16xf32>
      %broadcast_in_dim3A_281 = arith.constant 0.000000e+00 : f32
      %broadcast_in_dim3A_282 = vector.broadcast %broadcast_in_dim3A_281 : f32 to vector<16xf32>
      %broadcast_in_dim3A_283 = arith.constant 0.000000e+00 : f32
      %broadcast_in_dim3A_284 = vector.broadcast %broadcast_in_dim3A_283 : f32 to vector<16xf32>
      %broadcast_in_dim3A_285 = arith.constant 0.000000e+00 : f32
      %broadcast_in_dim3A_286 = vector.broadcast %broadcast_in_dim3A_285 : f32 to vector<16xf32>
      %scan3A_287 = arith.constant 1 : i32
      %scan3A_288 = arith.constant 0 : i32
      %scan3A_289 = arith.constant 25 : i32
      %scan3A_290 = arith.addi %scan3A_288, %scan3A_289 : i32
      %scan3A_291 = arith.constant 1 : i32
      %scan3A_292:8 = scf.for %scan3A_812 = %scan3A_288 to %scan3A_290 step %scan3A_291 iter_args(%scan3A_813 = %broadcast_in_dim3A_272, %scan3A_814 = %broadcast_in_dim3A_274, %scan3A_815 = %broadcast_in_dim3A_276, %scan3A_816 = %broadcast_in_dim3A_278, %scan3A_817 = %broadcast_in_dim3A_280, %scan3A_818 = %broadcast_in_dim3A_282, %scan3A_819 = %broadcast_in_dim3A_284, %scan3A_820 = %broadcast_in_dim3A_286) -> (vector<16xf32>, vector<16xf32>, vector<16xf32>, vector<16xf32>, vector<16xf32>, vector<16xf32>, vector<16xf32>, vector<16xf32>)  : i32 {
        %mul3A_821 = arith.constant 2 : i32
        %mul3A_822 = arith.muli %scan3A_812, %mul3A_821 : i32
        %add3A_823 = arith.constant 0 : i32
        %add3A_824 = arith.addi %add3A_823, %mul3A_822 : i32
        %add3A_825 = arith.constant 0 : i32
        %add3A_826 = arith.addi %add3A_824, %add3A_825 : i32
        %get3A = arith.constant 0 : i32
        %get3A_827 = arith.constant 0 : i32
        %get3A_828 = tpu.memref_slice %arg6[%scan3A_287, %get3A, %get3A_827] : memref<4x100x128xf32, #tpu.memory_space<vmem>> -> memref<1x100x128xf32, #tpu.memory_space<vmem>>
        %get3A_829 = tpu.memref_squeeze %get3A_828 : memref<1x100x128xf32, #tpu.memory_space<vmem>> -> memref<100x128xf32, #tpu.memory_space<vmem>>
        %get3A_830 = arith.index_cast %add3A_826 : i32 to index
        %get3A_831 = arith.constant 0 : index
        %get3A_832 = tpu.vector_load %get3A_829[%get3A_830, %get3A_831] {strides = array<i32>} : memref<100x128xf32, #tpu.memory_space<vmem>>, vector<1x16xf32>,
        %get3A_833 = vector.shape_cast %get3A_832 : vector<1x16xf32> to vector<16xf32>
        %add3A_834 = arith.addf %scan3A_813, %get3A_833 : vector<16xf32>
        %add3A_835 = arith.constant 0 : i32
        %add3A_836 = arith.addi %add3A_835, %mul3A_822 : i32
        %add3A_837 = arith.constant 0 : i32
        %add3A_838 = arith.addi %add3A_836, %add3A_837 : i32
        %get3A_839 = arith.constant 0 : i32
        %get3A_840 = arith.constant 0 : i32
        %get3A_841 = tpu.memref_slice %arg6[%scan3A_287, %get3A_839, %get3A_840] : memref<4x100x128xf32, #tpu.memory_space<vmem>> -> memref<1x100x128xf32, #tpu.memory_space<vmem>>
        %get3A_842 = tpu.memref_squeeze %get3A_841 : memref<1x100x128xf32, #tpu.memory_space<vmem>> -> memref<100x128xf32, #tpu.memory_space<vmem>>
        %get3A_843 = arith.index_cast %add3A_838 : i32 to index
        %get3A_844 = arith.constant 16 : index
        %get3A_845 = tpu.vector_load %get3A_842[%get3A_843, %get3A_844] {strides = array<i32>} : memref<100x128xf32, #tpu.memory_space<vmem>>, vector<1x16xf32>,
        %get3A_846 = vector.shape_cast %get3A_845 : vector<1x16xf32> to vector<16xf32>
        %add3A_847 = arith.addf %scan3A_814, %get3A_846 : vector<16xf32>
        %add3A_848 = arith.constant 0 : i32
        %add3A_849 = arith.addi %add3A_848, %mul3A_822 : i32
        %add3A_850 = arith.constant 0 : i32
        %add3A_851 = arith.addi %add3A_849, %add3A_850 : i32
        %get3A_852 = arith.constant 0 : i32
        %get3A_853 = arith.constant 0 : i32
        %get3A_854 = tpu.memref_slice %arg6[%scan3A_287, %get3A_852, %get3A_853] : memref<4x100x128xf32, #tpu.memory_space<vmem>> -> memref<1x100x128xf32, #tpu.memory_space<vmem>>
        %get3A_855 = tpu.memref_squeeze %get3A_854 : memref<1x100x128xf32, #tpu.memory_space<vmem>> -> memref<100x128xf32, #tpu.memory_space<vmem>>
        %get3A_856 = arith.index_cast %add3A_851 : i32 to index
        %get3A_857 = arith.constant 32 : index
        %get3A_858 = tpu.vector_load %get3A_855[%get3A_856, %get3A_857] {strides = array<i32>} : memref<100x128xf32, #tpu.memory_space<vmem>>, vector<1x16xf32>,
        %get3A_859 = vector.shape_cast %get3A_858 : vector<1x16xf32> to vector<16xf32>
        %add3A_860 = arith.addf %scan3A_815, %get3A_859 : vector<16xf32>
        %add3A_861 = arith.constant 0 : i32
        %add3A_862 = arith.addi %add3A_861, %mul3A_822 : i32
        %add3A_863 = arith.constant 0 : i32
        %add3A_864 = arith.addi %add3A_862, %add3A_863 : i32
        %get3A_865 = arith.constant 0 : i32
        %get3A_866 = arith.constant 0 : i32
        %get3A_867 = tpu.memref_slice %arg6[%scan3A_287, %get3A_865, %get3A_866] : memref<4x100x128xf32, #tpu.memory_space<vmem>> -> memref<1x100x128xf32, #tpu.memory_space<vmem>>
        %get3A_868 = tpu.memref_squeeze %get3A_867 : memref<1x100x128xf32, #tpu.memory_space<vmem>> -> memref<100x128xf32, #tpu.memory_space<vmem>>
        %get3A_869 = arith.index_cast %add3A_864 : i32 to index
        %get3A_870 = arith.constant 48 : index
        %get3A_871 = tpu.vector_load %get3A_868[%get3A_869, %get3A_870] {strides = array<i32>} : memref<100x128xf32, #tpu.memory_space<vmem>>, vector<1x16xf32>,
        %get3A_872 = vector.shape_cast %get3A_871 : vector<1x16xf32> to vector<16xf32>
        %add3A_873 = arith.addf %scan3A_816, %get3A_872 : vector<16xf32>
        %add3A_874 = arith.constant 0 : i32
        %add3A_875 = arith.addi %add3A_874, %mul3A_822 : i32
        %add3A_876 = arith.constant 0 : i32
        %add3A_877 = arith.addi %add3A_875, %add3A_876 : i32
        %get3A_878 = arith.constant 0 : i32
        %get3A_879 = arith.constant 0 : i32
        %get3A_880 = tpu.memref_slice %arg6[%scan3A_287, %get3A_878, %get3A_879] : memref<4x100x128xf32, #tpu.memory_space<vmem>> -> memref<1x100x128xf32, #tpu.memory_space<vmem>>
        %get3A_881 = tpu.memref_squeeze %get3A_880 : memref<1x100x128xf32, #tpu.memory_space<vmem>> -> memref<100x128xf32, #tpu.memory_space<vmem>>
        %get3A_882 = arith.index_cast %add3A_877 : i32 to index
        %get3A_883 = arith.constant 64 : index
        %get3A_884 = tpu.vector_load %get3A_881[%get3A_882, %get3A_883] {strides = array<i32>} : memref<100x128xf32, #tpu.memory_space<vmem>>, vector<1x16xf32>,
        %get3A_885 = vector.shape_cast %get3A_884 : vector<1x16xf32> to vector<16xf32>
        %add3A_886 = arith.addf %scan3A_817, %get3A_885 : vector<16xf32>
        %add3A_887 = arith.constant 0 : i32
        %add3A_888 = arith.addi %add3A_887, %mul3A_822 : i32
        %add3A_889 = arith.constant 0 : i32
        %add3A_890 = arith.addi %add3A_888, %add3A_889 : i32
        %get3A_891 = arith.constant 0 : i32
        %get3A_892 = arith.constant 0 : i32
        %get3A_893 = tpu.memref_slice %arg6[%scan3A_287, %get3A_891, %get3A_892] : memref<4x100x128xf32, #tpu.memory_space<vmem>> -> memref<1x100x128xf32, #tpu.memory_space<vmem>>
        %get3A_894 = tpu.memref_squeeze %get3A_893 : memref<1x100x128xf32, #tpu.memory_space<vmem>> -> memref<100x128xf32, #tpu.memory_space<vmem>>
        %get3A_895 = arith.index_cast %add3A_890 : i32 to index
        %get3A_896 = arith.constant 80 : index
        %get3A_897 = tpu.vector_load %get3A_894[%get3A_895, %get3A_896] {strides = array<i32>} : memref<100x128xf32, #tpu.memory_space<vmem>>, vector<1x16xf32>,
        %get3A_898 = vector.shape_cast %get3A_897 : vector<1x16xf32> to vector<16xf32>
        %add3A_899 = arith.addf %scan3A_818, %get3A_898 : vector<16xf32>
        %add3A_900 = arith.constant 0 : i32
        %add3A_901 = arith.addi %add3A_900, %mul3A_822 : i32
        %add3A_902 = arith.constant 0 : i32
        %add3A_903 = arith.addi %add3A_901, %add3A_902 : i32
        %get3A_904 = arith.constant 0 : i32
        %get3A_905 = arith.constant 0 : i32
        %get3A_906 = tpu.memref_slice %arg6[%scan3A_287, %get3A_904, %get3A_905] : memref<4x100x128xf32, #tpu.memory_space<vmem>> -> memref<1x100x128xf32, #tpu.memory_space<vmem>>
        %get3A_907 = tpu.memref_squeeze %get3A_906 : memref<1x100x128xf32, #tpu.memory_space<vmem>> -> memref<100x128xf32, #tpu.memory_space<vmem>>
        %get3A_908 = arith.index_cast %add3A_903 : i32 to index
        %get3A_909 = arith.constant 96 : index
        %get3A_910 = tpu.vector_load %get3A_907[%get3A_908, %get3A_909] {strides = array<i32>} : memref<100x128xf32, #tpu.memory_space<vmem>>, vector<1x16xf32>,
        %get3A_911 = vector.shape_cast %get3A_910 : vector<1x16xf32> to vector<16xf32>
        %add3A_912 = arith.addf %scan3A_819, %get3A_911 : vector<16xf32>
        %add3A_913 = arith.constant 0 : i32
        %add3A_914 = arith.addi %add3A_913, %mul3A_822 : i32
        %add3A_915 = arith.constant 0 : i32
        %add3A_916 = arith.addi %add3A_914, %add3A_915 : i32
        %get3A_917 = arith.constant 0 : i32
        %get3A_918 = arith.constant 0 : i32
        %get3A_919 = tpu.memref_slice %arg6[%scan3A_287, %get3A_917, %get3A_918] : memref<4x100x128xf32, #tpu.memory_space<vmem>> -> memref<1x100x128xf32, #tpu.memory_space<vmem>>
        %get3A_920 = tpu.memref_squeeze %get3A_919 : memref<1x100x128xf32, #tpu.memory_space<vmem>> -> memref<100x128xf32, #tpu.memory_space<vmem>>
        %get3A_921 = arith.index_cast %add3A_916 : i32 to index
        %get3A_922 = arith.constant 112 : index
        %get3A_923 = tpu.vector_load %get3A_920[%get3A_921, %get3A_922] {strides = array<i32>} : memref<100x128xf32, #tpu.memory_space<vmem>>, vector<1x16xf32>,
        %get3A_924 = vector.shape_cast %get3A_923 : vector<1x16xf32> to vector<16xf32>
        %add3A_925 = arith.addf %scan3A_820, %get3A_924 : vector<16xf32>
        %add3A_926 = arith.constant 0 : i32
        %add3A_927 = arith.addi %add3A_926, %mul3A_822 : i32
        %add3A_928 = arith.constant 1 : i32
        %add3A_929 = arith.addi %add3A_927, %add3A_928 : i32
        %get3A_930 = arith.constant 0 : i32
        %get3A_931 = arith.constant 0 : i32
        %get3A_932 = tpu.memref_slice %arg6[%scan3A_287, %get3A_930, %get3A_931] : memref<4x100x128xf32, #tpu.memory_space<vmem>> -> memref<1x100x128xf32, #tpu.memory_space<vmem>>
        %get3A_933 = tpu.memref_squeeze %get3A_932 : memref<1x100x128xf32, #tpu.memory_space<vmem>> -> memref<100x128xf32, #tpu.memory_space<vmem>>
        %get3A_934 = arith.index_cast %add3A_929 : i32 to index
        %get3A_935 = arith.constant 0 : index
        %get3A_936 = tpu.vector_load %get3A_933[%get3A_934, %get3A_935] {strides = array<i32>} : memref<100x128xf32, #tpu.memory_space<vmem>>, vector<1x16xf32>,
        %get3A_937 = vector.shape_cast %get3A_936 : vector<1x16xf32> to vector<16xf32>
        %add3A_938 = arith.addf %add3A_834, %get3A_937 : vector<16xf32>
        %add3A_939 = arith.constant 0 : i32
        %add3A_940 = arith.addi %add3A_939, %mul3A_822 : i32
        %add3A_941 = arith.constant 1 : i32
        %add3A_942 = arith.addi %add3A_940, %add3A_941 : i32
        %get3A_943 = arith.constant 0 : i32
        %get3A_944 = arith.constant 0 : i32
        %get3A_945 = tpu.memref_slice %arg6[%scan3A_287, %get3A_943, %get3A_944] : memref<4x100x128xf32, #tpu.memory_space<vmem>> -> memref<1x100x128xf32, #tpu.memory_space<vmem>>
        %get3A_946 = tpu.memref_squeeze %get3A_945 : memref<1x100x128xf32, #tpu.memory_space<vmem>> -> memref<100x128xf32, #tpu.memory_space<vmem>>
        %get3A_947 = arith.index_cast %add3A_942 : i32 to index
        %get3A_948 = arith.constant 16 : index
        %get3A_949 = tpu.vector_load %get3A_946[%get3A_947, %get3A_948] {strides = array<i32>} : memref<100x128xf32, #tpu.memory_space<vmem>>, vector<1x16xf32>,
        %get3A_950 = vector.shape_cast %get3A_949 : vector<1x16xf32> to vector<16xf32>
        %add3A_951 = arith.addf %add3A_847, %get3A_950 : vector<16xf32>
        %add3A_952 = arith.constant 0 : i32
        %add3A_953 = arith.addi %add3A_952, %mul3A_822 : i32
        %add3A_954 = arith.constant 1 : i32
        %add3A_955 = arith.addi %add3A_953, %add3A_954 : i32
        %get3A_956 = arith.constant 0 : i32
        %get3A_957 = arith.constant 0 : i32
        %get3A_958 = tpu.memref_slice %arg6[%scan3A_287, %get3A_956, %get3A_957] : memref<4x100x128xf32, #tpu.memory_space<vmem>> -> memref<1x100x128xf32, #tpu.memory_space<vmem>>
        %get3A_959 = tpu.memref_squeeze %get3A_958 : memref<1x100x128xf32, #tpu.memory_space<vmem>> -> memref<100x128xf32, #tpu.memory_space<vmem>>
        %get3A_960 = arith.index_cast %add3A_955 : i32 to index
        %get3A_961 = arith.constant 32 : index
        %get3A_962 = tpu.vector_load %get3A_959[%get3A_960, %get3A_961] {strides = array<i32>} : memref<100x128xf32, #tpu.memory_space<vmem>>, vector<1x16xf32>,
        %get3A_963 = vector.shape_cast %get3A_962 : vector<1x16xf32> to vector<16xf32>
        %add3A_964 = arith.addf %add3A_860, %get3A_963 : vector<16xf32>
        %add3A_965 = arith.constant 0 : i32
        %add3A_966 = arith.addi %add3A_965, %mul3A_822 : i32
        %add3A_967 = arith.constant 1 : i32
        %add3A_968 = arith.addi %add3A_966, %add3A_967 : i32
        %get3A_969 = arith.constant 0 : i32
        %get3A_970 = arith.constant 0 : i32
        %get3A_971 = tpu.memref_slice %arg6[%scan3A_287, %get3A_969, %get3A_970] : memref<4x100x128xf32, #tpu.memory_space<vmem>> -> memref<1x100x128xf32, #tpu.memory_space<vmem>>
        %get3A_972 = tpu.memref_squeeze %get3A_971 : memref<1x100x128xf32, #tpu.memory_space<vmem>> -> memref<100x128xf32, #tpu.memory_space<vmem>>
        %get3A_973 = arith.index_cast %add3A_968 : i32 to index
        %get3A_974 = arith.constant 48 : index
        %get3A_975 = tpu.vector_load %get3A_972[%get3A_973, %get3A_974] {strides = array<i32>} : memref<100x128xf32, #tpu.memory_space<vmem>>, vector<1x16xf32>,
        %get3A_976 = vector.shape_cast %get3A_975 : vector<1x16xf32> to vector<16xf32>
        %add3A_977 = arith.addf %add3A_873, %get3A_976 : vector<16xf32>
        %add3A_978 = arith.constant 0 : i32
        %add3A_979 = arith.addi %add3A_978, %mul3A_822 : i32
        %add3A_980 = arith.constant 1 : i32
        %add3A_981 = arith.addi %add3A_979, %add3A_980 : i32
        %get3A_982 = arith.constant 0 : i32
        %get3A_983 = arith.constant 0 : i32
        %get3A_984 = tpu.memref_slice %arg6[%scan3A_287, %get3A_982, %get3A_983] : memref<4x100x128xf32, #tpu.memory_space<vmem>> -> memref<1x100x128xf32, #tpu.memory_space<vmem>>
        %get3A_985 = tpu.memref_squeeze %get3A_984 : memref<1x100x128xf32, #tpu.memory_space<vmem>> -> memref<100x128xf32, #tpu.memory_space<vmem>>
        %get3A_986 = arith.index_cast %add3A_981 : i32 to index
        %get3A_987 = arith.constant 64 : index
        %get3A_988 = tpu.vector_load %get3A_985[%get3A_986, %get3A_987] {strides = array<i32>} : memref<100x128xf32, #tpu.memory_space<vmem>>, vector<1x16xf32>,
        %get3A_989 = vector.shape_cast %get3A_988 : vector<1x16xf32> to vector<16xf32>
        %add3A_990 = arith.addf %add3A_886, %get3A_989 : vector<16xf32>
        %add3A_991 = arith.constant 0 : i32
        %add3A_992 = arith.addi %add3A_991, %mul3A_822 : i32
        %add3A_993 = arith.constant 1 : i32
        %add3A_994 = arith.addi %add3A_992, %add3A_993 : i32
        %get3A_995 = arith.constant 0 : i32
        %get3A_996 = arith.constant 0 : i32
        %get3A_997 = tpu.memref_slice %arg6[%scan3A_287, %get3A_995, %get3A_996] : memref<4x100x128xf32, #tpu.memory_space<vmem>> -> memref<1x100x128xf32, #tpu.memory_space<vmem>>
        %get3A_998 = tpu.memref_squeeze %get3A_997 : memref<1x100x128xf32, #tpu.memory_space<vmem>> -> memref<100x128xf32, #tpu.memory_space<vmem>>
        %get3A_999 = arith.index_cast %add3A_994 : i32 to index
        %get3A_1000 = arith.constant 80 : index
        %get3A_1001 = tpu.vector_load %get3A_998[%get3A_999, %get3A_1000] {strides = array<i32>} : memref<100x128xf32, #tpu.memory_space<vmem>>, vector<1x16xf32>,
        %get3A_1002 = vector.shape_cast %get3A_1001 : vector<1x16xf32> to vector<16xf32>
        %add3A_1003 = arith.addf %add3A_899, %get3A_1002 : vector<16xf32>
        %add3A_1004 = arith.constant 0 : i32
        %add3A_1005 = arith.addi %add3A_1004, %mul3A_822 : i32
        %add3A_1006 = arith.constant 1 : i32
        %add3A_1007 = arith.addi %add3A_1005, %add3A_1006 : i32
        %get3A_1008 = arith.constant 0 : i32
        %get3A_1009 = arith.constant 0 : i32
        %get3A_1010 = tpu.memref_slice %arg6[%scan3A_287, %get3A_1008, %get3A_1009] : memref<4x100x128xf32, #tpu.memory_space<vmem>> -> memref<1x100x128xf32, #tpu.memory_space<vmem>>
        %get3A_1011 = tpu.memref_squeeze %get3A_1010 : memref<1x100x128xf32, #tpu.memory_space<vmem>> -> memref<100x128xf32, #tpu.memory_space<vmem>>
        %get3A_1012 = arith.index_cast %add3A_1007 : i32 to index
        %get3A_1013 = arith.constant 96 : index
        %get3A_1014 = tpu.vector_load %get3A_1011[%get3A_1012, %get3A_1013] {strides = array<i32>} : memref<100x128xf32, #tpu.memory_space<vmem>>, vector<1x16xf32>,
        %get3A_1015 = vector.shape_cast %get3A_1014 : vector<1x16xf32> to vector<16xf32>
        %add3A_1016 = arith.addf %add3A_912, %get3A_1015 : vector<16xf32>
        %add3A_1017 = arith.constant 0 : i32
        %add3A_1018 = arith.addi %add3A_1017, %mul3A_822 : i32
        %add3A_1019 = arith.constant 1 : i32
        %add3A_1020 = arith.addi %add3A_1018, %add3A_1019 : i32
        %get3A_1021 = arith.constant 0 : i32
        %get3A_1022 = arith.constant 0 : i32
        %get3A_1023 = tpu.memref_slice %arg6[%scan3A_287, %get3A_1021, %get3A_1022] : memref<4x100x128xf32, #tpu.memory_space<vmem>> -> memref<1x100x128xf32, #tpu.memory_space<vmem>>
        %get3A_1024 = tpu.memref_squeeze %get3A_1023 : memref<1x100x128xf32, #tpu.memory_space<vmem>> -> memref<100x128xf32, #tpu.memory_space<vmem>>
        %get3A_1025 = arith.index_cast %add3A_1020 : i32 to index
        %get3A_1026 = arith.constant 112 : index
        %get3A_1027 = tpu.vector_load %get3A_1024[%get3A_1025, %get3A_1026] {strides = array<i32>} : memref<100x128xf32, #tpu.memory_space<vmem>>, vector<1x16xf32>,
        %get3A_1028 = vector.shape_cast %get3A_1027 : vector<1x16xf32> to vector<16xf32>
        %add3A_1029 = arith.addf %add3A_925, %get3A_1028 : vector<16xf32>
        scf.yield %add3A_938, %add3A_951, %add3A_964, %add3A_977, %add3A_990, %add3A_1003, %add3A_1016, %add3A_1029 : vector<16xf32>, vector<16xf32>, vector<16xf32>, vector<16xf32>, vector<16xf32>, vector<16xf32>, vector<16xf32>, vector<16xf32>
      }
      %scan3A_293 = arith.constant 25 : i32
      %add3A_294 = arith.constant 0 : i32
      %add3A_295 = arith.addi %mul3A_270, %add3A_294 : i32
      %swap3A_296 = arith.index_cast %add3A_295 : i32 to index
      %swap3A_297 = arith.constant 0 : index
      %swap3A_298 = tpu.vector_load %arg7[%swap3A_296, %swap3A_297] {strides = array<i32>} : memref<256x128xf32, #tpu.memory_space<vmem>>, vector<1x16xf32>,
      %swap3A_299 = vector.shape_cast %swap3A_298 : vector<1x16xf32> to vector<16xf32>
      %swap3A_300 = vector.shape_cast %scan3A_292#0 : vector<16xf32> to vector<1x16xf32>
      tpu.vector_store %arg7[%swap3A_296, %swap3A_297], %swap3A_300 {strides = array<i32>} : memref<256x128xf32, #tpu.memory_space<vmem>>, vector<1x16xf32>,
      %add3A_301 = arith.constant 0 : i32
      %add3A_302 = arith.addi %mul3A_270, %add3A_301 : i32
      %swap3A_303 = arith.index_cast %add3A_302 : i32 to index
      %swap3A_304 = arith.constant 16 : index
      %swap3A_305 = tpu.vector_load %arg7[%swap3A_303, %swap3A_304] {strides = array<i32>} : memref<256x128xf32, #tpu.memory_space<vmem>>, vector<1x16xf32>,
      %swap3A_306 = vector.shape_cast %swap3A_305 : vector<1x16xf32> to vector<16xf32>
      %swap3A_307 = vector.shape_cast %scan3A_292#1 : vector<16xf32> to vector<1x16xf32>
      tpu.vector_store %arg7[%swap3A_303, %swap3A_304], %swap3A_307 {strides = array<i32>} : memref<256x128xf32, #tpu.memory_space<vmem>>, vector<1x16xf32>,
      %add3A_308 = arith.constant 0 : i32
      %add3A_309 = arith.addi %mul3A_270, %add3A_308 : i32
      %swap3A_310 = arith.index_cast %add3A_309 : i32 to index
      %swap3A_311 = arith.constant 32 : index
      %swap3A_312 = tpu.vector_load %arg7[%swap3A_310, %swap3A_311] {strides = array<i32>} : memref<256x128xf32, #tpu.memory_space<vmem>>, vector<1x16xf32>,
      %swap3A_313 = vector.shape_cast %swap3A_312 : vector<1x16xf32> to vector<16xf32>
      %swap3A_314 = vector.shape_cast %scan3A_292#2 : vector<16xf32> to vector<1x16xf32>
      tpu.vector_store %arg7[%swap3A_310, %swap3A_311], %swap3A_314 {strides = array<i32>} : memref<256x128xf32, #tpu.memory_space<vmem>>, vector<1x16xf32>,
      %add3A_315 = arith.constant 0 : i32
      %add3A_316 = arith.addi %mul3A_270, %add3A_315 : i32
      %swap3A_317 = arith.index_cast %add3A_316 : i32 to index
      %swap3A_318 = arith.constant 48 : index
      %swap3A_319 = tpu.vector_load %arg7[%swap3A_317, %swap3A_318] {strides = array<i32>} : memref<256x128xf32, #tpu.memory_space<vmem>>, vector<1x16xf32>,
      %swap3A_320 = vector.shape_cast %swap3A_319 : vector<1x16xf32> to vector<16xf32>
      %swap3A_321 = vector.shape_cast %scan3A_292#3 : vector<16xf32> to vector<1x16xf32>
      tpu.vector_store %arg7[%swap3A_317, %swap3A_318], %swap3A_321 {strides = array<i32>} : memref<256x128xf32, #tpu.memory_space<vmem>>, vector<1x16xf32>,
      %add3A_322 = arith.constant 0 : i32
      %add3A_323 = arith.addi %mul3A_270, %add3A_322 : i32
      %swap3A_324 = arith.index_cast %add3A_323 : i32 to index
      %swap3A_325 = arith.constant 64 : index
      %swap3A_326 = tpu.vector_load %arg7[%swap3A_324, %swap3A_325] {strides = array<i32>} : memref<256x128xf32, #tpu.memory_space<vmem>>, vector<1x16xf32>,
      %swap3A_327 = vector.shape_cast %swap3A_326 : vector<1x16xf32> to vector<16xf32>
      %swap3A_328 = vector.shape_cast %scan3A_292#4 : vector<16xf32> to vector<1x16xf32>
      tpu.vector_store %arg7[%swap3A_324, %swap3A_325], %swap3A_328 {strides = array<i32>} : memref<256x128xf32, #tpu.memory_space<vmem>>, vector<1x16xf32>,
      %add3A_329 = arith.constant 0 : i32
      %add3A_330 = arith.addi %mul3A_270, %add3A_329 : i32
      %swap3A_331 = arith.index_cast %add3A_330 : i32 to index
      %swap3A_332 = arith.constant 80 : index
      %swap3A_333 = tpu.vector_load %arg7[%swap3A_331, %swap3A_332] {strides = array<i32>} : memref<256x128xf32, #tpu.memory_space<vmem>>, vector<1x16xf32>,
      %swap3A_334 = vector.shape_cast %swap3A_333 : vector<1x16xf32> to vector<16xf32>
      %swap3A_335 = vector.shape_cast %scan3A_292#5 : vector<16xf32> to vector<1x16xf32>
      tpu.vector_store %arg7[%swap3A_331, %swap3A_332], %swap3A_335 {strides = array<i32>} : memref<256x128xf32, #tpu.memory_space<vmem>>, vector<1x16xf32>,
      %add3A_336 = arith.constant 0 : i32
      %add3A_337 = arith.addi %mul3A_270, %add3A_336 : i32
      %swap3A_338 = arith.index_cast %add3A_337 : i32 to index
      %swap3A_339 = arith.constant 96 : index
      %swap3A_340 = tpu.vector_load %arg7[%swap3A_338, %swap3A_339] {strides = array<i32>} : memref<256x128xf32, #tpu.memory_space<vmem>>, vector<1x16xf32>,
      %swap3A_341 = vector.shape_cast %swap3A_340 : vector<1x16xf32> to vector<16xf32>
      %swap3A_342 = vector.shape_cast %scan3A_292#6 : vector<16xf32> to vector<1x16xf32>
      tpu.vector_store %arg7[%swap3A_338, %swap3A_339], %swap3A_342 {strides = array<i32>} : memref<256x128xf32, #tpu.memory_space<vmem>>, vector<1x16xf32>,
      %add3A_343 = arith.constant 0 : i32
      %add3A_344 = arith.addi %mul3A_270, %add3A_343 : i32
      %swap3A_345 = arith.index_cast %add3A_344 : i32 to index
      %swap3A_346 = arith.constant 112 : index
      %swap3A_347 = tpu.vector_load %arg7[%swap3A_345, %swap3A_346] {strides = array<i32>} : memref<256x128xf32, #tpu.memory_space<vmem>>, vector<1x16xf32>,
      %swap3A_348 = vector.shape_cast %swap3A_347 : vector<1x16xf32> to vector<16xf32>
      %swap3A_349 = vector.shape_cast %scan3A_292#7 : vector<16xf32> to vector<1x16xf32>
      tpu.vector_store %arg7[%swap3A_345, %swap3A_346], %swap3A_349 {strides = array<i32>} : memref<256x128xf32, #tpu.memory_space<vmem>>, vector<1x16xf32>,
      %broadcast_in_dim3A_350 = arith.constant 0.000000e+00 : f32
      %broadcast_in_dim3A_351 = vector.broadcast %broadcast_in_dim3A_350 : f32 to vector<16xf32>
      %broadcast_in_dim3A_352 = arith.constant 0.000000e+00 : f32
      %broadcast_in_dim3A_353 = vector.broadcast %broadcast_in_dim3A_352 : f32 to vector<16xf32>
      %broadcast_in_dim3A_354 = arith.constant 0.000000e+00 : f32
      %broadcast_in_dim3A_355 = vector.broadcast %broadcast_in_dim3A_354 : f32 to vector<16xf32>
      %broadcast_in_dim3A_356 = arith.constant 0.000000e+00 : f32
      %broadcast_in_dim3A_357 = vector.broadcast %broadcast_in_dim3A_356 : f32 to vector<16xf32>
      %broadcast_in_dim3A_358 = arith.constant 0.000000e+00 : f32
      %broadcast_in_dim3A_359 = vector.broadcast %broadcast_in_dim3A_358 : f32 to vector<16xf32>
      %broadcast_in_dim3A_360 = arith.constant 0.000000e+00 : f32
      %broadcast_in_dim3A_361 = vector.broadcast %broadcast_in_dim3A_360 : f32 to vector<16xf32>
      %broadcast_in_dim3A_362 = arith.constant 0.000000e+00 : f32
      %broadcast_in_dim3A_363 = vector.broadcast %broadcast_in_dim3A_362 : f32 to vector<16xf32>
      %broadcast_in_dim3A_364 = arith.constant 0.000000e+00 : f32
      %broadcast_in_dim3A_365 = vector.broadcast %broadcast_in_dim3A_364 : f32 to vector<16xf32>
      %scan3A_366 = arith.constant 1 : i32
      %scan3A_367 = arith.constant 0 : i32
      %scan3A_368 = arith.constant 25 : i32
      %scan3A_369 = arith.addi %scan3A_367, %scan3A_368 : i32
      %scan3A_370 = arith.constant 1 : i32
      %scan3A_371:8 = scf.for %scan3A_812 = %scan3A_367 to %scan3A_369 step %scan3A_370 iter_args(%scan3A_813 = %broadcast_in_dim3A_351, %scan3A_814 = %broadcast_in_dim3A_353, %scan3A_815 = %broadcast_in_dim3A_355, %scan3A_816 = %broadcast_in_dim3A_357, %scan3A_817 = %broadcast_in_dim3A_359, %scan3A_818 = %broadcast_in_dim3A_361, %scan3A_819 = %broadcast_in_dim3A_363, %scan3A_820 = %broadcast_in_dim3A_365) -> (vector<16xf32>, vector<16xf32>, vector<16xf32>, vector<16xf32>, vector<16xf32>, vector<16xf32>, vector<16xf32>, vector<16xf32>)  : i32 {
        %mul3A_821 = arith.constant 2 : i32
        %mul3A_822 = arith.muli %scan3A_812, %mul3A_821 : i32
        %add3A_823 = arith.constant 50 : i32
        %add3A_824 = arith.addi %add3A_823, %mul3A_822 : i32
        %add3A_825 = arith.constant 0 : i32
        %add3A_826 = arith.addi %add3A_824, %add3A_825 : i32
        %get3A = arith.constant 0 : i32
        %get3A_827 = arith.constant 0 : i32
        %get3A_828 = tpu.memref_slice %arg6[%scan3A_366, %get3A, %get3A_827] : memref<4x100x128xf32, #tpu.memory_space<vmem>> -> memref<1x100x128xf32, #tpu.memory_space<vmem>>
        %get3A_829 = tpu.memref_squeeze %get3A_828 : memref<1x100x128xf32, #tpu.memory_space<vmem>> -> memref<100x128xf32, #tpu.memory_space<vmem>>
        %get3A_830 = arith.index_cast %add3A_826 : i32 to index
        %get3A_831 = arith.constant 0 : index
        %get3A_832 = tpu.vector_load %get3A_829[%get3A_830, %get3A_831] {strides = array<i32>} : memref<100x128xf32, #tpu.memory_space<vmem>>, vector<1x16xf32>,
        %get3A_833 = vector.shape_cast %get3A_832 : vector<1x16xf32> to vector<16xf32>
        %add3A_834 = arith.addf %scan3A_813, %get3A_833 : vector<16xf32>
        %add3A_835 = arith.constant 50 : i32
        %add3A_836 = arith.addi %add3A_835, %mul3A_822 : i32
        %add3A_837 = arith.constant 0 : i32
        %add3A_838 = arith.addi %add3A_836, %add3A_837 : i32
        %get3A_839 = arith.constant 0 : i32
        %get3A_840 = arith.constant 0 : i32
        %get3A_841 = tpu.memref_slice %arg6[%scan3A_366, %get3A_839, %get3A_840] : memref<4x100x128xf32, #tpu.memory_space<vmem>> -> memref<1x100x128xf32, #tpu.memory_space<vmem>>
        %get3A_842 = tpu.memref_squeeze %get3A_841 : memref<1x100x128xf32, #tpu.memory_space<vmem>> -> memref<100x128xf32, #tpu.memory_space<vmem>>
        %get3A_843 = arith.index_cast %add3A_838 : i32 to index
        %get3A_844 = arith.constant 16 : index
        %get3A_845 = tpu.vector_load %get3A_842[%get3A_843, %get3A_844] {strides = array<i32>} : memref<100x128xf32, #tpu.memory_space<vmem>>, vector<1x16xf32>,
        %get3A_846 = vector.shape_cast %get3A_845 : vector<1x16xf32> to vector<16xf32>
        %add3A_847 = arith.addf %scan3A_814, %get3A_846 : vector<16xf32>
        %add3A_848 = arith.constant 50 : i32
        %add3A_849 = arith.addi %add3A_848, %mul3A_822 : i32
        %add3A_850 = arith.constant 0 : i32
        %add3A_851 = arith.addi %add3A_849, %add3A_850 : i32
        %get3A_852 = arith.constant 0 : i32
        %get3A_853 = arith.constant 0 : i32
        %get3A_854 = tpu.memref_slice %arg6[%scan3A_366, %get3A_852, %get3A_853] : memref<4x100x128xf32, #tpu.memory_space<vmem>> -> memref<1x100x128xf32, #tpu.memory_space<vmem>>
        %get3A_855 = tpu.memref_squeeze %get3A_854 : memref<1x100x128xf32, #tpu.memory_space<vmem>> -> memref<100x128xf32, #tpu.memory_space<vmem>>
        %get3A_856 = arith.index_cast %add3A_851 : i32 to index
        %get3A_857 = arith.constant 32 : index
        %get3A_858 = tpu.vector_load %get3A_855[%get3A_856, %get3A_857] {strides = array<i32>} : memref<100x128xf32, #tpu.memory_space<vmem>>, vector<1x16xf32>,
        %get3A_859 = vector.shape_cast %get3A_858 : vector<1x16xf32> to vector<16xf32>
        %add3A_860 = arith.addf %scan3A_815, %get3A_859 : vector<16xf32>
        %add3A_861 = arith.constant 50 : i32
        %add3A_862 = arith.addi %add3A_861, %mul3A_822 : i32
        %add3A_863 = arith.constant 0 : i32
        %add3A_864 = arith.addi %add3A_862, %add3A_863 : i32
        %get3A_865 = arith.constant 0 : i32
        %get3A_866 = arith.constant 0 : i32
        %get3A_867 = tpu.memref_slice %arg6[%scan3A_366, %get3A_865, %get3A_866] : memref<4x100x128xf32, #tpu.memory_space<vmem>> -> memref<1x100x128xf32, #tpu.memory_space<vmem>>
        %get3A_868 = tpu.memref_squeeze %get3A_867 : memref<1x100x128xf32, #tpu.memory_space<vmem>> -> memref<100x128xf32, #tpu.memory_space<vmem>>
        %get3A_869 = arith.index_cast %add3A_864 : i32 to index
        %get3A_870 = arith.constant 48 : index
        %get3A_871 = tpu.vector_load %get3A_868[%get3A_869, %get3A_870] {strides = array<i32>} : memref<100x128xf32, #tpu.memory_space<vmem>>, vector<1x16xf32>,
        %get3A_872 = vector.shape_cast %get3A_871 : vector<1x16xf32> to vector<16xf32>
        %add3A_873 = arith.addf %scan3A_816, %get3A_872 : vector<16xf32>
        %add3A_874 = arith.constant 50 : i32
        %add3A_875 = arith.addi %add3A_874, %mul3A_822 : i32
        %add3A_876 = arith.constant 0 : i32
        %add3A_877 = arith.addi %add3A_875, %add3A_876 : i32
        %get3A_878 = arith.constant 0 : i32
        %get3A_879 = arith.constant 0 : i32
        %get3A_880 = tpu.memref_slice %arg6[%scan3A_366, %get3A_878, %get3A_879] : memref<4x100x128xf32, #tpu.memory_space<vmem>> -> memref<1x100x128xf32, #tpu.memory_space<vmem>>
        %get3A_881 = tpu.memref_squeeze %get3A_880 : memref<1x100x128xf32, #tpu.memory_space<vmem>> -> memref<100x128xf32, #tpu.memory_space<vmem>>
        %get3A_882 = arith.index_cast %add3A_877 : i32 to index
        %get3A_883 = arith.constant 64 : index
        %get3A_884 = tpu.vector_load %get3A_881[%get3A_882, %get3A_883] {strides = array<i32>} : memref<100x128xf32, #tpu.memory_space<vmem>>, vector<1x16xf32>,
        %get3A_885 = vector.shape_cast %get3A_884 : vector<1x16xf32> to vector<16xf32>
        %add3A_886 = arith.addf %scan3A_817, %get3A_885 : vector<16xf32>
        %add3A_887 = arith.constant 50 : i32
        %add3A_888 = arith.addi %add3A_887, %mul3A_822 : i32
        %add3A_889 = arith.constant 0 : i32
        %add3A_890 = arith.addi %add3A_888, %add3A_889 : i32
        %get3A_891 = arith.constant 0 : i32
        %get3A_892 = arith.constant 0 : i32
        %get3A_893 = tpu.memref_slice %arg6[%scan3A_366, %get3A_891, %get3A_892] : memref<4x100x128xf32, #tpu.memory_space<vmem>> -> memref<1x100x128xf32, #tpu.memory_space<vmem>>
        %get3A_894 = tpu.memref_squeeze %get3A_893 : memref<1x100x128xf32, #tpu.memory_space<vmem>> -> memref<100x128xf32, #tpu.memory_space<vmem>>
        %get3A_895 = arith.index_cast %add3A_890 : i32 to index
        %get3A_896 = arith.constant 80 : index
        %get3A_897 = tpu.vector_load %get3A_894[%get3A_895, %get3A_896] {strides = array<i32>} : memref<100x128xf32, #tpu.memory_space<vmem>>, vector<1x16xf32>,
        %get3A_898 = vector.shape_cast %get3A_897 : vector<1x16xf32> to vector<16xf32>
        %add3A_899 = arith.addf %scan3A_818, %get3A_898 : vector<16xf32>
        %add3A_900 = arith.constant 50 : i32
        %add3A_901 = arith.addi %add3A_900, %mul3A_822 : i32
        %add3A_902 = arith.constant 0 : i32
        %add3A_903 = arith.addi %add3A_901, %add3A_902 : i32
        %get3A_904 = arith.constant 0 : i32
        %get3A_905 = arith.constant 0 : i32
        %get3A_906 = tpu.memref_slice %arg6[%scan3A_366, %get3A_904, %get3A_905] : memref<4x100x128xf32, #tpu.memory_space<vmem>> -> memref<1x100x128xf32, #tpu.memory_space<vmem>>
        %get3A_907 = tpu.memref_squeeze %get3A_906 : memref<1x100x128xf32, #tpu.memory_space<vmem>> -> memref<100x128xf32, #tpu.memory_space<vmem>>
        %get3A_908 = arith.index_cast %add3A_903 : i32 to index
        %get3A_909 = arith.constant 96 : index
        %get3A_910 = tpu.vector_load %get3A_907[%get3A_908, %get3A_909] {strides = array<i32>} : memref<100x128xf32, #tpu.memory_space<vmem>>, vector<1x16xf32>,
        %get3A_911 = vector.shape_cast %get3A_910 : vector<1x16xf32> to vector<16xf32>
        %add3A_912 = arith.addf %scan3A_819, %get3A_911 : vector<16xf32>
        %add3A_913 = arith.constant 50 : i32
        %add3A_914 = arith.addi %add3A_913, %mul3A_822 : i32
        %add3A_915 = arith.constant 0 : i32
        %add3A_916 = arith.addi %add3A_914, %add3A_915 : i32
        %get3A_917 = arith.constant 0 : i32
        %get3A_918 = arith.constant 0 : i32
        %get3A_919 = tpu.memref_slice %arg6[%scan3A_366, %get3A_917, %get3A_918] : memref<4x100x128xf32, #tpu.memory_space<vmem>> -> memref<1x100x128xf32, #tpu.memory_space<vmem>>
        %get3A_920 = tpu.memref_squeeze %get3A_919 : memref<1x100x128xf32, #tpu.memory_space<vmem>> -> memref<100x128xf32, #tpu.memory_space<vmem>>
        %get3A_921 = arith.index_cast %add3A_916 : i32 to index
        %get3A_922 = arith.constant 112 : index
        %get3A_923 = tpu.vector_load %get3A_920[%get3A_921, %get3A_922] {strides = array<i32>} : memref<100x128xf32, #tpu.memory_space<vmem>>, vector<1x16xf32>,
        %get3A_924 = vector.shape_cast %get3A_923 : vector<1x16xf32> to vector<16xf32>
        %add3A_925 = arith.addf %scan3A_820, %get3A_924 : vector<16xf32>
        %add3A_926 = arith.constant 50 : i32
        %add3A_927 = arith.addi %add3A_926, %mul3A_822 : i32
        %add3A_928 = arith.constant 1 : i32
        %add3A_929 = arith.addi %add3A_927, %add3A_928 : i32
        %get3A_930 = arith.constant 0 : i32
        %get3A_931 = arith.constant 0 : i32
        %get3A_932 = tpu.memref_slice %arg6[%scan3A_366, %get3A_930, %get3A_931] : memref<4x100x128xf32, #tpu.memory_space<vmem>> -> memref<1x100x128xf32, #tpu.memory_space<vmem>>
        %get3A_933 = tpu.memref_squeeze %get3A_932 : memref<1x100x128xf32, #tpu.memory_space<vmem>> -> memref<100x128xf32, #tpu.memory_space<vmem>>
        %get3A_934 = arith.index_cast %add3A_929 : i32 to index
        %get3A_935 = arith.constant 0 : index
        %get3A_936 = tpu.vector_load %get3A_933[%get3A_934, %get3A_935] {strides = array<i32>} : memref<100x128xf32, #tpu.memory_space<vmem>>, vector<1x16xf32>,
        %get3A_937 = vector.shape_cast %get3A_936 : vector<1x16xf32> to vector<16xf32>
        %add3A_938 = arith.addf %add3A_834, %get3A_937 : vector<16xf32>
        %add3A_939 = arith.constant 50 : i32
        %add3A_940 = arith.addi %add3A_939, %mul3A_822 : i32
        %add3A_941 = arith.constant 1 : i32
        %add3A_942 = arith.addi %add3A_940, %add3A_941 : i32
        %get3A_943 = arith.constant 0 : i32
        %get3A_944 = arith.constant 0 : i32
        %get3A_945 = tpu.memref_slice %arg6[%scan3A_366, %get3A_943, %get3A_944] : memref<4x100x128xf32, #tpu.memory_space<vmem>> -> memref<1x100x128xf32, #tpu.memory_space<vmem>>
        %get3A_946 = tpu.memref_squeeze %get3A_945 : memref<1x100x128xf32, #tpu.memory_space<vmem>> -> memref<100x128xf32, #tpu.memory_space<vmem>>
        %get3A_947 = arith.index_cast %add3A_942 : i32 to index
        %get3A_948 = arith.constant 16 : index
        %get3A_949 = tpu.vector_load %get3A_946[%get3A_947, %get3A_948] {strides = array<i32>} : memref<100x128xf32, #tpu.memory_space<vmem>>, vector<1x16xf32>,
        %get3A_950 = vector.shape_cast %get3A_949 : vector<1x16xf32> to vector<16xf32>
        %add3A_951 = arith.addf %add3A_847, %get3A_950 : vector<16xf32>
        %add3A_952 = arith.constant 50 : i32
        %add3A_953 = arith.addi %add3A_952, %mul3A_822 : i32
        %add3A_954 = arith.constant 1 : i32
        %add3A_955 = arith.addi %add3A_953, %add3A_954 : i32
        %get3A_956 = arith.constant 0 : i32
        %get3A_957 = arith.constant 0 : i32
        %get3A_958 = tpu.memref_slice %arg6[%scan3A_366, %get3A_956, %get3A_957] : memref<4x100x128xf32, #tpu.memory_space<vmem>> -> memref<1x100x128xf32, #tpu.memory_space<vmem>>
        %get3A_959 = tpu.memref_squeeze %get3A_958 : memref<1x100x128xf32, #tpu.memory_space<vmem>> -> memref<100x128xf32, #tpu.memory_space<vmem>>
        %get3A_960 = arith.index_cast %add3A_955 : i32 to index
        %get3A_961 = arith.constant 32 : index
        %get3A_962 = tpu.vector_load %get3A_959[%get3A_960, %get3A_961] {strides = array<i32>} : memref<100x128xf32, #tpu.memory_space<vmem>>, vector<1x16xf32>,
        %get3A_963 = vector.shape_cast %get3A_962 : vector<1x16xf32> to vector<16xf32>
        %add3A_964 = arith.addf %add3A_860, %get3A_963 : vector<16xf32>
        %add3A_965 = arith.constant 50 : i32
        %add3A_966 = arith.addi %add3A_965, %mul3A_822 : i32
        %add3A_967 = arith.constant 1 : i32
        %add3A_968 = arith.addi %add3A_966, %add3A_967 : i32
        %get3A_969 = arith.constant 0 : i32
        %get3A_970 = arith.constant 0 : i32
        %get3A_971 = tpu.memref_slice %arg6[%scan3A_366, %get3A_969, %get3A_970] : memref<4x100x128xf32, #tpu.memory_space<vmem>> -> memref<1x100x128xf32, #tpu.memory_space<vmem>>
        %get3A_972 = tpu.memref_squeeze %get3A_971 : memref<1x100x128xf32, #tpu.memory_space<vmem>> -> memref<100x128xf32, #tpu.memory_space<vmem>>
        %get3A_973 = arith.index_cast %add3A_968 : i32 to index
        %get3A_974 = arith.constant 48 : index
        %get3A_975 = tpu.vector_load %get3A_972[%get3A_973, %get3A_974] {strides = array<i32>} : memref<100x128xf32, #tpu.memory_space<vmem>>, vector<1x16xf32>,
        %get3A_976 = vector.shape_cast %get3A_975 : vector<1x16xf32> to vector<16xf32>
        %add3A_977 = arith.addf %add3A_873, %get3A_976 : vector<16xf32>
        %add3A_978 = arith.constant 50 : i32
        %add3A_979 = arith.addi %add3A_978, %mul3A_822 : i32
        %add3A_980 = arith.constant 1 : i32
        %add3A_981 = arith.addi %add3A_979, %add3A_980 : i32
        %get3A_982 = arith.constant 0 : i32
        %get3A_983 = arith.constant 0 : i32
        %get3A_984 = tpu.memref_slice %arg6[%scan3A_366, %get3A_982, %get3A_983] : memref<4x100x128xf32, #tpu.memory_space<vmem>> -> memref<1x100x128xf32, #tpu.memory_space<vmem>>
        %get3A_985 = tpu.memref_squeeze %get3A_984 : memref<1x100x128xf32, #tpu.memory_space<vmem>> -> memref<100x128xf32, #tpu.memory_space<vmem>>
        %get3A_986 = arith.index_cast %add3A_981 : i32 to index
        %get3A_987 = arith.constant 64 : index
        %get3A_988 = tpu.vector_load %get3A_985[%get3A_986, %get3A_987] {strides = array<i32>} : memref<100x128xf32, #tpu.memory_space<vmem>>, vector<1x16xf32>,
        %get3A_989 = vector.shape_cast %get3A_988 : vector<1x16xf32> to vector<16xf32>
        %add3A_990 = arith.addf %add3A_886, %get3A_989 : vector<16xf32>
        %add3A_991 = arith.constant 50 : i32
        %add3A_992 = arith.addi %add3A_991, %mul3A_822 : i32
        %add3A_993 = arith.constant 1 : i32
        %add3A_994 = arith.addi %add3A_992, %add3A_993 : i32
        %get3A_995 = arith.constant 0 : i32
        %get3A_996 = arith.constant 0 : i32
        %get3A_997 = tpu.memref_slice %arg6[%scan3A_366, %get3A_995, %get3A_996] : memref<4x100x128xf32, #tpu.memory_space<vmem>> -> memref<1x100x128xf32, #tpu.memory_space<vmem>>
        %get3A_998 = tpu.memref_squeeze %get3A_997 : memref<1x100x128xf32, #tpu.memory_space<vmem>> -> memref<100x128xf32, #tpu.memory_space<vmem>>
        %get3A_999 = arith.index_cast %add3A_994 : i32 to index
        %get3A_1000 = arith.constant 80 : index
        %get3A_1001 = tpu.vector_load %get3A_998[%get3A_999, %get3A_1000] {strides = array<i32>} : memref<100x128xf32, #tpu.memory_space<vmem>>, vector<1x16xf32>,
        %get3A_1002 = vector.shape_cast %get3A_1001 : vector<1x16xf32> to vector<16xf32>
        %add3A_1003 = arith.addf %add3A_899, %get3A_1002 : vector<16xf32>
        %add3A_1004 = arith.constant 50 : i32
        %add3A_1005 = arith.addi %add3A_1004, %mul3A_822 : i32
        %add3A_1006 = arith.constant 1 : i32
        %add3A_1007 = arith.addi %add3A_1005, %add3A_1006 : i32
        %get3A_1008 = arith.constant 0 : i32
        %get3A_1009 = arith.constant 0 : i32
        %get3A_1010 = tpu.memref_slice %arg6[%scan3A_366, %get3A_1008, %get3A_1009] : memref<4x100x128xf32, #tpu.memory_space<vmem>> -> memref<1x100x128xf32, #tpu.memory_space<vmem>>
        %get3A_1011 = tpu.memref_squeeze %get3A_1010 : memref<1x100x128xf32, #tpu.memory_space<vmem>> -> memref<100x128xf32, #tpu.memory_space<vmem>>
        %get3A_1012 = arith.index_cast %add3A_1007 : i32 to index
        %get3A_1013 = arith.constant 96 : index
        %get3A_1014 = tpu.vector_load %get3A_1011[%get3A_1012, %get3A_1013] {strides = array<i32>} : memref<100x128xf32, #tpu.memory_space<vmem>>, vector<1x16xf32>,
        %get3A_1015 = vector.shape_cast %get3A_1014 : vector<1x16xf32> to vector<16xf32>
        %add3A_1016 = arith.addf %add3A_912, %get3A_1015 : vector<16xf32>
        %add3A_1017 = arith.constant 50 : i32
        %add3A_1018 = arith.addi %add3A_1017, %mul3A_822 : i32
        %add3A_1019 = arith.constant 1 : i32
        %add3A_1020 = arith.addi %add3A_1018, %add3A_1019 : i32
        %get3A_1021 = arith.constant 0 : i32
        %get3A_1022 = arith.constant 0 : i32
        %get3A_1023 = tpu.memref_slice %arg6[%scan3A_366, %get3A_1021, %get3A_1022] : memref<4x100x128xf32, #tpu.memory_space<vmem>> -> memref<1x100x128xf32, #tpu.memory_space<vmem>>
        %get3A_1024 = tpu.memref_squeeze %get3A_1023 : memref<1x100x128xf32, #tpu.memory_space<vmem>> -> memref<100x128xf32, #tpu.memory_space<vmem>>
        %get3A_1025 = arith.index_cast %add3A_1020 : i32 to index
        %get3A_1026 = arith.constant 112 : index
        %get3A_1027 = tpu.vector_load %get3A_1024[%get3A_1025, %get3A_1026] {strides = array<i32>} : memref<100x128xf32, #tpu.memory_space<vmem>>, vector<1x16xf32>,
        %get3A_1028 = vector.shape_cast %get3A_1027 : vector<1x16xf32> to vector<16xf32>
        %add3A_1029 = arith.addf %add3A_925, %get3A_1028 : vector<16xf32>
        scf.yield %add3A_938, %add3A_951, %add3A_964, %add3A_977, %add3A_990, %add3A_1003, %add3A_1016, %add3A_1029 : vector<16xf32>, vector<16xf32>, vector<16xf32>, vector<16xf32>, vector<16xf32>, vector<16xf32>, vector<16xf32>, vector<16xf32>
      }
      %scan3A_372 = arith.constant 25 : i32
      %add3A_373 = arith.constant 1 : i32
      %add3A_374 = arith.addi %mul3A_270, %add3A_373 : i32
      %swap3A_375 = arith.index_cast %add3A_374 : i32 to index
      %swap3A_376 = arith.constant 0 : index
      %swap3A_377 = tpu.vector_load %arg7[%swap3A_375, %swap3A_376] {strides = array<i32>} : memref<256x128xf32, #tpu.memory_space<vmem>>, vector<1x16xf32>,
      %swap3A_378 = vector.shape_cast %swap3A_377 : vector<1x16xf32> to vector<16xf32>
      %swap3A_379 = vector.shape_cast %scan3A_371#0 : vector<16xf32> to vector<1x16xf32>
      tpu.vector_store %arg7[%swap3A_375, %swap3A_376], %swap3A_379 {strides = array<i32>} : memref<256x128xf32, #tpu.memory_space<vmem>>, vector<1x16xf32>,
      %add3A_380 = arith.constant 1 : i32
      %add3A_381 = arith.addi %mul3A_270, %add3A_380 : i32
      %swap3A_382 = arith.index_cast %add3A_381 : i32 to index
      %swap3A_383 = arith.constant 16 : index
      %swap3A_384 = tpu.vector_load %arg7[%swap3A_382, %swap3A_383] {strides = array<i32>} : memref<256x128xf32, #tpu.memory_space<vmem>>, vector<1x16xf32>,
      %swap3A_385 = vector.shape_cast %swap3A_384 : vector<1x16xf32> to vector<16xf32>
      %swap3A_386 = vector.shape_cast %scan3A_371#1 : vector<16xf32> to vector<1x16xf32>
      tpu.vector_store %arg7[%swap3A_382, %swap3A_383], %swap3A_386 {strides = array<i32>} : memref<256x128xf32, #tpu.memory_space<vmem>>, vector<1x16xf32>,
      %add3A_387 = arith.constant 1 : i32
      %add3A_388 = arith.addi %mul3A_270, %add3A_387 : i32
      %swap3A_389 = arith.index_cast %add3A_388 : i32 to index
      %swap3A_390 = arith.constant 32 : index
      %swap3A_391 = tpu.vector_load %arg7[%swap3A_389, %swap3A_390] {strides = array<i32>} : memref<256x128xf32, #tpu.memory_space<vmem>>, vector<1x16xf32>,
      %swap3A_392 = vector.shape_cast %swap3A_391 : vector<1x16xf32> to vector<16xf32>
      %swap3A_393 = vector.shape_cast %scan3A_371#2 : vector<16xf32> to vector<1x16xf32>
      tpu.vector_store %arg7[%swap3A_389, %swap3A_390], %swap3A_393 {strides = array<i32>} : memref<256x128xf32, #tpu.memory_space<vmem>>, vector<1x16xf32>,
      %add3A_394 = arith.constant 1 : i32
      %add3A_395 = arith.addi %mul3A_270, %add3A_394 : i32
      %swap3A_396 = arith.index_cast %add3A_395 : i32 to index
      %swap3A_397 = arith.constant 48 : index
      %swap3A_398 = tpu.vector_load %arg7[%swap3A_396, %swap3A_397] {strides = array<i32>} : memref<256x128xf32, #tpu.memory_space<vmem>>, vector<1x16xf32>,
      %swap3A_399 = vector.shape_cast %swap3A_398 : vector<1x16xf32> to vector<16xf32>
      %swap3A_400 = vector.shape_cast %scan3A_371#3 : vector<16xf32> to vector<1x16xf32>
      tpu.vector_store %arg7[%swap3A_396, %swap3A_397], %swap3A_400 {strides = array<i32>} : memref<256x128xf32, #tpu.memory_space<vmem>>, vector<1x16xf32>,
      %add3A_401 = arith.constant 1 : i32
      %add3A_402 = arith.addi %mul3A_270, %add3A_401 : i32
      %swap3A_403 = arith.index_cast %add3A_402 : i32 to index
      %swap3A_404 = arith.constant 64 : index
      %swap3A_405 = tpu.vector_load %arg7[%swap3A_403, %swap3A_404] {strides = array<i32>} : memref<256x128xf32, #tpu.memory_space<vmem>>, vector<1x16xf32>,
      %swap3A_406 = vector.shape_cast %swap3A_405 : vector<1x16xf32> to vector<16xf32>
      %swap3A_407 = vector.shape_cast %scan3A_371#4 : vector<16xf32> to vector<1x16xf32>
      tpu.vector_store %arg7[%swap3A_403, %swap3A_404], %swap3A_407 {strides = array<i32>} : memref<256x128xf32, #tpu.memory_space<vmem>>, vector<1x16xf32>,
      %add3A_408 = arith.constant 1 : i32
      %add3A_409 = arith.addi %mul3A_270, %add3A_408 : i32
      %swap3A_410 = arith.index_cast %add3A_409 : i32 to index
      %swap3A_411 = arith.constant 80 : index
      %swap3A_412 = tpu.vector_load %arg7[%swap3A_410, %swap3A_411] {strides = array<i32>} : memref<256x128xf32, #tpu.memory_space<vmem>>, vector<1x16xf32>,
      %swap3A_413 = vector.shape_cast %swap3A_412 : vector<1x16xf32> to vector<16xf32>
      %swap3A_414 = vector.shape_cast %scan3A_371#5 : vector<16xf32> to vector<1x16xf32>
      tpu.vector_store %arg7[%swap3A_410, %swap3A_411], %swap3A_414 {strides = array<i32>} : memref<256x128xf32, #tpu.memory_space<vmem>>, vector<1x16xf32>,
      %add3A_415 = arith.constant 1 : i32
      %add3A_416 = arith.addi %mul3A_270, %add3A_415 : i32
      %swap3A_417 = arith.index_cast %add3A_416 : i32 to index
      %swap3A_418 = arith.constant 96 : index
      %swap3A_419 = tpu.vector_load %arg7[%swap3A_417, %swap3A_418] {strides = array<i32>} : memref<256x128xf32, #tpu.memory_space<vmem>>, vector<1x16xf32>,
      %swap3A_420 = vector.shape_cast %swap3A_419 : vector<1x16xf32> to vector<16xf32>
      %swap3A_421 = vector.shape_cast %scan3A_371#6 : vector<16xf32> to vector<1x16xf32>
      tpu.vector_store %arg7[%swap3A_417, %swap3A_418], %swap3A_421 {strides = array<i32>} : memref<256x128xf32, #tpu.memory_space<vmem>>, vector<1x16xf32>,
      %add3A_422 = arith.constant 1 : i32
      %add3A_423 = arith.addi %mul3A_270, %add3A_422 : i32
      %swap3A_424 = arith.index_cast %add3A_423 : i32 to index
      %swap3A_425 = arith.constant 112 : index
      %swap3A_426 = tpu.vector_load %arg7[%swap3A_424, %swap3A_425] {strides = array<i32>} : memref<256x128xf32, #tpu.memory_space<vmem>>, vector<1x16xf32>,
      %swap3A_427 = vector.shape_cast %swap3A_426 : vector<1x16xf32> to vector<16xf32>
      %swap3A_428 = vector.shape_cast %scan3A_371#7 : vector<16xf32> to vector<1x16xf32>
      tpu.vector_store %arg7[%swap3A_424, %swap3A_425], %swap3A_428 {strides = array<i32>} : memref<256x128xf32, #tpu.memory_space<vmem>>, vector<1x16xf32>,
      %add3A_429 = arith.constant 4 : i32
      %add3A_430 = arith.addi %add3A_253, %add3A_429 : i32
      %lt3A_431 = arith.constant 256 : i32
      %lt3A_432 = arith.cmpi slt, %add3A_430, %lt3A_431 : i32
      %convert_element_type3A_433 = arith.extui %lt3A_432 : i1 to i32
      %cond3A_434 = arith.constant 0 : i32
      %cond3A_435 = arith.cmpi ne, %convert_element_type3A_433, %cond3A_434 : i32
      scf.if %cond3A_435 {
        %add3A_812 = arith.constant 4 : i32
        %add3A_813 = arith.addi %add3A_253, %add3A_812 : i32
        %dma_start3A_814 = arith.constant 1 : i32
        %dma_start3A_815 = arith.constant 0 : i32
        %dma_start3A_816 = arith.constant 0 : i32
        %dma_start3A_817 = tpu.memref_slice %arg6[%dma_start3A_814, %dma_start3A_815, %dma_start3A_816] : memref<4x100x128xf32, #tpu.memory_space<vmem>> -> memref<1x100x128xf32, #tpu.memory_space<vmem>>
        %dma_start3A_818 = tpu.memref_squeeze %dma_start3A_817 : memref<1x100x128xf32, #tpu.memory_space<vmem>> -> memref<100x128xf32, #tpu.memory_space<vmem>>
        %dma_start3A_819 = arith.constant 0 : i32
        %dma_start3A_820 = tpu.memref_slice %arg5[%add3A_813, %dma_start3A_819] : memref<256x100xi32, #tpu.memory_space<vmem>> -> memref<1x100xi32, #tpu.memory_space<vmem>>
        %dma_start3A_821 = tpu.memref_squeeze %dma_start3A_820 : memref<1x100xi32, #tpu.memory_space<vmem>> -> memref<100xi32, #tpu.memory_space<vmem>>
        %dma_start3A_822 = arith.constant 0 : i32
        %dma_start3A_823 = arith.constant 0 : i32
        %dma_start3A_824 = tpu.memref_slice %arg3[%dma_start3A_822, %dma_start3A_823] : memref<1000000x128xf32, #tpu.memory_space<hbm>> -> memref<1000000x128xf32, #tpu.memory_space<hbm>>
        tpu.enqueue_indirect_dma source(%dma_start3A_824 : memref<1000000x128xf32, #tpu.memory_space<hbm>>) target(%dma_start3A_818 : memref<100x128xf32, #tpu.memory_space<vmem>>) offsets(%dma_start3A_821 : memref<100xi32, #tpu.memory_space<vmem>>) semaphore(%arg9 : memref<!tpu.dma_semaphore, #tpu.memory_space<semaphore_mem>>)
      } else {
      }
      %mul3A_436 = arith.constant 4 : i32
      %mul3A_437 = arith.muli %scan3A_65, %mul3A_436 : i32
      %add3A_438 = arith.constant 128 : i32
      %add3A_439 = arith.addi %add3A_438, %mul3A_437 : i32
      %add3A_440 = arith.constant 2 : i32
      %add3A_441 = arith.addi %add3A_439, %add3A_440 : i32
      %dma_wait3A_442 = arith.constant 2 : i32
      %dma_wait3A_443 = arith.constant 0 : i32
      %dma_wait3A_444 = arith.constant 0 : i32
      %dma_wait3A_445 = tpu.memref_slice %arg6[%dma_wait3A_442, %dma_wait3A_443, %dma_wait3A_444] : memref<4x100x128xf32, #tpu.memory_space<vmem>> -> memref<1x100x128xf32, #tpu.memory_space<vmem>>
      %dma_wait3A_446 = tpu.memref_squeeze %dma_wait3A_445 : memref<1x100x128xf32, #tpu.memory_space<vmem>> -> memref<100x128xf32, #tpu.memory_space<vmem>>
      %dma_wait3A_447 = arith.constant 0 : i32
      %dma_wait3A_448 = tpu.memref_slice %arg5[%add3A_441, %dma_wait3A_447] : memref<256x100xi32, #tpu.memory_space<vmem>> -> memref<1x100xi32, #tpu.memory_space<vmem>>
      %dma_wait3A_449 = tpu.memref_squeeze %dma_wait3A_448 : memref<1x100xi32, #tpu.memory_space<vmem>> -> memref<100xi32, #tpu.memory_space<vmem>>
      %dma_wait3A_450 = arith.constant 0 : i32
      %dma_wait3A_451 = arith.constant 0 : i32
      %dma_wait3A_452 = tpu.memref_slice %arg3[%dma_wait3A_450, %dma_wait3A_451] : memref<1000000x128xf32, #tpu.memory_space<hbm>> -> memref<1000000x128xf32, #tpu.memory_space<hbm>>
      tpu.wait_indirect_dma semaphore(%arg10 : memref<!tpu.dma_semaphore, #tpu.memory_space<semaphore_mem>>) src(%dma_wait3A_452 : memref<1000000x128xf32, #tpu.memory_space<hbm>>) dst(%dma_wait3A_446 : memref<100x128xf32, #tpu.memory_space<vmem>>)
      %mul3A_453 = arith.constant 4 : i32
      %mul3A_454 = arith.muli %scan3A_65, %mul3A_453 : i32
      %add3A_455 = arith.constant 2 : i32
      %add3A_456 = arith.addi %mul3A_454, %add3A_455 : i32
      %mul3A_457 = arith.constant 2 : i32
      %mul3A_458 = arith.muli %add3A_456, %mul3A_457 : i32
      %broadcast_in_dim3A_459 = arith.constant 0.000000e+00 : f32
      %broadcast_in_dim3A_460 = vector.broadcast %broadcast_in_dim3A_459 : f32 to vector<16xf32>
      %broadcast_in_dim3A_461 = arith.constant 0.000000e+00 : f32
      %broadcast_in_dim3A_462 = vector.broadcast %broadcast_in_dim3A_461 : f32 to vector<16xf32>
      %broadcast_in_dim3A_463 = arith.constant 0.000000e+00 : f32
      %broadcast_in_dim3A_464 = vector.broadcast %broadcast_in_dim3A_463 : f32 to vector<16xf32>
      %broadcast_in_dim3A_465 = arith.constant 0.000000e+00 : f32
      %broadcast_in_dim3A_466 = vector.broadcast %broadcast_in_dim3A_465 : f32 to vector<16xf32>
      %broadcast_in_dim3A_467 = arith.constant 0.000000e+00 : f32
      %broadcast_in_dim3A_468 = vector.broadcast %broadcast_in_dim3A_467 : f32 to vector<16xf32>
      %broadcast_in_dim3A_469 = arith.constant 0.000000e+00 : f32
      %broadcast_in_dim3A_470 = vector.broadcast %broadcast_in_dim3A_469 : f32 to vector<16xf32>
      %broadcast_in_dim3A_471 = arith.constant 0.000000e+00 : f32
      %broadcast_in_dim3A_472 = vector.broadcast %broadcast_in_dim3A_471 : f32 to vector<16xf32>
      %broadcast_in_dim3A_473 = arith.constant 0.000000e+00 : f32
      %broadcast_in_dim3A_474 = vector.broadcast %broadcast_in_dim3A_473 : f32 to vector<16xf32>
      %scan3A_475 = arith.constant 2 : i32
      %scan3A_476 = arith.constant 0 : i32
      %scan3A_477 = arith.constant 25 : i32
      %scan3A_478 = arith.addi %scan3A_476, %scan3A_477 : i32
      %scan3A_479 = arith.constant 1 : i32
      %scan3A_480:8 = scf.for %scan3A_812 = %scan3A_476 to %scan3A_478 step %scan3A_479 iter_args(%scan3A_813 = %broadcast_in_dim3A_460, %scan3A_814 = %broadcast_in_dim3A_462, %scan3A_815 = %broadcast_in_dim3A_464, %scan3A_816 = %broadcast_in_dim3A_466, %scan3A_817 = %broadcast_in_dim3A_468, %scan3A_818 = %broadcast_in_dim3A_470, %scan3A_819 = %broadcast_in_dim3A_472, %scan3A_820 = %broadcast_in_dim3A_474) -> (vector<16xf32>, vector<16xf32>, vector<16xf32>, vector<16xf32>, vector<16xf32>, vector<16xf32>, vector<16xf32>, vector<16xf32>)  : i32 {
        %mul3A_821 = arith.constant 2 : i32
        %mul3A_822 = arith.muli %scan3A_812, %mul3A_821 : i32
        %add3A_823 = arith.constant 0 : i32
        %add3A_824 = arith.addi %add3A_823, %mul3A_822 : i32
        %add3A_825 = arith.constant 0 : i32
        %add3A_826 = arith.addi %add3A_824, %add3A_825 : i32
        %get3A = arith.constant 0 : i32
        %get3A_827 = arith.constant 0 : i32
        %get3A_828 = tpu.memref_slice %arg6[%scan3A_475, %get3A, %get3A_827] : memref<4x100x128xf32, #tpu.memory_space<vmem>> -> memref<1x100x128xf32, #tpu.memory_space<vmem>>
        %get3A_829 = tpu.memref_squeeze %get3A_828 : memref<1x100x128xf32, #tpu.memory_space<vmem>> -> memref<100x128xf32, #tpu.memory_space<vmem>>
        %get3A_830 = arith.index_cast %add3A_826 : i32 to index
        %get3A_831 = arith.constant 0 : index
        %get3A_832 = tpu.vector_load %get3A_829[%get3A_830, %get3A_831] {strides = array<i32>} : memref<100x128xf32, #tpu.memory_space<vmem>>, vector<1x16xf32>,
        %get3A_833 = vector.shape_cast %get3A_832 : vector<1x16xf32> to vector<16xf32>
        %add3A_834 = arith.addf %scan3A_813, %get3A_833 : vector<16xf32>
        %add3A_835 = arith.constant 0 : i32
        %add3A_836 = arith.addi %add3A_835, %mul3A_822 : i32
        %add3A_837 = arith.constant 0 : i32
        %add3A_838 = arith.addi %add3A_836, %add3A_837 : i32
        %get3A_839 = arith.constant 0 : i32
        %get3A_840 = arith.constant 0 : i32
        %get3A_841 = tpu.memref_slice %arg6[%scan3A_475, %get3A_839, %get3A_840] : memref<4x100x128xf32, #tpu.memory_space<vmem>> -> memref<1x100x128xf32, #tpu.memory_space<vmem>>
        %get3A_842 = tpu.memref_squeeze %get3A_841 : memref<1x100x128xf32, #tpu.memory_space<vmem>> -> memref<100x128xf32, #tpu.memory_space<vmem>>
        %get3A_843 = arith.index_cast %add3A_838 : i32 to index
        %get3A_844 = arith.constant 16 : index
        %get3A_845 = tpu.vector_load %get3A_842[%get3A_843, %get3A_844] {strides = array<i32>} : memref<100x128xf32, #tpu.memory_space<vmem>>, vector<1x16xf32>,
        %get3A_846 = vector.shape_cast %get3A_845 : vector<1x16xf32> to vector<16xf32>
        %add3A_847 = arith.addf %scan3A_814, %get3A_846 : vector<16xf32>
        %add3A_848 = arith.constant 0 : i32
        %add3A_849 = arith.addi %add3A_848, %mul3A_822 : i32
        %add3A_850 = arith.constant 0 : i32
        %add3A_851 = arith.addi %add3A_849, %add3A_850 : i32
        %get3A_852 = arith.constant 0 : i32
        %get3A_853 = arith.constant 0 : i32
        %get3A_854 = tpu.memref_slice %arg6[%scan3A_475, %get3A_852, %get3A_853] : memref<4x100x128xf32, #tpu.memory_space<vmem>> -> memref<1x100x128xf32, #tpu.memory_space<vmem>>
        %get3A_855 = tpu.memref_squeeze %get3A_854 : memref<1x100x128xf32, #tpu.memory_space<vmem>> -> memref<100x128xf32, #tpu.memory_space<vmem>>
        %get3A_856 = arith.index_cast %add3A_851 : i32 to index
        %get3A_857 = arith.constant 32 : index
        %get3A_858 = tpu.vector_load %get3A_855[%get3A_856, %get3A_857] {strides = array<i32>} : memref<100x128xf32, #tpu.memory_space<vmem>>, vector<1x16xf32>,
        %get3A_859 = vector.shape_cast %get3A_858 : vector<1x16xf32> to vector<16xf32>
        %add3A_860 = arith.addf %scan3A_815, %get3A_859 : vector<16xf32>
        %add3A_861 = arith.constant 0 : i32
        %add3A_862 = arith.addi %add3A_861, %mul3A_822 : i32
        %add3A_863 = arith.constant 0 : i32
        %add3A_864 = arith.addi %add3A_862, %add3A_863 : i32
        %get3A_865 = arith.constant 0 : i32
        %get3A_866 = arith.constant 0 : i32
        %get3A_867 = tpu.memref_slice %arg6[%scan3A_475, %get3A_865, %get3A_866] : memref<4x100x128xf32, #tpu.memory_space<vmem>> -> memref<1x100x128xf32, #tpu.memory_space<vmem>>
        %get3A_868 = tpu.memref_squeeze %get3A_867 : memref<1x100x128xf32, #tpu.memory_space<vmem>> -> memref<100x128xf32, #tpu.memory_space<vmem>>
        %get3A_869 = arith.index_cast %add3A_864 : i32 to index
        %get3A_870 = arith.constant 48 : index
        %get3A_871 = tpu.vector_load %get3A_868[%get3A_869, %get3A_870] {strides = array<i32>} : memref<100x128xf32, #tpu.memory_space<vmem>>, vector<1x16xf32>,
        %get3A_872 = vector.shape_cast %get3A_871 : vector<1x16xf32> to vector<16xf32>
        %add3A_873 = arith.addf %scan3A_816, %get3A_872 : vector<16xf32>
        %add3A_874 = arith.constant 0 : i32
        %add3A_875 = arith.addi %add3A_874, %mul3A_822 : i32
        %add3A_876 = arith.constant 0 : i32
        %add3A_877 = arith.addi %add3A_875, %add3A_876 : i32
        %get3A_878 = arith.constant 0 : i32
        %get3A_879 = arith.constant 0 : i32
        %get3A_880 = tpu.memref_slice %arg6[%scan3A_475, %get3A_878, %get3A_879] : memref<4x100x128xf32, #tpu.memory_space<vmem>> -> memref<1x100x128xf32, #tpu.memory_space<vmem>>
        %get3A_881 = tpu.memref_squeeze %get3A_880 : memref<1x100x128xf32, #tpu.memory_space<vmem>> -> memref<100x128xf32, #tpu.memory_space<vmem>>
        %get3A_882 = arith.index_cast %add3A_877 : i32 to index
        %get3A_883 = arith.constant 64 : index
        %get3A_884 = tpu.vector_load %get3A_881[%get3A_882, %get3A_883] {strides = array<i32>} : memref<100x128xf32, #tpu.memory_space<vmem>>, vector<1x16xf32>,
        %get3A_885 = vector.shape_cast %get3A_884 : vector<1x16xf32> to vector<16xf32>
        %add3A_886 = arith.addf %scan3A_817, %get3A_885 : vector<16xf32>
        %add3A_887 = arith.constant 0 : i32
        %add3A_888 = arith.addi %add3A_887, %mul3A_822 : i32
        %add3A_889 = arith.constant 0 : i32
        %add3A_890 = arith.addi %add3A_888, %add3A_889 : i32
        %get3A_891 = arith.constant 0 : i32
        %get3A_892 = arith.constant 0 : i32
        %get3A_893 = tpu.memref_slice %arg6[%scan3A_475, %get3A_891, %get3A_892] : memref<4x100x128xf32, #tpu.memory_space<vmem>> -> memref<1x100x128xf32, #tpu.memory_space<vmem>>
        %get3A_894 = tpu.memref_squeeze %get3A_893 : memref<1x100x128xf32, #tpu.memory_space<vmem>> -> memref<100x128xf32, #tpu.memory_space<vmem>>
        %get3A_895 = arith.index_cast %add3A_890 : i32 to index
        %get3A_896 = arith.constant 80 : index
        %get3A_897 = tpu.vector_load %get3A_894[%get3A_895, %get3A_896] {strides = array<i32>} : memref<100x128xf32, #tpu.memory_space<vmem>>, vector<1x16xf32>,
        %get3A_898 = vector.shape_cast %get3A_897 : vector<1x16xf32> to vector<16xf32>
        %add3A_899 = arith.addf %scan3A_818, %get3A_898 : vector<16xf32>
        %add3A_900 = arith.constant 0 : i32
        %add3A_901 = arith.addi %add3A_900, %mul3A_822 : i32
        %add3A_902 = arith.constant 0 : i32
        %add3A_903 = arith.addi %add3A_901, %add3A_902 : i32
        %get3A_904 = arith.constant 0 : i32
        %get3A_905 = arith.constant 0 : i32
        %get3A_906 = tpu.memref_slice %arg6[%scan3A_475, %get3A_904, %get3A_905] : memref<4x100x128xf32, #tpu.memory_space<vmem>> -> memref<1x100x128xf32, #tpu.memory_space<vmem>>
        %get3A_907 = tpu.memref_squeeze %get3A_906 : memref<1x100x128xf32, #tpu.memory_space<vmem>> -> memref<100x128xf32, #tpu.memory_space<vmem>>
        %get3A_908 = arith.index_cast %add3A_903 : i32 to index
        %get3A_909 = arith.constant 96 : index
        %get3A_910 = tpu.vector_load %get3A_907[%get3A_908, %get3A_909] {strides = array<i32>} : memref<100x128xf32, #tpu.memory_space<vmem>>, vector<1x16xf32>,
        %get3A_911 = vector.shape_cast %get3A_910 : vector<1x16xf32> to vector<16xf32>
        %add3A_912 = arith.addf %scan3A_819, %get3A_911 : vector<16xf32>
        %add3A_913 = arith.constant 0 : i32
        %add3A_914 = arith.addi %add3A_913, %mul3A_822 : i32
        %add3A_915 = arith.constant 0 : i32
        %add3A_916 = arith.addi %add3A_914, %add3A_915 : i32
        %get3A_917 = arith.constant 0 : i32
        %get3A_918 = arith.constant 0 : i32
        %get3A_919 = tpu.memref_slice %arg6[%scan3A_475, %get3A_917, %get3A_918] : memref<4x100x128xf32, #tpu.memory_space<vmem>> -> memref<1x100x128xf32, #tpu.memory_space<vmem>>
        %get3A_920 = tpu.memref_squeeze %get3A_919 : memref<1x100x128xf32, #tpu.memory_space<vmem>> -> memref<100x128xf32, #tpu.memory_space<vmem>>
        %get3A_921 = arith.index_cast %add3A_916 : i32 to index
        %get3A_922 = arith.constant 112 : index
        %get3A_923 = tpu.vector_load %get3A_920[%get3A_921, %get3A_922] {strides = array<i32>} : memref<100x128xf32, #tpu.memory_space<vmem>>, vector<1x16xf32>,
        %get3A_924 = vector.shape_cast %get3A_923 : vector<1x16xf32> to vector<16xf32>
        %add3A_925 = arith.addf %scan3A_820, %get3A_924 : vector<16xf32>
        %add3A_926 = arith.constant 0 : i32
        %add3A_927 = arith.addi %add3A_926, %mul3A_822 : i32
        %add3A_928 = arith.constant 1 : i32
        %add3A_929 = arith.addi %add3A_927, %add3A_928 : i32
        %get3A_930 = arith.constant 0 : i32
        %get3A_931 = arith.constant 0 : i32
        %get3A_932 = tpu.memref_slice %arg6[%scan3A_475, %get3A_930, %get3A_931] : memref<4x100x128xf32, #tpu.memory_space<vmem>> -> memref<1x100x128xf32, #tpu.memory_space<vmem>>
        %get3A_933 = tpu.memref_squeeze %get3A_932 : memref<1x100x128xf32, #tpu.memory_space<vmem>> -> memref<100x128xf32, #tpu.memory_space<vmem>>
        %get3A_934 = arith.index_cast %add3A_929 : i32 to index
        %get3A_935 = arith.constant 0 : index
        %get3A_936 = tpu.vector_load %get3A_933[%get3A_934, %get3A_935] {strides = array<i32>} : memref<100x128xf32, #tpu.memory_space<vmem>>, vector<1x16xf32>,
        %get3A_937 = vector.shape_cast %get3A_936 : vector<1x16xf32> to vector<16xf32>
        %add3A_938 = arith.addf %add3A_834, %get3A_937 : vector<16xf32>
        %add3A_939 = arith.constant 0 : i32
        %add3A_940 = arith.addi %add3A_939, %mul3A_822 : i32
        %add3A_941 = arith.constant 1 : i32
        %add3A_942 = arith.addi %add3A_940, %add3A_941 : i32
        %get3A_943 = arith.constant 0 : i32
        %get3A_944 = arith.constant 0 : i32
        %get3A_945 = tpu.memref_slice %arg6[%scan3A_475, %get3A_943, %get3A_944] : memref<4x100x128xf32, #tpu.memory_space<vmem>> -> memref<1x100x128xf32, #tpu.memory_space<vmem>>
        %get3A_946 = tpu.memref_squeeze %get3A_945 : memref<1x100x128xf32, #tpu.memory_space<vmem>> -> memref<100x128xf32, #tpu.memory_space<vmem>>
        %get3A_947 = arith.index_cast %add3A_942 : i32 to index
        %get3A_948 = arith.constant 16 : index
        %get3A_949 = tpu.vector_load %get3A_946[%get3A_947, %get3A_948] {strides = array<i32>} : memref<100x128xf32, #tpu.memory_space<vmem>>, vector<1x16xf32>,
        %get3A_950 = vector.shape_cast %get3A_949 : vector<1x16xf32> to vector<16xf32>
        %add3A_951 = arith.addf %add3A_847, %get3A_950 : vector<16xf32>
        %add3A_952 = arith.constant 0 : i32
        %add3A_953 = arith.addi %add3A_952, %mul3A_822 : i32
        %add3A_954 = arith.constant 1 : i32
        %add3A_955 = arith.addi %add3A_953, %add3A_954 : i32
        %get3A_956 = arith.constant 0 : i32
        %get3A_957 = arith.constant 0 : i32
        %get3A_958 = tpu.memref_slice %arg6[%scan3A_475, %get3A_956, %get3A_957] : memref<4x100x128xf32, #tpu.memory_space<vmem>> -> memref<1x100x128xf32, #tpu.memory_space<vmem>>
        %get3A_959 = tpu.memref_squeeze %get3A_958 : memref<1x100x128xf32, #tpu.memory_space<vmem>> -> memref<100x128xf32, #tpu.memory_space<vmem>>
        %get3A_960 = arith.index_cast %add3A_955 : i32 to index
        %get3A_961 = arith.constant 32 : index
        %get3A_962 = tpu.vector_load %get3A_959[%get3A_960, %get3A_961] {strides = array<i32>} : memref<100x128xf32, #tpu.memory_space<vmem>>, vector<1x16xf32>,
        %get3A_963 = vector.shape_cast %get3A_962 : vector<1x16xf32> to vector<16xf32>
        %add3A_964 = arith.addf %add3A_860, %get3A_963 : vector<16xf32>
        %add3A_965 = arith.constant 0 : i32
        %add3A_966 = arith.addi %add3A_965, %mul3A_822 : i32
        %add3A_967 = arith.constant 1 : i32
        %add3A_968 = arith.addi %add3A_966, %add3A_967 : i32
        %get3A_969 = arith.constant 0 : i32
        %get3A_970 = arith.constant 0 : i32
        %get3A_971 = tpu.memref_slice %arg6[%scan3A_475, %get3A_969, %get3A_970] : memref<4x100x128xf32, #tpu.memory_space<vmem>> -> memref<1x100x128xf32, #tpu.memory_space<vmem>>
        %get3A_972 = tpu.memref_squeeze %get3A_971 : memref<1x100x128xf32, #tpu.memory_space<vmem>> -> memref<100x128xf32, #tpu.memory_space<vmem>>
        %get3A_973 = arith.index_cast %add3A_968 : i32 to index
        %get3A_974 = arith.constant 48 : index
        %get3A_975 = tpu.vector_load %get3A_972[%get3A_973, %get3A_974] {strides = array<i32>} : memref<100x128xf32, #tpu.memory_space<vmem>>, vector<1x16xf32>,
        %get3A_976 = vector.shape_cast %get3A_975 : vector<1x16xf32> to vector<16xf32>
        %add3A_977 = arith.addf %add3A_873, %get3A_976 : vector<16xf32>
        %add3A_978 = arith.constant 0 : i32
        %add3A_979 = arith.addi %add3A_978, %mul3A_822 : i32
        %add3A_980 = arith.constant 1 : i32
        %add3A_981 = arith.addi %add3A_979, %add3A_980 : i32
        %get3A_982 = arith.constant 0 : i32
        %get3A_983 = arith.constant 0 : i32
        %get3A_984 = tpu.memref_slice %arg6[%scan3A_475, %get3A_982, %get3A_983] : memref<4x100x128xf32, #tpu.memory_space<vmem>> -> memref<1x100x128xf32, #tpu.memory_space<vmem>>
        %get3A_985 = tpu.memref_squeeze %get3A_984 : memref<1x100x128xf32, #tpu.memory_space<vmem>> -> memref<100x128xf32, #tpu.memory_space<vmem>>
        %get3A_986 = arith.index_cast %add3A_981 : i32 to index
        %get3A_987 = arith.constant 64 : index
        %get3A_988 = tpu.vector_load %get3A_985[%get3A_986, %get3A_987] {strides = array<i32>} : memref<100x128xf32, #tpu.memory_space<vmem>>, vector<1x16xf32>,
        %get3A_989 = vector.shape_cast %get3A_988 : vector<1x16xf32> to vector<16xf32>
        %add3A_990 = arith.addf %add3A_886, %get3A_989 : vector<16xf32>
        %add3A_991 = arith.constant 0 : i32
        %add3A_992 = arith.addi %add3A_991, %mul3A_822 : i32
        %add3A_993 = arith.constant 1 : i32
        %add3A_994 = arith.addi %add3A_992, %add3A_993 : i32
        %get3A_995 = arith.constant 0 : i32
        %get3A_996 = arith.constant 0 : i32
        %get3A_997 = tpu.memref_slice %arg6[%scan3A_475, %get3A_995, %get3A_996] : memref<4x100x128xf32, #tpu.memory_space<vmem>> -> memref<1x100x128xf32, #tpu.memory_space<vmem>>
        %get3A_998 = tpu.memref_squeeze %get3A_997 : memref<1x100x128xf32, #tpu.memory_space<vmem>> -> memref<100x128xf32, #tpu.memory_space<vmem>>
        %get3A_999 = arith.index_cast %add3A_994 : i32 to index
        %get3A_1000 = arith.constant 80 : index
        %get3A_1001 = tpu.vector_load %get3A_998[%get3A_999, %get3A_1000] {strides = array<i32>} : memref<100x128xf32, #tpu.memory_space<vmem>>, vector<1x16xf32>,
        %get3A_1002 = vector.shape_cast %get3A_1001 : vector<1x16xf32> to vector<16xf32>
        %add3A_1003 = arith.addf %add3A_899, %get3A_1002 : vector<16xf32>
        %add3A_1004 = arith.constant 0 : i32
        %add3A_1005 = arith.addi %add3A_1004, %mul3A_822 : i32
        %add3A_1006 = arith.constant 1 : i32
        %add3A_1007 = arith.addi %add3A_1005, %add3A_1006 : i32
        %get3A_1008 = arith.constant 0 : i32
        %get3A_1009 = arith.constant 0 : i32
        %get3A_1010 = tpu.memref_slice %arg6[%scan3A_475, %get3A_1008, %get3A_1009] : memref<4x100x128xf32, #tpu.memory_space<vmem>> -> memref<1x100x128xf32, #tpu.memory_space<vmem>>
        %get3A_1011 = tpu.memref_squeeze %get3A_1010 : memref<1x100x128xf32, #tpu.memory_space<vmem>> -> memref<100x128xf32, #tpu.memory_space<vmem>>
        %get3A_1012 = arith.index_cast %add3A_1007 : i32 to index
        %get3A_1013 = arith.constant 96 : index
        %get3A_1014 = tpu.vector_load %get3A_1011[%get3A_1012, %get3A_1013] {strides = array<i32>} : memref<100x128xf32, #tpu.memory_space<vmem>>, vector<1x16xf32>,
        %get3A_1015 = vector.shape_cast %get3A_1014 : vector<1x16xf32> to vector<16xf32>
        %add3A_1016 = arith.addf %add3A_912, %get3A_1015 : vector<16xf32>
        %add3A_1017 = arith.constant 0 : i32
        %add3A_1018 = arith.addi %add3A_1017, %mul3A_822 : i32
        %add3A_1019 = arith.constant 1 : i32
        %add3A_1020 = arith.addi %add3A_1018, %add3A_1019 : i32
        %get3A_1021 = arith.constant 0 : i32
        %get3A_1022 = arith.constant 0 : i32
        %get3A_1023 = tpu.memref_slice %arg6[%scan3A_475, %get3A_1021, %get3A_1022] : memref<4x100x128xf32, #tpu.memory_space<vmem>> -> memref<1x100x128xf32, #tpu.memory_space<vmem>>
        %get3A_1024 = tpu.memref_squeeze %get3A_1023 : memref<1x100x128xf32, #tpu.memory_space<vmem>> -> memref<100x128xf32, #tpu.memory_space<vmem>>
        %get3A_1025 = arith.index_cast %add3A_1020 : i32 to index
        %get3A_1026 = arith.constant 112 : index
        %get3A_1027 = tpu.vector_load %get3A_1024[%get3A_1025, %get3A_1026] {strides = array<i32>} : memref<100x128xf32, #tpu.memory_space<vmem>>, vector<1x16xf32>,
        %get3A_1028 = vector.shape_cast %get3A_1027 : vector<1x16xf32> to vector<16xf32>
        %add3A_1029 = arith.addf %add3A_925, %get3A_1028 : vector<16xf32>
        scf.yield %add3A_938, %add3A_951, %add3A_964, %add3A_977, %add3A_990, %add3A_1003, %add3A_1016, %add3A_1029 : vector<16xf32>, vector<16xf32>, vector<16xf32>, vector<16xf32>, vector<16xf32>, vector<16xf32>, vector<16xf32>, vector<16xf32>
      }
      %scan3A_481 = arith.constant 25 : i32
      %add3A_482 = arith.constant 0 : i32
      %add3A_483 = arith.addi %mul3A_458, %add3A_482 : i32
      %swap3A_484 = arith.index_cast %add3A_483 : i32 to index
      %swap3A_485 = arith.constant 0 : index
      %swap3A_486 = tpu.vector_load %arg7[%swap3A_484, %swap3A_485] {strides = array<i32>} : memref<256x128xf32, #tpu.memory_space<vmem>>, vector<1x16xf32>,
      %swap3A_487 = vector.shape_cast %swap3A_486 : vector<1x16xf32> to vector<16xf32>
      %swap3A_488 = vector.shape_cast %scan3A_480#0 : vector<16xf32> to vector<1x16xf32>
      tpu.vector_store %arg7[%swap3A_484, %swap3A_485], %swap3A_488 {strides = array<i32>} : memref<256x128xf32, #tpu.memory_space<vmem>>, vector<1x16xf32>,
      %add3A_489 = arith.constant 0 : i32
      %add3A_490 = arith.addi %mul3A_458, %add3A_489 : i32
      %swap3A_491 = arith.index_cast %add3A_490 : i32 to index
      %swap3A_492 = arith.constant 16 : index
      %swap3A_493 = tpu.vector_load %arg7[%swap3A_491, %swap3A_492] {strides = array<i32>} : memref<256x128xf32, #tpu.memory_space<vmem>>, vector<1x16xf32>,
      %swap3A_494 = vector.shape_cast %swap3A_493 : vector<1x16xf32> to vector<16xf32>
      %swap3A_495 = vector.shape_cast %scan3A_480#1 : vector<16xf32> to vector<1x16xf32>
      tpu.vector_store %arg7[%swap3A_491, %swap3A_492], %swap3A_495 {strides = array<i32>} : memref<256x128xf32, #tpu.memory_space<vmem>>, vector<1x16xf32>,
      %add3A_496 = arith.constant 0 : i32
      %add3A_497 = arith.addi %mul3A_458, %add3A_496 : i32
      %swap3A_498 = arith.index_cast %add3A_497 : i32 to index
      %swap3A_499 = arith.constant 32 : index
      %swap3A_500 = tpu.vector_load %arg7[%swap3A_498, %swap3A_499] {strides = array<i32>} : memref<256x128xf32, #tpu.memory_space<vmem>>, vector<1x16xf32>,
      %swap3A_501 = vector.shape_cast %swap3A_500 : vector<1x16xf32> to vector<16xf32>
      %swap3A_502 = vector.shape_cast %scan3A_480#2 : vector<16xf32> to vector<1x16xf32>
      tpu.vector_store %arg7[%swap3A_498, %swap3A_499], %swap3A_502 {strides = array<i32>} : memref<256x128xf32, #tpu.memory_space<vmem>>, vector<1x16xf32>,
      %add3A_503 = arith.constant 0 : i32
      %add3A_504 = arith.addi %mul3A_458, %add3A_503 : i32
      %swap3A_505 = arith.index_cast %add3A_504 : i32 to index
      %swap3A_506 = arith.constant 48 : index
      %swap3A_507 = tpu.vector_load %arg7[%swap3A_505, %swap3A_506] {strides = array<i32>} : memref<256x128xf32, #tpu.memory_space<vmem>>, vector<1x16xf32>,
      %swap3A_508 = vector.shape_cast %swap3A_507 : vector<1x16xf32> to vector<16xf32>
      %swap3A_509 = vector.shape_cast %scan3A_480#3 : vector<16xf32> to vector<1x16xf32>
      tpu.vector_store %arg7[%swap3A_505, %swap3A_506], %swap3A_509 {strides = array<i32>} : memref<256x128xf32, #tpu.memory_space<vmem>>, vector<1x16xf32>,
      %add3A_510 = arith.constant 0 : i32
      %add3A_511 = arith.addi %mul3A_458, %add3A_510 : i32
      %swap3A_512 = arith.index_cast %add3A_511 : i32 to index
      %swap3A_513 = arith.constant 64 : index
      %swap3A_514 = tpu.vector_load %arg7[%swap3A_512, %swap3A_513] {strides = array<i32>} : memref<256x128xf32, #tpu.memory_space<vmem>>, vector<1x16xf32>,
      %swap3A_515 = vector.shape_cast %swap3A_514 : vector<1x16xf32> to vector<16xf32>
      %swap3A_516 = vector.shape_cast %scan3A_480#4 : vector<16xf32> to vector<1x16xf32>
      tpu.vector_store %arg7[%swap3A_512, %swap3A_513], %swap3A_516 {strides = array<i32>} : memref<256x128xf32, #tpu.memory_space<vmem>>, vector<1x16xf32>,
      %add3A_517 = arith.constant 0 : i32
      %add3A_518 = arith.addi %mul3A_458, %add3A_517 : i32
      %swap3A_519 = arith.index_cast %add3A_518 : i32 to index
      %swap3A_520 = arith.constant 80 : index
      %swap3A_521 = tpu.vector_load %arg7[%swap3A_519, %swap3A_520] {strides = array<i32>} : memref<256x128xf32, #tpu.memory_space<vmem>>, vector<1x16xf32>,
      %swap3A_522 = vector.shape_cast %swap3A_521 : vector<1x16xf32> to vector<16xf32>
      %swap3A_523 = vector.shape_cast %scan3A_480#5 : vector<16xf32> to vector<1x16xf32>
      tpu.vector_store %arg7[%swap3A_519, %swap3A_520], %swap3A_523 {strides = array<i32>} : memref<256x128xf32, #tpu.memory_space<vmem>>, vector<1x16xf32>,
      %add3A_524 = arith.constant 0 : i32
      %add3A_525 = arith.addi %mul3A_458, %add3A_524 : i32
      %swap3A_526 = arith.index_cast %add3A_525 : i32 to index
      %swap3A_527 = arith.constant 96 : index
      %swap3A_528 = tpu.vector_load %arg7[%swap3A_526, %swap3A_527] {strides = array<i32>} : memref<256x128xf32, #tpu.memory_space<vmem>>, vector<1x16xf32>,
      %swap3A_529 = vector.shape_cast %swap3A_528 : vector<1x16xf32> to vector<16xf32>
      %swap3A_530 = vector.shape_cast %scan3A_480#6 : vector<16xf32> to vector<1x16xf32>
      tpu.vector_store %arg7[%swap3A_526, %swap3A_527], %swap3A_530 {strides = array<i32>} : memref<256x128xf32, #tpu.memory_space<vmem>>, vector<1x16xf32>,
      %add3A_531 = arith.constant 0 : i32
      %add3A_532 = arith.addi %mul3A_458, %add3A_531 : i32
      %swap3A_533 = arith.index_cast %add3A_532 : i32 to index
      %swap3A_534 = arith.constant 112 : index
      %swap3A_535 = tpu.vector_load %arg7[%swap3A_533, %swap3A_534] {strides = array<i32>} : memref<256x128xf32, #tpu.memory_space<vmem>>, vector<1x16xf32>,
      %swap3A_536 = vector.shape_cast %swap3A_535 : vector<1x16xf32> to vector<16xf32>
      %swap3A_537 = vector.shape_cast %scan3A_480#7 : vector<16xf32> to vector<1x16xf32>
      tpu.vector_store %arg7[%swap3A_533, %swap3A_534], %swap3A_537 {strides = array<i32>} : memref<256x128xf32, #tpu.memory_space<vmem>>, vector<1x16xf32>,
      %broadcast_in_dim3A_538 = arith.constant 0.000000e+00 : f32
      %broadcast_in_dim3A_539 = vector.broadcast %broadcast_in_dim3A_538 : f32 to vector<16xf32>
      %broadcast_in_dim3A_540 = arith.constant 0.000000e+00 : f32
      %broadcast_in_dim3A_541 = vector.broadcast %broadcast_in_dim3A_540 : f32 to vector<16xf32>
      %broadcast_in_dim3A_542 = arith.constant 0.000000e+00 : f32
      %broadcast_in_dim3A_543 = vector.broadcast %broadcast_in_dim3A_542 : f32 to vector<16xf32>
      %broadcast_in_dim3A_544 = arith.constant 0.000000e+00 : f32
      %broadcast_in_dim3A_545 = vector.broadcast %broadcast_in_dim3A_544 : f32 to vector<16xf32>
      %broadcast_in_dim3A_546 = arith.constant 0.000000e+00 : f32
      %broadcast_in_dim3A_547 = vector.broadcast %broadcast_in_dim3A_546 : f32 to vector<16xf32>
      %broadcast_in_dim3A_548 = arith.constant 0.000000e+00 : f32
      %broadcast_in_dim3A_549 = vector.broadcast %broadcast_in_dim3A_548 : f32 to vector<16xf32>
      %broadcast_in_dim3A_550 = arith.constant 0.000000e+00 : f32
      %broadcast_in_dim3A_551 = vector.broadcast %broadcast_in_dim3A_550 : f32 to vector<16xf32>
      %broadcast_in_dim3A_552 = arith.constant 0.000000e+00 : f32
      %broadcast_in_dim3A_553 = vector.broadcast %broadcast_in_dim3A_552 : f32 to vector<16xf32>
      %scan3A_554 = arith.constant 2 : i32
      %scan3A_555 = arith.constant 0 : i32
      %scan3A_556 = arith.constant 25 : i32
      %scan3A_557 = arith.addi %scan3A_555, %scan3A_556 : i32
      %scan3A_558 = arith.constant 1 : i32
      %scan3A_559:8 = scf.for %scan3A_812 = %scan3A_555 to %scan3A_557 step %scan3A_558 iter_args(%scan3A_813 = %broadcast_in_dim3A_539, %scan3A_814 = %broadcast_in_dim3A_541, %scan3A_815 = %broadcast_in_dim3A_543, %scan3A_816 = %broadcast_in_dim3A_545, %scan3A_817 = %broadcast_in_dim3A_547, %scan3A_818 = %broadcast_in_dim3A_549, %scan3A_819 = %broadcast_in_dim3A_551, %scan3A_820 = %broadcast_in_dim3A_553) -> (vector<16xf32>, vector<16xf32>, vector<16xf32>, vector<16xf32>, vector<16xf32>, vector<16xf32>, vector<16xf32>, vector<16xf32>)  : i32 {
        %mul3A_821 = arith.constant 2 : i32
        %mul3A_822 = arith.muli %scan3A_812, %mul3A_821 : i32
        %add3A_823 = arith.constant 50 : i32
        %add3A_824 = arith.addi %add3A_823, %mul3A_822 : i32
        %add3A_825 = arith.constant 0 : i32
        %add3A_826 = arith.addi %add3A_824, %add3A_825 : i32
        %get3A = arith.constant 0 : i32
        %get3A_827 = arith.constant 0 : i32
        %get3A_828 = tpu.memref_slice %arg6[%scan3A_554, %get3A, %get3A_827] : memref<4x100x128xf32, #tpu.memory_space<vmem>> -> memref<1x100x128xf32, #tpu.memory_space<vmem>>
        %get3A_829 = tpu.memref_squeeze %get3A_828 : memref<1x100x128xf32, #tpu.memory_space<vmem>> -> memref<100x128xf32, #tpu.memory_space<vmem>>
        %get3A_830 = arith.index_cast %add3A_826 : i32 to index
        %get3A_831 = arith.constant 0 : index
        %get3A_832 = tpu.vector_load %get3A_829[%get3A_830, %get3A_831] {strides = array<i32>} : memref<100x128xf32, #tpu.memory_space<vmem>>, vector<1x16xf32>,
        %get3A_833 = vector.shape_cast %get3A_832 : vector<1x16xf32> to vector<16xf32>
        %add3A_834 = arith.addf %scan3A_813, %get3A_833 : vector<16xf32>
        %add3A_835 = arith.constant 50 : i32
        %add3A_836 = arith.addi %add3A_835, %mul3A_822 : i32
        %add3A_837 = arith.constant 0 : i32
        %add3A_838 = arith.addi %add3A_836, %add3A_837 : i32
        %get3A_839 = arith.constant 0 : i32
        %get3A_840 = arith.constant 0 : i32
        %get3A_841 = tpu.memref_slice %arg6[%scan3A_554, %get3A_839, %get3A_840] : memref<4x100x128xf32, #tpu.memory_space<vmem>> -> memref<1x100x128xf32, #tpu.memory_space<vmem>>
        %get3A_842 = tpu.memref_squeeze %get3A_841 : memref<1x100x128xf32, #tpu.memory_space<vmem>> -> memref<100x128xf32, #tpu.memory_space<vmem>>
        %get3A_843 = arith.index_cast %add3A_838 : i32 to index
        %get3A_844 = arith.constant 16 : index
        %get3A_845 = tpu.vector_load %get3A_842[%get3A_843, %get3A_844] {strides = array<i32>} : memref<100x128xf32, #tpu.memory_space<vmem>>, vector<1x16xf32>,
        %get3A_846 = vector.shape_cast %get3A_845 : vector<1x16xf32> to vector<16xf32>
        %add3A_847 = arith.addf %scan3A_814, %get3A_846 : vector<16xf32>
        %add3A_848 = arith.constant 50 : i32
        %add3A_849 = arith.addi %add3A_848, %mul3A_822 : i32
        %add3A_850 = arith.constant 0 : i32
        %add3A_851 = arith.addi %add3A_849, %add3A_850 : i32
        %get3A_852 = arith.constant 0 : i32
        %get3A_853 = arith.constant 0 : i32
        %get3A_854 = tpu.memref_slice %arg6[%scan3A_554, %get3A_852, %get3A_853] : memref<4x100x128xf32, #tpu.memory_space<vmem>> -> memref<1x100x128xf32, #tpu.memory_space<vmem>>
        %get3A_855 = tpu.memref_squeeze %get3A_854 : memref<1x100x128xf32, #tpu.memory_space<vmem>> -> memref<100x128xf32, #tpu.memory_space<vmem>>
        %get3A_856 = arith.index_cast %add3A_851 : i32 to index
        %get3A_857 = arith.constant 32 : index
        %get3A_858 = tpu.vector_load %get3A_855[%get3A_856, %get3A_857] {strides = array<i32>} : memref<100x128xf32, #tpu.memory_space<vmem>>, vector<1x16xf32>,
        %get3A_859 = vector.shape_cast %get3A_858 : vector<1x16xf32> to vector<16xf32>
        %add3A_860 = arith.addf %scan3A_815, %get3A_859 : vector<16xf32>
        %add3A_861 = arith.constant 50 : i32
        %add3A_862 = arith.addi %add3A_861, %mul3A_822 : i32
        %add3A_863 = arith.constant 0 : i32
        %add3A_864 = arith.addi %add3A_862, %add3A_863 : i32
        %get3A_865 = arith.constant 0 : i32
        %get3A_866 = arith.constant 0 : i32
        %get3A_867 = tpu.memref_slice %arg6[%scan3A_554, %get3A_865, %get3A_866] : memref<4x100x128xf32, #tpu.memory_space<vmem>> -> memref<1x100x128xf32, #tpu.memory_space<vmem>>
        %get3A_868 = tpu.memref_squeeze %get3A_867 : memref<1x100x128xf32, #tpu.memory_space<vmem>> -> memref<100x128xf32, #tpu.memory_space<vmem>>
        %get3A_869 = arith.index_cast %add3A_864 : i32 to index
        %get3A_870 = arith.constant 48 : index
        %get3A_871 = tpu.vector_load %get3A_868[%get3A_869, %get3A_870] {strides = array<i32>} : memref<100x128xf32, #tpu.memory_space<vmem>>, vector<1x16xf32>,
        %get3A_872 = vector.shape_cast %get3A_871 : vector<1x16xf32> to vector<16xf32>
        %add3A_873 = arith.addf %scan3A_816, %get3A_872 : vector<16xf32>
        %add3A_874 = arith.constant 50 : i32
        %add3A_875 = arith.addi %add3A_874, %mul3A_822 : i32
        %add3A_876 = arith.constant 0 : i32
        %add3A_877 = arith.addi %add3A_875, %add3A_876 : i32
        %get3A_878 = arith.constant 0 : i32
        %get3A_879 = arith.constant 0 : i32
        %get3A_880 = tpu.memref_slice %arg6[%scan3A_554, %get3A_878, %get3A_879] : memref<4x100x128xf32, #tpu.memory_space<vmem>> -> memref<1x100x128xf32, #tpu.memory_space<vmem>>
        %get3A_881 = tpu.memref_squeeze %get3A_880 : memref<1x100x128xf32, #tpu.memory_space<vmem>> -> memref<100x128xf32, #tpu.memory_space<vmem>>
        %get3A_882 = arith.index_cast %add3A_877 : i32 to index
        %get3A_883 = arith.constant 64 : index
        %get3A_884 = tpu.vector_load %get3A_881[%get3A_882, %get3A_883] {strides = array<i32>} : memref<100x128xf32, #tpu.memory_space<vmem>>, vector<1x16xf32>,
        %get3A_885 = vector.shape_cast %get3A_884 : vector<1x16xf32> to vector<16xf32>
        %add3A_886 = arith.addf %scan3A_817, %get3A_885 : vector<16xf32>
        %add3A_887 = arith.constant 50 : i32
        %add3A_888 = arith.addi %add3A_887, %mul3A_822 : i32
        %add3A_889 = arith.constant 0 : i32
        %add3A_890 = arith.addi %add3A_888, %add3A_889 : i32
        %get3A_891 = arith.constant 0 : i32
        %get3A_892 = arith.constant 0 : i32
        %get3A_893 = tpu.memref_slice %arg6[%scan3A_554, %get3A_891, %get3A_892] : memref<4x100x128xf32, #tpu.memory_space<vmem>> -> memref<1x100x128xf32, #tpu.memory_space<vmem>>
        %get3A_894 = tpu.memref_squeeze %get3A_893 : memref<1x100x128xf32, #tpu.memory_space<vmem>> -> memref<100x128xf32, #tpu.memory_space<vmem>>
        %get3A_895 = arith.index_cast %add3A_890 : i32 to index
        %get3A_896 = arith.constant 80 : index
        %get3A_897 = tpu.vector_load %get3A_894[%get3A_895, %get3A_896] {strides = array<i32>} : memref<100x128xf32, #tpu.memory_space<vmem>>, vector<1x16xf32>,
        %get3A_898 = vector.shape_cast %get3A_897 : vector<1x16xf32> to vector<16xf32>
        %add3A_899 = arith.addf %scan3A_818, %get3A_898 : vector<16xf32>
        %add3A_900 = arith.constant 50 : i32
        %add3A_901 = arith.addi %add3A_900, %mul3A_822 : i32
        %add3A_902 = arith.constant 0 : i32
        %add3A_903 = arith.addi %add3A_901, %add3A_902 : i32
        %get3A_904 = arith.constant 0 : i32
        %get3A_905 = arith.constant 0 : i32
        %get3A_906 = tpu.memref_slice %arg6[%scan3A_554, %get3A_904, %get3A_905] : memref<4x100x128xf32, #tpu.memory_space<vmem>> -> memref<1x100x128xf32, #tpu.memory_space<vmem>>
        %get3A_907 = tpu.memref_squeeze %get3A_906 : memref<1x100x128xf32, #tpu.memory_space<vmem>> -> memref<100x128xf32, #tpu.memory_space<vmem>>
        %get3A_908 = arith.index_cast %add3A_903 : i32 to index
        %get3A_909 = arith.constant 96 : index
        %get3A_910 = tpu.vector_load %get3A_907[%get3A_908, %get3A_909] {strides = array<i32>} : memref<100x128xf32, #tpu.memory_space<vmem>>, vector<1x16xf32>,
        %get3A_911 = vector.shape_cast %get3A_910 : vector<1x16xf32> to vector<16xf32>
        %add3A_912 = arith.addf %scan3A_819, %get3A_911 : vector<16xf32>
        %add3A_913 = arith.constant 50 : i32
        %add3A_914 = arith.addi %add3A_913, %mul3A_822 : i32
        %add3A_915 = arith.constant 0 : i32
        %add3A_916 = arith.addi %add3A_914, %add3A_915 : i32
        %get3A_917 = arith.constant 0 : i32
        %get3A_918 = arith.constant 0 : i32
        %get3A_919 = tpu.memref_slice %arg6[%scan3A_554, %get3A_917, %get3A_918] : memref<4x100x128xf32, #tpu.memory_space<vmem>> -> memref<1x100x128xf32, #tpu.memory_space<vmem>>
        %get3A_920 = tpu.memref_squeeze %get3A_919 : memref<1x100x128xf32, #tpu.memory_space<vmem>> -> memref<100x128xf32, #tpu.memory_space<vmem>>
        %get3A_921 = arith.index_cast %add3A_916 : i32 to index
        %get3A_922 = arith.constant 112 : index
        %get3A_923 = tpu.vector_load %get3A_920[%get3A_921, %get3A_922] {strides = array<i32>} : memref<100x128xf32, #tpu.memory_space<vmem>>, vector<1x16xf32>,
        %get3A_924 = vector.shape_cast %get3A_923 : vector<1x16xf32> to vector<16xf32>
        %add3A_925 = arith.addf %scan3A_820, %get3A_924 : vector<16xf32>
        %add3A_926 = arith.constant 50 : i32
        %add3A_927 = arith.addi %add3A_926, %mul3A_822 : i32
        %add3A_928 = arith.constant 1 : i32
        %add3A_929 = arith.addi %add3A_927, %add3A_928 : i32
        %get3A_930 = arith.constant 0 : i32
        %get3A_931 = arith.constant 0 : i32
        %get3A_932 = tpu.memref_slice %arg6[%scan3A_554, %get3A_930, %get3A_931] : memref<4x100x128xf32, #tpu.memory_space<vmem>> -> memref<1x100x128xf32, #tpu.memory_space<vmem>>
        %get3A_933 = tpu.memref_squeeze %get3A_932 : memref<1x100x128xf32, #tpu.memory_space<vmem>> -> memref<100x128xf32, #tpu.memory_space<vmem>>
        %get3A_934 = arith.index_cast %add3A_929 : i32 to index
        %get3A_935 = arith.constant 0 : index
        %get3A_936 = tpu.vector_load %get3A_933[%get3A_934, %get3A_935] {strides = array<i32>} : memref<100x128xf32, #tpu.memory_space<vmem>>, vector<1x16xf32>,
        %get3A_937 = vector.shape_cast %get3A_936 : vector<1x16xf32> to vector<16xf32>
        %add3A_938 = arith.addf %add3A_834, %get3A_937 : vector<16xf32>
        %add3A_939 = arith.constant 50 : i32
        %add3A_940 = arith.addi %add3A_939, %mul3A_822 : i32
        %add3A_941 = arith.constant 1 : i32
        %add3A_942 = arith.addi %add3A_940, %add3A_941 : i32
        %get3A_943 = arith.constant 0 : i32
        %get3A_944 = arith.constant 0 : i32
        %get3A_945 = tpu.memref_slice %arg6[%scan3A_554, %get3A_943, %get3A_944] : memref<4x100x128xf32, #tpu.memory_space<vmem>> -> memref<1x100x128xf32, #tpu.memory_space<vmem>>
        %get3A_946 = tpu.memref_squeeze %get3A_945 : memref<1x100x128xf32, #tpu.memory_space<vmem>> -> memref<100x128xf32, #tpu.memory_space<vmem>>
        %get3A_947 = arith.index_cast %add3A_942 : i32 to index
        %get3A_948 = arith.constant 16 : index
        %get3A_949 = tpu.vector_load %get3A_946[%get3A_947, %get3A_948] {strides = array<i32>} : memref<100x128xf32, #tpu.memory_space<vmem>>, vector<1x16xf32>,
        %get3A_950 = vector.shape_cast %get3A_949 : vector<1x16xf32> to vector<16xf32>
        %add3A_951 = arith.addf %add3A_847, %get3A_950 : vector<16xf32>
        %add3A_952 = arith.constant 50 : i32
        %add3A_953 = arith.addi %add3A_952, %mul3A_822 : i32
        %add3A_954 = arith.constant 1 : i32
        %add3A_955 = arith.addi %add3A_953, %add3A_954 : i32
        %get3A_956 = arith.constant 0 : i32
        %get3A_957 = arith.constant 0 : i32
        %get3A_958 = tpu.memref_slice %arg6[%scan3A_554, %get3A_956, %get3A_957] : memref<4x100x128xf32, #tpu.memory_space<vmem>> -> memref<1x100x128xf32, #tpu.memory_space<vmem>>
        %get3A_959 = tpu.memref_squeeze %get3A_958 : memref<1x100x128xf32, #tpu.memory_space<vmem>> -> memref<100x128xf32, #tpu.memory_space<vmem>>
        %get3A_960 = arith.index_cast %add3A_955 : i32 to index
        %get3A_961 = arith.constant 32 : index
        %get3A_962 = tpu.vector_load %get3A_959[%get3A_960, %get3A_961] {strides = array<i32>} : memref<100x128xf32, #tpu.memory_space<vmem>>, vector<1x16xf32>,
        %get3A_963 = vector.shape_cast %get3A_962 : vector<1x16xf32> to vector<16xf32>
        %add3A_964 = arith.addf %add3A_860, %get3A_963 : vector<16xf32>
        %add3A_965 = arith.constant 50 : i32
        %add3A_966 = arith.addi %add3A_965, %mul3A_822 : i32
        %add3A_967 = arith.constant 1 : i32
        %add3A_968 = arith.addi %add3A_966, %add3A_967 : i32
        %get3A_969 = arith.constant 0 : i32
        %get3A_970 = arith.constant 0 : i32
        %get3A_971 = tpu.memref_slice %arg6[%scan3A_554, %get3A_969, %get3A_970] : memref<4x100x128xf32, #tpu.memory_space<vmem>> -> memref<1x100x128xf32, #tpu.memory_space<vmem>>
        %get3A_972 = tpu.memref_squeeze %get3A_971 : memref<1x100x128xf32, #tpu.memory_space<vmem>> -> memref<100x128xf32, #tpu.memory_space<vmem>>
        %get3A_973 = arith.index_cast %add3A_968 : i32 to index
        %get3A_974 = arith.constant 48 : index
        %get3A_975 = tpu.vector_load %get3A_972[%get3A_973, %get3A_974] {strides = array<i32>} : memref<100x128xf32, #tpu.memory_space<vmem>>, vector<1x16xf32>,
        %get3A_976 = vector.shape_cast %get3A_975 : vector<1x16xf32> to vector<16xf32>
        %add3A_977 = arith.addf %add3A_873, %get3A_976 : vector<16xf32>
        %add3A_978 = arith.constant 50 : i32
        %add3A_979 = arith.addi %add3A_978, %mul3A_822 : i32
        %add3A_980 = arith.constant 1 : i32
        %add3A_981 = arith.addi %add3A_979, %add3A_980 : i32
        %get3A_982 = arith.constant 0 : i32
        %get3A_983 = arith.constant 0 : i32
        %get3A_984 = tpu.memref_slice %arg6[%scan3A_554, %get3A_982, %get3A_983] : memref<4x100x128xf32, #tpu.memory_space<vmem>> -> memref<1x100x128xf32, #tpu.memory_space<vmem>>
        %get3A_985 = tpu.memref_squeeze %get3A_984 : memref<1x100x128xf32, #tpu.memory_space<vmem>> -> memref<100x128xf32, #tpu.memory_space<vmem>>
        %get3A_986 = arith.index_cast %add3A_981 : i32 to index
        %get3A_987 = arith.constant 64 : index
        %get3A_988 = tpu.vector_load %get3A_985[%get3A_986, %get3A_987] {strides = array<i32>} : memref<100x128xf32, #tpu.memory_space<vmem>>, vector<1x16xf32>,
        %get3A_989 = vector.shape_cast %get3A_988 : vector<1x16xf32> to vector<16xf32>
        %add3A_990 = arith.addf %add3A_886, %get3A_989 : vector<16xf32>
        %add3A_991 = arith.constant 50 : i32
        %add3A_992 = arith.addi %add3A_991, %mul3A_822 : i32
        %add3A_993 = arith.constant 1 : i32
        %add3A_994 = arith.addi %add3A_992, %add3A_993 : i32
        %get3A_995 = arith.constant 0 : i32
        %get3A_996 = arith.constant 0 : i32
        %get3A_997 = tpu.memref_slice %arg6[%scan3A_554, %get3A_995, %get3A_996] : memref<4x100x128xf32, #tpu.memory_space<vmem>> -> memref<1x100x128xf32, #tpu.memory_space<vmem>>
        %get3A_998 = tpu.memref_squeeze %get3A_997 : memref<1x100x128xf32, #tpu.memory_space<vmem>> -> memref<100x128xf32, #tpu.memory_space<vmem>>
        %get3A_999 = arith.index_cast %add3A_994 : i32 to index
        %get3A_1000 = arith.constant 80 : index
        %get3A_1001 = tpu.vector_load %get3A_998[%get3A_999, %get3A_1000] {strides = array<i32>} : memref<100x128xf32, #tpu.memory_space<vmem>>, vector<1x16xf32>,
        %get3A_1002 = vector.shape_cast %get3A_1001 : vector<1x16xf32> to vector<16xf32>
        %add3A_1003 = arith.addf %add3A_899, %get3A_1002 : vector<16xf32>
        %add3A_1004 = arith.constant 50 : i32
        %add3A_1005 = arith.addi %add3A_1004, %mul3A_822 : i32
        %add3A_1006 = arith.constant 1 : i32
        %add3A_1007 = arith.addi %add3A_1005, %add3A_1006 : i32
        %get3A_1008 = arith.constant 0 : i32
        %get3A_1009 = arith.constant 0 : i32
        %get3A_1010 = tpu.memref_slice %arg6[%scan3A_554, %get3A_1008, %get3A_1009] : memref<4x100x128xf32, #tpu.memory_space<vmem>> -> memref<1x100x128xf32, #tpu.memory_space<vmem>>
        %get3A_1011 = tpu.memref_squeeze %get3A_1010 : memref<1x100x128xf32, #tpu.memory_space<vmem>> -> memref<100x128xf32, #tpu.memory_space<vmem>>
        %get3A_1012 = arith.index_cast %add3A_1007 : i32 to index
        %get3A_1013 = arith.constant 96 : index
        %get3A_1014 = tpu.vector_load %get3A_1011[%get3A_1012, %get3A_1013] {strides = array<i32>} : memref<100x128xf32, #tpu.memory_space<vmem>>, vector<1x16xf32>,
        %get3A_1015 = vector.shape_cast %get3A_1014 : vector<1x16xf32> to vector<16xf32>
        %add3A_1016 = arith.addf %add3A_912, %get3A_1015 : vector<16xf32>
        %add3A_1017 = arith.constant 50 : i32
        %add3A_1018 = arith.addi %add3A_1017, %mul3A_822 : i32
        %add3A_1019 = arith.constant 1 : i32
        %add3A_1020 = arith.addi %add3A_1018, %add3A_1019 : i32
        %get3A_1021 = arith.constant 0 : i32
        %get3A_1022 = arith.constant 0 : i32
        %get3A_1023 = tpu.memref_slice %arg6[%scan3A_554, %get3A_1021, %get3A_1022] : memref<4x100x128xf32, #tpu.memory_space<vmem>> -> memref<1x100x128xf32, #tpu.memory_space<vmem>>
        %get3A_1024 = tpu.memref_squeeze %get3A_1023 : memref<1x100x128xf32, #tpu.memory_space<vmem>> -> memref<100x128xf32, #tpu.memory_space<vmem>>
        %get3A_1025 = arith.index_cast %add3A_1020 : i32 to index
        %get3A_1026 = arith.constant 112 : index
        %get3A_1027 = tpu.vector_load %get3A_1024[%get3A_1025, %get3A_1026] {strides = array<i32>} : memref<100x128xf32, #tpu.memory_space<vmem>>, vector<1x16xf32>,
        %get3A_1028 = vector.shape_cast %get3A_1027 : vector<1x16xf32> to vector<16xf32>
        %add3A_1029 = arith.addf %add3A_925, %get3A_1028 : vector<16xf32>
        scf.yield %add3A_938, %add3A_951, %add3A_964, %add3A_977, %add3A_990, %add3A_1003, %add3A_1016, %add3A_1029 : vector<16xf32>, vector<16xf32>, vector<16xf32>, vector<16xf32>, vector<16xf32>, vector<16xf32>, vector<16xf32>, vector<16xf32>
      }
      %scan3A_560 = arith.constant 25 : i32
      %add3A_561 = arith.constant 1 : i32
      %add3A_562 = arith.addi %mul3A_458, %add3A_561 : i32
      %swap3A_563 = arith.index_cast %add3A_562 : i32 to index
      %swap3A_564 = arith.constant 0 : index
      %swap3A_565 = tpu.vector_load %arg7[%swap3A_563, %swap3A_564] {strides = array<i32>} : memref<256x128xf32, #tpu.memory_space<vmem>>, vector<1x16xf32>,
      %swap3A_566 = vector.shape_cast %swap3A_565 : vector<1x16xf32> to vector<16xf32>
      %swap3A_567 = vector.shape_cast %scan3A_559#0 : vector<16xf32> to vector<1x16xf32>
      tpu.vector_store %arg7[%swap3A_563, %swap3A_564], %swap3A_567 {strides = array<i32>} : memref<256x128xf32, #tpu.memory_space<vmem>>, vector<1x16xf32>,
      %add3A_568 = arith.constant 1 : i32
      %add3A_569 = arith.addi %mul3A_458, %add3A_568 : i32
      %swap3A_570 = arith.index_cast %add3A_569 : i32 to index
      %swap3A_571 = arith.constant 16 : index
      %swap3A_572 = tpu.vector_load %arg7[%swap3A_570, %swap3A_571] {strides = array<i32>} : memref<256x128xf32, #tpu.memory_space<vmem>>, vector<1x16xf32>,
      %swap3A_573 = vector.shape_cast %swap3A_572 : vector<1x16xf32> to vector<16xf32>
      %swap3A_574 = vector.shape_cast %scan3A_559#1 : vector<16xf32> to vector<1x16xf32>
      tpu.vector_store %arg7[%swap3A_570, %swap3A_571], %swap3A_574 {strides = array<i32>} : memref<256x128xf32, #tpu.memory_space<vmem>>, vector<1x16xf32>,
      %add3A_575 = arith.constant 1 : i32
      %add3A_576 = arith.addi %mul3A_458, %add3A_575 : i32
      %swap3A_577 = arith.index_cast %add3A_576 : i32 to index
      %swap3A_578 = arith.constant 32 : index
      %swap3A_579 = tpu.vector_load %arg7[%swap3A_577, %swap3A_578] {strides = array<i32>} : memref<256x128xf32, #tpu.memory_space<vmem>>, vector<1x16xf32>,
      %swap3A_580 = vector.shape_cast %swap3A_579 : vector<1x16xf32> to vector<16xf32>
      %swap3A_581 = vector.shape_cast %scan3A_559#2 : vector<16xf32> to vector<1x16xf32>
      tpu.vector_store %arg7[%swap3A_577, %swap3A_578], %swap3A_581 {strides = array<i32>} : memref<256x128xf32, #tpu.memory_space<vmem>>, vector<1x16xf32>,
      %add3A_582 = arith.constant 1 : i32
      %add3A_583 = arith.addi %mul3A_458, %add3A_582 : i32
      %swap3A_584 = arith.index_cast %add3A_583 : i32 to index
      %swap3A_585 = arith.constant 48 : index
      %swap3A_586 = tpu.vector_load %arg7[%swap3A_584, %swap3A_585] {strides = array<i32>} : memref<256x128xf32, #tpu.memory_space<vmem>>, vector<1x16xf32>,
      %swap3A_587 = vector.shape_cast %swap3A_586 : vector<1x16xf32> to vector<16xf32>
      %swap3A_588 = vector.shape_cast %scan3A_559#3 : vector<16xf32> to vector<1x16xf32>
      tpu.vector_store %arg7[%swap3A_584, %swap3A_585], %swap3A_588 {strides = array<i32>} : memref<256x128xf32, #tpu.memory_space<vmem>>, vector<1x16xf32>,
      %add3A_589 = arith.constant 1 : i32
      %add3A_590 = arith.addi %mul3A_458, %add3A_589 : i32
      %swap3A_591 = arith.index_cast %add3A_590 : i32 to index
      %swap3A_592 = arith.constant 64 : index
      %swap3A_593 = tpu.vector_load %arg7[%swap3A_591, %swap3A_592] {strides = array<i32>} : memref<256x128xf32, #tpu.memory_space<vmem>>, vector<1x16xf32>,
      %swap3A_594 = vector.shape_cast %swap3A_593 : vector<1x16xf32> to vector<16xf32>
      %swap3A_595 = vector.shape_cast %scan3A_559#4 : vector<16xf32> to vector<1x16xf32>
      tpu.vector_store %arg7[%swap3A_591, %swap3A_592], %swap3A_595 {strides = array<i32>} : memref<256x128xf32, #tpu.memory_space<vmem>>, vector<1x16xf32>,
      %add3A_596 = arith.constant 1 : i32
      %add3A_597 = arith.addi %mul3A_458, %add3A_596 : i32
      %swap3A_598 = arith.index_cast %add3A_597 : i32 to index
      %swap3A_599 = arith.constant 80 : index
      %swap3A_600 = tpu.vector_load %arg7[%swap3A_598, %swap3A_599] {strides = array<i32>} : memref<256x128xf32, #tpu.memory_space<vmem>>, vector<1x16xf32>,
      %swap3A_601 = vector.shape_cast %swap3A_600 : vector<1x16xf32> to vector<16xf32>
      %swap3A_602 = vector.shape_cast %scan3A_559#5 : vector<16xf32> to vector<1x16xf32>
      tpu.vector_store %arg7[%swap3A_598, %swap3A_599], %swap3A_602 {strides = array<i32>} : memref<256x128xf32, #tpu.memory_space<vmem>>, vector<1x16xf32>,
      %add3A_603 = arith.constant 1 : i32
      %add3A_604 = arith.addi %mul3A_458, %add3A_603 : i32
      %swap3A_605 = arith.index_cast %add3A_604 : i32 to index
      %swap3A_606 = arith.constant 96 : index
      %swap3A_607 = tpu.vector_load %arg7[%swap3A_605, %swap3A_606] {strides = array<i32>} : memref<256x128xf32, #tpu.memory_space<vmem>>, vector<1x16xf32>,
      %swap3A_608 = vector.shape_cast %swap3A_607 : vector<1x16xf32> to vector<16xf32>
      %swap3A_609 = vector.shape_cast %scan3A_559#6 : vector<16xf32> to vector<1x16xf32>
      tpu.vector_store %arg7[%swap3A_605, %swap3A_606], %swap3A_609 {strides = array<i32>} : memref<256x128xf32, #tpu.memory_space<vmem>>, vector<1x16xf32>,
      %add3A_610 = arith.constant 1 : i32
      %add3A_611 = arith.addi %mul3A_458, %add3A_610 : i32
      %swap3A_612 = arith.index_cast %add3A_611 : i32 to index
      %swap3A_613 = arith.constant 112 : index
      %swap3A_614 = tpu.vector_load %arg7[%swap3A_612, %swap3A_613] {strides = array<i32>} : memref<256x128xf32, #tpu.memory_space<vmem>>, vector<1x16xf32>,
      %swap3A_615 = vector.shape_cast %swap3A_614 : vector<1x16xf32> to vector<16xf32>
      %swap3A_616 = vector.shape_cast %scan3A_559#7 : vector<16xf32> to vector<1x16xf32>
      tpu.vector_store %arg7[%swap3A_612, %swap3A_613], %swap3A_616 {strides = array<i32>} : memref<256x128xf32, #tpu.memory_space<vmem>>, vector<1x16xf32>,
      %add3A_617 = arith.constant 4 : i32
      %add3A_618 = arith.addi %add3A_441, %add3A_617 : i32
      %lt3A_619 = arith.constant 256 : i32
      %lt3A_620 = arith.cmpi slt, %add3A_618, %lt3A_619 : i32
      %convert_element_type3A_621 = arith.extui %lt3A_620 : i1 to i32
      %cond3A_622 = arith.constant 0 : i32
      %cond3A_623 = arith.cmpi ne, %convert_element_type3A_621, %cond3A_622 : i32
      scf.if %cond3A_623 {
        %add3A_812 = arith.constant 4 : i32
        %add3A_813 = arith.addi %add3A_441, %add3A_812 : i32
        %dma_start3A_814 = arith.constant 2 : i32
        %dma_start3A_815 = arith.constant 0 : i32
        %dma_start3A_816 = arith.constant 0 : i32
        %dma_start3A_817 = tpu.memref_slice %arg6[%dma_start3A_814, %dma_start3A_815, %dma_start3A_816] : memref<4x100x128xf32, #tpu.memory_space<vmem>> -> memref<1x100x128xf32, #tpu.memory_space<vmem>>
        %dma_start3A_818 = tpu.memref_squeeze %dma_start3A_817 : memref<1x100x128xf32, #tpu.memory_space<vmem>> -> memref<100x128xf32, #tpu.memory_space<vmem>>
        %dma_start3A_819 = arith.constant 0 : i32
        %dma_start3A_820 = tpu.memref_slice %arg5[%add3A_813, %dma_start3A_819] : memref<256x100xi32, #tpu.memory_space<vmem>> -> memref<1x100xi32, #tpu.memory_space<vmem>>
        %dma_start3A_821 = tpu.memref_squeeze %dma_start3A_820 : memref<1x100xi32, #tpu.memory_space<vmem>> -> memref<100xi32, #tpu.memory_space<vmem>>
        %dma_start3A_822 = arith.constant 0 : i32
        %dma_start3A_823 = arith.constant 0 : i32
        %dma_start3A_824 = tpu.memref_slice %arg3[%dma_start3A_822, %dma_start3A_823] : memref<1000000x128xf32, #tpu.memory_space<hbm>> -> memref<1000000x128xf32, #tpu.memory_space<hbm>>
        tpu.enqueue_indirect_dma source(%dma_start3A_824 : memref<1000000x128xf32, #tpu.memory_space<hbm>>) target(%dma_start3A_818 : memref<100x128xf32, #tpu.memory_space<vmem>>) offsets(%dma_start3A_821 : memref<100xi32, #tpu.memory_space<vmem>>) semaphore(%arg10 : memref<!tpu.dma_semaphore, #tpu.memory_space<semaphore_mem>>)
      } else {
      }
      %mul3A_624 = arith.constant 4 : i32
      %mul3A_625 = arith.muli %scan3A_65, %mul3A_624 : i32
      %add3A_626 = arith.constant 128 : i32
      %add3A_627 = arith.addi %add3A_626, %mul3A_625 : i32
      %add3A_628 = arith.constant 3 : i32
      %add3A_629 = arith.addi %add3A_627, %add3A_628 : i32
      %dma_wait3A_630 = arith.constant 3 : i32
      %dma_wait3A_631 = arith.constant 0 : i32
      %dma_wait3A_632 = arith.constant 0 : i32
      %dma_wait3A_633 = tpu.memref_slice %arg6[%dma_wait3A_630, %dma_wait3A_631, %dma_wait3A_632] : memref<4x100x128xf32, #tpu.memory_space<vmem>> -> memref<1x100x128xf32, #tpu.memory_space<vmem>>
      %dma_wait3A_634 = tpu.memref_squeeze %dma_wait3A_633 : memref<1x100x128xf32, #tpu.memory_space<vmem>> -> memref<100x128xf32, #tpu.memory_space<vmem>>
      %dma_wait3A_635 = arith.constant 0 : i32
      %dma_wait3A_636 = tpu.memref_slice %arg5[%add3A_629, %dma_wait3A_635] : memref<256x100xi32, #tpu.memory_space<vmem>> -> memref<1x100xi32, #tpu.memory_space<vmem>>
      %dma_wait3A_637 = tpu.memref_squeeze %dma_wait3A_636 : memref<1x100xi32, #tpu.memory_space<vmem>> -> memref<100xi32, #tpu.memory_space<vmem>>
      %dma_wait3A_638 = arith.constant 0 : i32
      %dma_wait3A_639 = arith.constant 0 : i32
      %dma_wait3A_640 = tpu.memref_slice %arg3[%dma_wait3A_638, %dma_wait3A_639] : memref<1000000x128xf32, #tpu.memory_space<hbm>> -> memref<1000000x128xf32, #tpu.memory_space<hbm>>
      tpu.wait_indirect_dma semaphore(%arg11 : memref<!tpu.dma_semaphore, #tpu.memory_space<semaphore_mem>>) src(%dma_wait3A_640 : memref<1000000x128xf32, #tpu.memory_space<hbm>>) dst(%dma_wait3A_634 : memref<100x128xf32, #tpu.memory_space<vmem>>)
      %mul3A_641 = arith.constant 4 : i32
      %mul3A_642 = arith.muli %scan3A_65, %mul3A_641 : i32
      %add3A_643 = arith.constant 3 : i32
      %add3A_644 = arith.addi %mul3A_642, %add3A_643 : i32
      %mul3A_645 = arith.constant 2 : i32
      %mul3A_646 = arith.muli %add3A_644, %mul3A_645 : i32
      %broadcast_in_dim3A_647 = arith.constant 0.000000e+00 : f32
      %broadcast_in_dim3A_648 = vector.broadcast %broadcast_in_dim3A_647 : f32 to vector<16xf32>
      %broadcast_in_dim3A_649 = arith.constant 0.000000e+00 : f32
      %broadcast_in_dim3A_650 = vector.broadcast %broadcast_in_dim3A_649 : f32 to vector<16xf32>
      %broadcast_in_dim3A_651 = arith.constant 0.000000e+00 : f32
      %broadcast_in_dim3A_652 = vector.broadcast %broadcast_in_dim3A_651 : f32 to vector<16xf32>
      %broadcast_in_dim3A_653 = arith.constant 0.000000e+00 : f32
      %broadcast_in_dim3A_654 = vector.broadcast %broadcast_in_dim3A_653 : f32 to vector<16xf32>
      %broadcast_in_dim3A_655 = arith.constant 0.000000e+00 : f32
      %broadcast_in_dim3A_656 = vector.broadcast %broadcast_in_dim3A_655 : f32 to vector<16xf32>
      %broadcast_in_dim3A_657 = arith.constant 0.000000e+00 : f32
      %broadcast_in_dim3A_658 = vector.broadcast %broadcast_in_dim3A_657 : f32 to vector<16xf32>
      %broadcast_in_dim3A_659 = arith.constant 0.000000e+00 : f32
      %broadcast_in_dim3A_660 = vector.broadcast %broadcast_in_dim3A_659 : f32 to vector<16xf32>
      %broadcast_in_dim3A_661 = arith.constant 0.000000e+00 : f32
      %broadcast_in_dim3A_662 = vector.broadcast %broadcast_in_dim3A_661 : f32 to vector<16xf32>
      %scan3A_663 = arith.constant 3 : i32
      %scan3A_664 = arith.constant 0 : i32
      %scan3A_665 = arith.constant 25 : i32
      %scan3A_666 = arith.addi %scan3A_664, %scan3A_665 : i32
      %scan3A_667 = arith.constant 1 : i32
      %scan3A_668:8 = scf.for %scan3A_812 = %scan3A_664 to %scan3A_666 step %scan3A_667 iter_args(%scan3A_813 = %broadcast_in_dim3A_648, %scan3A_814 = %broadcast_in_dim3A_650, %scan3A_815 = %broadcast_in_dim3A_652, %scan3A_816 = %broadcast_in_dim3A_654, %scan3A_817 = %broadcast_in_dim3A_656, %scan3A_818 = %broadcast_in_dim3A_658, %scan3A_819 = %broadcast_in_dim3A_660, %scan3A_820 = %broadcast_in_dim3A_662) -> (vector<16xf32>, vector<16xf32>, vector<16xf32>, vector<16xf32>, vector<16xf32>, vector<16xf32>, vector<16xf32>, vector<16xf32>)  : i32 {
        %mul3A_821 = arith.constant 2 : i32
        %mul3A_822 = arith.muli %scan3A_812, %mul3A_821 : i32
        %add3A_823 = arith.constant 0 : i32
        %add3A_824 = arith.addi %add3A_823, %mul3A_822 : i32
        %add3A_825 = arith.constant 0 : i32
        %add3A_826 = arith.addi %add3A_824, %add3A_825 : i32
        %get3A = arith.constant 0 : i32
        %get3A_827 = arith.constant 0 : i32
        %get3A_828 = tpu.memref_slice %arg6[%scan3A_663, %get3A, %get3A_827] : memref<4x100x128xf32, #tpu.memory_space<vmem>> -> memref<1x100x128xf32, #tpu.memory_space<vmem>>
        %get3A_829 = tpu.memref_squeeze %get3A_828 : memref<1x100x128xf32, #tpu.memory_space<vmem>> -> memref<100x128xf32, #tpu.memory_space<vmem>>
        %get3A_830 = arith.index_cast %add3A_826 : i32 to index
        %get3A_831 = arith.constant 0 : index
        %get3A_832 = tpu.vector_load %get3A_829[%get3A_830, %get3A_831] {strides = array<i32>} : memref<100x128xf32, #tpu.memory_space<vmem>>, vector<1x16xf32>,
        %get3A_833 = vector.shape_cast %get3A_832 : vector<1x16xf32> to vector<16xf32>
        %add3A_834 = arith.addf %scan3A_813, %get3A_833 : vector<16xf32>
        %add3A_835 = arith.constant 0 : i32
        %add3A_836 = arith.addi %add3A_835, %mul3A_822 : i32
        %add3A_837 = arith.constant 0 : i32
        %add3A_838 = arith.addi %add3A_836, %add3A_837 : i32
        %get3A_839 = arith.constant 0 : i32
        %get3A_840 = arith.constant 0 : i32
        %get3A_841 = tpu.memref_slice %arg6[%scan3A_663, %get3A_839, %get3A_840] : memref<4x100x128xf32, #tpu.memory_space<vmem>> -> memref<1x100x128xf32, #tpu.memory_space<vmem>>
        %get3A_842 = tpu.memref_squeeze %get3A_841 : memref<1x100x128xf32, #tpu.memory_space<vmem>> -> memref<100x128xf32, #tpu.memory_space<vmem>>
        %get3A_843 = arith.index_cast %add3A_838 : i32 to index
        %get3A_844 = arith.constant 16 : index
        %get3A_845 = tpu.vector_load %get3A_842[%get3A_843, %get3A_844] {strides = array<i32>} : memref<100x128xf32, #tpu.memory_space<vmem>>, vector<1x16xf32>,
        %get3A_846 = vector.shape_cast %get3A_845 : vector<1x16xf32> to vector<16xf32>
        %add3A_847 = arith.addf %scan3A_814, %get3A_846 : vector<16xf32>
        %add3A_848 = arith.constant 0 : i32
        %add3A_849 = arith.addi %add3A_848, %mul3A_822 : i32
        %add3A_850 = arith.constant 0 : i32
        %add3A_851 = arith.addi %add3A_849, %add3A_850 : i32
        %get3A_852 = arith.constant 0 : i32
        %get3A_853 = arith.constant 0 : i32
        %get3A_854 = tpu.memref_slice %arg6[%scan3A_663, %get3A_852, %get3A_853] : memref<4x100x128xf32, #tpu.memory_space<vmem>> -> memref<1x100x128xf32, #tpu.memory_space<vmem>>
        %get3A_855 = tpu.memref_squeeze %get3A_854 : memref<1x100x128xf32, #tpu.memory_space<vmem>> -> memref<100x128xf32, #tpu.memory_space<vmem>>
        %get3A_856 = arith.index_cast %add3A_851 : i32 to index
        %get3A_857 = arith.constant 32 : index
        %get3A_858 = tpu.vector_load %get3A_855[%get3A_856, %get3A_857] {strides = array<i32>} : memref<100x128xf32, #tpu.memory_space<vmem>>, vector<1x16xf32>,
        %get3A_859 = vector.shape_cast %get3A_858 : vector<1x16xf32> to vector<16xf32>
        %add3A_860 = arith.addf %scan3A_815, %get3A_859 : vector<16xf32>
        %add3A_861 = arith.constant 0 : i32
        %add3A_862 = arith.addi %add3A_861, %mul3A_822 : i32
        %add3A_863 = arith.constant 0 : i32
        %add3A_864 = arith.addi %add3A_862, %add3A_863 : i32
        %get3A_865 = arith.constant 0 : i32
        %get3A_866 = arith.constant 0 : i32
        %get3A_867 = tpu.memref_slice %arg6[%scan3A_663, %get3A_865, %get3A_866] : memref<4x100x128xf32, #tpu.memory_space<vmem>> -> memref<1x100x128xf32, #tpu.memory_space<vmem>>
        %get3A_868 = tpu.memref_squeeze %get3A_867 : memref<1x100x128xf32, #tpu.memory_space<vmem>> -> memref<100x128xf32, #tpu.memory_space<vmem>>
        %get3A_869 = arith.index_cast %add3A_864 : i32 to index
        %get3A_870 = arith.constant 48 : index
        %get3A_871 = tpu.vector_load %get3A_868[%get3A_869, %get3A_870] {strides = array<i32>} : memref<100x128xf32, #tpu.memory_space<vmem>>, vector<1x16xf32>,
        %get3A_872 = vector.shape_cast %get3A_871 : vector<1x16xf32> to vector<16xf32>
        %add3A_873 = arith.addf %scan3A_816, %get3A_872 : vector<16xf32>
        %add3A_874 = arith.constant 0 : i32
        %add3A_875 = arith.addi %add3A_874, %mul3A_822 : i32
        %add3A_876 = arith.constant 0 : i32
        %add3A_877 = arith.addi %add3A_875, %add3A_876 : i32
        %get3A_878 = arith.constant 0 : i32
        %get3A_879 = arith.constant 0 : i32
        %get3A_880 = tpu.memref_slice %arg6[%scan3A_663, %get3A_878, %get3A_879] : memref<4x100x128xf32, #tpu.memory_space<vmem>> -> memref<1x100x128xf32, #tpu.memory_space<vmem>>
        %get3A_881 = tpu.memref_squeeze %get3A_880 : memref<1x100x128xf32, #tpu.memory_space<vmem>> -> memref<100x128xf32, #tpu.memory_space<vmem>>
        %get3A_882 = arith.index_cast %add3A_877 : i32 to index
        %get3A_883 = arith.constant 64 : index
        %get3A_884 = tpu.vector_load %get3A_881[%get3A_882, %get3A_883] {strides = array<i32>} : memref<100x128xf32, #tpu.memory_space<vmem>>, vector<1x16xf32>,
        %get3A_885 = vector.shape_cast %get3A_884 : vector<1x16xf32> to vector<16xf32>
        %add3A_886 = arith.addf %scan3A_817, %get3A_885 : vector<16xf32>
        %add3A_887 = arith.constant 0 : i32
        %add3A_888 = arith.addi %add3A_887, %mul3A_822 : i32
        %add3A_889 = arith.constant 0 : i32
        %add3A_890 = arith.addi %add3A_888, %add3A_889 : i32
        %get3A_891 = arith.constant 0 : i32
        %get3A_892 = arith.constant 0 : i32
        %get3A_893 = tpu.memref_slice %arg6[%scan3A_663, %get3A_891, %get3A_892] : memref<4x100x128xf32, #tpu.memory_space<vmem>> -> memref<1x100x128xf32, #tpu.memory_space<vmem>>
        %get3A_894 = tpu.memref_squeeze %get3A_893 : memref<1x100x128xf32, #tpu.memory_space<vmem>> -> memref<100x128xf32, #tpu.memory_space<vmem>>
        %get3A_895 = arith.index_cast %add3A_890 : i32 to index
        %get3A_896 = arith.constant 80 : index
        %get3A_897 = tpu.vector_load %get3A_894[%get3A_895, %get3A_896] {strides = array<i32>} : memref<100x128xf32, #tpu.memory_space<vmem>>, vector<1x16xf32>,
        %get3A_898 = vector.shape_cast %get3A_897 : vector<1x16xf32> to vector<16xf32>
        %add3A_899 = arith.addf %scan3A_818, %get3A_898 : vector<16xf32>
        %add3A_900 = arith.constant 0 : i32
        %add3A_901 = arith.addi %add3A_900, %mul3A_822 : i32
        %add3A_902 = arith.constant 0 : i32
        %add3A_903 = arith.addi %add3A_901, %add3A_902 : i32
        %get3A_904 = arith.constant 0 : i32
        %get3A_905 = arith.constant 0 : i32
        %get3A_906 = tpu.memref_slice %arg6[%scan3A_663, %get3A_904, %get3A_905] : memref<4x100x128xf32, #tpu.memory_space<vmem>> -> memref<1x100x128xf32, #tpu.memory_space<vmem>>
        %get3A_907 = tpu.memref_squeeze %get3A_906 : memref<1x100x128xf32, #tpu.memory_space<vmem>> -> memref<100x128xf32, #tpu.memory_space<vmem>>
        %get3A_908 = arith.index_cast %add3A_903 : i32 to index
        %get3A_909 = arith.constant 96 : index
        %get3A_910 = tpu.vector_load %get3A_907[%get3A_908, %get3A_909] {strides = array<i32>} : memref<100x128xf32, #tpu.memory_space<vmem>>, vector<1x16xf32>,
        %get3A_911 = vector.shape_cast %get3A_910 : vector<1x16xf32> to vector<16xf32>
        %add3A_912 = arith.addf %scan3A_819, %get3A_911 : vector<16xf32>
        %add3A_913 = arith.constant 0 : i32
        %add3A_914 = arith.addi %add3A_913, %mul3A_822 : i32
        %add3A_915 = arith.constant 0 : i32
        %add3A_916 = arith.addi %add3A_914, %add3A_915 : i32
        %get3A_917 = arith.constant 0 : i32
        %get3A_918 = arith.constant 0 : i32
        %get3A_919 = tpu.memref_slice %arg6[%scan3A_663, %get3A_917, %get3A_918] : memref<4x100x128xf32, #tpu.memory_space<vmem>> -> memref<1x100x128xf32, #tpu.memory_space<vmem>>
        %get3A_920 = tpu.memref_squeeze %get3A_919 : memref<1x100x128xf32, #tpu.memory_space<vmem>> -> memref<100x128xf32, #tpu.memory_space<vmem>>
        %get3A_921 = arith.index_cast %add3A_916 : i32 to index
        %get3A_922 = arith.constant 112 : index
        %get3A_923 = tpu.vector_load %get3A_920[%get3A_921, %get3A_922] {strides = array<i32>} : memref<100x128xf32, #tpu.memory_space<vmem>>, vector<1x16xf32>,
        %get3A_924 = vector.shape_cast %get3A_923 : vector<1x16xf32> to vector<16xf32>
        %add3A_925 = arith.addf %scan3A_820, %get3A_924 : vector<16xf32>
        %add3A_926 = arith.constant 0 : i32
        %add3A_927 = arith.addi %add3A_926, %mul3A_822 : i32
        %add3A_928 = arith.constant 1 : i32
        %add3A_929 = arith.addi %add3A_927, %add3A_928 : i32
        %get3A_930 = arith.constant 0 : i32
        %get3A_931 = arith.constant 0 : i32
        %get3A_932 = tpu.memref_slice %arg6[%scan3A_663, %get3A_930, %get3A_931] : memref<4x100x128xf32, #tpu.memory_space<vmem>> -> memref<1x100x128xf32, #tpu.memory_space<vmem>>
        %get3A_933 = tpu.memref_squeeze %get3A_932 : memref<1x100x128xf32, #tpu.memory_space<vmem>> -> memref<100x128xf32, #tpu.memory_space<vmem>>
        %get3A_934 = arith.index_cast %add3A_929 : i32 to index
        %get3A_935 = arith.constant 0 : index
        %get3A_936 = tpu.vector_load %get3A_933[%get3A_934, %get3A_935] {strides = array<i32>} : memref<100x128xf32, #tpu.memory_space<vmem>>, vector<1x16xf32>,
        %get3A_937 = vector.shape_cast %get3A_936 : vector<1x16xf32> to vector<16xf32>
        %add3A_938 = arith.addf %add3A_834, %get3A_937 : vector<16xf32>
        %add3A_939 = arith.constant 0 : i32
        %add3A_940 = arith.addi %add3A_939, %mul3A_822 : i32
        %add3A_941 = arith.constant 1 : i32
        %add3A_942 = arith.addi %add3A_940, %add3A_941 : i32
        %get3A_943 = arith.constant 0 : i32
        %get3A_944 = arith.constant 0 : i32
        %get3A_945 = tpu.memref_slice %arg6[%scan3A_663, %get3A_943, %get3A_944] : memref<4x100x128xf32, #tpu.memory_space<vmem>> -> memref<1x100x128xf32, #tpu.memory_space<vmem>>
        %get3A_946 = tpu.memref_squeeze %get3A_945 : memref<1x100x128xf32, #tpu.memory_space<vmem>> -> memref<100x128xf32, #tpu.memory_space<vmem>>
        %get3A_947 = arith.index_cast %add3A_942 : i32 to index
        %get3A_948 = arith.constant 16 : index
        %get3A_949 = tpu.vector_load %get3A_946[%get3A_947, %get3A_948] {strides = array<i32>} : memref<100x128xf32, #tpu.memory_space<vmem>>, vector<1x16xf32>,
        %get3A_950 = vector.shape_cast %get3A_949 : vector<1x16xf32> to vector<16xf32>
        %add3A_951 = arith.addf %add3A_847, %get3A_950 : vector<16xf32>
        %add3A_952 = arith.constant 0 : i32
        %add3A_953 = arith.addi %add3A_952, %mul3A_822 : i32
        %add3A_954 = arith.constant 1 : i32
        %add3A_955 = arith.addi %add3A_953, %add3A_954 : i32
        %get3A_956 = arith.constant 0 : i32
        %get3A_957 = arith.constant 0 : i32
        %get3A_958 = tpu.memref_slice %arg6[%scan3A_663, %get3A_956, %get3A_957] : memref<4x100x128xf32, #tpu.memory_space<vmem>> -> memref<1x100x128xf32, #tpu.memory_space<vmem>>
        %get3A_959 = tpu.memref_squeeze %get3A_958 : memref<1x100x128xf32, #tpu.memory_space<vmem>> -> memref<100x128xf32, #tpu.memory_space<vmem>>
        %get3A_960 = arith.index_cast %add3A_955 : i32 to index
        %get3A_961 = arith.constant 32 : index
        %get3A_962 = tpu.vector_load %get3A_959[%get3A_960, %get3A_961] {strides = array<i32>} : memref<100x128xf32, #tpu.memory_space<vmem>>, vector<1x16xf32>,
        %get3A_963 = vector.shape_cast %get3A_962 : vector<1x16xf32> to vector<16xf32>
        %add3A_964 = arith.addf %add3A_860, %get3A_963 : vector<16xf32>
        %add3A_965 = arith.constant 0 : i32
        %add3A_966 = arith.addi %add3A_965, %mul3A_822 : i32
        %add3A_967 = arith.constant 1 : i32
        %add3A_968 = arith.addi %add3A_966, %add3A_967 : i32
        %get3A_969 = arith.constant 0 : i32
        %get3A_970 = arith.constant 0 : i32
        %get3A_971 = tpu.memref_slice %arg6[%scan3A_663, %get3A_969, %get3A_970] : memref<4x100x128xf32, #tpu.memory_space<vmem>> -> memref<1x100x128xf32, #tpu.memory_space<vmem>>
        %get3A_972 = tpu.memref_squeeze %get3A_971 : memref<1x100x128xf32, #tpu.memory_space<vmem>> -> memref<100x128xf32, #tpu.memory_space<vmem>>
        %get3A_973 = arith.index_cast %add3A_968 : i32 to index
        %get3A_974 = arith.constant 48 : index
        %get3A_975 = tpu.vector_load %get3A_972[%get3A_973, %get3A_974] {strides = array<i32>} : memref<100x128xf32, #tpu.memory_space<vmem>>, vector<1x16xf32>,
        %get3A_976 = vector.shape_cast %get3A_975 : vector<1x16xf32> to vector<16xf32>
        %add3A_977 = arith.addf %add3A_873, %get3A_976 : vector<16xf32>
        %add3A_978 = arith.constant 0 : i32
        %add3A_979 = arith.addi %add3A_978, %mul3A_822 : i32
        %add3A_980 = arith.constant 1 : i32
        %add3A_981 = arith.addi %add3A_979, %add3A_980 : i32
        %get3A_982 = arith.constant 0 : i32
        %get3A_983 = arith.constant 0 : i32
        %get3A_984 = tpu.memref_slice %arg6[%scan3A_663, %get3A_982, %get3A_983] : memref<4x100x128xf32, #tpu.memory_space<vmem>> -> memref<1x100x128xf32, #tpu.memory_space<vmem>>
        %get3A_985 = tpu.memref_squeeze %get3A_984 : memref<1x100x128xf32, #tpu.memory_space<vmem>> -> memref<100x128xf32, #tpu.memory_space<vmem>>
        %get3A_986 = arith.index_cast %add3A_981 : i32 to index
        %get3A_987 = arith.constant 64 : index
        %get3A_988 = tpu.vector_load %get3A_985[%get3A_986, %get3A_987] {strides = array<i32>} : memref<100x128xf32, #tpu.memory_space<vmem>>, vector<1x16xf32>,
        %get3A_989 = vector.shape_cast %get3A_988 : vector<1x16xf32> to vector<16xf32>
        %add3A_990 = arith.addf %add3A_886, %get3A_989 : vector<16xf32>
        %add3A_991 = arith.constant 0 : i32
        %add3A_992 = arith.addi %add3A_991, %mul3A_822 : i32
        %add3A_993 = arith.constant 1 : i32
        %add3A_994 = arith.addi %add3A_992, %add3A_993 : i32
        %get3A_995 = arith.constant 0 : i32
        %get3A_996 = arith.constant 0 : i32
        %get3A_997 = tpu.memref_slice %arg6[%scan3A_663, %get3A_995, %get3A_996] : memref<4x100x128xf32, #tpu.memory_space<vmem>> -> memref<1x100x128xf32, #tpu.memory_space<vmem>>
        %get3A_998 = tpu.memref_squeeze %get3A_997 : memref<1x100x128xf32, #tpu.memory_space<vmem>> -> memref<100x128xf32, #tpu.memory_space<vmem>>
        %get3A_999 = arith.index_cast %add3A_994 : i32 to index
        %get3A_1000 = arith.constant 80 : index
        %get3A_1001 = tpu.vector_load %get3A_998[%get3A_999, %get3A_1000] {strides = array<i32>} : memref<100x128xf32, #tpu.memory_space<vmem>>, vector<1x16xf32>,
        %get3A_1002 = vector.shape_cast %get3A_1001 : vector<1x16xf32> to vector<16xf32>
        %add3A_1003 = arith.addf %add3A_899, %get3A_1002 : vector<16xf32>
        %add3A_1004 = arith.constant 0 : i32
        %add3A_1005 = arith.addi %add3A_1004, %mul3A_822 : i32
        %add3A_1006 = arith.constant 1 : i32
        %add3A_1007 = arith.addi %add3A_1005, %add3A_1006 : i32
        %get3A_1008 = arith.constant 0 : i32
        %get3A_1009 = arith.constant 0 : i32
        %get3A_1010 = tpu.memref_slice %arg6[%scan3A_663, %get3A_1008, %get3A_1009] : memref<4x100x128xf32, #tpu.memory_space<vmem>> -> memref<1x100x128xf32, #tpu.memory_space<vmem>>
        %get3A_1011 = tpu.memref_squeeze %get3A_1010 : memref<1x100x128xf32, #tpu.memory_space<vmem>> -> memref<100x128xf32, #tpu.memory_space<vmem>>
        %get3A_1012 = arith.index_cast %add3A_1007 : i32 to index
        %get3A_1013 = arith.constant 96 : index
        %get3A_1014 = tpu.vector_load %get3A_1011[%get3A_1012, %get3A_1013] {strides = array<i32>} : memref<100x128xf32, #tpu.memory_space<vmem>>, vector<1x16xf32>,
        %get3A_1015 = vector.shape_cast %get3A_1014 : vector<1x16xf32> to vector<16xf32>
        %add3A_1016 = arith.addf %add3A_912, %get3A_1015 : vector<16xf32>
        %add3A_1017 = arith.constant 0 : i32
        %add3A_1018 = arith.addi %add3A_1017, %mul3A_822 : i32
        %add3A_1019 = arith.constant 1 : i32
        %add3A_1020 = arith.addi %add3A_1018, %add3A_1019 : i32
        %get3A_1021 = arith.constant 0 : i32
        %get3A_1022 = arith.constant 0 : i32
        %get3A_1023 = tpu.memref_slice %arg6[%scan3A_663, %get3A_1021, %get3A_1022] : memref<4x100x128xf32, #tpu.memory_space<vmem>> -> memref<1x100x128xf32, #tpu.memory_space<vmem>>
        %get3A_1024 = tpu.memref_squeeze %get3A_1023 : memref<1x100x128xf32, #tpu.memory_space<vmem>> -> memref<100x128xf32, #tpu.memory_space<vmem>>
        %get3A_1025 = arith.index_cast %add3A_1020 : i32 to index
        %get3A_1026 = arith.constant 112 : index
        %get3A_1027 = tpu.vector_load %get3A_1024[%get3A_1025, %get3A_1026] {strides = array<i32>} : memref<100x128xf32, #tpu.memory_space<vmem>>, vector<1x16xf32>,
        %get3A_1028 = vector.shape_cast %get3A_1027 : vector<1x16xf32> to vector<16xf32>
        %add3A_1029 = arith.addf %add3A_925, %get3A_1028 : vector<16xf32>
        scf.yield %add3A_938, %add3A_951, %add3A_964, %add3A_977, %add3A_990, %add3A_1003, %add3A_1016, %add3A_1029 : vector<16xf32>, vector<16xf32>, vector<16xf32>, vector<16xf32>, vector<16xf32>, vector<16xf32>, vector<16xf32>, vector<16xf32>
      }
      %scan3A_669 = arith.constant 25 : i32
      %add3A_670 = arith.constant 0 : i32
      %add3A_671 = arith.addi %mul3A_646, %add3A_670 : i32
      %swap3A_672 = arith.index_cast %add3A_671 : i32 to index
      %swap3A_673 = arith.constant 0 : index
      %swap3A_674 = tpu.vector_load %arg7[%swap3A_672, %swap3A_673] {strides = array<i32>} : memref<256x128xf32, #tpu.memory_space<vmem>>, vector<1x16xf32>,
      %swap3A_675 = vector.shape_cast %swap3A_674 : vector<1x16xf32> to vector<16xf32>
      %swap3A_676 = vector.shape_cast %scan3A_668#0 : vector<16xf32> to vector<1x16xf32>
      tpu.vector_store %arg7[%swap3A_672, %swap3A_673], %swap3A_676 {strides = array<i32>} : memref<256x128xf32, #tpu.memory_space<vmem>>, vector<1x16xf32>,
      %add3A_677 = arith.constant 0 : i32
      %add3A_678 = arith.addi %mul3A_646, %add3A_677 : i32
      %swap3A_679 = arith.index_cast %add3A_678 : i32 to index
      %swap3A_680 = arith.constant 16 : index
      %swap3A_681 = tpu.vector_load %arg7[%swap3A_679, %swap3A_680] {strides = array<i32>} : memref<256x128xf32, #tpu.memory_space<vmem>>, vector<1x16xf32>,
      %swap3A_682 = vector.shape_cast %swap3A_681 : vector<1x16xf32> to vector<16xf32>
      %swap3A_683 = vector.shape_cast %scan3A_668#1 : vector<16xf32> to vector<1x16xf32>
      tpu.vector_store %arg7[%swap3A_679, %swap3A_680], %swap3A_683 {strides = array<i32>} : memref<256x128xf32, #tpu.memory_space<vmem>>, vector<1x16xf32>,
      %add3A_684 = arith.constant 0 : i32
      %add3A_685 = arith.addi %mul3A_646, %add3A_684 : i32
      %swap3A_686 = arith.index_cast %add3A_685 : i32 to index
      %swap3A_687 = arith.constant 32 : index
      %swap3A_688 = tpu.vector_load %arg7[%swap3A_686, %swap3A_687] {strides = array<i32>} : memref<256x128xf32, #tpu.memory_space<vmem>>, vector<1x16xf32>,
      %swap3A_689 = vector.shape_cast %swap3A_688 : vector<1x16xf32> to vector<16xf32>
      %swap3A_690 = vector.shape_cast %scan3A_668#2 : vector<16xf32> to vector<1x16xf32>
      tpu.vector_store %arg7[%swap3A_686, %swap3A_687], %swap3A_690 {strides = array<i32>} : memref<256x128xf32, #tpu.memory_space<vmem>>, vector<1x16xf32>,
      %add3A_691 = arith.constant 0 : i32
      %add3A_692 = arith.addi %mul3A_646, %add3A_691 : i32
      %swap3A_693 = arith.index_cast %add3A_692 : i32 to index
      %swap3A_694 = arith.constant 48 : index
      %swap3A_695 = tpu.vector_load %arg7[%swap3A_693, %swap3A_694] {strides = array<i32>} : memref<256x128xf32, #tpu.memory_space<vmem>>, vector<1x16xf32>,
      %swap3A_696 = vector.shape_cast %swap3A_695 : vector<1x16xf32> to vector<16xf32>
      %swap3A_697 = vector.shape_cast %scan3A_668#3 : vector<16xf32> to vector<1x16xf32>
      tpu.vector_store %arg7[%swap3A_693, %swap3A_694], %swap3A_697 {strides = array<i32>} : memref<256x128xf32, #tpu.memory_space<vmem>>, vector<1x16xf32>,
      %add3A_698 = arith.constant 0 : i32
      %add3A_699 = arith.addi %mul3A_646, %add3A_698 : i32
      %swap3A_700 = arith.index_cast %add3A_699 : i32 to index
      %swap3A_701 = arith.constant 64 : index
      %swap3A_702 = tpu.vector_load %arg7[%swap3A_700, %swap3A_701] {strides = array<i32>} : memref<256x128xf32, #tpu.memory_space<vmem>>, vector<1x16xf32>,
      %swap3A_703 = vector.shape_cast %swap3A_702 : vector<1x16xf32> to vector<16xf32>
      %swap3A_704 = vector.shape_cast %scan3A_668#4 : vector<16xf32> to vector<1x16xf32>
      tpu.vector_store %arg7[%swap3A_700, %swap3A_701], %swap3A_704 {strides = array<i32>} : memref<256x128xf32, #tpu.memory_space<vmem>>, vector<1x16xf32>,
      %add3A_705 = arith.constant 0 : i32
      %add3A_706 = arith.addi %mul3A_646, %add3A_705 : i32
      %swap3A_707 = arith.index_cast %add3A_706 : i32 to index
      %swap3A_708 = arith.constant 80 : index
      %swap3A_709 = tpu.vector_load %arg7[%swap3A_707, %swap3A_708] {strides = array<i32>} : memref<256x128xf32, #tpu.memory_space<vmem>>, vector<1x16xf32>,
      %swap3A_710 = vector.shape_cast %swap3A_709 : vector<1x16xf32> to vector<16xf32>
      %swap3A_711 = vector.shape_cast %scan3A_668#5 : vector<16xf32> to vector<1x16xf32>
      tpu.vector_store %arg7[%swap3A_707, %swap3A_708], %swap3A_711 {strides = array<i32>} : memref<256x128xf32, #tpu.memory_space<vmem>>, vector<1x16xf32>,
      %add3A_712 = arith.constant 0 : i32
      %add3A_713 = arith.addi %mul3A_646, %add3A_712 : i32
      %swap3A_714 = arith.index_cast %add3A_713 : i32 to index
      %swap3A_715 = arith.constant 96 : index
      %swap3A_716 = tpu.vector_load %arg7[%swap3A_714, %swap3A_715] {strides = array<i32>} : memref<256x128xf32, #tpu.memory_space<vmem>>, vector<1x16xf32>,
      %swap3A_717 = vector.shape_cast %swap3A_716 : vector<1x16xf32> to vector<16xf32>
      %swap3A_718 = vector.shape_cast %scan3A_668#6 : vector<16xf32> to vector<1x16xf32>
      tpu.vector_store %arg7[%swap3A_714, %swap3A_715], %swap3A_718 {strides = array<i32>} : memref<256x128xf32, #tpu.memory_space<vmem>>, vector<1x16xf32>,
      %add3A_719 = arith.constant 0 : i32
      %add3A_720 = arith.addi %mul3A_646, %add3A_719 : i32
      %swap3A_721 = arith.index_cast %add3A_720 : i32 to index
      %swap3A_722 = arith.constant 112 : index
      %swap3A_723 = tpu.vector_load %arg7[%swap3A_721, %swap3A_722] {strides = array<i32>} : memref<256x128xf32, #tpu.memory_space<vmem>>, vector<1x16xf32>,
      %swap3A_724 = vector.shape_cast %swap3A_723 : vector<1x16xf32> to vector<16xf32>
      %swap3A_725 = vector.shape_cast %scan3A_668#7 : vector<16xf32> to vector<1x16xf32>
      tpu.vector_store %arg7[%swap3A_721, %swap3A_722], %swap3A_725 {strides = array<i32>} : memref<256x128xf32, #tpu.memory_space<vmem>>, vector<1x16xf32>,
      %broadcast_in_dim3A_726 = arith.constant 0.000000e+00 : f32
      %broadcast_in_dim3A_727 = vector.broadcast %broadcast_in_dim3A_726 : f32 to vector<16xf32>
      %broadcast_in_dim3A_728 = arith.constant 0.000000e+00 : f32
      %broadcast_in_dim3A_729 = vector.broadcast %broadcast_in_dim3A_728 : f32 to vector<16xf32>
      %broadcast_in_dim3A_730 = arith.constant 0.000000e+00 : f32
      %broadcast_in_dim3A_731 = vector.broadcast %broadcast_in_dim3A_730 : f32 to vector<16xf32>
      %broadcast_in_dim3A_732 = arith.constant 0.000000e+00 : f32
      %broadcast_in_dim3A_733 = vector.broadcast %broadcast_in_dim3A_732 : f32 to vector<16xf32>
      %broadcast_in_dim3A_734 = arith.constant 0.000000e+00 : f32
      %broadcast_in_dim3A_735 = vector.broadcast %broadcast_in_dim3A_734 : f32 to vector<16xf32>
      %broadcast_in_dim3A_736 = arith.constant 0.000000e+00 : f32
      %broadcast_in_dim3A_737 = vector.broadcast %broadcast_in_dim3A_736 : f32 to vector<16xf32>
      %broadcast_in_dim3A_738 = arith.constant 0.000000e+00 : f32
      %broadcast_in_dim3A_739 = vector.broadcast %broadcast_in_dim3A_738 : f32 to vector<16xf32>
      %broadcast_in_dim3A_740 = arith.constant 0.000000e+00 : f32
      %broadcast_in_dim3A_741 = vector.broadcast %broadcast_in_dim3A_740 : f32 to vector<16xf32>
      %scan3A_742 = arith.constant 3 : i32
      %scan3A_743 = arith.constant 0 : i32
      %scan3A_744 = arith.constant 25 : i32
      %scan3A_745 = arith.addi %scan3A_743, %scan3A_744 : i32
      %scan3A_746 = arith.constant 1 : i32
      %scan3A_747:8 = scf.for %scan3A_812 = %scan3A_743 to %scan3A_745 step %scan3A_746 iter_args(%scan3A_813 = %broadcast_in_dim3A_727, %scan3A_814 = %broadcast_in_dim3A_729, %scan3A_815 = %broadcast_in_dim3A_731, %scan3A_816 = %broadcast_in_dim3A_733, %scan3A_817 = %broadcast_in_dim3A_735, %scan3A_818 = %broadcast_in_dim3A_737, %scan3A_819 = %broadcast_in_dim3A_739, %scan3A_820 = %broadcast_in_dim3A_741) -> (vector<16xf32>, vector<16xf32>, vector<16xf32>, vector<16xf32>, vector<16xf32>, vector<16xf32>, vector<16xf32>, vector<16xf32>)  : i32 {
        %mul3A_821 = arith.constant 2 : i32
        %mul3A_822 = arith.muli %scan3A_812, %mul3A_821 : i32
        %add3A_823 = arith.constant 50 : i32
        %add3A_824 = arith.addi %add3A_823, %mul3A_822 : i32
        %add3A_825 = arith.constant 0 : i32
        %add3A_826 = arith.addi %add3A_824, %add3A_825 : i32
        %get3A = arith.constant 0 : i32
        %get3A_827 = arith.constant 0 : i32
        %get3A_828 = tpu.memref_slice %arg6[%scan3A_742, %get3A, %get3A_827] : memref<4x100x128xf32, #tpu.memory_space<vmem>> -> memref<1x100x128xf32, #tpu.memory_space<vmem>>
        %get3A_829 = tpu.memref_squeeze %get3A_828 : memref<1x100x128xf32, #tpu.memory_space<vmem>> -> memref<100x128xf32, #tpu.memory_space<vmem>>
        %get3A_830 = arith.index_cast %add3A_826 : i32 to index
        %get3A_831 = arith.constant 0 : index
        %get3A_832 = tpu.vector_load %get3A_829[%get3A_830, %get3A_831] {strides = array<i32>} : memref<100x128xf32, #tpu.memory_space<vmem>>, vector<1x16xf32>,
        %get3A_833 = vector.shape_cast %get3A_832 : vector<1x16xf32> to vector<16xf32>
        %add3A_834 = arith.addf %scan3A_813, %get3A_833 : vector<16xf32>
        %add3A_835 = arith.constant 50 : i32
        %add3A_836 = arith.addi %add3A_835, %mul3A_822 : i32
        %add3A_837 = arith.constant 0 : i32
        %add3A_838 = arith.addi %add3A_836, %add3A_837 : i32
        %get3A_839 = arith.constant 0 : i32
        %get3A_840 = arith.constant 0 : i32
        %get3A_841 = tpu.memref_slice %arg6[%scan3A_742, %get3A_839, %get3A_840] : memref<4x100x128xf32, #tpu.memory_space<vmem>> -> memref<1x100x128xf32, #tpu.memory_space<vmem>>
        %get3A_842 = tpu.memref_squeeze %get3A_841 : memref<1x100x128xf32, #tpu.memory_space<vmem>> -> memref<100x128xf32, #tpu.memory_space<vmem>>
        %get3A_843 = arith.index_cast %add3A_838 : i32 to index
        %get3A_844 = arith.constant 16 : index
        %get3A_845 = tpu.vector_load %get3A_842[%get3A_843, %get3A_844] {strides = array<i32>} : memref<100x128xf32, #tpu.memory_space<vmem>>, vector<1x16xf32>,
        %get3A_846 = vector.shape_cast %get3A_845 : vector<1x16xf32> to vector<16xf32>
        %add3A_847 = arith.addf %scan3A_814, %get3A_846 : vector<16xf32>
        %add3A_848 = arith.constant 50 : i32
        %add3A_849 = arith.addi %add3A_848, %mul3A_822 : i32
        %add3A_850 = arith.constant 0 : i32
        %add3A_851 = arith.addi %add3A_849, %add3A_850 : i32
        %get3A_852 = arith.constant 0 : i32
        %get3A_853 = arith.constant 0 : i32
        %get3A_854 = tpu.memref_slice %arg6[%scan3A_742, %get3A_852, %get3A_853] : memref<4x100x128xf32, #tpu.memory_space<vmem>> -> memref<1x100x128xf32, #tpu.memory_space<vmem>>
        %get3A_855 = tpu.memref_squeeze %get3A_854 : memref<1x100x128xf32, #tpu.memory_space<vmem>> -> memref<100x128xf32, #tpu.memory_space<vmem>>
        %get3A_856 = arith.index_cast %add3A_851 : i32 to index
        %get3A_857 = arith.constant 32 : index
        %get3A_858 = tpu.vector_load %get3A_855[%get3A_856, %get3A_857] {strides = array<i32>} : memref<100x128xf32, #tpu.memory_space<vmem>>, vector<1x16xf32>,
        %get3A_859 = vector.shape_cast %get3A_858 : vector<1x16xf32> to vector<16xf32>
        %add3A_860 = arith.addf %scan3A_815, %get3A_859 : vector<16xf32>
        %add3A_861 = arith.constant 50 : i32
        %add3A_862 = arith.addi %add3A_861, %mul3A_822 : i32
        %add3A_863 = arith.constant 0 : i32
        %add3A_864 = arith.addi %add3A_862, %add3A_863 : i32
        %get3A_865 = arith.constant 0 : i32
        %get3A_866 = arith.constant 0 : i32
        %get3A_867 = tpu.memref_slice %arg6[%scan3A_742, %get3A_865, %get3A_866] : memref<4x100x128xf32, #tpu.memory_space<vmem>> -> memref<1x100x128xf32, #tpu.memory_space<vmem>>
        %get3A_868 = tpu.memref_squeeze %get3A_867 : memref<1x100x128xf32, #tpu.memory_space<vmem>> -> memref<100x128xf32, #tpu.memory_space<vmem>>
        %get3A_869 = arith.index_cast %add3A_864 : i32 to index
        %get3A_870 = arith.constant 48 : index
        %get3A_871 = tpu.vector_load %get3A_868[%get3A_869, %get3A_870] {strides = array<i32>} : memref<100x128xf32, #tpu.memory_space<vmem>>, vector<1x16xf32>,
        %get3A_872 = vector.shape_cast %get3A_871 : vector<1x16xf32> to vector<16xf32>
        %add3A_873 = arith.addf %scan3A_816, %get3A_872 : vector<16xf32>
        %add3A_874 = arith.constant 50 : i32
        %add3A_875 = arith.addi %add3A_874, %mul3A_822 : i32
        %add3A_876 = arith.constant 0 : i32
        %add3A_877 = arith.addi %add3A_875, %add3A_876 : i32
        %get3A_878 = arith.constant 0 : i32
        %get3A_879 = arith.constant 0 : i32
        %get3A_880 = tpu.memref_slice %arg6[%scan3A_742, %get3A_878, %get3A_879] : memref<4x100x128xf32, #tpu.memory_space<vmem>> -> memref<1x100x128xf32, #tpu.memory_space<vmem>>
        %get3A_881 = tpu.memref_squeeze %get3A_880 : memref<1x100x128xf32, #tpu.memory_space<vmem>> -> memref<100x128xf32, #tpu.memory_space<vmem>>
        %get3A_882 = arith.index_cast %add3A_877 : i32 to index
        %get3A_883 = arith.constant 64 : index
        %get3A_884 = tpu.vector_load %get3A_881[%get3A_882, %get3A_883] {strides = array<i32>} : memref<100x128xf32, #tpu.memory_space<vmem>>, vector<1x16xf32>,
        %get3A_885 = vector.shape_cast %get3A_884 : vector<1x16xf32> to vector<16xf32>
        %add3A_886 = arith.addf %scan3A_817, %get3A_885 : vector<16xf32>
        %add3A_887 = arith.constant 50 : i32
        %add3A_888 = arith.addi %add3A_887, %mul3A_822 : i32
        %add3A_889 = arith.constant 0 : i32
        %add3A_890 = arith.addi %add3A_888, %add3A_889 : i32
        %get3A_891 = arith.constant 0 : i32
        %get3A_892 = arith.constant 0 : i32
        %get3A_893 = tpu.memref_slice %arg6[%scan3A_742, %get3A_891, %get3A_892] : memref<4x100x128xf32, #tpu.memory_space<vmem>> -> memref<1x100x128xf32, #tpu.memory_space<vmem>>
        %get3A_894 = tpu.memref_squeeze %get3A_893 : memref<1x100x128xf32, #tpu.memory_space<vmem>> -> memref<100x128xf32, #tpu.memory_space<vmem>>
        %get3A_895 = arith.index_cast %add3A_890 : i32 to index
        %get3A_896 = arith.constant 80 : index
        %get3A_897 = tpu.vector_load %get3A_894[%get3A_895, %get3A_896] {strides = array<i32>} : memref<100x128xf32, #tpu.memory_space<vmem>>, vector<1x16xf32>,
        %get3A_898 = vector.shape_cast %get3A_897 : vector<1x16xf32> to vector<16xf32>
        %add3A_899 = arith.addf %scan3A_818, %get3A_898 : vector<16xf32>
        %add3A_900 = arith.constant 50 : i32
        %add3A_901 = arith.addi %add3A_900, %mul3A_822 : i32
        %add3A_902 = arith.constant 0 : i32
        %add3A_903 = arith.addi %add3A_901, %add3A_902 : i32
        %get3A_904 = arith.constant 0 : i32
        %get3A_905 = arith.constant 0 : i32
        %get3A_906 = tpu.memref_slice %arg6[%scan3A_742, %get3A_904, %get3A_905] : memref<4x100x128xf32, #tpu.memory_space<vmem>> -> memref<1x100x128xf32, #tpu.memory_space<vmem>>
        %get3A_907 = tpu.memref_squeeze %get3A_906 : memref<1x100x128xf32, #tpu.memory_space<vmem>> -> memref<100x128xf32, #tpu.memory_space<vmem>>
        %get3A_908 = arith.index_cast %add3A_903 : i32 to index
        %get3A_909 = arith.constant 96 : index
        %get3A_910 = tpu.vector_load %get3A_907[%get3A_908, %get3A_909] {strides = array<i32>} : memref<100x128xf32, #tpu.memory_space<vmem>>, vector<1x16xf32>,
        %get3A_911 = vector.shape_cast %get3A_910 : vector<1x16xf32> to vector<16xf32>
        %add3A_912 = arith.addf %scan3A_819, %get3A_911 : vector<16xf32>
        %add3A_913 = arith.constant 50 : i32
        %add3A_914 = arith.addi %add3A_913, %mul3A_822 : i32
        %add3A_915 = arith.constant 0 : i32
        %add3A_916 = arith.addi %add3A_914, %add3A_915 : i32
        %get3A_917 = arith.constant 0 : i32
        %get3A_918 = arith.constant 0 : i32
        %get3A_919 = tpu.memref_slice %arg6[%scan3A_742, %get3A_917, %get3A_918] : memref<4x100x128xf32, #tpu.memory_space<vmem>> -> memref<1x100x128xf32, #tpu.memory_space<vmem>>
        %get3A_920 = tpu.memref_squeeze %get3A_919 : memref<1x100x128xf32, #tpu.memory_space<vmem>> -> memref<100x128xf32, #tpu.memory_space<vmem>>
        %get3A_921 = arith.index_cast %add3A_916 : i32 to index
        %get3A_922 = arith.constant 112 : index
        %get3A_923 = tpu.vector_load %get3A_920[%get3A_921, %get3A_922] {strides = array<i32>} : memref<100x128xf32, #tpu.memory_space<vmem>>, vector<1x16xf32>,
        %get3A_924 = vector.shape_cast %get3A_923 : vector<1x16xf32> to vector<16xf32>
        %add3A_925 = arith.addf %scan3A_820, %get3A_924 : vector<16xf32>
        %add3A_926 = arith.constant 50 : i32
        %add3A_927 = arith.addi %add3A_926, %mul3A_822 : i32
        %add3A_928 = arith.constant 1 : i32
        %add3A_929 = arith.addi %add3A_927, %add3A_928 : i32
        %get3A_930 = arith.constant 0 : i32
        %get3A_931 = arith.constant 0 : i32
        %get3A_932 = tpu.memref_slice %arg6[%scan3A_742, %get3A_930, %get3A_931] : memref<4x100x128xf32, #tpu.memory_space<vmem>> -> memref<1x100x128xf32, #tpu.memory_space<vmem>>
        %get3A_933 = tpu.memref_squeeze %get3A_932 : memref<1x100x128xf32, #tpu.memory_space<vmem>> -> memref<100x128xf32, #tpu.memory_space<vmem>>
        %get3A_934 = arith.index_cast %add3A_929 : i32 to index
        %get3A_935 = arith.constant 0 : index
        %get3A_936 = tpu.vector_load %get3A_933[%get3A_934, %get3A_935] {strides = array<i32>} : memref<100x128xf32, #tpu.memory_space<vmem>>, vector<1x16xf32>,
        %get3A_937 = vector.shape_cast %get3A_936 : vector<1x16xf32> to vector<16xf32>
        %add3A_938 = arith.addf %add3A_834, %get3A_937 : vector<16xf32>
        %add3A_939 = arith.constant 50 : i32
        %add3A_940 = arith.addi %add3A_939, %mul3A_822 : i32
        %add3A_941 = arith.constant 1 : i32
        %add3A_942 = arith.addi %add3A_940, %add3A_941 : i32
        %get3A_943 = arith.constant 0 : i32
        %get3A_944 = arith.constant 0 : i32
        %get3A_945 = tpu.memref_slice %arg6[%scan3A_742, %get3A_943, %get3A_944] : memref<4x100x128xf32, #tpu.memory_space<vmem>> -> memref<1x100x128xf32, #tpu.memory_space<vmem>>
        %get3A_946 = tpu.memref_squeeze %get3A_945 : memref<1x100x128xf32, #tpu.memory_space<vmem>> -> memref<100x128xf32, #tpu.memory_space<vmem>>
        %get3A_947 = arith.index_cast %add3A_942 : i32 to index
        %get3A_948 = arith.constant 16 : index
        %get3A_949 = tpu.vector_load %get3A_946[%get3A_947, %get3A_948] {strides = array<i32>} : memref<100x128xf32, #tpu.memory_space<vmem>>, vector<1x16xf32>,
        %get3A_950 = vector.shape_cast %get3A_949 : vector<1x16xf32> to vector<16xf32>
        %add3A_951 = arith.addf %add3A_847, %get3A_950 : vector<16xf32>
        %add3A_952 = arith.constant 50 : i32
        %add3A_953 = arith.addi %add3A_952, %mul3A_822 : i32
        %add3A_954 = arith.constant 1 : i32
        %add3A_955 = arith.addi %add3A_953, %add3A_954 : i32
        %get3A_956 = arith.constant 0 : i32
        %get3A_957 = arith.constant 0 : i32
        %get3A_958 = tpu.memref_slice %arg6[%scan3A_742, %get3A_956, %get3A_957] : memref<4x100x128xf32, #tpu.memory_space<vmem>> -> memref<1x100x128xf32, #tpu.memory_space<vmem>>
        %get3A_959 = tpu.memref_squeeze %get3A_958 : memref<1x100x128xf32, #tpu.memory_space<vmem>> -> memref<100x128xf32, #tpu.memory_space<vmem>>
        %get3A_960 = arith.index_cast %add3A_955 : i32 to index
        %get3A_961 = arith.constant 32 : index
        %get3A_962 = tpu.vector_load %get3A_959[%get3A_960, %get3A_961] {strides = array<i32>} : memref<100x128xf32, #tpu.memory_space<vmem>>, vector<1x16xf32>,
        %get3A_963 = vector.shape_cast %get3A_962 : vector<1x16xf32> to vector<16xf32>
        %add3A_964 = arith.addf %add3A_860, %get3A_963 : vector<16xf32>
        %add3A_965 = arith.constant 50 : i32
        %add3A_966 = arith.addi %add3A_965, %mul3A_822 : i32
        %add3A_967 = arith.constant 1 : i32
        %add3A_968 = arith.addi %add3A_966, %add3A_967 : i32
        %get3A_969 = arith.constant 0 : i32
        %get3A_970 = arith.constant 0 : i32
        %get3A_971 = tpu.memref_slice %arg6[%scan3A_742, %get3A_969, %get3A_970] : memref<4x100x128xf32, #tpu.memory_space<vmem>> -> memref<1x100x128xf32, #tpu.memory_space<vmem>>
        %get3A_972 = tpu.memref_squeeze %get3A_971 : memref<1x100x128xf32, #tpu.memory_space<vmem>> -> memref<100x128xf32, #tpu.memory_space<vmem>>
        %get3A_973 = arith.index_cast %add3A_968 : i32 to index
        %get3A_974 = arith.constant 48 : index
        %get3A_975 = tpu.vector_load %get3A_972[%get3A_973, %get3A_974] {strides = array<i32>} : memref<100x128xf32, #tpu.memory_space<vmem>>, vector<1x16xf32>,
        %get3A_976 = vector.shape_cast %get3A_975 : vector<1x16xf32> to vector<16xf32>
        %add3A_977 = arith.addf %add3A_873, %get3A_976 : vector<16xf32>
        %add3A_978 = arith.constant 50 : i32
        %add3A_979 = arith.addi %add3A_978, %mul3A_822 : i32
        %add3A_980 = arith.constant 1 : i32
        %add3A_981 = arith.addi %add3A_979, %add3A_980 : i32
        %get3A_982 = arith.constant 0 : i32
        %get3A_983 = arith.constant 0 : i32
        %get3A_984 = tpu.memref_slice %arg6[%scan3A_742, %get3A_982, %get3A_983] : memref<4x100x128xf32, #tpu.memory_space<vmem>> -> memref<1x100x128xf32, #tpu.memory_space<vmem>>
        %get3A_985 = tpu.memref_squeeze %get3A_984 : memref<1x100x128xf32, #tpu.memory_space<vmem>> -> memref<100x128xf32, #tpu.memory_space<vmem>>
        %get3A_986 = arith.index_cast %add3A_981 : i32 to index
        %get3A_987 = arith.constant 64 : index
        %get3A_988 = tpu.vector_load %get3A_985[%get3A_986, %get3A_987] {strides = array<i32>} : memref<100x128xf32, #tpu.memory_space<vmem>>, vector<1x16xf32>,
        %get3A_989 = vector.shape_cast %get3A_988 : vector<1x16xf32> to vector<16xf32>
        %add3A_990 = arith.addf %add3A_886, %get3A_989 : vector<16xf32>
        %add3A_991 = arith.constant 50 : i32
        %add3A_992 = arith.addi %add3A_991, %mul3A_822 : i32
        %add3A_993 = arith.constant 1 : i32
        %add3A_994 = arith.addi %add3A_992, %add3A_993 : i32
        %get3A_995 = arith.constant 0 : i32
        %get3A_996 = arith.constant 0 : i32
        %get3A_997 = tpu.memref_slice %arg6[%scan3A_742, %get3A_995, %get3A_996] : memref<4x100x128xf32, #tpu.memory_space<vmem>> -> memref<1x100x128xf32, #tpu.memory_space<vmem>>
        %get3A_998 = tpu.memref_squeeze %get3A_997 : memref<1x100x128xf32, #tpu.memory_space<vmem>> -> memref<100x128xf32, #tpu.memory_space<vmem>>
        %get3A_999 = arith.index_cast %add3A_994 : i32 to index
        %get3A_1000 = arith.constant 80 : index
        %get3A_1001 = tpu.vector_load %get3A_998[%get3A_999, %get3A_1000] {strides = array<i32>} : memref<100x128xf32, #tpu.memory_space<vmem>>, vector<1x16xf32>,
        %get3A_1002 = vector.shape_cast %get3A_1001 : vector<1x16xf32> to vector<16xf32>
        %add3A_1003 = arith.addf %add3A_899, %get3A_1002 : vector<16xf32>
        %add3A_1004 = arith.constant 50 : i32
        %add3A_1005 = arith.addi %add3A_1004, %mul3A_822 : i32
        %add3A_1006 = arith.constant 1 : i32
        %add3A_1007 = arith.addi %add3A_1005, %add3A_1006 : i32
        %get3A_1008 = arith.constant 0 : i32
        %get3A_1009 = arith.constant 0 : i32
        %get3A_1010 = tpu.memref_slice %arg6[%scan3A_742, %get3A_1008, %get3A_1009] : memref<4x100x128xf32, #tpu.memory_space<vmem>> -> memref<1x100x128xf32, #tpu.memory_space<vmem>>
        %get3A_1011 = tpu.memref_squeeze %get3A_1010 : memref<1x100x128xf32, #tpu.memory_space<vmem>> -> memref<100x128xf32, #tpu.memory_space<vmem>>
        %get3A_1012 = arith.index_cast %add3A_1007 : i32 to index
        %get3A_1013 = arith.constant 96 : index
        %get3A_1014 = tpu.vector_load %get3A_1011[%get3A_1012, %get3A_1013] {strides = array<i32>} : memref<100x128xf32, #tpu.memory_space<vmem>>, vector<1x16xf32>,
        %get3A_1015 = vector.shape_cast %get3A_1014 : vector<1x16xf32> to vector<16xf32>
        %add3A_1016 = arith.addf %add3A_912, %get3A_1015 : vector<16xf32>
        %add3A_1017 = arith.constant 50 : i32
        %add3A_1018 = arith.addi %add3A_1017, %mul3A_822 : i32
        %add3A_1019 = arith.constant 1 : i32
        %add3A_1020 = arith.addi %add3A_1018, %add3A_1019 : i32
        %get3A_1021 = arith.constant 0 : i32
        %get3A_1022 = arith.constant 0 : i32
        %get3A_1023 = tpu.memref_slice %arg6[%scan3A_742, %get3A_1021, %get3A_1022] : memref<4x100x128xf32, #tpu.memory_space<vmem>> -> memref<1x100x128xf32, #tpu.memory_space<vmem>>
        %get3A_1024 = tpu.memref_squeeze %get3A_1023 : memref<1x100x128xf32, #tpu.memory_space<vmem>> -> memref<100x128xf32, #tpu.memory_space<vmem>>
        %get3A_1025 = arith.index_cast %add3A_1020 : i32 to index
        %get3A_1026 = arith.constant 112 : index
        %get3A_1027 = tpu.vector_load %get3A_1024[%get3A_1025, %get3A_1026] {strides = array<i32>} : memref<100x128xf32, #tpu.memory_space<vmem>>, vector<1x16xf32>,
        %get3A_1028 = vector.shape_cast %get3A_1027 : vector<1x16xf32> to vector<16xf32>
        %add3A_1029 = arith.addf %add3A_925, %get3A_1028 : vector<16xf32>
        scf.yield %add3A_938, %add3A_951, %add3A_964, %add3A_977, %add3A_990, %add3A_1003, %add3A_1016, %add3A_1029 : vector<16xf32>, vector<16xf32>, vector<16xf32>, vector<16xf32>, vector<16xf32>, vector<16xf32>, vector<16xf32>, vector<16xf32>
      }
      %scan3A_748 = arith.constant 25 : i32
      %add3A_749 = arith.constant 1 : i32
      %add3A_750 = arith.addi %mul3A_646, %add3A_749 : i32
      %swap3A_751 = arith.index_cast %add3A_750 : i32 to index
      %swap3A_752 = arith.constant 0 : index
      %swap3A_753 = tpu.vector_load %arg7[%swap3A_751, %swap3A_752] {strides = array<i32>} : memref<256x128xf32, #tpu.memory_space<vmem>>, vector<1x16xf32>,
      %swap3A_754 = vector.shape_cast %swap3A_753 : vector<1x16xf32> to vector<16xf32>
      %swap3A_755 = vector.shape_cast %scan3A_747#0 : vector<16xf32> to vector<1x16xf32>
      tpu.vector_store %arg7[%swap3A_751, %swap3A_752], %swap3A_755 {strides = array<i32>} : memref<256x128xf32, #tpu.memory_space<vmem>>, vector<1x16xf32>,
      %add3A_756 = arith.constant 1 : i32
      %add3A_757 = arith.addi %mul3A_646, %add3A_756 : i32
      %swap3A_758 = arith.index_cast %add3A_757 : i32 to index
      %swap3A_759 = arith.constant 16 : index
      %swap3A_760 = tpu.vector_load %arg7[%swap3A_758, %swap3A_759] {strides = array<i32>} : memref<256x128xf32, #tpu.memory_space<vmem>>, vector<1x16xf32>,
      %swap3A_761 = vector.shape_cast %swap3A_760 : vector<1x16xf32> to vector<16xf32>
      %swap3A_762 = vector.shape_cast %scan3A_747#1 : vector<16xf32> to vector<1x16xf32>
      tpu.vector_store %arg7[%swap3A_758, %swap3A_759], %swap3A_762 {strides = array<i32>} : memref<256x128xf32, #tpu.memory_space<vmem>>, vector<1x16xf32>,
      %add3A_763 = arith.constant 1 : i32
      %add3A_764 = arith.addi %mul3A_646, %add3A_763 : i32
      %swap3A_765 = arith.index_cast %add3A_764 : i32 to index
      %swap3A_766 = arith.constant 32 : index
      %swap3A_767 = tpu.vector_load %arg7[%swap3A_765, %swap3A_766] {strides = array<i32>} : memref<256x128xf32, #tpu.memory_space<vmem>>, vector<1x16xf32>,
      %swap3A_768 = vector.shape_cast %swap3A_767 : vector<1x16xf32> to vector<16xf32>
      %swap3A_769 = vector.shape_cast %scan3A_747#2 : vector<16xf32> to vector<1x16xf32>
      tpu.vector_store %arg7[%swap3A_765, %swap3A_766], %swap3A_769 {strides = array<i32>} : memref<256x128xf32, #tpu.memory_space<vmem>>, vector<1x16xf32>,
      %add3A_770 = arith.constant 1 : i32
      %add3A_771 = arith.addi %mul3A_646, %add3A_770 : i32
      %swap3A_772 = arith.index_cast %add3A_771 : i32 to index
      %swap3A_773 = arith.constant 48 : index
      %swap3A_774 = tpu.vector_load %arg7[%swap3A_772, %swap3A_773] {strides = array<i32>} : memref<256x128xf32, #tpu.memory_space<vmem>>, vector<1x16xf32>,
      %swap3A_775 = vector.shape_cast %swap3A_774 : vector<1x16xf32> to vector<16xf32>
      %swap3A_776 = vector.shape_cast %scan3A_747#3 : vector<16xf32> to vector<1x16xf32>
      tpu.vector_store %arg7[%swap3A_772, %swap3A_773], %swap3A_776 {strides = array<i32>} : memref<256x128xf32, #tpu.memory_space<vmem>>, vector<1x16xf32>,
      %add3A_777 = arith.constant 1 : i32
      %add3A_778 = arith.addi %mul3A_646, %add3A_777 : i32
      %swap3A_779 = arith.index_cast %add3A_778 : i32 to index
      %swap3A_780 = arith.constant 64 : index
      %swap3A_781 = tpu.vector_load %arg7[%swap3A_779, %swap3A_780] {strides = array<i32>} : memref<256x128xf32, #tpu.memory_space<vmem>>, vector<1x16xf32>,
      %swap3A_782 = vector.shape_cast %swap3A_781 : vector<1x16xf32> to vector<16xf32>
      %swap3A_783 = vector.shape_cast %scan3A_747#4 : vector<16xf32> to vector<1x16xf32>
      tpu.vector_store %arg7[%swap3A_779, %swap3A_780], %swap3A_783 {strides = array<i32>} : memref<256x128xf32, #tpu.memory_space<vmem>>, vector<1x16xf32>,
      %add3A_784 = arith.constant 1 : i32
      %add3A_785 = arith.addi %mul3A_646, %add3A_784 : i32
      %swap3A_786 = arith.index_cast %add3A_785 : i32 to index
      %swap3A_787 = arith.constant 80 : index
      %swap3A_788 = tpu.vector_load %arg7[%swap3A_786, %swap3A_787] {strides = array<i32>} : memref<256x128xf32, #tpu.memory_space<vmem>>, vector<1x16xf32>,
      %swap3A_789 = vector.shape_cast %swap3A_788 : vector<1x16xf32> to vector<16xf32>
      %swap3A_790 = vector.shape_cast %scan3A_747#5 : vector<16xf32> to vector<1x16xf32>
      tpu.vector_store %arg7[%swap3A_786, %swap3A_787], %swap3A_790 {strides = array<i32>} : memref<256x128xf32, #tpu.memory_space<vmem>>, vector<1x16xf32>,
      %add3A_791 = arith.constant 1 : i32
      %add3A_792 = arith.addi %mul3A_646, %add3A_791 : i32
      %swap3A_793 = arith.index_cast %add3A_792 : i32 to index
      %swap3A_794 = arith.constant 96 : index
      %swap3A_795 = tpu.vector_load %arg7[%swap3A_793, %swap3A_794] {strides = array<i32>} : memref<256x128xf32, #tpu.memory_space<vmem>>, vector<1x16xf32>,
      %swap3A_796 = vector.shape_cast %swap3A_795 : vector<1x16xf32> to vector<16xf32>
      %swap3A_797 = vector.shape_cast %scan3A_747#6 : vector<16xf32> to vector<1x16xf32>
      tpu.vector_store %arg7[%swap3A_793, %swap3A_794], %swap3A_797 {strides = array<i32>} : memref<256x128xf32, #tpu.memory_space<vmem>>, vector<1x16xf32>,
      %add3A_798 = arith.constant 1 : i32
      %add3A_799 = arith.addi %mul3A_646, %add3A_798 : i32
      %swap3A_800 = arith.index_cast %add3A_799 : i32 to index
      %swap3A_801 = arith.constant 112 : index
      %swap3A_802 = tpu.vector_load %arg7[%swap3A_800, %swap3A_801] {strides = array<i32>} : memref<256x128xf32, #tpu.memory_space<vmem>>, vector<1x16xf32>,
      %swap3A_803 = vector.shape_cast %swap3A_802 : vector<1x16xf32> to vector<16xf32>
      %swap3A_804 = vector.shape_cast %scan3A_747#7 : vector<16xf32> to vector<1x16xf32>
      tpu.vector_store %arg7[%swap3A_800, %swap3A_801], %swap3A_804 {strides = array<i32>} : memref<256x128xf32, #tpu.memory_space<vmem>>, vector<1x16xf32>,
      %add3A_805 = arith.constant 4 : i32
      %add3A_806 = arith.addi %add3A_629, %add3A_805 : i32
      %lt3A_807 = arith.constant 256 : i32
      %lt3A_808 = arith.cmpi slt, %add3A_806, %lt3A_807 : i32
      %convert_element_type3A_809 = arith.extui %lt3A_808 : i1 to i32
      %cond3A_810 = arith.constant 0 : i32
      %cond3A_811 = arith.cmpi ne, %convert_element_type3A_809, %cond3A_810 : i32
      scf.if %cond3A_811 {
        %add3A_812 = arith.constant 4 : i32
        %add3A_813 = arith.addi %add3A_629, %add3A_812 : i32
        %dma_start3A_814 = arith.constant 3 : i32
        %dma_start3A_815 = arith.constant 0 : i32
        %dma_start3A_816 = arith.constant 0 : i32
        %dma_start3A_817 = tpu.memref_slice %arg6[%dma_start3A_814, %dma_start3A_815, %dma_start3A_816] : memref<4x100x128xf32, #tpu.memory_space<vmem>> -> memref<1x100x128xf32, #tpu.memory_space<vmem>>
        %dma_start3A_818 = tpu.memref_squeeze %dma_start3A_817 : memref<1x100x128xf32, #tpu.memory_space<vmem>> -> memref<100x128xf32, #tpu.memory_space<vmem>>
        %dma_start3A_819 = arith.constant 0 : i32
        %dma_start3A_820 = tpu.memref_slice %arg5[%add3A_813, %dma_start3A_819] : memref<256x100xi32, #tpu.memory_space<vmem>> -> memref<1x100xi32, #tpu.memory_space<vmem>>
        %dma_start3A_821 = tpu.memref_squeeze %dma_start3A_820 : memref<1x100xi32, #tpu.memory_space<vmem>> -> memref<100xi32, #tpu.memory_space<vmem>>
        %dma_start3A_822 = arith.constant 0 : i32
        %dma_start3A_823 = arith.constant 0 : i32
        %dma_start3A_824 = tpu.memref_slice %arg3[%dma_start3A_822, %dma_start3A_823] : memref<1000000x128xf32, #tpu.memory_space<hbm>> -> memref<1000000x128xf32, #tpu.memory_space<hbm>>
        tpu.enqueue_indirect_dma source(%dma_start3A_824 : memref<1000000x128xf32, #tpu.memory_space<hbm>>) target(%dma_start3A_818 : memref<100x128xf32, #tpu.memory_space<vmem>>) offsets(%dma_start3A_821 : memref<100xi32, #tpu.memory_space<vmem>>) semaphore(%arg11 : memref<!tpu.dma_semaphore, #tpu.memory_space<semaphore_mem>>)
      } else {
      }
    }
    %scan3A_62 = arith.constant 32 : i32
    %add3A_63 = arith.constant 256 : i32
    %add3A_64 = arith.addi %mul3A_2, %add3A_63 : i32
    "tpu.region"() ({
      %run_scoped3A = tpu.sem_alloc : memref<!tpu.dma_semaphore, #tpu.memory_space<semaphore_mem>>
      %dma_start3A_65 = arith.constant 0 : i32
      %dma_start3A_66 = tpu.memref_slice %arg4[%add3A_64, %dma_start3A_65] : memref<16384x128xf32, #tpu.memory_space<hbm>> -> memref<256x128xf32, #tpu.memory_space<hbm>>
      %dma_start3A_67 = arith.constant 0 : i32
      %dma_start3A_68 = tpu.memref_slice %arg4[%add3A_64, %dma_start3A_67] : memref<16384x128xf32, #tpu.memory_space<hbm>> -> memref<256x128xf32, #tpu.memory_space<hbm>>
      tpu.enqueue_dma source(%arg7 : memref<256x128xf32, #tpu.memory_space<vmem>>) target(%dma_start3A_68 : memref<256x128xf32, #tpu.memory_space<hbm>>) target_semaphore(%run_scoped3A : memref<!tpu.dma_semaphore, #tpu.memory_space<semaphore_mem>>)
      %dma_wait3A = arith.constant 0 : i32
      %dma_wait3A_69 = tpu.memref_slice %arg4[%add3A_64, %dma_wait3A] : memref<16384x128xf32, #tpu.memory_space<hbm>> -> memref<256x128xf32, #tpu.memory_space<hbm>>
      %dma_wait3A_70 = arith.constant 0 : i32
      %dma_wait3A_71 = tpu.memref_slice %arg4[%add3A_64, %dma_wait3A_70] : memref<16384x128xf32, #tpu.memory_space<hbm>> -> memref<256x128xf32, #tpu.memory_space<hbm>>
      tpu.wait_dma2 semaphore(%run_scoped3A : memref<!tpu.dma_semaphore, #tpu.memory_space<semaphore_mem>>) src(%arg7 : memref<256x128xf32, #tpu.memory_space<vmem>>) dst(%dma_wait3A_71 : memref<256x128xf32, #tpu.memory_space<hbm>>)
      tpu.yield
    }) : () -> ()
    return
  }
}

module attributes {stable_mosaic.version = 14 : i64} {
  func.func @_mlp_body(%arg0: i32, %arg1: memref<2048x128xf32, #tpu.memory_space<vmem>>, %arg2: memref<128x128xf32, #tpu.memory_space<vmem>>, %arg3: memref<1x128xf32, #tpu.memory_space<vmem>>, %arg4: memref<128x128xf32, #tpu.memory_space<vmem>>, %arg5: memref<1x128xf32, #tpu.memory_space<vmem>>, %arg6: memref<2048x128xf32, #tpu.memory_space<vmem>>) attributes {dimension_semantics = [#tpu.dimension_semantics<arbitrary>], iteration_bounds = array<i64: 8>, scalar_prefetch = 0 : i64, scratch_operands = 0 : i64, tpu.core_type = #tpu.core_type<tc>, window_params = [{transform_indices = @transform_0, window_bounds = array<i64: 2048, 128>}, {pipeline_mode = #tpu.pipeline_mode<synchronous>, transform_indices = @transform_1, window_bounds = array<i64: 128, 128>}, {pipeline_mode = #tpu.pipeline_mode<synchronous>, transform_indices = @transform_2, window_bounds = array<i64: 1, 128>}, {pipeline_mode = #tpu.pipeline_mode<synchronous>, transform_indices = @transform_3, window_bounds = array<i64: 128, 128>}, {pipeline_mode = #tpu.pipeline_mode<synchronous>, transform_indices = @transform_4, window_bounds = array<i64: 1, 128>}, {transform_indices = @transform_5, window_bounds = array<i64: 2048, 128>}]} {
    %get3A = arith.constant 0 : index
    %get3A_0 = arith.constant 0 : index
    %get3A_1 = vector.load %arg1[%get3A, %get3A_0] : memref<2048x128xf32, #tpu.memory_space<vmem>>, vector<2048x128xf32>
    %get3A_2 = arith.constant 0 : index
    %get3A_3 = arith.constant 0 : index
    %get3A_4 = vector.load %arg2[%get3A_2, %get3A_3] : memref<128x128xf32, #tpu.memory_space<vmem>>, vector<128x128xf32>
    %dot_general3A = arith.constant dense<0.000000e+00> : vector<2048x128xf32>
    %dot_general3A_5 = tpu.matmul %get3A_1, %get3A_4, %dot_general3A {dimension_numbers = #tpu.dot_dimension_numbers<[1], [1], [0], [0], [0, 0, 1, 0], [], []>, transpose_lhs_hint = false} : vector<2048x128xf32>, vector<128x128xf32>, vector<2048x128xf32> -> vector<2048x128xf32>
    %get3A_6 = arith.constant 0 : index
    %get3A_7 = arith.constant 0 : index
    %get3A_8 = vector.load %arg3[%get3A_6, %get3A_7] : memref<1x128xf32, #tpu.memory_space<vmem>>, vector<1x128xf32>
    %add3A = vector.broadcast %get3A_8 : vector<1x128xf32> to vector<2048x128xf32>
    %add3A_9 = arith.addf %dot_general3A_5, %add3A : vector<2048x128xf32>
    %max3A = arith.constant 0.000000e+00 : f32
    %max3A_10 = vector.broadcast %max3A : f32 to vector<2048x128xf32>
    %max3A_11 = arith.maximumf %add3A_9, %max3A_10 : vector<2048x128xf32>
    %get3A_12 = arith.constant 0 : index
    %get3A_13 = arith.constant 0 : index
    %get3A_14 = vector.load %arg4[%get3A_12, %get3A_13] : memref<128x128xf32, #tpu.memory_space<vmem>>, vector<128x128xf32>
    %dot_general3A_15 = arith.constant dense<0.000000e+00> : vector<2048x128xf32>
    %dot_general3A_16 = tpu.matmul %max3A_11, %get3A_14, %dot_general3A_15 {dimension_numbers = #tpu.dot_dimension_numbers<[1], [1], [0], [0], [0, 0, 1, 0], [], []>, transpose_lhs_hint = false} : vector<2048x128xf32>, vector<128x128xf32>, vector<2048x128xf32> -> vector<2048x128xf32>
    %get3A_17 = arith.constant 0 : index
    %get3A_18 = arith.constant 0 : index
    %get3A_19 = vector.load %arg5[%get3A_17, %get3A_18] : memref<1x128xf32, #tpu.memory_space<vmem>>, vector<1x128xf32>
    %add3A_20 = vector.broadcast %get3A_19 : vector<1x128xf32> to vector<2048x128xf32>
    %add3A_21 = arith.addf %dot_general3A_16, %add3A_20 : vector<2048x128xf32>
    %swap3A = arith.constant 0 : index
    %swap3A_22 = arith.constant 0 : index
    %swap3A_23 = vector.load %arg6[%swap3A, %swap3A_22] : memref<2048x128xf32, #tpu.memory_space<vmem>>, vector<2048x128xf32>
    tpu.vector_store %arg6[%swap3A, %swap3A_22], %add3A_21 {strides = array<i32>} : memref<2048x128xf32, #tpu.memory_space<vmem>>, vector<2048x128xf32>,
    return
  }
  func.func @transform_0(%arg0: i32) -> (i32, i32) {
    %c0_i32 = arith.constant 0 : i32
    %c0_i32_0 = arith.constant 0 : i32
    return %arg0, %c0_i32 : i32, i32
  }
  func.func @transform_1(%arg0: i32) -> (i32, i32) {
    %c0_i32 = arith.constant 0 : i32
    %c0_i32_0 = arith.constant 0 : i32
    %c0_i32_1 = arith.constant 0 : i32
    return %c0_i32, %c0_i32_0 : i32, i32
  }
  func.func @transform_2(%arg0: i32) -> (i32, i32) {
    %c0_i32 = arith.constant 0 : i32
    %c0_i32_0 = arith.constant 0 : i32
    %c0_i32_1 = arith.constant 0 : i32
    return %c0_i32, %c0_i32_0 : i32, i32
  }
  func.func @transform_3(%arg0: i32) -> (i32, i32) {
    %c0_i32 = arith.constant 0 : i32
    %c0_i32_0 = arith.constant 0 : i32
    %c0_i32_1 = arith.constant 0 : i32
    return %c0_i32, %c0_i32_0 : i32, i32
  }
  func.func @transform_4(%arg0: i32) -> (i32, i32) {
    %c0_i32 = arith.constant 0 : i32
    %c0_i32_0 = arith.constant 0 : i32
    %c0_i32_1 = arith.constant 0 : i32
    return %c0_i32, %c0_i32_0 : i32, i32
  }
  func.func @transform_5(%arg0: i32) -> (i32, i32) {
    %c0_i32 = arith.constant 0 : i32
    %c0_i32_0 = arith.constant 0 : i32
    return %arg0, %c0_i32 : i32, i32
  }
}

</mosaic_0001>

<sc_bundles>
// kernel: kernel.4.cloned.1.call-start
scs
__scs_entry_jumppad:
0x0: {  	(pc) =	sbr.rel $0x88, $3  }
0x1: {  	(tag) =	ssettag $0x0;
	lr =	simm.s32 $0x1  }
0x2: {  	[smem:$0x3F9B] =	sst lr;
	_ =	strace $0xD0000000  }
0x3: {  	_ = 	snop  }
0x4: {  	_ = 	snop  }
0x5: {  	_ = 	snop  }
0x6: {  	_ = 	snop  }
0x7: {  	_ = 	snop  }
__scs_overlays_trampoline_lowered:
0x8: {  	[smem:$0x3FAA] =	sst s0  }
0x9: {  	[smem:$0x3FAB] =	sst s1  }
0xa: {  	[smem:$0x3FAC] =	sst s2  }
0xb: {  	[smem:$0x3FAD] =	sst s3  }
0xc: {  	[smem:$0x3FAE] =	sst s4  }
0xd: {  	[smem:$0x3FAF] =	sst s5  }
0xe: {  	[smem:$0x3FB0] =	sst s6  }
0xf: {  	[smem:$0x3FB1] =	sst s7  }
0x10: {  	[smem:$0x3FB2] =	sst s8  }
0x11: {  	[smem:$0x3FB3] =	sst s9;
	s0 =	simm.s32 @!p0 $0x0  }
0x12: {  	s1 =	sld [smem:$0x3F99];
	s0 =	simm.s32 @p0 $0x1  }
0x13: {  	[smem:$0x3FB4] =	sst s0;
	s0 =	simm.s32 @!p1 $0x0  }
0x14: {  	s2 =	sld [smem:$0x3F98];
	s0 =	simm.s32 @p1 $0x1  }
0x15: {  	[smem:$0x3FB5] =	sst s0;
	s0 =	simm.s32 @!p2 $0x0  }
0x16: {  	s3 =	sld [smem:$0x3FDB];
	s0 =	simm.s32 @p2 $0x1  }
0x17: {  	s4 =	simm.s32 $0x1BF5;
	[smem:$0x3FB7] =	sst s0  }
0x18: {  	s0 =	sld [smem:$0x3F9A];
	_ =	swait.ge [sflag:s4], $0x0  }
0x19: {  	s7 =	sld [smem:$0x3F9B]  }
0x1a: {  	s8 =	sadd.s32 $0xFFFFE003, lr  }
0x1b: {  	s9 =	sadd.s32 $0xFFFFFEF7, lr;
	s5 =	simm.s32 $0xFFFFFFFF;
	p2 =	slt.u32 s8, $0xFFFFF086  }
0x1c: {  	p1 =	slt.u32 s9, $0xF7A;
	s5 =	simm.s32 @!p2 $0x0  }
0x1d: {  	s5 =	simm.s32 @p1 $0x1;
	p0 =	seq.s32 s7, s2  }
0x1e: {  	s7 =	smul.u32 @!p0 $0xF7A, s2;
	p2 =	seq.s32 @!p0 s5, $0x0  }
0x1f: {  	s9 =	smul.u32 $0xF7A, s1;
	s8 =	simm.s32 @!p0 $0x1BF5;
	p2 =	por !p2, p0  }
0x20: {  	[sflag:s8] =	ssyncset.s32 @!p0 $0xFFFFF086;
	s6 =	sadd.s32 @!p0 s3, s7;
	s7 =	simm.s32 @!p0 $0x108  }
0x21: {  	s3 =	sadd.s32 s3, s9;
	s6 =	sadd.s32 @!p0 $0x88, s6;
	s7 =	simm.s32 @p2 $0x1082  }
0x22: {  	[simem:s7], [sflag:s8] =	dma.local @!p0 [hbm:s6], $0xF7A  }
0x23: {  	s9 =	sor.u32 $0xD0000000, s2;
	s6 =	simm.s32 $0x108;
	_ =	swait.ge @!p0 [sflag:s8], $0x0  }
0x24: {  	s3 =	sadd.s32 $0x88, s3;
	s6 =	simm.s32 @!p1 $0x1082;
	[sflag:s4] =	ssyncset.s32 $0xFFFFF086  }
0x25: {  	[simem:s6], [sflag:s4] =	dma.local [hbm:s3], $0xF7A  }
0x26: {  	[smem:$0x3F9B] =	sst s1;
	(tag) =	ssettag s2;
	_ =	strace s9  }
0x27: {  	s1 =	sld [smem:$0x3FAB]  }
0x28: {  	s2 =	sld [smem:$0x3FAC]  }
0x29: {  	s4 =	sld [smem:$0x3FAE]  }
0x2a: {  	p0 =	seq.s32 s5, $0x0;
	s5 =	sld [smem:$0x3FAF]  }
0x2b: {  	s6 =	sld [smem:$0x3FB0]  }
0x2c: {  	s7 =	sld [smem:$0x3FB1]  }
0x2d: {  	s3 =	simm.s32 $0x108;
	s8 =	sld [smem:$0x3FB2]  }
0x2e: {  	s3 =	simm.s32 @!p0 $0x1082;
	s9 =	sld [smem:$0x3FB3]  }
0x2f: {  	lr =	sadd.s32 s0, s3;
	s0 =	sld [smem:$0x3FAA]  }
0x30: {  	s3 =	sld [smem:$0x3FAD]  }
0x31: {  	[smem:$0x3FB6] =	sst s10  }
0x32: {  	s10 =	sld [smem:$0x3FB4];
	_ =	sdelay $0x3  }
0x33: {  	p0 =	seq.s32 s10, $0x1;
	s10 =	sld [smem:$0x3FB6];
	_ =	sdelay $0x3  }
0x34: {  	[smem:$0x3FB6] =	sst s10  }
0x35: {  	s10 =	sld [smem:$0x3FB5];
	_ =	sdelay $0x3  }
0x36: {  	p1 =	seq.s32 s10, $0x1;
	s10 =	sld [smem:$0x3FB6];
	_ =	sdelay $0x3  }
0x37: {  	[smem:$0x3FB6] =	sst s10  }
0x38: {  	s10 =	sld [smem:$0x3FB7]  }
0x39: {  	_ = 	snop;
	(pc) =	sbr.ind lr, $3  }
0x3a: {  	_ = 	snop  }
0x3b: {  	_ = 	snop  }
0x3c: {  	p2 =	seq.s32 s10, $0x1;
	s10 =	sld [smem:$0x3FB6]  }
0x3d: {  	_ =	shalt  }
0x3e: {  	_ =	shalt  }
0x3f: {  	_ =	shalt  }
0x40: {  	_ =	shalt  }
0x41: {  	_ =	shalt  }
0x42: {  	_ =	shalt  }
0x43: {  	_ =	shalt  }
0x44: {  	_ =	shalt  }
0x45: {  	_ =	shalt  }
0x46: {  	_ =	shalt  }
0x47: {  	_ =	shalt  }
0x48: {  	_ =	shalt  }
0x49: {  	_ =	shalt  }
0x4a: {  	_ =	shalt  }
0x4b: {  	_ =	shalt  }
0x4c: {  	_ =	shalt  }
0x4d: {  	_ =	shalt  }
0x4e: {  	_ =	shalt  }
0x4f: {  	_ =	shalt  }
0x50: {  	_ =	shalt  }
0x51: {  	_ =	shalt  }
0x52: {  	_ =	shalt  }
0x53: {  	_ =	shalt  }
0x54: {  	_ =	shalt  }
0x55: {  	_ =	shalt  }
0x56: {  	_ =	shalt  }
0x57: {  	_ =	shalt  }
0x58: {  	_ =	shalt  }
0x59: {  	_ =	shalt  }
0x5a: {  	_ =	shalt  }
0x5b: {  	_ =	shalt  }
0x5c: {  	_ =	shalt  }
0x5d: {  	_ =	shalt  }
0x5e: {  	_ =	shalt  }
0x5f: {  	_ =	shalt  }
0x60: {  	_ =	shalt  }
0x61: {  	_ =	shalt  }
0x62: {  	_ =	shalt  }
0x63: {  	_ =	shalt  }
0x64: {  	_ =	shalt  }
0x65: {  	_ =	shalt  }
0x66: {  	_ =	shalt  }
0x67: {  	_ =	shalt  }
0x68: {  	_ =	shalt  }
0x69: {  	_ =	shalt  }
0x6a: {  	_ =	shalt  }
0x6b: {  	_ =	shalt  }
0x6c: {  	_ =	shalt  }
0x6d: {  	_ =	shalt  }
0x6e: {  	_ =	shalt  }
0x6f: {  	_ =	shalt  }
0x70: {  	_ =	shalt  }
0x71: {  	_ =	shalt  }
0x72: {  	_ =	shalt  }
0x73: {  	_ =	shalt  }
0x74: {  	_ =	shalt  }
0x75: {  	_ =	shalt  }
0x76: {  	_ =	shalt  }
0x77: {  	_ =	shalt  }
0x78: {  	_ =	shalt  }
0x79: {  	_ =	shalt  }
0x7a: {  	_ =	shalt  }
0x7b: {  	_ =	shalt  }
0x7c: {  	_ =	shalt  }
0x7d: {  	_ =	shalt  }
0x7e: {  	_ =	shalt  }
0x7f: {  	_ =	shalt  }
0x80: {  	_ =	shalt  }
0x81: {  	_ =	shalt  }
0x82: {  	_ =	shalt  }
0x83: {  	_ =	shalt  }
0x84: {  	_ =	shalt  }
0x85: {  	_ =	shalt  }
0x86: {  	_ =	shalt  }
0x87: {  	_ =	shalt  }
.Lfunc_end0:
.L_simem_size_0:
called_computation_lowered:
.L_overlay_start_0:
0x88: {  	s2 =	sld [smem:$0x3FD9]  }
0x89: {  	s3 =	sld [smem:$0x3FFE];
	_ =	sdelay $0x1  }
0x8a: {  	s1 =	srdreg.scid  }
0x8b: {  	s0 =	sand.u32 $0x1, s1  }
0x8c: {  	s17 =	sshll.u32 s0, $0xA;
	s2 =	sadd.s32 s3, s2  }
0x8d: {  	s2 =	sadd.s32 s2, s17  }
0x8e: {  	[smem:$0x3FC2] =	sst s2  }
0x8f: {  	_ = 	snop  }
0x90: {  	s2 =	sld [smem:$0x3FC8]  }
0x91: {  	s18 =	sld [smem:$0x3FD0];
	(tm) =	ssettm $0x1  }
0x92: {  	s4 =	sld [smem:$0x3FFB];
	_ =	sdelay $0x3  }
0x93: {  	_ =	strace s4  }
0x94: {  	s4 =	sld [smem:$0x3FFC];
	_ =	sdelay $0x3  }
0x95: {  	_ =	strace s4  }
0x96: {  	s4 =	sld [smem:$0x3FFD];
	_ =	sdelay $0x3  }
0x97: {  	_ =	strace s4  }
0x98: {  	_ =	strace $0x8FFFFFFF  }
0x99: {  	s19 =	sld [smem:$0x3FDB];
	_ =	sdelay $0x1  }
0x9a: {  	s5 =	simm.s32 $_scs_section_size  }
0x9b: {  	s6 =	simm.s32 $_size__tile_overlayer_lowered;
	s7 =	simm.s32 $_tile_overlayer_lowered  }
0x9c: {  	s22 =	simm.s32 $0x1BFF;
	s21 =	sshll.u32 s7, $0x1;
	s4 =	sadd.s32 s5, s19  }
0x9d: {  	s8 =	simm.s32 $0x0;
	s20 =	sshll.u32 s6, $0x1;
	s6 =	sadd.s32 s21, s4  }
0x9e: {  	[timem:s8], [sflag:s22] =	dma.local [hbm:s6], s20  }
0x9f: {  	_ =	swait.ge [sflag:s22], s20  }
0xa0: {  	s5 =	ssub.s32 $0x0, s20;
	[sflag:s22] =	ssyncset.done $0x0  }
0xa1: {  	[sflag:s22] =	ssyncadd.s32 s5;
	_ =	sdelay $0x1  }
0xa2: {  	s23 =	simm.s32 $0x1B8B  }
0xa3: {  	_ =	swait.ge [sflag:s23], $0x1  }
0xa4: {  	[sflag:s23] =	ssyncset.done $0x0  }
0xa5: {  	s25 =	simm.s32 $0x1B8E;
	s24 =	sld [smem:$0x3FFE];
	[sflag:s23] =	ssyncadd.s32 $0xFFFFFFFF  }
0xa6: {  	s26 =	simm.s32 $execute0_lowered;
	[smem:$0x3FD2] =	sst s25  }
0xa7: {  	s6 =	sshll.u32 s26, $0x1;
	_ =	strace $0x80000046;
	[dreg:$0x1] =	wrdreg $0xFFFFFFFF  }
0xa8: {  	s28 =	simm.s32 $_size_execute0_lowered;
	s4 =	sadd.s32 s4, s6;
	[dreg:$0x0] =	wrdreg $0x0  }
0xa9: {  	s6 =	sshll.u32 s28, $0x1;
	[dreg:$0x2] =	wrdreg s4  }
0xaa: {  	[dreg:$0x3] =	wrdreg s6  }
0xab: {  	[dreg:$0x4] =	wrdreg $0xC0  }
0xac: {  	_ =	task [dreg:s8], $0x5FFFF  }
0xad: {  	[dreg:$0x1] =	wrdreg $0xFFFFFFFF  }
0xae: {  	[dreg:$0x0] =	wrdreg $0x60  }
0xaf: {  	[dreg:$0x2] =	wrdreg s24  }
0xb0: {  	[dreg:$0x3] =	wrdreg s2  }
0xb1: {  	[dreg:$0x4] =	wrdreg s18  }
0xb2: {  	[dreg:$0x5] =	wrdreg $0x9  }
0xb3: {  	_ =	task.clear_ibuf [dreg:s8], $0x6FFFF;
	_ =	strace $0x90000046  }
0xb4: {  	s29 =	simm.s32 $0x9;
	_ =	strace $0x80000048  }
0xb5: {  	_ =	swait.ge [sflag:s29], $0x1  }
0xb6: {  	[sflag:s29] =	ssyncadd.s32 $0xFFFFFFFF  }
0xb7: {  	_ =	strace $0x90000048  }
0xb8: {  	_ =	sfence  }
0xb9: {  	s30 =	sld [smem:$0x0];
	_ =	sdelay $0x2  }
0xba: {  	s31 =	sshll.u32 s1, $0xD;
	s1 =	sshrl.u32 s1, $0x2  }
0xbb: {  	s3 =	sand.u32 $0x4000, s31;
	s1 =	sadd.s32 s1, s30  }
0xbc: {  	s0 =	sor.u32 s3, s0;
	s1 =	sshll.u32 s1, $0x11  }
0xbd: {  	s0 =	sor.u32 s1, s0  }
0xbe: {  	s0 =	sadd.s32 $0x8F2B, s0  }
0xbf: {  	[sflag:s0] =	ssyncadd.remote.s32 $0x1  }
0xc0: {  	_ =	sfence.sel $0xFFFF  }
0xc1: {  	[dreg:$0x0] =	wrdreg $0xFFFFFFFF;
	(pc) =	sbr.abs _section_cstart, $3  }
0xc2: {  	[dreg:$0x1] =	wrdreg $0xFFFFFFFF  }
0xc3: {  	_ =	task.clear_ibuf [dreg:s8], $0x2FFFF;
	_ =	strace $0x9FFFFFFF  }
0xc4: {  	(tm) =	ssettm $0x7FFFFFFF  }
0xc5: {  	_ =	shalt  }
tec
execute0_lowered:
.L_overlay_start_1:
0x0: {  	(tag) =	ssettag $0x1  }
0x1: {  	s4 =	rddreg [dreg:$0x0]  }
0x2: {  	s1 =	rddreg [dreg:$0x1]  }
0x3: {  	s5 =	rddreg [dreg:$0x2]  }
0x4: {  	s0 =	rddreg [dreg:$0x3];
	s3 =	simm.s32 $0x0  }
0x5: {  	s6 =	srdreg.scid;
	s2 =	stileid.u32;
	s10 =	simm.s32 $0x8000  }
0x6: {  	s11 =	simm.s32 $0x80;
	s12 =	simm.s32 $0xB400;
	s13 =	simm.s32 $0x100  }
0x7: {  	s14 =	simm.s32 $0xE800;
	s15 =	simm.s32 $0x180;
	s16 =	simm.s32 $0x11C00  }
0x8: {  	s17 =	simm.s32 $0x1;
	s18 =	simm.s32 $0x2;
	s19 =	simm.s32 $0x3  }
0x9: {  	s20 =	simm.s32 $0x4;
	s21 =	simm.s32 $0x15000;
	s22 =	simm.s32 $0x0  }
0xa: {  	[smem:$0x7FF] =	sst s3;
	s6 =	sand.u32 $0x1, s6;
	s7 =	sshll.u32 s2, $0x1  }
.Ltmp0:
0xb: {  	_ =	strace $0x80000047;
	s7 =	sor.u32 s6, s7;
	(pc) =	sbr.rel .LBB2_1-.Ltmp0, $4  }
0xc: {  	s6 =	ssub.s32 $0x2, s6;
	s8 =	sshll.u32 s7, $0xC;
	s7 =	sshll.u32 s7, $0xD  }
0xd: {  	s9 =	sshrl.u32 s6, $0x1;
	s8 =	sadd.s32 s8, s4;
	s4 =	sadd.s32 s5, s7  }
0xe: {  	s9 =	ssub.s32 s6, s9;
	s5 =	sadd.s32 $0xE00, s8;
	s6 =	sadd.s32 $0x1000, s4  }
0xf: {  	s7 =	smax.u32 s9, $0x1;
	s8 =	simm.s32 $0x5;
	s9 =	simm.s32 $0x64  }
.LBB2_38:
0x10: {  	s22 =	sadd.s32 $0x1, s22  }
0x11: {  	p0 =	sne.s32 s22, s7  }
.Ltmp1:
0x12: {  	_ = 	snop;
	(pc) =	sbr.rel @!p0 .LBB2_39-.Ltmp1, $4  }
0x13: {  	[hbm4b:s6+s3] =	stream.linear.scatter [tilespmem:s21], [sflag:$0x5], $0x8000, $0x38;
	[tilespmem:$0x1D000] =	vst v63  }
0x14: {  	_ =	swait.ge [sflag:s8], $0x8000  }
0x15: {  	[sflag:s8] =	ssyncset.done $0x0  }
0x16: {  	[sflag:s8] =	ssyncadd.s32 $0xFFFF8000  }
.LBB2_1:
0x17: {  	[tilespmem:s3], [sflag:$0x5] =	stream.linear.gather [hbm4b:s5+s3], $0x8000, $0x38;
	[tilespmem:$0x1D000] =	vst v63  }
0x18: {  	_ =	swait.ge [sflag:s8], $0x8000  }
0x19: {  	[sflag:s8] =	ssyncset.done $0x0  }
0x1a: {  	[sflag:s8] =	ssyncadd.s32 $0xFFFF8000  }
0x1b: {  	[tilespmem:s10], [sflag:$0x1] =	stream.indirect.gather [hbm4b:s1+s9], $0x80, s3, s9, $0xb8;
	[tilespmem:$0x1D000] =	vst v63  }
0x1c: {  	_ = 	snop  }
0x1d: {  	[tilespmem:s12], [sflag:$0x2] =	stream.indirect.gather [hbm4b:s1+s9], $0x80, s11, s9, $0xb8;
	[tilespmem:$0x1D000] =	vst v63  }
0x1e: {  	_ = 	snop  }
0x1f: {  	[tilespmem:s14], [sflag:$0x3] =	stream.indirect.gather [hbm4b:s1+s9], $0x80, s13, s9, $0xb8;
	[tilespmem:$0x1D000] =	vst v63  }
0x20: {  	s23 =	simm.s32 $0x0  }
0x21: {  	[tilespmem:s16], [sflag:$0x4] =	stream.indirect.gather [hbm4b:s1+s9], $0x80, s15, s9, $0xb8;
	[tilespmem:$0x1D000] =	vst v63  }
.LBB2_2:
0x22: {  	_ =	swait.ge [sflag:s17], $0x3200  }
0x23: {  	[sflag:s17] =	ssyncset.done $0x0  }
0x24: {  	s24 =	simm.s32 $0x0;
	[sflag:s17] =	ssyncadd.s32 $0xFFFFCE00  }
0x25: {  	v4 =	vld [tilespmem:s24+$0x8080]  }
0x26: {  	v5 =	vld [tilespmem:s24+$0x8090]  }
0x27: {  	v2 =	vld [tilespmem:s24+$0x80A0]  }
0x28: {  	v3 =	vld [tilespmem:s24+$0x80B0]  }
0x29: {  	v0 =	vld [tilespmem:s24+$0x80C0]  }
0x2a: {  	v1 =	vld [tilespmem:s24+$0x80D0]  }
0x2b: {  	v19 =	vld [tilespmem:s24+$0x8000]  }
0x2c: {  	v20 =	vld [tilespmem:s24+$0x8010]  }
0x2d: {  	v18 =	vld [tilespmem:s24+$0x8020]  }
0x2e: {  	v17 =	vld [tilespmem:s24+$0x8030]  }
0x2f: {  	v10 =	vimm.f32 $0.0e+00;
	v12 =	vimm.f32 $0.0e+00;
	v14 =	vld [tilespmem:s24+$0x8040]  }
0x30: {  	v13 =	vimm.f32 $0.0e+00;
	v11 =	vimm.f32 $0.0e+00;
	v8 =	vimm.f32 $0.0e+00;
	v15 =	vld [tilespmem:s24+$0x8050]  }
0x31: {  	s25 =	simm.s32 $0x400;
	v9 =	vimm.f32 $0.0e+00;
	v7 =	vimm.f32 $0.0e+00;
	v6 =	vimm.f32 $0.0e+00;
	v16 =	vld [tilespmem:s24+$0x8060]  }
.LBB2_3:
0x32: {  	p0 =	sne.s32 s25, $0x6000;
	v10 =	vadd.f32 v19, v10;
	v12 =	vadd.f32 v20, v12;
	v19 =	vld [tilespmem:s24+$0x8070]  }
0x33: {  	v13 =	vadd.f32 v18, v13;
	v11 =	vadd.f32 v17, v11;
	v17 =	vld [tilespmem:s24+$0x80E0]  }
0x34: {  	v10 =	vadd.f32 v4, v10;
	v12 =	vadd.f32 v5, v12;
	v18 =	vld [tilespmem:s24+$0x80F0];
	s24 =	sshra.s32 s25, $0x2  }
0x35: {  	v13 =	vadd.f32 v2, v13;
	v4 =	vld [tilespmem:s24+$0x8080];
	v11 =	vadd.f32 v3, v11  }
0x36: {  	v8 =	vadd.f32 v14, v8;
	v9 =	vadd.f32 v15, v9;
	v5 =	vld [tilespmem:s24+$0x8090]  }
0x37: {  	v7 =	vadd.f32 v16, v7;
	v2 =	vld [tilespmem:s24+$0x80A0];
	v6 =	vadd.f32 v19, v6  }
0x38: {  	v8 =	vadd.f32 v0, v8;
	v9 =	vadd.f32 v1, v9;
	v3 =	vld [tilespmem:s24+$0x80B0]  }
0x39: {  	v7 =	vadd.f32 v17, v7;
	v0 =	vld [tilespmem:s24+$0x80C0];
	v6 =	vadd.f32 v18, v6  }
0x3a: {  	v1 =	vld [tilespmem:s24+$0x80D0]  }
0x3b: {  	v19 =	vld [tilespmem:s24+$0x8000]  }
0x3c: {  	v20 =	vld [tilespmem:s24+$0x8010]  }
.Ltmp2:
0x3d: {  	v18 =	vld [tilespmem:s24+$0x8020];
	(pc) =	sbr.rel @p0 .LBB2_3-.Ltmp2, $4  }
0x3e: {  	v17 =	vld [tilespmem:s24+$0x8030]  }
0x3f: {  	v14 =	vld [tilespmem:s24+$0x8040]  }
0x40: {  	v15 =	vld [tilespmem:s24+$0x8050]  }
0x41: {  	s25 =	sadd.s32 $0x400, s25;
	v16 =	vld [tilespmem:s24+$0x8060]  }
0x42: {  	v10 =	vadd.f32 v19, v10  }
0x43: {  	v12 =	vadd.f32 v20, v12;
	v19 =	vld [tilespmem:s24+$0x8070]  }
0x44: {  	v13 =	vadd.f32 v18, v13;
	v18 =	vld [tilespmem:s24+$0x80E0];
	s25 =	sshll.u32 s23, $0xC;
	v4 =	vadd.f32 v4, v10  }
0x45: {  	v10 =	vadd.f32 v17, v11;
	v5 =	vadd.f32 v5, v12;
	v11 =	vld [tilespmem:s24+$0x80F0];
	s24 =	sshra.s32 s25, $0x2  }
0x46: {  	v2 =	vadd.f32 v2, v13;
	v8 =	vadd.f32 v14, v8;
	[tilespmem:s24+$0x15000] =	vst v4  }
0x47: {  	v3 =	vadd.f32 v3, v10;
	v4 =	vadd.f32 v15, v9;
	[tilespmem:s24+$0x15010] =	vst v5  }
0x48: {  	v5 =	vadd.f32 v16, v7;
	v0 =	vadd.f32 v0, v8;
	[tilespmem:s24+$0x15020] =	vst v2  }
0x49: {  	v2 =	vadd.f32 v19, v6;
	v1 =	vadd.f32 v1, v4;
	[tilespmem:s24+$0x15030] =	vst v3  }
0x4a: {  	v3 =	vadd.f32 v18, v5;
	[tilespmem:s24+$0x15040] =	vst v0  }
0x4b: {  	v0 =	vadd.f32 v11, v2;
	[tilespmem:s24+$0x15050] =	vst v1  }
0x4c: {  	[tilespmem:s24+$0x15060] =	vst v3  }
0x4d: {  	s25 =	simm.s32 $0x0;
	[tilespmem:s24+$0x15070] =	vst v0  }
0x4e: {  	v2 =	vld [tilespmem:s25+$0x9980]  }
0x4f: {  	v5 =	vld [tilespmem:s25+$0x9990]  }
0x50: {  	v3 =	vld [tilespmem:s25+$0x99A0]  }
0x51: {  	v4 =	vld [tilespmem:s25+$0x99B0]  }
0x52: {  	v0 =	vld [tilespmem:s25+$0x99C0]  }
0x53: {  	v1 =	vld [tilespmem:s25+$0x99D0]  }
0x54: {  	v19 =	vld [tilespmem:s25+$0x9900]  }
0x55: {  	v20 =	vld [tilespmem:s25+$0x9910]  }
0x56: {  	v18 =	vld [tilespmem:s25+$0x9920]  }
0x57: {  	v17 =	vld [tilespmem:s25+$0x9930]  }
0x58: {  	v13 =	vimm.f32 $0.0e+00;
	v12 =	vimm.f32 $0.0e+00;
	v14 =	vld [tilespmem:s25+$0x9940]  }
0x59: {  	v10 =	vimm.f32 $0.0e+00;
	v8 =	vimm.f32 $0.0e+00;
	v9 =	vimm.f32 $0.0e+00;
	v15 =	vld [tilespmem:s25+$0x9950]  }
0x5a: {  	s26 =	simm.s32 $0x400;
	v7 =	vimm.f32 $0.0e+00;
	v6 =	vimm.f32 $0.0e+00;
	v11 =	vimm.f32 $0.0e+00;
	v16 =	vld [tilespmem:s25+$0x9960]  }
.LBB2_5:
0x5b: {  	p0 =	sne.s32 s26, $0x6000;
	v10 =	vadd.f32 v19, v10;
	v11 =	vadd.f32 v20, v11;
	v19 =	vld [tilespmem:s25+$0x9970]  }
0x5c: {  	v13 =	vadd.f32 v18, v13;
	v12 =	vadd.f32 v17, v12;
	v17 =	vld [tilespmem:s25+$0x99E0]  }
0x5d: {  	v10 =	vadd.f32 v2, v10;
	v11 =	vadd.f32 v5, v11;
	v18 =	vld [tilespmem:s25+$0x99F0];
	s25 =	sshra.s32 s26, $0x2  }
0x5e: {  	v13 =	vadd.f32 v3, v13;
	v2 =	vld [tilespmem:s25+$0x9980];
	v12 =	vadd.f32 v4, v12  }
0x5f: {  	v8 =	vadd.f32 v14, v8;
	v9 =	vadd.f32 v15, v9;
	v5 =	vld [tilespmem:s25+$0x9990]  }
0x60: {  	v7 =	vadd.f32 v16, v7;
	v3 =	vld [tilespmem:s25+$0x99A0];
	v6 =	vadd.f32 v19, v6  }
0x61: {  	v8 =	vadd.f32 v0, v8;
	v9 =	vadd.f32 v1, v9;
	v4 =	vld [tilespmem:s25+$0x99B0]  }
0x62: {  	v7 =	vadd.f32 v17, v7;
	v0 =	vld [tilespmem:s25+$0x99C0];
	v6 =	vadd.f32 v18, v6  }
0x63: {  	v1 =	vld [tilespmem:s25+$0x99D0]  }
0x64: {  	v19 =	vld [tilespmem:s25+$0x9900]  }
0x65: {  	v20 =	vld [tilespmem:s25+$0x9910]  }
.Ltmp3:
0x66: {  	v18 =	vld [tilespmem:s25+$0x9920];
	(pc) =	sbr.rel @p0 .LBB2_5-.Ltmp3, $4  }
0x67: {  	v17 =	vld [tilespmem:s25+$0x9930]  }
0x68: {  	v14 =	vld [tilespmem:s25+$0x9940]  }
0x69: {  	v15 =	vld [tilespmem:s25+$0x9950]  }
0x6a: {  	s26 =	sadd.s32 $0x400, s26;
	v16 =	vld [tilespmem:s25+$0x9960]  }
0x6b: {  	v10 =	vadd.f32 v19, v10  }
0x6c: {  	v11 =	vadd.f32 v20, v11  }
0x6d: {  	v19 =	vld [tilespmem:s25+$0x9970];
	v13 =	vadd.f32 v18, v13;
	v2 =	vadd.f32 v2, v10  }
0x6e: {  	v18 =	vld [tilespmem:s25+$0x99E0];
	v10 =	vadd.f32 v17, v12;
	v5 =	vadd.f32 v5, v11  }
0x6f: {  	v11 =	vld [tilespmem:s25+$0x99F0];
	v3 =	vadd.f32 v3, v13;
	v8 =	vadd.f32 v14, v8;
	[tilespmem:s24+$0x15080] =	vst v2  }
0x70: {  	v2 =	vadd.f32 v4, v10;
	v4 =	vadd.f32 v15, v9;
	[tilespmem:s24+$0x15090] =	vst v5  }
0x71: {  	v5 =	vadd.f32 v16, v7;
	v0 =	vadd.f32 v0, v8;
	[tilespmem:s24+$0x150A0] =	vst v3  }
0x72: {  	v3 =	vadd.f32 v19, v6;
	v1 =	vadd.f32 v1, v4;
	[tilespmem:s24+$0x150B0] =	vst v2  }
0x73: {  	v2 =	vadd.f32 v18, v5;
	[tilespmem:s24+$0x150C0] =	vst v0  }
0x74: {  	s31 =	sshll.u32 s23, $0x9;
	v0 =	vadd.f32 v11, v3;
	[tilespmem:s24+$0x150D0] =	vst v1  }
0x75: {  	s25 =	sand.u32 $0x3FFFFE00, s31;
	[tilespmem:s24+$0x150E0] =	vst v2  }
0x76: {  	s26 =	sadd.s32 $0x200, s25;
	[tilespmem:s24+$0x150F0] =	vst v0  }
0x77: {  	[tilespmem:s10], [sflag:$0x1] =	stream.indirect.gather [hbm4b:s1+s9], $0x80, s26, s9, $0xb8;
	[tilespmem:$0x1D000] =	vst v63  }
0x78: {  	_ =	swait.ge [sflag:s18], $0x3200  }
0x79: {  	[sflag:s18] =	ssyncset.done $0x0  }
0x7a: {  	s26 =	simm.s32 $0x0;
	[sflag:s18] =	ssyncadd.s32 $0xFFFFCE00  }
0x7b: {  	v2 =	vld [tilespmem:s26+$0xB480]  }
0x7c: {  	v5 =	vld [tilespmem:s26+$0xB490]  }
0x7d: {  	v3 =	vld [tilespmem:s26+$0xB4A0]  }
0x7e: {  	v4 =	vld [tilespmem:s26+$0xB4B0]  }
0x7f: {  	v0 =	vld [tilespmem:s26+$0xB4C0]  }
0x80: {  	v1 =	vld [tilespmem:s26+$0xB4D0]  }
0x81: {  	v19 =	vld [tilespmem:s26+$0xB400]  }
0x82: {  	v20 =	vld [tilespmem:s26+$0xB410]  }
0x83: {  	v18 =	vld [tilespmem:s26+$0xB420]  }
0x84: {  	v17 =	vld [tilespmem:s26+$0xB430]  }
0x85: {  	v13 =	vimm.f32 $0.0e+00;
	v12 =	vimm.f32 $0.0e+00;
	v14 =	vld [tilespmem:s26+$0xB440]  }
0x86: {  	v10 =	vimm.f32 $0.0e+00;
	v8 =	vimm.f32 $0.0e+00;
	v9 =	vimm.f32 $0.0e+00;
	v15 =	vld [tilespmem:s26+$0xB450]  }
0x87: {  	s28 =	simm.s32 $0x400;
	v7 =	vimm.f32 $0.0e+00;
	v6 =	vimm.f32 $0.0e+00;
	v11 =	vimm.f32 $0.0e+00;
	v16 =	vld [tilespmem:s26+$0xB460]  }
.LBB2_7:
0x88: {  	p0 =	sne.s32 s28, $0x6000;
	v10 =	vadd.f32 v19, v10;
	v11 =	vadd.f32 v20, v11;
	v19 =	vld [tilespmem:s26+$0xB470]  }
0x89: {  	v13 =	vadd.f32 v18, v13;
	v12 =	vadd.f32 v17, v12;
	v17 =	vld [tilespmem:s26+$0xB4E0]  }
0x8a: {  	v10 =	vadd.f32 v2, v10;
	v11 =	vadd.f32 v5, v11;
	v18 =	vld [tilespmem:s26+$0xB4F0];
	s26 =	sshra.s32 s28, $0x2  }
0x8b: {  	v13 =	vadd.f32 v3, v13;
	v2 =	vld [tilespmem:s26+$0xB480];
	v12 =	vadd.f32 v4, v12  }
0x8c: {  	v8 =	vadd.f32 v14, v8;
	v9 =	vadd.f32 v15, v9;
	v5 =	vld [tilespmem:s26+$0xB490]  }
0x8d: {  	v7 =	vadd.f32 v16, v7;
	v3 =	vld [tilespmem:s26+$0xB4A0];
	v6 =	vadd.f32 v19, v6  }
0x8e: {  	v8 =	vadd.f32 v0, v8;
	v9 =	vadd.f32 v1, v9;
	v4 =	vld [tilespmem:s26+$0xB4B0]  }
0x8f: {  	v7 =	vadd.f32 v17, v7;
	v0 =	vld [tilespmem:s26+$0xB4C0];
	v6 =	vadd.f32 v18, v6  }
0x90: {  	v1 =	vld [tilespmem:s26+$0xB4D0]  }
0x91: {  	v19 =	vld [tilespmem:s26+$0xB400]  }
0x92: {  	v20 =	vld [tilespmem:s26+$0xB410]  }
.Ltmp4:
0x93: {  	v18 =	vld [tilespmem:s26+$0xB420];
	(pc) =	sbr.rel @p0 .LBB2_7-.Ltmp4, $4  }
0x94: {  	v17 =	vld [tilespmem:s26+$0xB430]  }
0x95: {  	v14 =	vld [tilespmem:s26+$0xB440]  }
0x96: {  	v15 =	vld [tilespmem:s26+$0xB450]  }
0x97: {  	s28 =	sadd.s32 $0x400, s28;
	v16 =	vld [tilespmem:s26+$0xB460]  }
0x98: {  	v10 =	vadd.f32 v19, v10  }
0x99: {  	v11 =	vadd.f32 v20, v11  }
0x9a: {  	v19 =	vld [tilespmem:s26+$0xB470];
	v13 =	vadd.f32 v18, v13;
	v2 =	vadd.f32 v2, v10  }
0x9b: {  	v18 =	vld [tilespmem:s26+$0xB4E0];
	v10 =	vadd.f32 v17, v12;
	v5 =	vadd.f32 v5, v11  }
0x9c: {  	v11 =	vld [tilespmem:s26+$0xB4F0];
	v3 =	vadd.f32 v3, v13;
	v8 =	vadd.f32 v14, v8;
	[tilespmem:s24+$0x15100] =	vst v2  }
0x9d: {  	v2 =	vadd.f32 v4, v10;
	v4 =	vadd.f32 v15, v9;
	[tilespmem:s24+$0x15110] =	vst v5  }
0x9e: {  	v5 =	vadd.f32 v16, v7;
	v0 =	vadd.f32 v0, v8;
	[tilespmem:s24+$0x15120] =	vst v3  }
0x9f: {  	v3 =	vadd.f32 v19, v6;
	v1 =	vadd.f32 v1, v4;
	[tilespmem:s24+$0x15130] =	vst v2  }
0xa0: {  	v2 =	vadd.f32 v18, v5;
	[tilespmem:s24+$0x15140] =	vst v0  }
0xa1: {  	v0 =	vadd.f32 v11, v3;
	[tilespmem:s24+$0x15150] =	vst v1  }
0xa2: {  	[tilespmem:s24+$0x15160] =	vst v2  }
0xa3: {  	s26 =	simm.s32 $0x0;
	[tilespmem:s24+$0x15170] =	vst v0  }
0xa4: {  	v2 =	vld [tilespmem:s26+$0xCD80]  }
0xa5: {  	v5 =	vld [tilespmem:s26+$0xCD90]  }
0xa6: {  	v3 =	vld [tilespmem:s26+$0xCDA0]  }
0xa7: {  	v4 =	vld [tilespmem:s26+$0xCDB0]  }
0xa8: {  	v0 =	vld [tilespmem:s26+$0xCDC0]  }
0xa9: {  	v1 =	vld [tilespmem:s26+$0xCDD0]  }
0xaa: {  	v19 =	vld [tilespmem:s26+$0xCD00]  }
0xab: {  	v20 =	vld [tilespmem:s26+$0xCD10]  }
0xac: {  	v18 =	vld [tilespmem:s26+$0xCD20]  }
0xad: {  	v17 =	vld [tilespmem:s26+$0xCD30]  }
0xae: {  	v13 =	vimm.f32 $0.0e+00;
	v12 =	vimm.f32 $0.0e+00;
	v14 =	vld [tilespmem:s26+$0xCD40]  }
0xaf: {  	v10 =	vimm.f32 $0.0e+00;
	v8 =	vimm.f32 $0.0e+00;
	v9 =	vimm.f32 $0.0e+00;
	v15 =	vld [tilespmem:s26+$0xCD50]  }
0xb0: {  	s28 =	simm.s32 $0x400;
	v7 =	vimm.f32 $0.0e+00;
	v6 =	vimm.f32 $0.0e+00;
	v11 =	vimm.f32 $0.0e+00;
	v16 =	vld [tilespmem:s26+$0xCD60]  }
.LBB2_9:
0xb1: {  	p0 =	sne.s32 s28, $0x6000;
	v10 =	vadd.f32 v19, v10;
	v11 =	vadd.f32 v20, v11;
	v19 =	vld [tilespmem:s26+$0xCD70]  }
0xb2: {  	v13 =	vadd.f32 v18, v13;
	v12 =	vadd.f32 v17, v12;
	v17 =	vld [tilespmem:s26+$0xCDE0]  }
0xb3: {  	v10 =	vadd.f32 v2, v10;
	v11 =	vadd.f32 v5, v11;
	v18 =	vld [tilespmem:s26+$0xCDF0];
	s26 =	sshra.s32 s28, $0x2  }
0xb4: {  	v13 =	vadd.f32 v3, v13;
	v2 =	vld [tilespmem:s26+$0xCD80];
	v12 =	vadd.f32 v4, v12  }
0xb5: {  	v8 =	vadd.f32 v14, v8;
	v9 =	vadd.f32 v15, v9;
	v5 =	vld [tilespmem:s26+$0xCD90]  }
0xb6: {  	v7 =	vadd.f32 v16, v7;
	v3 =	vld [tilespmem:s26+$0xCDA0];
	v6 =	vadd.f32 v19, v6  }
0xb7: {  	v8 =	vadd.f32 v0, v8;
	v9 =	vadd.f32 v1, v9;
	v4 =	vld [tilespmem:s26+$0xCDB0]  }
0xb8: {  	v7 =	vadd.f32 v17, v7;
	v0 =	vld [tilespmem:s26+$0xCDC0];
	v6 =	vadd.f32 v18, v6  }
0xb9: {  	v1 =	vld [tilespmem:s26+$0xCDD0]  }
0xba: {  	v19 =	vld [tilespmem:s26+$0xCD00]  }
0xbb: {  	v20 =	vld [tilespmem:s26+$0xCD10]  }
.Ltmp5:
0xbc: {  	v18 =	vld [tilespmem:s26+$0xCD20];
	(pc) =	sbr.rel @p0 .LBB2_9-.Ltmp5, $4  }
0xbd: {  	v17 =	vld [tilespmem:s26+$0xCD30]  }
0xbe: {  	v14 =	vld [tilespmem:s26+$0xCD40]  }
0xbf: {  	v15 =	vld [tilespmem:s26+$0xCD50]  }
0xc0: {  	s28 =	sadd.s32 $0x400, s28;
	v16 =	vld [tilespmem:s26+$0xCD60]  }
0xc1: {  	v10 =	vadd.f32 v19, v10  }
0xc2: {  	v11 =	vadd.f32 v20, v11  }
0xc3: {  	v19 =	vld [tilespmem:s26+$0xCD70];
	v13 =	vadd.f32 v18, v13;
	v2 =	vadd.f32 v2, v10  }
0xc4: {  	v18 =	vld [tilespmem:s26+$0xCDE0];
	v10 =	vadd.f32 v17, v12;
	v5 =	vadd.f32 v5, v11  }
0xc5: {  	v11 =	vld [tilespmem:s26+$0xCDF0];
	v3 =	vadd.f32 v3, v13;
	v8 =	vadd.f32 v14, v8;
	[tilespmem:s24+$0x15180] =	vst v2  }
0xc6: {  	v2 =	vadd.f32 v4, v10;
	v4 =	vadd.f32 v15, v9;
	[tilespmem:s24+$0x15190] =	vst v5  }
0xc7: {  	v5 =	vadd.f32 v16, v7;
	v0 =	vadd.f32 v0, v8;
	[tilespmem:s24+$0x151A0] =	vst v3  }
0xc8: {  	v3 =	vadd.f32 v19, v6;
	v1 =	vadd.f32 v1, v4;
	[tilespmem:s24+$0x151B0] =	vst v2  }
0xc9: {  	v2 =	vadd.f32 v18, v5;
	[tilespmem:s24+$0x151C0] =	vst v0  }
0xca: {  	v0 =	vadd.f32 v11, v3;
	[tilespmem:s24+$0x151D0] =	vst v1  }
0xcb: {  	[tilespmem:s24+$0x151E0] =	vst v2  }
0xcc: {  	s31 =	sadd.s32 $0x280, s25;
	[tilespmem:s24+$0x151F0] =	vst v0  }
0xcd: {  	[tilespmem:s12], [sflag:$0x2] =	stream.indirect.gather [hbm4b:s1+s9], $0x80, s31, s9, $0xb8;
	[tilespmem:$0x1D000] =	vst v63  }
0xce: {  	_ =	swait.ge [sflag:s19], $0x3200  }
0xcf: {  	[sflag:s19] =	ssyncset.done $0x0  }
0xd0: {  	s26 =	simm.s32 $0x0;
	[sflag:s19] =	ssyncadd.s32 $0xFFFFCE00  }
0xd1: {  	v2 =	vld [tilespmem:s26+$0xE880]  }
0xd2: {  	v5 =	vld [tilespmem:s26+$0xE890]  }
0xd3: {  	v3 =	vld [tilespmem:s26+$0xE8A0]  }
0xd4: {  	v4 =	vld [tilespmem:s26+$0xE8B0]  }
0xd5: {  	v0 =	vld [tilespmem:s26+$0xE8C0]  }
0xd6: {  	v1 =	vld [tilespmem:s26+$0xE8D0]  }
0xd7: {  	v19 =	vld [tilespmem:s26+$0xE800]  }
0xd8: {  	v20 =	vld [tilespmem:s26+$0xE810]  }
0xd9: {  	v18 =	vld [tilespmem:s26+$0xE820]  }
0xda: {  	v17 =	vld [tilespmem:s26+$0xE830]  }
0xdb: {  	v13 =	vimm.f32 $0.0e+00;
	v12 =	vimm.f32 $0.0e+00;
	v14 =	vld [tilespmem:s26+$0xE840]  }
0xdc: {  	v10 =	vimm.f32 $0.0e+00;
	v8 =	vimm.f32 $0.0e+00;
	v9 =	vimm.f32 $0.0e+00;
	v15 =	vld [tilespmem:s26+$0xE850]  }
0xdd: {  	s28 =	simm.s32 $0x400;
	v7 =	vimm.f32 $0.0e+00;
	v6 =	vimm.f32 $0.0e+00;
	v11 =	vimm.f32 $0.0e+00;
	v16 =	vld [tilespmem:s26+$0xE860]  }
.LBB2_11:
0xde: {  	p0 =	sne.s32 s28, $0x6000;
	v10 =	vadd.f32 v19, v10;
	v11 =	vadd.f32 v20, v11;
	v19 =	vld [tilespmem:s26+$0xE870]  }
0xdf: {  	v13 =	vadd.f32 v18, v13;
	v12 =	vadd.f32 v17, v12;
	v17 =	vld [tilespmem:s26+$0xE8E0]  }
0xe0: {  	v10 =	vadd.f32 v2, v10;
	v11 =	vadd.f32 v5, v11;
	v18 =	vld [tilespmem:s26+$0xE8F0];
	s26 =	sshra.s32 s28, $0x2  }
0xe1: {  	v13 =	vadd.f32 v3, v13;
	v2 =	vld [tilespmem:s26+$0xE880];
	v12 =	vadd.f32 v4, v12  }
0xe2: {  	v8 =	vadd.f32 v14, v8;
	v9 =	vadd.f32 v15, v9;
	v5 =	vld [tilespmem:s26+$0xE890]  }
0xe3: {  	v7 =	vadd.f32 v16, v7;
	v3 =	vld [tilespmem:s26+$0xE8A0];
	v6 =	vadd.f32 v19, v6  }
0xe4: {  	v8 =	vadd.f32 v0, v8;
	v9 =	vadd.f32 v1, v9;
	v4 =	vld [tilespmem:s26+$0xE8B0]  }
0xe5: {  	v7 =	vadd.f32 v17, v7;
	v0 =	vld [tilespmem:s26+$0xE8C0];
	v6 =	vadd.f32 v18, v6  }
0xe6: {  	v1 =	vld [tilespmem:s26+$0xE8D0]  }
0xe7: {  	v19 =	vld [tilespmem:s26+$0xE800]  }
0xe8: {  	v20 =	vld [tilespmem:s26+$0xE810]  }
.Ltmp6:
0xe9: {  	v18 =	vld [tilespmem:s26+$0xE820];
	(pc) =	sbr.rel @p0 .LBB2_11-.Ltmp6, $4  }
0xea: {  	v17 =	vld [tilespmem:s26+$0xE830]  }
0xeb: {  	v14 =	vld [tilespmem:s26+$0xE840]  }
0xec: {  	v15 =	vld [tilespmem:s26+$0xE850]  }
0xed: {  	s28 =	sadd.s32 $0x400, s28;
	v16 =	vld [tilespmem:s26+$0xE860]  }
0xee: {  	v10 =	vadd.f32 v19, v10  }
0xef: {  	v11 =	vadd.f32 v20, v11  }
0xf0: {  	v19 =	vld [tilespmem:s26+$0xE870];
	v13 =	vadd.f32 v18, v13;
	v2 =	vadd.f32 v2, v10  }
0xf1: {  	v18 =	vld [tilespmem:s26+$0xE8E0];
	v10 =	vadd.f32 v17, v12;
	v5 =	vadd.f32 v5, v11  }
0xf2: {  	v11 =	vld [tilespmem:s26+$0xE8F0];
	v3 =	vadd.f32 v3, v13;
	v8 =	vadd.f32 v14, v8;
	[tilespmem:s24+$0x15200] =	vst v2  }
0xf3: {  	v2 =	vadd.f32 v4, v10;
	v4 =	vadd.f32 v15, v9;
	[tilespmem:s24+$0x15210] =	vst v5  }
0xf4: {  	v5 =	vadd.f32 v16, v7;
	v0 =	vadd.f32 v0, v8;
	[tilespmem:s24+$0x15220] =	vst v3  }
0xf5: {  	v3 =	vadd.f32 v19, v6;
	v1 =	vadd.f32 v1, v4;
	[tilespmem:s24+$0x15230] =	vst v2  }
0xf6: {  	v2 =	vadd.f32 v18, v5;
	[tilespmem:s24+$0x15240] =	vst v0  }
0xf7: {  	v0 =	vadd.f32 v11, v3;
	[tilespmem:s24+$0x15250] =	vst v1  }
0xf8: {  	[tilespmem:s24+$0x15260] =	vst v2  }
0xf9: {  	s26 =	simm.s32 $0x0;
	[tilespmem:s24+$0x15270] =	vst v0  }
0xfa: {  	v2 =	vld [tilespmem:s26+$0x10180]  }
0xfb: {  	v5 =	vld [tilespmem:s26+$0x10190]  }
0xfc: {  	v3 =	vld [tilespmem:s26+$0x101A0]  }
0xfd: {  	v4 =	vld [tilespmem:s26+$0x101B0]  }
0xfe: {  	v0 =	vld [tilespmem:s26+$0x101C0]  }
0xff: {  	v1 =	vld [tilespmem:s26+$0x101D0]  }
0x100: {  	v19 =	vld [tilespmem:s26+$0x10100]  }
0x101: {  	v20 =	vld [tilespmem:s26+$0x10110]  }
0x102: {  	v18 =	vld [tilespmem:s26+$0x10120]  }
0x103: {  	v17 =	vld [tilespmem:s26+$0x10130]  }
0x104: {  	v13 =	vimm.f32 $0.0e+00;
	v12 =	vimm.f32 $0.0e+00;
	v14 =	vld [tilespmem:s26+$0x10140]  }
0x105: {  	v10 =	vimm.f32 $0.0e+00;
	v8 =	vimm.f32 $0.0e+00;
	v9 =	vimm.f32 $0.0e+00;
	v15 =	vld [tilespmem:s26+$0x10150]  }
0x106: {  	s28 =	simm.s32 $0x400;
	v7 =	vimm.f32 $0.0e+00;
	v6 =	vimm.f32 $0.0e+00;
	v11 =	vimm.f32 $0.0e+00;
	v16 =	vld [tilespmem:s26+$0x10160]  }
.LBB2_13:
0x107: {  	p0 =	sne.s32 s28, $0x6000;
	v10 =	vadd.f32 v19, v10;
	v11 =	vadd.f32 v20, v11;
	v19 =	vld [tilespmem:s26+$0x10170]  }
0x108: {  	v13 =	vadd.f32 v18, v13;
	v12 =	vadd.f32 v17, v12;
	v17 =	vld [tilespmem:s26+$0x101E0]  }
0x109: {  	v10 =	vadd.f32 v2, v10;
	v11 =	vadd.f32 v5, v11;
	v18 =	vld [tilespmem:s26+$0x101F0];
	s26 =	sshra.s32 s28, $0x2  }
0x10a: {  	v13 =	vadd.f32 v3, v13;
	v2 =	vld [tilespmem:s26+$0x10180];
	v12 =	vadd.f32 v4, v12  }
0x10b: {  	v8 =	vadd.f32 v14, v8;
	v9 =	vadd.f32 v15, v9;
	v5 =	vld [tilespmem:s26+$0x10190]  }
0x10c: {  	v7 =	vadd.f32 v16, v7;
	v3 =	vld [tilespmem:s26+$0x101A0];
	v6 =	vadd.f32 v19, v6  }
0x10d: {  	v8 =	vadd.f32 v0, v8;
	v9 =	vadd.f32 v1, v9;
	v4 =	vld [tilespmem:s26+$0x101B0]  }
0x10e: {  	v7 =	vadd.f32 v17, v7;
	v0 =	vld [tilespmem:s26+$0x101C0];
	v6 =	vadd.f32 v18, v6  }
0x10f: {  	v1 =	vld [tilespmem:s26+$0x101D0]  }
0x110: {  	v19 =	vld [tilespmem:s26+$0x10100]  }
0x111: {  	v20 =	vld [tilespmem:s26+$0x10110]  }
.Ltmp7:
0x112: {  	v18 =	vld [tilespmem:s26+$0x10120];
	(pc) =	sbr.rel @p0 .LBB2_13-.Ltmp7, $4  }
0x113: {  	v17 =	vld [tilespmem:s26+$0x10130]  }
0x114: {  	v14 =	vld [tilespmem:s26+$0x10140]  }
0x115: {  	v15 =	vld [tilespmem:s26+$0x10150]  }
0x116: {  	s28 =	sadd.s32 $0x400, s28;
	v16 =	vld [tilespmem:s26+$0x10160]  }
0x117: {  	v10 =	vadd.f32 v19, v10  }
0x118: {  	v11 =	vadd.f32 v20, v11  }
0x119: {  	v19 =	vld [tilespmem:s26+$0x10170];
	v13 =	vadd.f32 v18, v13;
	v2 =	vadd.f32 v2, v10  }
0x11a: {  	v18 =	vld [tilespmem:s26+$0x101E0];
	v10 =	vadd.f32 v17, v12;
	v5 =	vadd.f32 v5, v11  }
0x11b: {  	v11 =	vld [tilespmem:s26+$0x101F0];
	v3 =	vadd.f32 v3, v13;
	v8 =	vadd.f32 v14, v8;
	[tilespmem:s24+$0x15280] =	vst v2  }
0x11c: {  	v2 =	vadd.f32 v4, v10;
	v4 =	vadd.f32 v15, v9;
	[tilespmem:s24+$0x15290] =	vst v5  }
0x11d: {  	v5 =	vadd.f32 v16, v7;
	v0 =	vadd.f32 v0, v8;
	[tilespmem:s24+$0x152A0] =	vst v3  }
0x11e: {  	v3 =	vadd.f32 v19, v6;
	v1 =	vadd.f32 v1, v4;
	[tilespmem:s24+$0x152B0] =	vst v2  }
0x11f: {  	v2 =	vadd.f32 v18, v5;
	[tilespmem:s24+$0x152C0] =	vst v0  }
0x120: {  	v0 =	vadd.f32 v11, v3;
	[tilespmem:s24+$0x152D0] =	vst v1  }
0x121: {  	[tilespmem:s24+$0x152E0] =	vst v2  }
0x122: {  	s31 =	sadd.s32 $0x300, s25;
	[tilespmem:s24+$0x152F0] =	vst v0  }
0x123: {  	[tilespmem:s14], [sflag:$0x3] =	stream.indirect.gather [hbm4b:s1+s9], $0x80, s31, s9, $0xb8;
	[tilespmem:$0x1D000] =	vst v63  }
0x124: {  	_ =	swait.ge [sflag:s20], $0x3200  }
0x125: {  	[sflag:s20] =	ssyncset.done $0x0  }
0x126: {  	s26 =	simm.s32 $0x0;
	[sflag:s20] =	ssyncadd.s32 $0xFFFFCE00  }
0x127: {  	v2 =	vld [tilespmem:s26+$0x11C80]  }
0x128: {  	v5 =	vld [tilespmem:s26+$0x11C90]  }
0x129: {  	v3 =	vld [tilespmem:s26+$0x11CA0]  }
0x12a: {  	v4 =	vld [tilespmem:s26+$0x11CB0]  }
0x12b: {  	v0 =	vld [tilespmem:s26+$0x11CC0]  }
0x12c: {  	v1 =	vld [tilespmem:s26+$0x11CD0]  }
0x12d: {  	v19 =	vld [tilespmem:s26+$0x11C00]  }
0x12e: {  	v20 =	vld [tilespmem:s26+$0x11C10]  }
0x12f: {  	v18 =	vld [tilespmem:s26+$0x11C20]  }
0x130: {  	v17 =	vld [tilespmem:s26+$0x11C30]  }
0x131: {  	v13 =	vimm.f32 $0.0e+00;
	v12 =	vimm.f32 $0.0e+00;
	v14 =	vld [tilespmem:s26+$0x11C40]  }
0x132: {  	v10 =	vimm.f32 $0.0e+00;
	v8 =	vimm.f32 $0.0e+00;
	v9 =	vimm.f32 $0.0e+00;
	v15 =	vld [tilespmem:s26+$0x11C50]  }
0x133: {  	s28 =	simm.s32 $0x400;
	v7 =	vimm.f32 $0.0e+00;
	v6 =	vimm.f32 $0.0e+00;
	v11 =	vimm.f32 $0.0e+00;
	v16 =	vld [tilespmem:s26+$0x11C60]  }
.LBB2_15:
0x134: {  	p0 =	sne.s32 s28, $0x6000;
	v10 =	vadd.f32 v19, v10;
	v11 =	vadd.f32 v20, v11;
	v19 =	vld [tilespmem:s26+$0x11C70]  }
0x135: {  	v13 =	vadd.f32 v18, v13;
	v12 =	vadd.f32 v17, v12;
	v17 =	vld [tilespmem:s26+$0x11CE0]  }
0x136: {  	v10 =	vadd.f32 v2, v10;
	v11 =	vadd.f32 v5, v11;
	v18 =	vld [tilespmem:s26+$0x11CF0];
	s26 =	sshra.s32 s28, $0x2  }
0x137: {  	v13 =	vadd.f32 v3, v13;
	v2 =	vld [tilespmem:s26+$0x11C80];
	v12 =	vadd.f32 v4, v12  }
0x138: {  	v8 =	vadd.f32 v14, v8;
	v9 =	vadd.f32 v15, v9;
	v5 =	vld [tilespmem:s26+$0x11C90]  }
0x139: {  	v7 =	vadd.f32 v16, v7;
	v3 =	vld [tilespmem:s26+$0x11CA0];
	v6 =	vadd.f32 v19, v6  }
0x13a: {  	v8 =	vadd.f32 v0, v8;
	v9 =	vadd.f32 v1, v9;
	v4 =	vld [tilespmem:s26+$0x11CB0]  }
0x13b: {  	v7 =	vadd.f32 v17, v7;
	v0 =	vld [tilespmem:s26+$0x11CC0];
	v6 =	vadd.f32 v18, v6  }
0x13c: {  	v1 =	vld [tilespmem:s26+$0x11CD0]  }
0x13d: {  	v19 =	vld [tilespmem:s26+$0x11C00]  }
0x13e: {  	v20 =	vld [tilespmem:s26+$0x11C10]  }
.Ltmp8:
0x13f: {  	v18 =	vld [tilespmem:s26+$0x11C20];
	(pc) =	sbr.rel @p0 .LBB2_15-.Ltmp8, $4  }
0x140: {  	v17 =	vld [tilespmem:s26+$0x11C30]  }
0x141: {  	v14 =	vld [tilespmem:s26+$0x11C40]  }
0x142: {  	v15 =	vld [tilespmem:s26+$0x11C50]  }
0x143: {  	s28 =	sadd.s32 $0x400, s28;
	v16 =	vld [tilespmem:s26+$0x11C60]  }
0x144: {  	v10 =	vadd.f32 v19, v10  }
0x145: {  	v11 =	vadd.f32 v20, v11  }
0x146: {  	v19 =	vld [tilespmem:s26+$0x11C70];
	v13 =	vadd.f32 v18, v13;
	v2 =	vadd.f32 v2, v10  }
0x147: {  	v18 =	vld [tilespmem:s26+$0x11CE0];
	v10 =	vadd.f32 v17, v12;
	v5 =	vadd.f32 v5, v11  }
0x148: {  	v11 =	vld [tilespmem:s26+$0x11CF0];
	v3 =	vadd.f32 v3, v13;
	v8 =	vadd.f32 v14, v8;
	[tilespmem:s24+$0x15300] =	vst v2  }
0x149: {  	v2 =	vadd.f32 v4, v10;
	v4 =	vadd.f32 v15, v9;
	[tilespmem:s24+$0x15310] =	vst v5  }
0x14a: {  	v5 =	vadd.f32 v16, v7;
	v0 =	vadd.f32 v0, v8;
	[tilespmem:s24+$0x15320] =	vst v3  }
0x14b: {  	v3 =	vadd.f32 v19, v6;
	v1 =	vadd.f32 v1, v4;
	[tilespmem:s24+$0x15330] =	vst v2  }
0x14c: {  	v2 =	vadd.f32 v18, v5;
	[tilespmem:s24+$0x15340] =	vst v0  }
0x14d: {  	v0 =	vadd.f32 v11, v3;
	[tilespmem:s24+$0x15350] =	vst v1  }
0x14e: {  	[tilespmem:s24+$0x15360] =	vst v2  }
0x14f: {  	s26 =	simm.s32 $0x0;
	[tilespmem:s24+$0x15370] =	vst v0  }
0x150: {  	v2 =	vld [tilespmem:s26+$0x13580]  }
0x151: {  	v5 =	vld [tilespmem:s26+$0x13590]  }
0x152: {  	v3 =	vld [tilespmem:s26+$0x135A0]  }
0x153: {  	v4 =	vld [tilespmem:s26+$0x135B0]  }
0x154: {  	v0 =	vld [tilespmem:s26+$0x135C0]  }
0x155: {  	v1 =	vld [tilespmem:s26+$0x135D0]  }
0x156: {  	v19 =	vld [tilespmem:s26+$0x13500]  }
0x157: {  	v20 =	vld [tilespmem:s26+$0x13510]  }
0x158: {  	v18 =	vld [tilespmem:s26+$0x13520]  }
0x159: {  	v17 =	vld [tilespmem:s26+$0x13530]  }
0x15a: {  	v13 =	vimm.f32 $0.0e+00;
	v12 =	vimm.f32 $0.0e+00;
	v14 =	vld [tilespmem:s26+$0x13540]  }
0x15b: {  	v10 =	vimm.f32 $0.0e+00;
	v8 =	vimm.f32 $0.0e+00;
	v9 =	vimm.f32 $0.0e+00;
	v15 =	vld [tilespmem:s26+$0x13550]  }
0x15c: {  	s28 =	simm.s32 $0x400;
	v7 =	vimm.f32 $0.0e+00;
	v6 =	vimm.f32 $0.0e+00;
	v11 =	vimm.f32 $0.0e+00;
	v16 =	vld [tilespmem:s26+$0x13560]  }
.LBB2_17:
0x15d: {  	p0 =	sne.s32 s28, $0x6000;
	v10 =	vadd.f32 v19, v10;
	v11 =	vadd.f32 v20, v11;
	v19 =	vld [tilespmem:s26+$0x13570]  }
0x15e: {  	v13 =	vadd.f32 v18, v13;
	v12 =	vadd.f32 v17, v12;
	v17 =	vld [tilespmem:s26+$0x135E0]  }
0x15f: {  	v10 =	vadd.f32 v2, v10;
	v11 =	vadd.f32 v5, v11;
	v18 =	vld [tilespmem:s26+$0x135F0];
	s26 =	sshra.s32 s28, $0x2  }
0x160: {  	v13 =	vadd.f32 v3, v13;
	v2 =	vld [tilespmem:s26+$0x13580];
	v12 =	vadd.f32 v4, v12  }
0x161: {  	v8 =	vadd.f32 v14, v8;
	v9 =	vadd.f32 v15, v9;
	v5 =	vld [tilespmem:s26+$0x13590]  }
0x162: {  	v7 =	vadd.f32 v16, v7;
	v3 =	vld [tilespmem:s26+$0x135A0];
	v6 =	vadd.f32 v19, v6  }
0x163: {  	v8 =	vadd.f32 v0, v8;
	v9 =	vadd.f32 v1, v9;
	v4 =	vld [tilespmem:s26+$0x135B0]  }
0x164: {  	v7 =	vadd.f32 v17, v7;
	v0 =	vld [tilespmem:s26+$0x135C0];
	v6 =	vadd.f32 v18, v6  }
0x165: {  	v1 =	vld [tilespmem:s26+$0x135D0]  }
0x166: {  	v19 =	vld [tilespmem:s26+$0x13500]  }
0x167: {  	v20 =	vld [tilespmem:s26+$0x13510]  }
.Ltmp9:
0x168: {  	v18 =	vld [tilespmem:s26+$0x13520];
	(pc) =	sbr.rel @p0 .LBB2_17-.Ltmp9, $4  }
0x169: {  	v17 =	vld [tilespmem:s26+$0x13530]  }
0x16a: {  	v14 =	vld [tilespmem:s26+$0x13540]  }
0x16b: {  	v15 =	vld [tilespmem:s26+$0x13550]  }
0x16c: {  	s28 =	sadd.s32 $0x400, s28;
	v16 =	vld [tilespmem:s26+$0x13560]  }
0x16d: {  	v10 =	vadd.f32 v19, v10  }
0x16e: {  	v11 =	vadd.f32 v20, v11  }
0x16f: {  	v54 =	vld [tilespmem:s26+$0x13570];
	v13 =	vadd.f32 v18, v13;
	v2 =	vadd.f32 v2, v10  }
0x170: {  	v55 =	vld [tilespmem:s26+$0x135E0];
	v56 =	vadd.f32 v17, v12;
	v5 =	vadd.f32 v5, v11  }
0x171: {  	v57 =	vld [tilespmem:s26+$0x135F0];
	v3 =	vadd.f32 v3, v13;
	v8 =	vadd.f32 v14, v8;
	[tilespmem:s24+$0x15380] =	vst v2  }
0x172: {  	v58 =	vadd.f32 v4, v56;
	v59 =	vadd.f32 v15, v9;
	[tilespmem:s24+$0x15390] =	vst v5  }
0x173: {  	s23 =	sadd.s32 $0x1, s23;
	v60 =	vadd.f32 v16, v7;
	v0 =	vadd.f32 v0, v8;
	[tilespmem:s24+$0x153A0] =	vst v3  }
0x174: {  	p0 =	sne.s32 s23, $0x20;
	v61 =	vadd.f32 v54, v6;
	v1 =	vadd.f32 v1, v59;
	[tilespmem:s24+$0x153B0] =	vst v58  }
.Ltmp10:
0x175: {  	v62 =	vadd.f32 v55, v60;
	[tilespmem:s24+$0x153C0] =	vst v0;
	(pc) =	sbr.rel @p0 .LBB2_2-.Ltmp10, $4  }
0x176: {  	v63 =	vadd.f32 v57, v61;
	[tilespmem:s24+$0x153D0] =	vst v1  }
0x177: {  	[tilespmem:s24+$0x153E0] =	vst v62  }
0x178: {  	s31 =	sadd.s32 $0x380, s25;
	[tilespmem:s24+$0x153F0] =	vst v63  }
0x179: {  	[tilespmem:s16], [sflag:$0x4] =	stream.indirect.gather [hbm4b:s1+s9], $0x80, s31, s9, $0xb8;
	[tilespmem:$0x1D000] =	vst v63  }
0x17a: {  	s23 =	simm.s32 $0x0  }
0x17b: {  	[hbm4b:s4+s23] =	stream.linear.scatter [tilespmem:s21], [sflag:$0x5], $0x8000, $0x38;
	[tilespmem:$0x1D000] =	vst v63  }
0x17c: {  	_ =	swait.ge [sflag:s8], $0x8000  }
0x17d: {  	[sflag:s8] =	ssyncset.done $0x0  }
0x17e: {  	[sflag:s8] =	ssyncadd.s32 $0xFFFF8000  }
.LBB2_20:
0x17f: {  	_ =	swait.ge [sflag:s17], $0x3200  }
0x180: {  	[sflag:s17] =	ssyncset.done $0x0  }
0x181: {  	s24 =	simm.s32 $0x0;
	[sflag:s17] =	ssyncadd.s32 $0xFFFFCE00  }
0x182: {  	v4 =	vld [tilespmem:s24+$0x8080]  }
0x183: {  	v5 =	vld [tilespmem:s24+$0x8090]  }
0x184: {  	v2 =	vld [tilespmem:s24+$0x80A0]  }
0x185: {  	v3 =	vld [tilespmem:s24+$0x80B0]  }
0x186: {  	v0 =	vld [tilespmem:s24+$0x80C0]  }
0x187: {  	v1 =	vld [tilespmem:s24+$0x80D0]  }
0x188: {  	v19 =	vld [tilespmem:s24+$0x8000]  }
0x189: {  	v20 =	vld [tilespmem:s24+$0x8010]  }
0x18a: {  	v18 =	vld [tilespmem:s24+$0x8020]  }
0x18b: {  	v17 =	vld [tilespmem:s24+$0x8030]  }
0x18c: {  	v10 =	vimm.f32 $0.0e+00;
	v12 =	vimm.f32 $0.0e+00;
	v14 =	vld [tilespmem:s24+$0x8040]  }
0x18d: {  	v13 =	vimm.f32 $0.0e+00;
	v11 =	vimm.f32 $0.0e+00;
	v8 =	vimm.f32 $0.0e+00;
	v15 =	vld [tilespmem:s24+$0x8050]  }
0x18e: {  	s25 =	simm.s32 $0x400;
	v9 =	vimm.f32 $0.0e+00;
	v7 =	vimm.f32 $0.0e+00;
	v6 =	vimm.f32 $0.0e+00;
	v16 =	vld [tilespmem:s24+$0x8060]  }
.LBB2_21:
0x18f: {  	p0 =	sne.s32 s25, $0x6000;
	v10 =	vadd.f32 v19, v10;
	v12 =	vadd.f32 v20, v12;
	v19 =	vld [tilespmem:s24+$0x8070]  }
0x190: {  	v13 =	vadd.f32 v18, v13;
	v11 =	vadd.f32 v17, v11;
	v17 =	vld [tilespmem:s24+$0x80E0]  }
0x191: {  	v10 =	vadd.f32 v4, v10;
	v12 =	vadd.f32 v5, v12;
	v18 =	vld [tilespmem:s24+$0x80F0];
	s24 =	sshra.s32 s25, $0x2  }
0x192: {  	v13 =	vadd.f32 v2, v13;
	v4 =	vld [tilespmem:s24+$0x8080];
	v11 =	vadd.f32 v3, v11  }
0x193: {  	v8 =	vadd.f32 v14, v8;
	v9 =	vadd.f32 v15, v9;
	v5 =	vld [tilespmem:s24+$0x8090]  }
0x194: {  	v7 =	vadd.f32 v16, v7;
	v2 =	vld [tilespmem:s24+$0x80A0];
	v6 =	vadd.f32 v19, v6  }
0x195: {  	v8 =	vadd.f32 v0, v8;
	v9 =	vadd.f32 v1, v9;
	v3 =	vld [tilespmem:s24+$0x80B0]  }
0x196: {  	v7 =	vadd.f32 v17, v7;
	v0 =	vld [tilespmem:s24+$0x80C0];
	v6 =	vadd.f32 v18, v6  }
0x197: {  	v1 =	vld [tilespmem:s24+$0x80D0]  }
0x198: {  	v19 =	vld [tilespmem:s24+$0x8000]  }
0x199: {  	v20 =	vld [tilespmem:s24+$0x8010]  }
.Ltmp11:
0x19a: {  	v18 =	vld [tilespmem:s24+$0x8020];
	(pc) =	sbr.rel @p0 .LBB2_21-.Ltmp11, $4  }
0x19b: {  	v17 =	vld [tilespmem:s24+$0x8030]  }
0x19c: {  	v14 =	vld [tilespmem:s24+$0x8040]  }
0x19d: {  	v15 =	vld [tilespmem:s24+$0x8050]  }
0x19e: {  	s25 =	sadd.s32 $0x400, s25;
	v16 =	vld [tilespmem:s24+$0x8060]  }
0x19f: {  	v10 =	vadd.f32 v19, v10  }
0x1a0: {  	v12 =	vadd.f32 v20, v12;
	v19 =	vld [tilespmem:s24+$0x8070]  }
0x1a1: {  	v13 =	vadd.f32 v18, v13;
	v18 =	vld [tilespmem:s24+$0x80E0];
	s25 =	sshll.u32 s23, $0xC;
	v4 =	vadd.f32 v4, v10  }
0x1a2: {  	v10 =	vadd.f32 v17, v11;
	v5 =	vadd.f32 v5, v12;
	v11 =	vld [tilespmem:s24+$0x80F0];
	s24 =	sshra.s32 s25, $0x2  }
0x1a3: {  	v2 =	vadd.f32 v2, v13;
	v8 =	vadd.f32 v14, v8;
	[tilespmem:s24+$0x15000] =	vst v4  }
0x1a4: {  	v3 =	vadd.f32 v3, v10;
	v4 =	vadd.f32 v15, v9;
	[tilespmem:s24+$0x15010] =	vst v5  }
0x1a5: {  	v5 =	vadd.f32 v16, v7;
	v0 =	vadd.f32 v0, v8;
	[tilespmem:s24+$0x15020] =	vst v2  }
0x1a6: {  	v2 =	vadd.f32 v19, v6;
	v1 =	vadd.f32 v1, v4;
	[tilespmem:s24+$0x15030] =	vst v3  }
0x1a7: {  	v3 =	vadd.f32 v18, v5;
	[tilespmem:s24+$0x15040] =	vst v0  }
0x1a8: {  	v0 =	vadd.f32 v11, v2;
	[tilespmem:s24+$0x15050] =	vst v1  }
0x1a9: {  	[tilespmem:s24+$0x15060] =	vst v3  }
0x1aa: {  	s25 =	simm.s32 $0x0;
	[tilespmem:s24+$0x15070] =	vst v0  }
0x1ab: {  	v2 =	vld [tilespmem:s25+$0x9980]  }
0x1ac: {  	v5 =	vld [tilespmem:s25+$0x9990]  }
0x1ad: {  	v3 =	vld [tilespmem:s25+$0x99A0]  }
0x1ae: {  	v4 =	vld [tilespmem:s25+$0x99B0]  }
0x1af: {  	v0 =	vld [tilespmem:s25+$0x99C0]  }
0x1b0: {  	v1 =	vld [tilespmem:s25+$0x99D0]  }
0x1b1: {  	v19 =	vld [tilespmem:s25+$0x9900]  }
0x1b2: {  	v20 =	vld [tilespmem:s25+$0x9910]  }
0x1b3: {  	v18 =	vld [tilespmem:s25+$0x9920]  }
0x1b4: {  	v17 =	vld [tilespmem:s25+$0x9930]  }
0x1b5: {  	v13 =	vimm.f32 $0.0e+00;
	v12 =	vimm.f32 $0.0e+00;
	v14 =	vld [tilespmem:s25+$0x9940]  }
0x1b6: {  	v10 =	vimm.f32 $0.0e+00;
	v8 =	vimm.f32 $0.0e+00;
	v9 =	vimm.f32 $0.0e+00;
	v15 =	vld [tilespmem:s25+$0x9950]  }
0x1b7: {  	s26 =	simm.s32 $0x400;
	v7 =	vimm.f32 $0.0e+00;
	v6 =	vimm.f32 $0.0e+00;
	v11 =	vimm.f32 $0.0e+00;
	v16 =	vld [tilespmem:s25+$0x9960]  }
.LBB2_23:
0x1b8: {  	p0 =	sne.s32 s26, $0x6000;
	v10 =	vadd.f32 v19, v10;
	v11 =	vadd.f32 v20, v11;
	v19 =	vld [tilespmem:s25+$0x9970]  }
0x1b9: {  	v13 =	vadd.f32 v18, v13;
	v12 =	vadd.f32 v17, v12;
	v17 =	vld [tilespmem:s25+$0x99E0]  }
0x1ba: {  	v10 =	vadd.f32 v2, v10;
	v11 =	vadd.f32 v5, v11;
	v18 =	vld [tilespmem:s25+$0x99F0];
	s25 =	sshra.s32 s26, $0x2  }
0x1bb: {  	v13 =	vadd.f32 v3, v13;
	v2 =	vld [tilespmem:s25+$0x9980];
	v12 =	vadd.f32 v4, v12  }
0x1bc: {  	v8 =	vadd.f32 v14, v8;
	v9 =	vadd.f32 v15, v9;
	v5 =	vld [tilespmem:s25+$0x9990]  }
0x1bd: {  	v7 =	vadd.f32 v16, v7;
	v3 =	vld [tilespmem:s25+$0x99A0];
	v6 =	vadd.f32 v19, v6  }
0x1be: {  	v8 =	vadd.f32 v0, v8;
	v9 =	vadd.f32 v1, v9;
	v4 =	vld [tilespmem:s25+$0x99B0]  }
0x1bf: {  	v7 =	vadd.f32 v17, v7;
	v0 =	vld [tilespmem:s25+$0x99C0];
	v6 =	vadd.f32 v18, v6  }
0x1c0: {  	v1 =	vld [tilespmem:s25+$0x99D0]  }
0x1c1: {  	v19 =	vld [tilespmem:s25+$0x9900]  }
0x1c2: {  	v20 =	vld [tilespmem:s25+$0x9910]  }
.Ltmp12:
0x1c3: {  	v18 =	vld [tilespmem:s25+$0x9920];
	(pc) =	sbr.rel @p0 .LBB2_23-.Ltmp12, $4  }
0x1c4: {  	v17 =	vld [tilespmem:s25+$0x9930]  }
0x1c5: {  	v14 =	vld [tilespmem:s25+$0x9940]  }
0x1c6: {  	v15 =	vld [tilespmem:s25+$0x9950]  }
0x1c7: {  	s26 =	sadd.s32 $0x400, s26;
	v16 =	vld [tilespmem:s25+$0x9960]  }
0x1c8: {  	v10 =	vadd.f32 v19, v10  }
0x1c9: {  	v11 =	vadd.f32 v20, v11  }
0x1ca: {  	v19 =	vld [tilespmem:s25+$0x9970];
	v13 =	vadd.f32 v18, v13;
	v2 =	vadd.f32 v2, v10  }
0x1cb: {  	v18 =	vld [tilespmem:s25+$0x99E0];
	v10 =	vadd.f32 v17, v12;
	v5 =	vadd.f32 v5, v11  }
0x1cc: {  	v11 =	vld [tilespmem:s25+$0x99F0];
	v3 =	vadd.f32 v3, v13;
	v8 =	vadd.f32 v14, v8;
	[tilespmem:s24+$0x15080] =	vst v2  }
0x1cd: {  	v2 =	vadd.f32 v4, v10;
	v4 =	vadd.f32 v15, v9;
	[tilespmem:s24+$0x15090] =	vst v5  }
0x1ce: {  	v5 =	vadd.f32 v16, v7;
	v0 =	vadd.f32 v0, v8;
	[tilespmem:s24+$0x150A0] =	vst v3  }
0x1cf: {  	v3 =	vadd.f32 v19, v6;
	v1 =	vadd.f32 v1, v4;
	[tilespmem:s24+$0x150B0] =	vst v2  }
0x1d0: {  	v2 =	vadd.f32 v18, v5;
	[tilespmem:s24+$0x150C0] =	vst v0  }
0x1d1: {  	p0 =	seq.s32 s23, $0x1F;
	s25 =	sshll.u32 s23, $0xB;
	v0 =	vadd.f32 v11, v3;
	[tilespmem:s24+$0x150D0] =	vst v1  }
0x1d2: {  	s26 =	sshrl.u32 @!p0 s25, $0x2;
	[tilespmem:s24+$0x150E0] =	vst v2  }
0x1d3: {  	s29 =	simm.s32 @!p0 $0x64;
	s30 =	simm.s32 @!p0 $0x8000;
	s28 =	sadd.s32 @!p0 $0x4200, s26;
	[tilespmem:s24+$0x150F0] =	vst v0  }
0x1d4: {  	[tilespmem:s30], [sflag:$0x1] =	stream.indirect.gather @!p0 [hbm4b:s1+s29], $0x80, s28, s29, $0xb8;
	[tilespmem:$0x1D000] =	vst v63  }
0x1d5: {  	_ =	swait.ge [sflag:s18], $0x3200  }
0x1d6: {  	[sflag:s18] =	ssyncset.done $0x0  }
0x1d7: {  	s28 =	simm.s32 $0x0;
	[sflag:s18] =	ssyncadd.s32 $0xFFFFCE00  }
0x1d8: {  	v2 =	vld [tilespmem:s28+$0xB480]  }
0x1d9: {  	v5 =	vld [tilespmem:s28+$0xB490]  }
0x1da: {  	v3 =	vld [tilespmem:s28+$0xB4A0]  }
0x1db: {  	v4 =	vld [tilespmem:s28+$0xB4B0]  }
0x1dc: {  	v0 =	vld [tilespmem:s28+$0xB4C0]  }
0x1dd: {  	v1 =	vld [tilespmem:s28+$0xB4D0]  }
0x1de: {  	v19 =	vld [tilespmem:s28+$0xB400]  }
0x1df: {  	v20 =	vld [tilespmem:s28+$0xB410]  }
0x1e0: {  	v18 =	vld [tilespmem:s28+$0xB420]  }
0x1e1: {  	v17 =	vld [tilespmem:s28+$0xB430]  }
0x1e2: {  	v13 =	vimm.f32 $0.0e+00;
	v12 =	vimm.f32 $0.0e+00;
	v14 =	vld [tilespmem:s28+$0xB440]  }
0x1e3: {  	v10 =	vimm.f32 $0.0e+00;
	v8 =	vimm.f32 $0.0e+00;
	v9 =	vimm.f32 $0.0e+00;
	v15 =	vld [tilespmem:s28+$0xB450]  }
0x1e4: {  	v7 =	vimm.f32 $0.0e+00;
	v6 =	vimm.f32 $0.0e+00;
	v11 =	vimm.f32 $0.0e+00;
	s29 =	simm.s32 $0x400;
	v16 =	vld [tilespmem:s28+$0xB460]  }
.LBB2_25:
0x1e5: {  	p1 =	sne.s32 s29, $0x6000;
	v10 =	vadd.f32 v19, v10;
	v11 =	vadd.f32 v20, v11;
	v19 =	vld [tilespmem:s28+$0xB470]  }
0x1e6: {  	v13 =	vadd.f32 v18, v13;
	v12 =	vadd.f32 v17, v12;
	v17 =	vld [tilespmem:s28+$0xB4E0]  }
0x1e7: {  	v10 =	vadd.f32 v2, v10;
	v11 =	vadd.f32 v5, v11;
	v18 =	vld [tilespmem:s28+$0xB4F0];
	s28 =	sshra.s32 s29, $0x2  }
0x1e8: {  	v13 =	vadd.f32 v3, v13;
	v2 =	vld [tilespmem:s28+$0xB480];
	v12 =	vadd.f32 v4, v12  }
0x1e9: {  	v8 =	vadd.f32 v14, v8;
	v9 =	vadd.f32 v15, v9;
	v5 =	vld [tilespmem:s28+$0xB490]  }
0x1ea: {  	v7 =	vadd.f32 v16, v7;
	v3 =	vld [tilespmem:s28+$0xB4A0];
	v6 =	vadd.f32 v19, v6  }
0x1eb: {  	v8 =	vadd.f32 v0, v8;
	v9 =	vadd.f32 v1, v9;
	v4 =	vld [tilespmem:s28+$0xB4B0]  }
0x1ec: {  	v7 =	vadd.f32 v17, v7;
	v0 =	vld [tilespmem:s28+$0xB4C0];
	v6 =	vadd.f32 v18, v6  }
0x1ed: {  	v1 =	vld [tilespmem:s28+$0xB4D0]  }
0x1ee: {  	v19 =	vld [tilespmem:s28+$0xB400]  }
0x1ef: {  	v20 =	vld [tilespmem:s28+$0xB410]  }
.Ltmp13:
0x1f0: {  	v18 =	vld [tilespmem:s28+$0xB420];
	(pc) =	sbr.rel @p1 .LBB2_25-.Ltmp13, $4  }
0x1f1: {  	v17 =	vld [tilespmem:s28+$0xB430]  }
0x1f2: {  	v14 =	vld [tilespmem:s28+$0xB440]  }
0x1f3: {  	v15 =	vld [tilespmem:s28+$0xB450]  }
0x1f4: {  	s29 =	sadd.s32 $0x400, s29;
	v16 =	vld [tilespmem:s28+$0xB460]  }
0x1f5: {  	v10 =	vadd.f32 v19, v10  }
0x1f6: {  	v11 =	vadd.f32 v20, v11  }
0x1f7: {  	v19 =	vld [tilespmem:s28+$0xB470];
	v13 =	vadd.f32 v18, v13;
	v2 =	vadd.f32 v2, v10  }
0x1f8: {  	v18 =	vld [tilespmem:s28+$0xB4E0];
	v10 =	vadd.f32 v17, v12;
	v5 =	vadd.f32 v5, v11  }
0x1f9: {  	v11 =	vld [tilespmem:s28+$0xB4F0];
	v3 =	vadd.f32 v3, v13;
	v8 =	vadd.f32 v14, v8;
	[tilespmem:s24+$0x15100] =	vst v2  }
0x1fa: {  	v2 =	vadd.f32 v4, v10;
	v4 =	vadd.f32 v15, v9;
	[tilespmem:s24+$0x15110] =	vst v5  }
0x1fb: {  	v5 =	vadd.f32 v16, v7;
	v0 =	vadd.f32 v0, v8;
	[tilespmem:s24+$0x15120] =	vst v3  }
0x1fc: {  	v3 =	vadd.f32 v19, v6;
	v1 =	vadd.f32 v1, v4;
	[tilespmem:s24+$0x15130] =	vst v2  }
0x1fd: {  	v2 =	vadd.f32 v18, v5;
	[tilespmem:s24+$0x15140] =	vst v0  }
0x1fe: {  	v0 =	vadd.f32 v11, v3;
	[tilespmem:s24+$0x15150] =	vst v1  }
0x1ff: {  	[tilespmem:s24+$0x15160] =	vst v2  }
0x200: {  	s28 =	simm.s32 $0x0;
	[tilespmem:s24+$0x15170] =	vst v0  }
0x201: {  	v2 =	vld [tilespmem:s28+$0xCD80]  }
0x202: {  	v5 =	vld [tilespmem:s28+$0xCD90]  }
0x203: {  	v3 =	vld [tilespmem:s28+$0xCDA0]  }
0x204: {  	v4 =	vld [tilespmem:s28+$0xCDB0]  }
0x205: {  	v0 =	vld [tilespmem:s28+$0xCDC0]  }
0x206: {  	v1 =	vld [tilespmem:s28+$0xCDD0]  }
0x207: {  	v19 =	vld [tilespmem:s28+$0xCD00]  }
0x208: {  	v20 =	vld [tilespmem:s28+$0xCD10]  }
0x209: {  	v18 =	vld [tilespmem:s28+$0xCD20]  }
0x20a: {  	v17 =	vld [tilespmem:s28+$0xCD30]  }
0x20b: {  	v13 =	vimm.f32 $0.0e+00;
	v12 =	vimm.f32 $0.0e+00;
	v14 =	vld [tilespmem:s28+$0xCD40]  }
0x20c: {  	v10 =	vimm.f32 $0.0e+00;
	v8 =	vimm.f32 $0.0e+00;
	v9 =	vimm.f32 $0.0e+00;
	v15 =	vld [tilespmem:s28+$0xCD50]  }
0x20d: {  	s29 =	simm.s32 $0x400;
	v7 =	vimm.f32 $0.0e+00;
	v6 =	vimm.f32 $0.0e+00;
	v11 =	vimm.f32 $0.0e+00;
	v16 =	vld [tilespmem:s28+$0xCD60]  }
.LBB2_27:
0x20e: {  	p1 =	sne.s32 s29, $0x6000;
	v10 =	vadd.f32 v19, v10;
	v11 =	vadd.f32 v20, v11;
	v19 =	vld [tilespmem:s28+$0xCD70]  }
0x20f: {  	v13 =	vadd.f32 v18, v13;
	v12 =	vadd.f32 v17, v12;
	v17 =	vld [tilespmem:s28+$0xCDE0]  }
0x210: {  	v10 =	vadd.f32 v2, v10;
	v11 =	vadd.f32 v5, v11;
	v18 =	vld [tilespmem:s28+$0xCDF0];
	s28 =	sshra.s32 s29, $0x2  }
0x211: {  	v13 =	vadd.f32 v3, v13;
	v2 =	vld [tilespmem:s28+$0xCD80];
	v12 =	vadd.f32 v4, v12  }
0x212: {  	v8 =	vadd.f32 v14, v8;
	v9 =	vadd.f32 v15, v9;
	v5 =	vld [tilespmem:s28+$0xCD90]  }
0x213: {  	v7 =	vadd.f32 v16, v7;
	v3 =	vld [tilespmem:s28+$0xCDA0];
	v6 =	vadd.f32 v19, v6  }
0x214: {  	v8 =	vadd.f32 v0, v8;
	v9 =	vadd.f32 v1, v9;
	v4 =	vld [tilespmem:s28+$0xCDB0]  }
0x215: {  	v7 =	vadd.f32 v17, v7;
	v0 =	vld [tilespmem:s28+$0xCDC0];
	v6 =	vadd.f32 v18, v6  }
0x216: {  	v1 =	vld [tilespmem:s28+$0xCDD0]  }
0x217: {  	v19 =	vld [tilespmem:s28+$0xCD00]  }
0x218: {  	v20 =	vld [tilespmem:s28+$0xCD10]  }
.Ltmp14:
0x219: {  	v18 =	vld [tilespmem:s28+$0xCD20];
	(pc) =	sbr.rel @p1 .LBB2_27-.Ltmp14, $4  }
0x21a: {  	v17 =	vld [tilespmem:s28+$0xCD30]  }
0x21b: {  	v14 =	vld [tilespmem:s28+$0xCD40]  }
0x21c: {  	v15 =	vld [tilespmem:s28+$0xCD50]  }
0x21d: {  	s29 =	sadd.s32 $0x400, s29;
	v16 =	vld [tilespmem:s28+$0xCD60]  }
0x21e: {  	v10 =	vadd.f32 v19, v10  }
0x21f: {  	v11 =	vadd.f32 v20, v11  }
0x220: {  	v19 =	vld [tilespmem:s28+$0xCD70];
	v13 =	vadd.f32 v18, v13;
	v2 =	vadd.f32 v2, v10  }
0x221: {  	v18 =	vld [tilespmem:s28+$0xCDE0];
	v10 =	vadd.f32 v17, v12;
	v5 =	vadd.f32 v5, v11  }
0x222: {  	v11 =	vld [tilespmem:s28+$0xCDF0];
	v3 =	vadd.f32 v3, v13;
	v8 =	vadd.f32 v14, v8;
	[tilespmem:s24+$0x15180] =	vst v2  }
0x223: {  	v2 =	vadd.f32 v4, v10;
	v4 =	vadd.f32 v15, v9;
	[tilespmem:s24+$0x15190] =	vst v5  }
0x224: {  	v5 =	vadd.f32 v16, v7;
	v0 =	vadd.f32 v0, v8;
	[tilespmem:s24+$0x151A0] =	vst v3  }
0x225: {  	v3 =	vadd.f32 v19, v6;
	v1 =	vadd.f32 v1, v4;
	[tilespmem:s24+$0x151B0] =	vst v2  }
0x226: {  	v2 =	vadd.f32 v18, v5;
	[tilespmem:s24+$0x151C0] =	vst v0  }
0x227: {  	v0 =	vadd.f32 v11, v3;
	[tilespmem:s24+$0x151D0] =	vst v1  }
0x228: {  	[tilespmem:s24+$0x151E0] =	vst v2  }
0x229: {  	s29 =	simm.s32 @!p0 $0x64;
	s30 =	simm.s32 @!p0 $0xB400;
	s28 =	sadd.s32 @!p0 $0x4280, s26;
	[tilespmem:s24+$0x151F0] =	vst v0  }
0x22a: {  	[tilespmem:s30], [sflag:$0x2] =	stream.indirect.gather @!p0 [hbm4b:s1+s29], $0x80, s28, s29, $0xb8;
	[tilespmem:$0x1D000] =	vst v63  }
0x22b: {  	_ =	swait.ge [sflag:s19], $0x3200  }
0x22c: {  	[sflag:s19] =	ssyncset.done $0x0  }
0x22d: {  	s28 =	simm.s32 $0x0;
	[sflag:s19] =	ssyncadd.s32 $0xFFFFCE00  }
0x22e: {  	v2 =	vld [tilespmem:s28+$0xE880]  }
0x22f: {  	v5 =	vld [tilespmem:s28+$0xE890]  }
0x230: {  	v3 =	vld [tilespmem:s28+$0xE8A0]  }
0x231: {  	v4 =	vld [tilespmem:s28+$0xE8B0]  }
0x232: {  	v0 =	vld [tilespmem:s28+$0xE8C0]  }
0x233: {  	v1 =	vld [tilespmem:s28+$0xE8D0]  }
0x234: {  	v19 =	vld [tilespmem:s28+$0xE800]  }
0x235: {  	v20 =	vld [tilespmem:s28+$0xE810]  }
0x236: {  	v18 =	vld [tilespmem:s28+$0xE820]  }
0x237: {  	v17 =	vld [tilespmem:s28+$0xE830]  }
0x238: {  	v13 =	vimm.f32 $0.0e+00;
	v12 =	vimm.f32 $0.0e+00;
	v14 =	vld [tilespmem:s28+$0xE840]  }
0x239: {  	v10 =	vimm.f32 $0.0e+00;
	v8 =	vimm.f32 $0.0e+00;
	v9 =	vimm.f32 $0.0e+00;
	v15 =	vld [tilespmem:s28+$0xE850]  }
0x23a: {  	v7 =	vimm.f32 $0.0e+00;
	v6 =	vimm.f32 $0.0e+00;
	v11 =	vimm.f32 $0.0e+00;
	s29 =	simm.s32 $0x400;
	v16 =	vld [tilespmem:s28+$0xE860]  }
.LBB2_29:
0x23b: {  	p1 =	sne.s32 s29, $0x6000;
	v10 =	vadd.f32 v19, v10;
	v11 =	vadd.f32 v20, v11;
	v19 =	vld [tilespmem:s28+$0xE870]  }
0x23c: {  	v13 =	vadd.f32 v18, v13;
	v12 =	vadd.f32 v17, v12;
	v17 =	vld [tilespmem:s28+$0xE8E0]  }
0x23d: {  	v10 =	vadd.f32 v2, v10;
	v11 =	vadd.f32 v5, v11;
	v18 =	vld [tilespmem:s28+$0xE8F0];
	s28 =	sshra.s32 s29, $0x2  }
0x23e: {  	v13 =	vadd.f32 v3, v13;
	v2 =	vld [tilespmem:s28+$0xE880];
	v12 =	vadd.f32 v4, v12  }
0x23f: {  	v8 =	vadd.f32 v14, v8;
	v9 =	vadd.f32 v15, v9;
	v5 =	vld [tilespmem:s28+$0xE890]  }
0x240: {  	v7 =	vadd.f32 v16, v7;
	v3 =	vld [tilespmem:s28+$0xE8A0];
	v6 =	vadd.f32 v19, v6  }
0x241: {  	v8 =	vadd.f32 v0, v8;
	v9 =	vadd.f32 v1, v9;
	v4 =	vld [tilespmem:s28+$0xE8B0]  }
0x242: {  	v7 =	vadd.f32 v17, v7;
	v0 =	vld [tilespmem:s28+$0xE8C0];
	v6 =	vadd.f32 v18, v6  }
0x243: {  	v1 =	vld [tilespmem:s28+$0xE8D0]  }
0x244: {  	v19 =	vld [tilespmem:s28+$0xE800]  }
0x245: {  	v20 =	vld [tilespmem:s28+$0xE810]  }
.Ltmp15:
0x246: {  	v18 =	vld [tilespmem:s28+$0xE820];
	(pc) =	sbr.rel @p1 .LBB2_29-.Ltmp15, $4  }
0x247: {  	v17 =	vld [tilespmem:s28+$0xE830]  }
0x248: {  	v14 =	vld [tilespmem:s28+$0xE840]  }
0x249: {  	v15 =	vld [tilespmem:s28+$0xE850]  }
0x24a: {  	s29 =	sadd.s32 $0x400, s29;
	v16 =	vld [tilespmem:s28+$0xE860]  }
0x24b: {  	v10 =	vadd.f32 v19, v10  }
0x24c: {  	v11 =	vadd.f32 v20, v11  }
0x24d: {  	v19 =	vld [tilespmem:s28+$0xE870];
	v13 =	vadd.f32 v18, v13;
	v2 =	vadd.f32 v2, v10  }
0x24e: {  	v18 =	vld [tilespmem:s28+$0xE8E0];
	v10 =	vadd.f32 v17, v12;
	v5 =	vadd.f32 v5, v11  }
0x24f: {  	v11 =	vld [tilespmem:s28+$0xE8F0];
	v3 =	vadd.f32 v3, v13;
	v8 =	vadd.f32 v14, v8;
	[tilespmem:s24+$0x15200] =	vst v2  }
0x250: {  	v2 =	vadd.f32 v4, v10;
	v4 =	vadd.f32 v15, v9;
	[tilespmem:s24+$0x15210] =	vst v5  }
0x251: {  	v5 =	vadd.f32 v16, v7;
	v0 =	vadd.f32 v0, v8;
	[tilespmem:s24+$0x15220] =	vst v3  }
0x252: {  	v3 =	vadd.f32 v19, v6;
	v1 =	vadd.f32 v1, v4;
	[tilespmem:s24+$0x15230] =	vst v2  }
0x253: {  	v2 =	vadd.f32 v18, v5;
	[tilespmem:s24+$0x15240] =	vst v0  }
0x254: {  	v0 =	vadd.f32 v11, v3;
	[tilespmem:s24+$0x15250] =	vst v1  }
0x255: {  	[tilespmem:s24+$0x15260] =	vst v2  }
0x256: {  	s28 =	simm.s32 $0x0;
	[tilespmem:s24+$0x15270] =	vst v0  }
0x257: {  	v2 =	vld [tilespmem:s28+$0x10180]  }
0x258: {  	v5 =	vld [tilespmem:s28+$0x10190]  }
0x259: {  	v3 =	vld [tilespmem:s28+$0x101A0]  }
0x25a: {  	v4 =	vld [tilespmem:s28+$0x101B0]  }
0x25b: {  	v0 =	vld [tilespmem:s28+$0x101C0]  }
0x25c: {  	v1 =	vld [tilespmem:s28+$0x101D0]  }
0x25d: {  	v19 =	vld [tilespmem:s28+$0x10100]  }
0x25e: {  	v20 =	vld [tilespmem:s28+$0x10110]  }
0x25f: {  	v18 =	vld [tilespmem:s28+$0x10120]  }
0x260: {  	v17 =	vld [tilespmem:s28+$0x10130]  }
0x261: {  	v13 =	vimm.f32 $0.0e+00;
	v12 =	vimm.f32 $0.0e+00;
	v14 =	vld [tilespmem:s28+$0x10140]  }
0x262: {  	v10 =	vimm.f32 $0.0e+00;
	v8 =	vimm.f32 $0.0e+00;
	v9 =	vimm.f32 $0.0e+00;
	v15 =	vld [tilespmem:s28+$0x10150]  }
0x263: {  	s29 =	simm.s32 $0x400;
	v7 =	vimm.f32 $0.0e+00;
	v6 =	vimm.f32 $0.0e+00;
	v11 =	vimm.f32 $0.0e+00;
	v16 =	vld [tilespmem:s28+$0x10160]  }
.LBB2_31:
0x264: {  	p1 =	sne.s32 s29, $0x6000;
	v10 =	vadd.f32 v19, v10;
	v11 =	vadd.f32 v20, v11;
	v19 =	vld [tilespmem:s28+$0x10170]  }
0x265: {  	v13 =	vadd.f32 v18, v13;
	v12 =	vadd.f32 v17, v12;
	v17 =	vld [tilespmem:s28+$0x101E0]  }
0x266: {  	v10 =	vadd.f32 v2, v10;
	v11 =	vadd.f32 v5, v11;
	v18 =	vld [tilespmem:s28+$0x101F0];
	s28 =	sshra.s32 s29, $0x2  }
0x267: {  	v13 =	vadd.f32 v3, v13;
	v2 =	vld [tilespmem:s28+$0x10180];
	v12 =	vadd.f32 v4, v12  }
0x268: {  	v8 =	vadd.f32 v14, v8;
	v9 =	vadd.f32 v15, v9;
	v5 =	vld [tilespmem:s28+$0x10190]  }
0x269: {  	v7 =	vadd.f32 v16, v7;
	v3 =	vld [tilespmem:s28+$0x101A0];
	v6 =	vadd.f32 v19, v6  }
0x26a: {  	v8 =	vadd.f32 v0, v8;
	v9 =	vadd.f32 v1, v9;
	v4 =	vld [tilespmem:s28+$0x101B0]  }
0x26b: {  	v7 =	vadd.f32 v17, v7;
	v0 =	vld [tilespmem:s28+$0x101C0];
	v6 =	vadd.f32 v18, v6  }
0x26c: {  	v1 =	vld [tilespmem:s28+$0x101D0]  }
0x26d: {  	v19 =	vld [tilespmem:s28+$0x10100]  }
0x26e: {  	v20 =	vld [tilespmem:s28+$0x10110]  }
.Ltmp16:
0x26f: {  	v18 =	vld [tilespmem:s28+$0x10120];
	(pc) =	sbr.rel @p1 .LBB2_31-.Ltmp16, $4  }
0x270: {  	v17 =	vld [tilespmem:s28+$0x10130]  }
0x271: {  	v14 =	vld [tilespmem:s28+$0x10140]  }
0x272: {  	v15 =	vld [tilespmem:s28+$0x10150]  }
0x273: {  	s29 =	sadd.s32 $0x400, s29;
	v16 =	vld [tilespmem:s28+$0x10160]  }
0x274: {  	v10 =	vadd.f32 v19, v10  }
0x275: {  	v11 =	vadd.f32 v20, v11  }
0x276: {  	v19 =	vld [tilespmem:s28+$0x10170];
	v13 =	vadd.f32 v18, v13;
	v2 =	vadd.f32 v2, v10  }
0x277: {  	v18 =	vld [tilespmem:s28+$0x101E0];
	v10 =	vadd.f32 v17, v12;
	v5 =	vadd.f32 v5, v11  }
0x278: {  	v11 =	vld [tilespmem:s28+$0x101F0];
	v3 =	vadd.f32 v3, v13;
	v8 =	vadd.f32 v14, v8;
	[tilespmem:s24+$0x15280] =	vst v2  }
0x279: {  	v2 =	vadd.f32 v4, v10;
	v4 =	vadd.f32 v15, v9;
	[tilespmem:s24+$0x15290] =	vst v5  }
0x27a: {  	v5 =	vadd.f32 v16, v7;
	v0 =	vadd.f32 v0, v8;
	[tilespmem:s24+$0x152A0] =	vst v3  }
0x27b: {  	v3 =	vadd.f32 v19, v6;
	v1 =	vadd.f32 v1, v4;
	[tilespmem:s24+$0x152B0] =	vst v2  }
0x27c: {  	v2 =	vadd.f32 v18, v5;
	[tilespmem:s24+$0x152C0] =	vst v0  }
0x27d: {  	v0 =	vadd.f32 v11, v3;
	[tilespmem:s24+$0x152D0] =	vst v1  }
0x27e: {  	[tilespmem:s24+$0x152E0] =	vst v2  }
0x27f: {  	s26 =	sadd.s32 @!p0 $0x4300, s26;
	s29 =	simm.s32 @!p0 $0xE800;
	s28 =	simm.s32 @!p0 $0x64;
	[tilespmem:s24+$0x152F0] =	vst v0  }
0x280: {  	[tilespmem:s29], [sflag:$0x3] =	stream.indirect.gather @!p0 [hbm4b:s1+s28], $0x80, s26, s28, $0xb8;
	[tilespmem:$0x1D000] =	vst v63  }
0x281: {  	_ =	swait.ge [sflag:s20], $0x3200  }
0x282: {  	[sflag:s20] =	ssyncset.done $0x0  }
0x283: {  	s26 =	simm.s32 $0x0;
	[sflag:s20] =	ssyncadd.s32 $0xFFFFCE00  }
0x284: {  	v2 =	vld [tilespmem:s26+$0x11C80]  }
0x285: {  	v5 =	vld [tilespmem:s26+$0x11C90]  }
0x286: {  	v3 =	vld [tilespmem:s26+$0x11CA0]  }
0x287: {  	v4 =	vld [tilespmem:s26+$0x11CB0]  }
0x288: {  	v0 =	vld [tilespmem:s26+$0x11CC0]  }
0x289: {  	v1 =	vld [tilespmem:s26+$0x11CD0]  }
0x28a: {  	v19 =	vld [tilespmem:s26+$0x11C00]  }
0x28b: {  	v20 =	vld [tilespmem:s26+$0x11C10]  }
0x28c: {  	v18 =	vld [tilespmem:s26+$0x11C20]  }
0x28d: {  	v17 =	vld [tilespmem:s26+$0x11C30]  }
0x28e: {  	v13 =	vimm.f32 $0.0e+00;
	v12 =	vimm.f32 $0.0e+00;
	v14 =	vld [tilespmem:s26+$0x11C40]  }
0x28f: {  	v10 =	vimm.f32 $0.0e+00;
	v8 =	vimm.f32 $0.0e+00;
	v9 =	vimm.f32 $0.0e+00;
	v15 =	vld [tilespmem:s26+$0x11C50]  }
0x290: {  	v7 =	vimm.f32 $0.0e+00;
	v6 =	vimm.f32 $0.0e+00;
	v11 =	vimm.f32 $0.0e+00;
	s28 =	simm.s32 $0x400;
	v16 =	vld [tilespmem:s26+$0x11C60]  }
.LBB2_33:
0x291: {  	p1 =	sne.s32 s28, $0x6000;
	v10 =	vadd.f32 v19, v10;
	v11 =	vadd.f32 v20, v11;
	v19 =	vld [tilespmem:s26+$0x11C70]  }
0x292: {  	v13 =	vadd.f32 v18, v13;
	v12 =	vadd.f32 v17, v12;
	v17 =	vld [tilespmem:s26+$0x11CE0]  }
0x293: {  	v10 =	vadd.f32 v2, v10;
	v11 =	vadd.f32 v5, v11;
	v18 =	vld [tilespmem:s26+$0x11CF0];
	s26 =	sshra.s32 s28, $0x2  }
0x294: {  	v13 =	vadd.f32 v3, v13;
	v2 =	vld [tilespmem:s26+$0x11C80];
	v12 =	vadd.f32 v4, v12  }
0x295: {  	v8 =	vadd.f32 v14, v8;
	v9 =	vadd.f32 v15, v9;
	v5 =	vld [tilespmem:s26+$0x11C90]  }
0x296: {  	v7 =	vadd.f32 v16, v7;
	v3 =	vld [tilespmem:s26+$0x11CA0];
	v6 =	vadd.f32 v19, v6  }
0x297: {  	v8 =	vadd.f32 v0, v8;
	v9 =	vadd.f32 v1, v9;
	v4 =	vld [tilespmem:s26+$0x11CB0]  }
0x298: {  	v7 =	vadd.f32 v17, v7;
	v0 =	vld [tilespmem:s26+$0x11CC0];
	v6 =	vadd.f32 v18, v6  }
0x299: {  	v1 =	vld [tilespmem:s26+$0x11CD0]  }
0x29a: {  	v19 =	vld [tilespmem:s26+$0x11C00]  }
0x29b: {  	v20 =	vld [tilespmem:s26+$0x11C10]  }
.Ltmp17:
0x29c: {  	v18 =	vld [tilespmem:s26+$0x11C20];
	(pc) =	sbr.rel @p1 .LBB2_33-.Ltmp17, $4  }
0x29d: {  	v17 =	vld [tilespmem:s26+$0x11C30]  }
0x29e: {  	v14 =	vld [tilespmem:s26+$0x11C40]  }
0x29f: {  	v15 =	vld [tilespmem:s26+$0x11C50]  }
0x2a0: {  	s28 =	sadd.s32 $0x400, s28;
	v16 =	vld [tilespmem:s26+$0x11C60]  }
0x2a1: {  	v10 =	vadd.f32 v19, v10  }
0x2a2: {  	v11 =	vadd.f32 v20, v11  }
0x2a3: {  	v19 =	vld [tilespmem:s26+$0x11C70];
	v13 =	vadd.f32 v18, v13;
	v2 =	vadd.f32 v2, v10  }
0x2a4: {  	v18 =	vld [tilespmem:s26+$0x11CE0];
	v10 =	vadd.f32 v17, v12;
	v5 =	vadd.f32 v5, v11  }
0x2a5: {  	v11 =	vld [tilespmem:s26+$0x11CF0];
	v3 =	vadd.f32 v3, v13;
	v8 =	vadd.f32 v14, v8;
	[tilespmem:s24+$0x15300] =	vst v2  }
0x2a6: {  	v2 =	vadd.f32 v4, v10;
	v4 =	vadd.f32 v15, v9;
	[tilespmem:s24+$0x15310] =	vst v5  }
0x2a7: {  	v5 =	vadd.f32 v16, v7;
	v0 =	vadd.f32 v0, v8;
	[tilespmem:s24+$0x15320] =	vst v3  }
0x2a8: {  	v3 =	vadd.f32 v19, v6;
	v1 =	vadd.f32 v1, v4;
	[tilespmem:s24+$0x15330] =	vst v2  }
0x2a9: {  	v2 =	vadd.f32 v18, v5;
	[tilespmem:s24+$0x15340] =	vst v0  }
0x2aa: {  	v0 =	vadd.f32 v11, v3;
	[tilespmem:s24+$0x15350] =	vst v1  }
0x2ab: {  	[tilespmem:s24+$0x15360] =	vst v2  }
0x2ac: {  	s26 =	simm.s32 $0x0;
	[tilespmem:s24+$0x15370] =	vst v0  }
0x2ad: {  	v2 =	vld [tilespmem:s26+$0x13580]  }
0x2ae: {  	v5 =	vld [tilespmem:s26+$0x13590]  }
0x2af: {  	v3 =	vld [tilespmem:s26+$0x135A0]  }
0x2b0: {  	v4 =	vld [tilespmem:s26+$0x135B0]  }
0x2b1: {  	v0 =	vld [tilespmem:s26+$0x135C0]  }
0x2b2: {  	v1 =	vld [tilespmem:s26+$0x135D0]  }
0x2b3: {  	v19 =	vld [tilespmem:s26+$0x13500]  }
0x2b4: {  	v20 =	vld [tilespmem:s26+$0x13510]  }
0x2b5: {  	v18 =	vld [tilespmem:s26+$0x13520]  }
0x2b6: {  	v17 =	vld [tilespmem:s26+$0x13530]  }
0x2b7: {  	v13 =	vimm.f32 $0.0e+00;
	v12 =	vimm.f32 $0.0e+00;
	v14 =	vld [tilespmem:s26+$0x13540]  }
0x2b8: {  	v10 =	vimm.f32 $0.0e+00;
	v8 =	vimm.f32 $0.0e+00;
	v9 =	vimm.f32 $0.0e+00;
	v15 =	vld [tilespmem:s26+$0x13550]  }
0x2b9: {  	s28 =	simm.s32 $0x400;
	v7 =	vimm.f32 $0.0e+00;
	v6 =	vimm.f32 $0.0e+00;
	v11 =	vimm.f32 $0.0e+00;
	v16 =	vld [tilespmem:s26+$0x13560]  }
.LBB2_35:
0x2ba: {  	p1 =	sne.s32 s28, $0x6000;
	v10 =	vadd.f32 v19, v10;
	v11 =	vadd.f32 v20, v11;
	v19 =	vld [tilespmem:s26+$0x13570]  }
0x2bb: {  	v13 =	vadd.f32 v18, v13;
	v12 =	vadd.f32 v17, v12;
	v17 =	vld [tilespmem:s26+$0x135E0]  }
0x2bc: {  	v10 =	vadd.f32 v2, v10;
	v11 =	vadd.f32 v5, v11;
	v18 =	vld [tilespmem:s26+$0x135F0];
	s26 =	sshra.s32 s28, $0x2  }
0x2bd: {  	v13 =	vadd.f32 v3, v13;
	v2 =	vld [tilespmem:s26+$0x13580];
	v12 =	vadd.f32 v4, v12  }
0x2be: {  	v8 =	vadd.f32 v14, v8;
	v9 =	vadd.f32 v15, v9;
	v5 =	vld [tilespmem:s26+$0x13590]  }
0x2bf: {  	v7 =	vadd.f32 v16, v7;
	v3 =	vld [tilespmem:s26+$0x135A0];
	v6 =	vadd.f32 v19, v6  }
0x2c0: {  	v8 =	vadd.f32 v0, v8;
	v9 =	vadd.f32 v1, v9;
	v4 =	vld [tilespmem:s26+$0x135B0]  }
0x2c1: {  	v7 =	vadd.f32 v17, v7;
	v0 =	vld [tilespmem:s26+$0x135C0];
	v6 =	vadd.f32 v18, v6  }
0x2c2: {  	v1 =	vld [tilespmem:s26+$0x135D0]  }
0x2c3: {  	v19 =	vld [tilespmem:s26+$0x13500]  }
0x2c4: {  	v20 =	vld [tilespmem:s26+$0x13510]  }
.Ltmp18:
0x2c5: {  	v18 =	vld [tilespmem:s26+$0x13520];
	(pc) =	sbr.rel @p1 .LBB2_35-.Ltmp18, $4  }
0x2c6: {  	v17 =	vld [tilespmem:s26+$0x13530]  }
0x2c7: {  	v14 =	vld [tilespmem:s26+$0x13540]  }
0x2c8: {  	v15 =	vld [tilespmem:s26+$0x13550]  }
0x2c9: {  	s28 =	sadd.s32 $0x400, s28;
	v16 =	vld [tilespmem:s26+$0x13560]  }
0x2ca: {  	v10 =	vadd.f32 v19, v10  }
0x2cb: {  	v11 =	vadd.f32 v20, v11  }
0x2cc: {  	v54 =	vld [tilespmem:s26+$0x13570];
	v13 =	vadd.f32 v18, v13;
	v2 =	vadd.f32 v2, v10  }
0x2cd: {  	v55 =	vld [tilespmem:s26+$0x135E0];
	v56 =	vadd.f32 v17, v12;
	v5 =	vadd.f32 v5, v11  }
0x2ce: {  	v57 =	vld [tilespmem:s26+$0x135F0];
	v3 =	vadd.f32 v3, v13;
	v8 =	vadd.f32 v14, v8;
	[tilespmem:s24+$0x15380] =	vst v2  }
0x2cf: {  	v58 =	vadd.f32 v4, v56;
	v59 =	vadd.f32 v15, v9;
	[tilespmem:s24+$0x15390] =	vst v5  }
0x2d0: {  	v60 =	vadd.f32 v16, v7;
	v0 =	vadd.f32 v0, v8;
	[tilespmem:s24+$0x153A0] =	vst v3  }
.Ltmp19:
0x2d1: {  	v61 =	vadd.f32 v54, v6;
	v1 =	vadd.f32 v1, v59;
	[tilespmem:s24+$0x153B0] =	vst v58;
	(pc) =	sbr.rel @p0 .LBB2_38-.Ltmp19, $4  }
0x2d2: {  	v62 =	vadd.f32 v55, v60;
	[tilespmem:s24+$0x153C0] =	vst v0  }
0x2d3: {  	v63 =	vadd.f32 v57, v61;
	[tilespmem:s24+$0x153D0] =	vst v1  }
0x2d4: {  	[tilespmem:s24+$0x153E0] =	vst v62  }
0x2d5: {  	[tilespmem:s24+$0x153F0] =	vst v63  }
.Ltmp20:
0x2d6: {  	(pc) =	sbr.rel .LBB2_20-.Ltmp20, $4  }
0x2d7: {  	_ = 	snop  }
0x2d8: {  	s24 =	sshrl.u32 s25, $0x2  }
0x2d9: {  	s23 =	sadd.s32 $0x1, s23;
	s24 =	sadd.s32 $0x4380, s24  }
0x2da: {  	[tilespmem:s16], [sflag:$0x4] =	stream.indirect.gather [hbm4b:s1+s9], $0x80, s24, s9, $0xb8;
	[tilespmem:$0x1D000] =	vst v63  }
.LBB2_39:
0x2db: {  	_ =	sfence.sel $0x180000  }
0x2dc: {  	[bflag:$0x0] =	sbarrier.arrive $0xFFFF  }
0x2dd: {  	p0 =	sne.s32 s2, $0x0;
	_ =	strace $0x90000047  }
0x2de: {  	s0 =	sadd.s32 @!p0 $0x100000, s0;
	[bflag:$0x2] =	sbarrier.arrive $0xFFFF  }
0x2df: {  	[sflag:s0] =	ssyncadd.tile.s32 @!p0 $0x1;
	_ =	shalt  }
.Lfunc_end2:
_tile_overlayer_lowered:
.L_overlay_start_2:
0x2e0: {  	(tag) =	ssettag $0x2  }
0x2e1: {  	s0 =	rddreg [dreg:$0x0];
	s2 =	stileid.u32  }
0x2e2: {  	s1 =	rddreg [dreg:$0x1];
	p0 =	sne.s32 s2, $0x0  }
0x2e3: {  	s3 =	rddreg [dreg:$0x2];
	[bflag:$0x3] =	sbarrier.arrive $0xFFFF;
	s2 =	simm.s32 @!p0 $0x1C05  }
0x2e4: {  	[timem:s3], [sflag:s2] =	dma.local @!p0 [hbm:s0], s1  }
0x2e5: {  	s0 =	simm.s32 @!p0 $0x5  }
0x2e6: {  	_ =	swait.ge @!p0 [sflag:s0], s1  }
0x2e7: {  	s1 =	ssub.s32 @!p0 $0x0, s1;
	[sflag:s0] =	ssyncset.done @!p0 $0x0  }
0x2e8: {  	[sflag:s0] =	ssyncadd.s32 @!p0 s1  }
0x2e9: {  	[bflag:$0x3] =	sbarrier.arrive $0xFFFF  }
0x2ea: {  	_ =	shalt  }

</sc_bundles>
